<compile_context>
chip_gen: v7x
topology: tpu7x:2x2x1
jax: 0.10.2.dev20260603
libtpu: 0.0.44.dev20260713+nightly
codegen_flags: <defaults>
</compile_context>

<pallas_src>
import functools

import jax
import jax.numpy as jnp
import numpy as np
from jax import lax
from jax.experimental import pallas as pl
from jax.experimental.pallas import tpu as pltpu
from jax.experimental.pallas import tpu_sc as plsc

_CUTOFF = 5.0
_N = 10000
_E = 320000
_D = 128
_F = 64

_NC = 2
_NS = 16
_NW = _NC * _NS
_L = 16
_CH = 128
_NCHUNKS = _E // _CH
_RPT = 640
_NPAD = _RPT * _NS



def _filter_body(d_ref, p_ref, s_ref):
    d = d_ref[...]
    scaled = d * (2.0 / _CUTOFF) - 1.0
    acc = jnp.zeros(d.shape, jnp.float32)
    for j in range(_F):
        w1j = p_ref[0, j]
        b1j = p_ref[1, j]
        w2j = p_ref[2, j]
        acc = acc + w2j * jnp.tanh(scaled * w1j + b1j)
    acc = acc + p_ref[3, 0]
    cut = jnp.where(d <= _CUTOFF,
                    0.5 * (jnp.cos(d * (np.pi / _CUTOFF)) + 1.0),
                    0.0)
    s_ref[...] = acc * cut


_ROWS_S = 320
_COLS_S = 1000
_BR_S = 8

_filter_call = pl.pallas_call(
    _filter_body,
    grid=(_ROWS_S // _BR_S,),
    in_specs=[
        pl.BlockSpec((_BR_S, _COLS_S), lambda i: (i, 0)),
        pl.BlockSpec((4, _F), lambda i: (0, 0)),
    ],
    out_specs=pl.BlockSpec((_BR_S, _COLS_S), lambda i: (i, 0)),
    out_shape=jax.ShapeDtypeStruct((_ROWS_S, _COLS_S), jnp.float32),
)



_sc_mesh = plsc.VectorSubcoreMesh(core_axis_name="c", subcore_axis_name="s",
                                  num_cores=_NC)


_MAXLOC = (_NCHUNKS + _NW - 1) // _NW


@functools.partial(
    pl.kernel,
    mesh=_sc_mesh,
    out_type=jax.ShapeDtypeStruct((_NC * _N, _D), jnp.float32),
    scratch_types=[
        pltpu.VMEM((3, _CH), jnp.int32),
        pltpu.VMEM((_CH, _D), jnp.float32),
        pltpu.VMEM((3, _CH), jnp.int32),
        pltpu.VMEM((_CH, _D), jnp.float32),
        pltpu.VMEM((_CH,), jnp.int32),
        pltpu.VMEM((_CH,), jnp.int32),
        pltpu.VMEM_SHARED((_NPAD, _D), jnp.float32),
        pltpu.SemaphoreType.DMA,
        pltpu.SemaphoreType.DMA,
        pltpu.SemaphoreType.DMA,
        pltpu.SemaphoreType.DMA,
    ],
)
def _sc_scatter(x_hbm, packed_hbm, out_hbm,
                idx0, rows0, idx1, rows1, rowv0, rowv1,
                acc, sem0, sem1, isem0, isem1):
    cid = lax.axis_index("c")
    sid = lax.axis_index("s")
    wid = sid * _NC + cid
    bufs = ((idx0, rows0, sem0, isem0, rowv0),
            (idx1, rows1, sem1, isem1, rowv1))

    def _zrow(e, carry):
        for j in range(_D // _L):
            rows0[e, pl.ds(j * _L, _L)] = jnp.zeros((_L,), jnp.float32)
        return carry
    lax.fori_loop(0, _CH, _zrow, 0)
    for z in range(_RPT // _CH):
        pltpu.sync_copy(rows0.at[pl.ds(0, _CH)],
                        acc.at[pl.ds(sid * _RPT + z * _CH, _CH)])

    nloc = (_NCHUNKS - wid + (_NW - 1)) // _NW

    def _start_idx(i, b):
        pltpu.async_copy(packed_hbm.at[wid + i * _NW], bufs[b][0], bufs[b][3])

    def _wait_idx(i, b):
        pltpu.make_async_copy(packed_hbm.at[wid + i * _NW], bufs[b][0],
                              bufs[b][3]).wait()

    def _start_gather(b):
        pltpu.async_copy(x_hbm.at[bufs[b][0].at[1]], bufs[b][1], bufs[b][2])

    def _wait_gather(b):
        pltpu.make_async_copy(x_hbm.at[bufs[b][0].at[1]], bufs[b][1],
                              bufs[b][2]).wait()

    def _scale_rows(b):
        idx, rows, sem, isem, rowv = bufs[b]

        def _scale(g, c2):
            rowv[pl.ds(g * _L, _L)] = idx[0, pl.ds(g * _L, _L)]
            svec = lax.bitcast_convert_type(idx[2, pl.ds(g * _L, _L)],
                                            jnp.float32)
            for k in range(_L):
                e = g * _L + k
                fv = jnp.full((_L,), svec[k], jnp.float32)
                for j in range(_D // _L):
                    rows[e, pl.ds(j * _L, _L)] = rows[e, pl.ds(j * _L, _L)] * fv
            return c2
        lax.fori_loop(0, _CH // _L, _scale, 0)

    def _scatter(b):
        pltpu.sync_copy(bufs[b][1], acc.at[bufs[b][4]], add=True)

    _start_idx(0, 0)
    _wait_idx(0, 0)
    _start_gather(0)
    _wait_gather(0)

    @pl.when(1 < nloc)
    def _pre1():
        _start_idx(1, 1)
    plsc.subcore_barrier()

    def _step(i2, carry):
        for b in range(2):
            i = i2 * 2 + b

            @pl.when(i < nloc)
            def _proc():
                @pl.when(i + 1 < nloc)
                def _pref():
                    _wait_idx(i + 1, 1 - b)
                    _start_gather(1 - b)

                _scale_rows(b)

                @pl.when(i + 1 < nloc)
                def _drain():
                    _wait_gather(1 - b)

                @pl.when(i + 2 < nloc)
                def _pref2():
                    _start_idx(i + 2, b)

                _scatter(b)
        return carry
    lax.fori_loop(0, (_MAXLOC + 1) // 2, _step, 0)

    plsc.subcore_barrier()
    last = _N - (_NS - 1) * _RPT

    @pl.when(sid < _NS - 1)
    def _copy_main():
        pltpu.sync_copy(acc.at[pl.ds(sid * _RPT, _RPT)],
                        out_hbm.at[pl.ds(cid * _N + sid * _RPT, _RPT)])

    @pl.when(sid == _NS - 1)
    def _copy_last():
        pltpu.sync_copy(acc.at[pl.ds((_NS - 1) * _RPT, last)],
                        out_hbm.at[pl.ds(cid * _N + (_NS - 1) * _RPT, last)])



def _inter_body(p_ref, w1_ref, b1_ref, w2_ref, b2_ref, o_ref):
    z = p_ref[0] + p_ref[1]
    h = jnp.dot(z, w1_ref[...], preferred_element_type=jnp.float32,
                precision=jax.lax.Precision.HIGHEST)
    h = h + b1_ref[...]
    h = jnp.maximum(h, 0.0) + jnp.log1p(jnp.exp(-jnp.abs(h)))
    o = jnp.dot(h, w2_ref[...], preferred_element_type=jnp.float32,
                precision=jax.lax.Precision.HIGHEST)
    o_ref[...] = o + b2_ref[...]


_BR_I = 1000

_inter_call = pl.pallas_call(
    _inter_body,
    grid=(_N // _BR_I,),
    in_specs=[
        pl.BlockSpec((_NC, _BR_I, _D), lambda i: (0, i, 0)),
        pl.BlockSpec((_D, _D), lambda i: (0, 0)),
        pl.BlockSpec((1, _D), lambda i: (0, 0)),
        pl.BlockSpec((_D, _D), lambda i: (0, 0)),
        pl.BlockSpec((1, _D), lambda i: (0, 0)),
    ],
    out_specs=pl.BlockSpec((_BR_I, _D), lambda i: (i, 0)),
    out_shape=jax.ShapeDtypeStruct((_N, _D), jnp.float32),
)


def kernel(x, edge_index, distances, edge_attr,
           W1f, b1f, W2f, b2f, W1i, b1i, W2i, b2i):
    del edge_attr
    row = edge_index[0].astype(jnp.int32)
    col = edge_index[1].astype(jnp.int32)
    params = jnp.stack([
        W1f[0],
        b1f,
        jnp.sum(W2f, axis=1),
        jnp.full((_F,), jnp.sum(b2f), jnp.float32),
    ])
    s = _filter_call(distances.reshape(_ROWS_S, _COLS_S), params).reshape(_E)
    packed = jnp.stack([
        row.reshape(_NCHUNKS, _CH),
        col.reshape(_NCHUNKS, _CH),
        lax.bitcast_convert_type(s.reshape(_NCHUNKS, _CH), jnp.int32),
    ], axis=1)
    partials = _sc_scatter(x, packed)
    out = _inter_call(partials.reshape(_NC, _N, _D),
                      W1i, b1i.reshape(1, _D), W2i, b2i.reshape(1, _D))
    return out

# --- scband reference (transcript-rebuilt; emitter-appended) ---
"""Pipeline reference for scband-continuous-filter-conv-60361470378647 (READ-ONLY COPY).

The authoritative reference and input builder live on the scoring server;
editing this copy changes nothing except your own understanding.
"""

import jax, jax.numpy as jnp
import numpy as np

HIDDEN_DIM = 128
NUM_FILTERS = 64
CUTOFF = 5.0
N_NODES = 10000
N_EDGES = 320000
D_EDGE = 16


def setup_inputs(seed: int = 0) -> dict:
    key = jax.random.key(seed)
    ks = jax.random.split(key, 12)
    x = jax.random.normal(ks[0], (N_NODES, HIDDEN_DIM), dtype=jnp.float32)
    edge_index = jax.random.randint(ks[1], (2, N_EDGES), 0, N_NODES)
    distances = jax.random.uniform(ks[2], (N_EDGES,), dtype=jnp.float32)
    edge_attr = jax.random.normal(ks[3], (N_EDGES, D_EDGE), dtype=jnp.float32)
    # filter_net: Dense(1 -> num_filters, tanh), Dense(num_filters -> num_filters)
    W1f = jax.random.normal(ks[4], (1, NUM_FILTERS), dtype=jnp.float32) * 0.5
    b1f = jnp.zeros((NUM_FILTERS,), dtype=jnp.float32)
    W2f = jax.random.normal(ks[5], (NUM_FILTERS, NUM_FILTERS), dtype=jnp.float32) * (1.0 / np.sqrt(NUM_FILTERS))
    b2f = jnp.zeros((NUM_FILTERS,), dtype=jnp.float32)
    # interaction_net: Dense(hidden -> hidden, softplus), Dense(hidden -> hidden)
    W1i = jax.random.normal(ks[6], (HIDDEN_DIM, HIDDEN_DIM), dtype=jnp.float32) * (1.0 / np.sqrt(HIDDEN_DIM))
    b1i = jnp.zeros((HIDDEN_DIM,), dtype=jnp.float32)
    W2i = jax.random.normal(ks[7], (HIDDEN_DIM, HIDDEN_DIM), dtype=jnp.float32) * (1.0 / np.sqrt(HIDDEN_DIM))
    b2i = jnp.zeros((HIDDEN_DIM,), dtype=jnp.float32)
    return {"x": x, "edge_index": edge_index, "distances": distances, "edge_attr": edge_attr,
            "W1f": W1f, "b1f": b1f, "W2f": W2f, "b2f": b2f,
            "W1i": W1i, "b1i": b1i, "W2i": W2i, "b2i": b2i}


def reference(x, edge_index, distances, edge_attr,
              W1f, b1f, W2f, b2f, W1i, b1i, W2i, b2i):
    row = edge_index[0]
    col = edge_index[1]
    # compute_filter
    scaled_dist = distances * (2.0 / CUTOFF) - 1.0
    h = jnp.tanh(scaled_dist[:, None] @ W1f + b1f)
    filters = h @ W2f + b2f  # [E, F]
    cutoff_vals = 0.5 * (jnp.cos(distances * np.pi / CUTOFF) + 1.0)
    cutoff_vals = jnp.where(distances <= CUTOFF, cutoff_vals, 0.0)
    filters = filters * cutoff_vals[:, None]
    # message computation: sum over filter axis of outer product
    # sum_f (neighbor[e, d] * filters[e, f]) == neighbor[e, d] * sum_f filters[e, f]
    neighbor_features = jnp.take(x, col, axis=0)  # gather [E, D]
    messages = neighbor_features * jnp.sum(filters, axis=1, keepdims=True)  # [E, D]
    # scatter-add into destination nodes (tf.scatter_nd accumulates duplicates)
    output = jnp.zeros((x.shape[0], HIDDEN_DIM), dtype=x.dtype).at[row].add(messages)
    # interaction_net
    h2 = jax.nn.softplus(output @ W1i + b1i)
    return h2 @ W2i + b2i

if __name__ == "__main__":
    import jax
    _d = setup_inputs()
    print(jax.jit(kernel)(*tuple(_d.values())))

</pallas_src>

<mosaic_0001>
#map = affine_map<(d0, d1) -> (0, 0)>
#map1 = affine_map<(d0, d1) -> (0, 0, 0)>
module attributes {stable_mosaic.version = 14 : i64} {
  func.func @_sc_scatter(%arg0: i32, %arg1: i32, %arg2: memref<10000x128xf32, #tpu.memory_space<hbm>>, %arg3: memref<2500x3x128xi32, #tpu.memory_space<hbm>>, %arg4: memref<20000x128xf32, #tpu.memory_space<hbm>>, %arg5: memref<3x128xi32, #tpu.memory_space<vmem>>, %arg6: memref<128x128xf32, #tpu.memory_space<vmem>>, %arg7: memref<3x128xi32, #tpu.memory_space<vmem>>, %arg8: memref<128x128xf32, #tpu.memory_space<vmem>>, %arg9: memref<128xi32, #tpu.memory_space<vmem>>, %arg10: memref<128xi32, #tpu.memory_space<vmem>>, %arg11: memref<10240x128xf32, #tpu.memory_space<vmem_shared>>, %arg12: memref<!tpu.dma_semaphore, #tpu.memory_space<semaphore_mem>>, %arg13: memref<!tpu.dma_semaphore, #tpu.memory_space<semaphore_mem>>, %arg14: memref<!tpu.dma_semaphore, #tpu.memory_space<semaphore_mem>>, %arg15: memref<!tpu.dma_semaphore, #tpu.memory_space<semaphore_mem>>) attributes {dimension_semantics = [#tpu.dimension_semantics<core_parallel>, #tpu.dimension_semantics<subcore_parallel>], iteration_bounds = array<i64: 2, 16>, scalar_prefetch = 0 : i64, scratch_operands = 11 : i64, tpu.core_type = #tpu.core_type<sc_vector_subcore>, window_params = [{transform_indices = #map}, {transform_indices = #map1}, {transform_indices = #map}]} {
    %mul3A = arith.constant 2 : i32
    %mul3A_0 = arith.muli %arg1, %mul3A : i32
    %add3A = arith.addi %mul3A_0, %arg0 : i32
    %scan3A = arith.constant 0 : i32
    %scan3A_1 = arith.constant 0 : i32
    %scan3A_2 = arith.constant 128 : i32
    %scan3A_3 = arith.addi %scan3A_1, %scan3A_2 : i32
    %scan3A_4 = arith.constant 1 : i32
    scf.for %scan3A_95 = %scan3A_1 to %scan3A_3 step %scan3A_4  : i32 {
      %broadcast_in_dim3A = arith.constant 0.000000e+00 : f32
      %broadcast_in_dim3A_96 = vector.broadcast %broadcast_in_dim3A : f32 to vector<16xf32>
      %swap3A = arith.index_cast %scan3A_95 : i32 to index
      %swap3A_97 = arith.constant 0 : index
      %swap3A_98 = tpu.vector_load %arg6[%swap3A, %swap3A_97] {strides = array<i32>} : memref<128x128xf32, #tpu.memory_space<vmem>>, vector<1x16xf32>,
      %swap3A_99 = vector.shape_cast %swap3A_98 : vector<1x16xf32> to vector<16xf32>
      %swap3A_100 = vector.shape_cast %broadcast_in_dim3A_96 : vector<16xf32> to vector<1x16xf32>
      tpu.vector_store %arg6[%swap3A, %swap3A_97], %swap3A_100 {strides = array<i32>} : memref<128x128xf32, #tpu.memory_space<vmem>>, vector<1x16xf32>,
      %broadcast_in_dim3A_101 = arith.constant 0.000000e+00 : f32
      %broadcast_in_dim3A_102 = vector.broadcast %broadcast_in_dim3A_101 : f32 to vector<16xf32>
      %swap3A_103 = arith.index_cast %scan3A_95 : i32 to index
      %swap3A_104 = arith.constant 16 : index
      %swap3A_105 = tpu.vector_load %arg6[%swap3A_103, %swap3A_104] {strides = array<i32>} : memref<128x128xf32, #tpu.memory_space<vmem>>, vector<1x16xf32>,
      %swap3A_106 = vector.shape_cast %swap3A_105 : vector<1x16xf32> to vector<16xf32>
      %swap3A_107 = vector.shape_cast %broadcast_in_dim3A_102 : vector<16xf32> to vector<1x16xf32>
      tpu.vector_store %arg6[%swap3A_103, %swap3A_104], %swap3A_107 {strides = array<i32>} : memref<128x128xf32, #tpu.memory_space<vmem>>, vector<1x16xf32>,
      %broadcast_in_dim3A_108 = arith.constant 0.000000e+00 : f32
      %broadcast_in_dim3A_109 = vector.broadcast %broadcast_in_dim3A_108 : f32 to vector<16xf32>
      %swap3A_110 = arith.index_cast %scan3A_95 : i32 to index
      %swap3A_111 = arith.constant 32 : index
      %swap3A_112 = tpu.vector_load %arg6[%swap3A_110, %swap3A_111] {strides = array<i32>} : memref<128x128xf32, #tpu.memory_space<vmem>>, vector<1x16xf32>,
      %swap3A_113 = vector.shape_cast %swap3A_112 : vector<1x16xf32> to vector<16xf32>
      %swap3A_114 = vector.shape_cast %broadcast_in_dim3A_109 : vector<16xf32> to vector<1x16xf32>
      tpu.vector_store %arg6[%swap3A_110, %swap3A_111], %swap3A_114 {strides = array<i32>} : memref<128x128xf32, #tpu.memory_space<vmem>>, vector<1x16xf32>,
      %broadcast_in_dim3A_115 = arith.constant 0.000000e+00 : f32
      %broadcast_in_dim3A_116 = vector.broadcast %broadcast_in_dim3A_115 : f32 to vector<16xf32>
      %swap3A_117 = arith.index_cast %scan3A_95 : i32 to index
      %swap3A_118 = arith.constant 48 : index
      %swap3A_119 = tpu.vector_load %arg6[%swap3A_117, %swap3A_118] {strides = array<i32>} : memref<128x128xf32, #tpu.memory_space<vmem>>, vector<1x16xf32>,
      %swap3A_120 = vector.shape_cast %swap3A_119 : vector<1x16xf32> to vector<16xf32>
      %swap3A_121 = vector.shape_cast %broadcast_in_dim3A_116 : vector<16xf32> to vector<1x16xf32>
      tpu.vector_store %arg6[%swap3A_117, %swap3A_118], %swap3A_121 {strides = array<i32>} : memref<128x128xf32, #tpu.memory_space<vmem>>, vector<1x16xf32>,
      %broadcast_in_dim3A_122 = arith.constant 0.000000e+00 : f32
      %broadcast_in_dim3A_123 = vector.broadcast %broadcast_in_dim3A_122 : f32 to vector<16xf32>
      %swap3A_124 = arith.index_cast %scan3A_95 : i32 to index
      %swap3A_125 = arith.constant 64 : index
      %swap3A_126 = tpu.vector_load %arg6[%swap3A_124, %swap3A_125] {strides = array<i32>} : memref<128x128xf32, #tpu.memory_space<vmem>>, vector<1x16xf32>,
      %swap3A_127 = vector.shape_cast %swap3A_126 : vector<1x16xf32> to vector<16xf32>
      %swap3A_128 = vector.shape_cast %broadcast_in_dim3A_123 : vector<16xf32> to vector<1x16xf32>
      tpu.vector_store %arg6[%swap3A_124, %swap3A_125], %swap3A_128 {strides = array<i32>} : memref<128x128xf32, #tpu.memory_space<vmem>>, vector<1x16xf32>,
      %broadcast_in_dim3A_129 = arith.constant 0.000000e+00 : f32
      %broadcast_in_dim3A_130 = vector.broadcast %broadcast_in_dim3A_129 : f32 to vector<16xf32>
      %swap3A_131 = arith.index_cast %scan3A_95 : i32 to index
      %swap3A_132 = arith.constant 80 : index
      %swap3A_133 = tpu.vector_load %arg6[%swap3A_131, %swap3A_132] {strides = array<i32>} : memref<128x128xf32, #tpu.memory_space<vmem>>, vector<1x16xf32>,
      %swap3A_134 = vector.shape_cast %swap3A_133 : vector<1x16xf32> to vector<16xf32>
      %swap3A_135 = vector.shape_cast %broadcast_in_dim3A_130 : vector<16xf32> to vector<1x16xf32>
      tpu.vector_store %arg6[%swap3A_131, %swap3A_132], %swap3A_135 {strides = array<i32>} : memref<128x128xf32, #tpu.memory_space<vmem>>, vector<1x16xf32>,
      %broadcast_in_dim3A_136 = arith.constant 0.000000e+00 : f32
      %broadcast_in_dim3A_137 = vector.broadcast %broadcast_in_dim3A_136 : f32 to vector<16xf32>
      %swap3A_138 = arith.index_cast %scan3A_95 : i32 to index
      %swap3A_139 = arith.constant 96 : index
      %swap3A_140 = tpu.vector_load %arg6[%swap3A_138, %swap3A_139] {strides = array<i32>} : memref<128x128xf32, #tpu.memory_space<vmem>>, vector<1x16xf32>,
      %swap3A_141 = vector.shape_cast %swap3A_140 : vector<1x16xf32> to vector<16xf32>
      %swap3A_142 = vector.shape_cast %broadcast_in_dim3A_137 : vector<16xf32> to vector<1x16xf32>
      tpu.vector_store %arg6[%swap3A_138, %swap3A_139], %swap3A_142 {strides = array<i32>} : memref<128x128xf32, #tpu.memory_space<vmem>>, vector<1x16xf32>,
      %broadcast_in_dim3A_143 = arith.constant 0.000000e+00 : f32
      %broadcast_in_dim3A_144 = vector.broadcast %broadcast_in_dim3A_143 : f32 to vector<16xf32>
      %swap3A_145 = arith.index_cast %scan3A_95 : i32 to index
      %swap3A_146 = arith.constant 112 : index
      %swap3A_147 = tpu.vector_load %arg6[%swap3A_145, %swap3A_146] {strides = array<i32>} : memref<128x128xf32, #tpu.memory_space<vmem>>, vector<1x16xf32>,
      %swap3A_148 = vector.shape_cast %swap3A_147 : vector<1x16xf32> to vector<16xf32>
      %swap3A_149 = vector.shape_cast %broadcast_in_dim3A_144 : vector<16xf32> to vector<1x16xf32>
      tpu.vector_store %arg6[%swap3A_145, %swap3A_146], %swap3A_149 {strides = array<i32>} : memref<128x128xf32, #tpu.memory_space<vmem>>, vector<1x16xf32>,
    }
    %scan3A_5 = arith.constant 128 : i32
    %mul3A_6 = arith.constant 640 : i32
    %mul3A_7 = arith.muli %arg1, %mul3A_6 : i32
    %add3A_8 = arith.constant 0 : i32
    %add3A_9 = arith.addi %mul3A_7, %add3A_8 : i32
    "tpu.region"() ({
      %run_scoped3A = tpu.sem_alloc : memref<!tpu.dma_semaphore, #tpu.memory_space<semaphore_mem>>
      %dma_start3A_95 = arith.constant 0 : i32
      %dma_start3A_96 = arith.constant 0 : i32
      %dma_start3A_97 = tpu.memref_slice %arg6[%dma_start3A_95, %dma_start3A_96] : memref<128x128xf32, #tpu.memory_space<vmem>> -> memref<128x128xf32, #tpu.memory_space<vmem>>
      %dma_start3A_98 = arith.constant 0 : i32
      %dma_start3A_99 = tpu.memref_slice %arg11[%add3A_9, %dma_start3A_98] : memref<10240x128xf32, #tpu.memory_space<vmem_shared>> -> memref<128x128xf32, #tpu.memory_space<vmem_shared>>
      %dma_start3A_100 = arith.constant 0 : i32
      %dma_start3A_101 = tpu.memref_slice %arg11[%add3A_9, %dma_start3A_100] : memref<10240x128xf32, #tpu.memory_space<vmem_shared>> -> memref<128x128xf32, #tpu.memory_space<vmem_shared>>
      %dma_start3A_102 = arith.constant 0 : i32
      %dma_start3A_103 = arith.constant 0 : i32
      %dma_start3A_104 = tpu.memref_slice %arg6[%dma_start3A_102, %dma_start3A_103] : memref<128x128xf32, #tpu.memory_space<vmem>> -> memref<128x128xf32, #tpu.memory_space<vmem>>
      tpu.enqueue_dma source(%dma_start3A_104 : memref<128x128xf32, #tpu.memory_space<vmem>>) target(%dma_start3A_101 : memref<128x128xf32, #tpu.memory_space<vmem_shared>>) target_semaphore(%run_scoped3A : memref<!tpu.dma_semaphore, #tpu.memory_space<semaphore_mem>>)
      %dma_wait3A_105 = arith.constant 0 : i32
      %dma_wait3A_106 = arith.constant 0 : i32
      %dma_wait3A_107 = tpu.memref_slice %arg6[%dma_wait3A_105, %dma_wait3A_106] : memref<128x128xf32, #tpu.memory_space<vmem>> -> memref<128x128xf32, #tpu.memory_space<vmem>>
      %dma_wait3A_108 = arith.constant 0 : i32
      %dma_wait3A_109 = tpu.memref_slice %arg11[%add3A_9, %dma_wait3A_108] : memref<10240x128xf32, #tpu.memory_space<vmem_shared>> -> memref<128x128xf32, #tpu.memory_space<vmem_shared>>
      %dma_wait3A_110 = arith.constant 0 : i32
      %dma_wait3A_111 = tpu.memref_slice %arg11[%add3A_9, %dma_wait3A_110] : memref<10240x128xf32, #tpu.memory_space<vmem_shared>> -> memref<128x128xf32, #tpu.memory_space<vmem_shared>>
      %dma_wait3A_112 = arith.constant 0 : i32
      %dma_wait3A_113 = arith.constant 0 : i32
      %dma_wait3A_114 = tpu.memref_slice %arg6[%dma_wait3A_112, %dma_wait3A_113] : memref<128x128xf32, #tpu.memory_space<vmem>> -> memref<128x128xf32, #tpu.memory_space<vmem>>
      tpu.wait_dma2 semaphore(%run_scoped3A : memref<!tpu.dma_semaphore, #tpu.memory_space<semaphore_mem>>) src(%dma_wait3A_114 : memref<128x128xf32, #tpu.memory_space<vmem>>) dst(%dma_wait3A_111 : memref<128x128xf32, #tpu.memory_space<vmem_shared>>)
      tpu.yield
    }) : () -> ()
    %mul3A_10 = arith.constant 640 : i32
    %mul3A_11 = arith.muli %arg1, %mul3A_10 : i32
    %add3A_12 = arith.constant 128 : i32
    %add3A_13 = arith.addi %mul3A_11, %add3A_12 : i32
    "tpu.region"() ({
      %run_scoped3A = tpu.sem_alloc : memref<!tpu.dma_semaphore, #tpu.memory_space<semaphore_mem>>
      %dma_start3A_95 = arith.constant 0 : i32
      %dma_start3A_96 = arith.constant 0 : i32
      %dma_start3A_97 = tpu.memref_slice %arg6[%dma_start3A_95, %dma_start3A_96] : memref<128x128xf32, #tpu.memory_space<vmem>> -> memref<128x128xf32, #tpu.memory_space<vmem>>
      %dma_start3A_98 = arith.constant 0 : i32
      %dma_start3A_99 = tpu.memref_slice %arg11[%add3A_13, %dma_start3A_98] : memref<10240x128xf32, #tpu.memory_space<vmem_shared>> -> memref<128x128xf32, #tpu.memory_space<vmem_shared>>
      %dma_start3A_100 = arith.constant 0 : i32
      %dma_start3A_101 = tpu.memref_slice %arg11[%add3A_13, %dma_start3A_100] : memref<10240x128xf32, #tpu.memory_space<vmem_shared>> -> memref<128x128xf32, #tpu.memory_space<vmem_shared>>
      %dma_start3A_102 = arith.constant 0 : i32
      %dma_start3A_103 = arith.constant 0 : i32
      %dma_start3A_104 = tpu.memref_slice %arg6[%dma_start3A_102, %dma_start3A_103] : memref<128x128xf32, #tpu.memory_space<vmem>> -> memref<128x128xf32, #tpu.memory_space<vmem>>
      tpu.enqueue_dma source(%dma_start3A_104 : memref<128x128xf32, #tpu.memory_space<vmem>>) target(%dma_start3A_101 : memref<128x128xf32, #tpu.memory_space<vmem_shared>>) target_semaphore(%run_scoped3A : memref<!tpu.dma_semaphore, #tpu.memory_space<semaphore_mem>>)
      %dma_wait3A_105 = arith.constant 0 : i32
      %dma_wait3A_106 = arith.constant 0 : i32
      %dma_wait3A_107 = tpu.memref_slice %arg6[%dma_wait3A_105, %dma_wait3A_106] : memref<128x128xf32, #tpu.memory_space<vmem>> -> memref<128x128xf32, #tpu.memory_space<vmem>>
      %dma_wait3A_108 = arith.constant 0 : i32
      %dma_wait3A_109 = tpu.memref_slice %arg11[%add3A_13, %dma_wait3A_108] : memref<10240x128xf32, #tpu.memory_space<vmem_shared>> -> memref<128x128xf32, #tpu.memory_space<vmem_shared>>
      %dma_wait3A_110 = arith.constant 0 : i32
      %dma_wait3A_111 = tpu.memref_slice %arg11[%add3A_13, %dma_wait3A_110] : memref<10240x128xf32, #tpu.memory_space<vmem_shared>> -> memref<128x128xf32, #tpu.memory_space<vmem_shared>>
      %dma_wait3A_112 = arith.constant 0 : i32
      %dma_wait3A_113 = arith.constant 0 : i32
      %dma_wait3A_114 = tpu.memref_slice %arg6[%dma_wait3A_112, %dma_wait3A_113] : memref<128x128xf32, #tpu.memory_space<vmem>> -> memref<128x128xf32, #tpu.memory_space<vmem>>
      tpu.wait_dma2 semaphore(%run_scoped3A : memref<!tpu.dma_semaphore, #tpu.memory_space<semaphore_mem>>) src(%dma_wait3A_114 : memref<128x128xf32, #tpu.memory_space<vmem>>) dst(%dma_wait3A_111 : memref<128x128xf32, #tpu.memory_space<vmem_shared>>)
      tpu.yield
    }) : () -> ()
    %mul3A_14 = arith.constant 640 : i32
    %mul3A_15 = arith.muli %arg1, %mul3A_14 : i32
    %add3A_16 = arith.constant 256 : i32
    %add3A_17 = arith.addi %mul3A_15, %add3A_16 : i32
    "tpu.region"() ({
      %run_scoped3A = tpu.sem_alloc : memref<!tpu.dma_semaphore, #tpu.memory_space<semaphore_mem>>
      %dma_start3A_95 = arith.constant 0 : i32
      %dma_start3A_96 = arith.constant 0 : i32
      %dma_start3A_97 = tpu.memref_slice %arg6[%dma_start3A_95, %dma_start3A_96] : memref<128x128xf32, #tpu.memory_space<vmem>> -> memref<128x128xf32, #tpu.memory_space<vmem>>
      %dma_start3A_98 = arith.constant 0 : i32
      %dma_start3A_99 = tpu.memref_slice %arg11[%add3A_17, %dma_start3A_98] : memref<10240x128xf32, #tpu.memory_space<vmem_shared>> -> memref<128x128xf32, #tpu.memory_space<vmem_shared>>
      %dma_start3A_100 = arith.constant 0 : i32
      %dma_start3A_101 = tpu.memref_slice %arg11[%add3A_17, %dma_start3A_100] : memref<10240x128xf32, #tpu.memory_space<vmem_shared>> -> memref<128x128xf32, #tpu.memory_space<vmem_shared>>
      %dma_start3A_102 = arith.constant 0 : i32
      %dma_start3A_103 = arith.constant 0 : i32
      %dma_start3A_104 = tpu.memref_slice %arg6[%dma_start3A_102, %dma_start3A_103] : memref<128x128xf32, #tpu.memory_space<vmem>> -> memref<128x128xf32, #tpu.memory_space<vmem>>
      tpu.enqueue_dma source(%dma_start3A_104 : memref<128x128xf32, #tpu.memory_space<vmem>>) target(%dma_start3A_101 : memref<128x128xf32, #tpu.memory_space<vmem_shared>>) target_semaphore(%run_scoped3A : memref<!tpu.dma_semaphore, #tpu.memory_space<semaphore_mem>>)
      %dma_wait3A_105 = arith.constant 0 : i32
      %dma_wait3A_106 = arith.constant 0 : i32
      %dma_wait3A_107 = tpu.memref_slice %arg6[%dma_wait3A_105, %dma_wait3A_106] : memref<128x128xf32, #tpu.memory_space<vmem>> -> memref<128x128xf32, #tpu.memory_space<vmem>>
      %dma_wait3A_108 = arith.constant 0 : i32
      %dma_wait3A_109 = tpu.memref_slice %arg11[%add3A_17, %dma_wait3A_108] : memref<10240x128xf32, #tpu.memory_space<vmem_shared>> -> memref<128x128xf32, #tpu.memory_space<vmem_shared>>
      %dma_wait3A_110 = arith.constant 0 : i32
      %dma_wait3A_111 = tpu.memref_slice %arg11[%add3A_17, %dma_wait3A_110] : memref<10240x128xf32, #tpu.memory_space<vmem_shared>> -> memref<128x128xf32, #tpu.memory_space<vmem_shared>>
      %dma_wait3A_112 = arith.constant 0 : i32
      %dma_wait3A_113 = arith.constant 0 : i32
      %dma_wait3A_114 = tpu.memref_slice %arg6[%dma_wait3A_112, %dma_wait3A_113] : memref<128x128xf32, #tpu.memory_space<vmem>> -> memref<128x128xf32, #tpu.memory_space<vmem>>
      tpu.wait_dma2 semaphore(%run_scoped3A : memref<!tpu.dma_semaphore, #tpu.memory_space<semaphore_mem>>) src(%dma_wait3A_114 : memref<128x128xf32, #tpu.memory_space<vmem>>) dst(%dma_wait3A_111 : memref<128x128xf32, #tpu.memory_space<vmem_shared>>)
      tpu.yield
    }) : () -> ()
    %mul3A_18 = arith.constant 640 : i32
    %mul3A_19 = arith.muli %arg1, %mul3A_18 : i32
    %add3A_20 = arith.constant 384 : i32
    %add3A_21 = arith.addi %mul3A_19, %add3A_20 : i32
    "tpu.region"() ({
      %run_scoped3A = tpu.sem_alloc : memref<!tpu.dma_semaphore, #tpu.memory_space<semaphore_mem>>
      %dma_start3A_95 = arith.constant 0 : i32
      %dma_start3A_96 = arith.constant 0 : i32
      %dma_start3A_97 = tpu.memref_slice %arg6[%dma_start3A_95, %dma_start3A_96] : memref<128x128xf32, #tpu.memory_space<vmem>> -> memref<128x128xf32, #tpu.memory_space<vmem>>
      %dma_start3A_98 = arith.constant 0 : i32
      %dma_start3A_99 = tpu.memref_slice %arg11[%add3A_21, %dma_start3A_98] : memref<10240x128xf32, #tpu.memory_space<vmem_shared>> -> memref<128x128xf32, #tpu.memory_space<vmem_shared>>
      %dma_start3A_100 = arith.constant 0 : i32
      %dma_start3A_101 = tpu.memref_slice %arg11[%add3A_21, %dma_start3A_100] : memref<10240x128xf32, #tpu.memory_space<vmem_shared>> -> memref<128x128xf32, #tpu.memory_space<vmem_shared>>
      %dma_start3A_102 = arith.constant 0 : i32
      %dma_start3A_103 = arith.constant 0 : i32
      %dma_start3A_104 = tpu.memref_slice %arg6[%dma_start3A_102, %dma_start3A_103] : memref<128x128xf32, #tpu.memory_space<vmem>> -> memref<128x128xf32, #tpu.memory_space<vmem>>
      tpu.enqueue_dma source(%dma_start3A_104 : memref<128x128xf32, #tpu.memory_space<vmem>>) target(%dma_start3A_101 : memref<128x128xf32, #tpu.memory_space<vmem_shared>>) target_semaphore(%run_scoped3A : memref<!tpu.dma_semaphore, #tpu.memory_space<semaphore_mem>>)
      %dma_wait3A_105 = arith.constant 0 : i32
      %dma_wait3A_106 = arith.constant 0 : i32
      %dma_wait3A_107 = tpu.memref_slice %arg6[%dma_wait3A_105, %dma_wait3A_106] : memref<128x128xf32, #tpu.memory_space<vmem>> -> memref<128x128xf32, #tpu.memory_space<vmem>>
      %dma_wait3A_108 = arith.constant 0 : i32
      %dma_wait3A_109 = tpu.memref_slice %arg11[%add3A_21, %dma_wait3A_108] : memref<10240x128xf32, #tpu.memory_space<vmem_shared>> -> memref<128x128xf32, #tpu.memory_space<vmem_shared>>
      %dma_wait3A_110 = arith.constant 0 : i32
      %dma_wait3A_111 = tpu.memref_slice %arg11[%add3A_21, %dma_wait3A_110] : memref<10240x128xf32, #tpu.memory_space<vmem_shared>> -> memref<128x128xf32, #tpu.memory_space<vmem_shared>>
      %dma_wait3A_112 = arith.constant 0 : i32
      %dma_wait3A_113 = arith.constant 0 : i32
      %dma_wait3A_114 = tpu.memref_slice %arg6[%dma_wait3A_112, %dma_wait3A_113] : memref<128x128xf32, #tpu.memory_space<vmem>> -> memref<128x128xf32, #tpu.memory_space<vmem>>
      tpu.wait_dma2 semaphore(%run_scoped3A : memref<!tpu.dma_semaphore, #tpu.memory_space<semaphore_mem>>) src(%dma_wait3A_114 : memref<128x128xf32, #tpu.memory_space<vmem>>) dst(%dma_wait3A_111 : memref<128x128xf32, #tpu.memory_space<vmem_shared>>)
      tpu.yield
    }) : () -> ()
    %mul3A_22 = arith.constant 640 : i32
    %mul3A_23 = arith.muli %arg1, %mul3A_22 : i32
    %add3A_24 = arith.constant 512 : i32
    %add3A_25 = arith.addi %mul3A_23, %add3A_24 : i32
    "tpu.region"() ({
      %run_scoped3A = tpu.sem_alloc : memref<!tpu.dma_semaphore, #tpu.memory_space<semaphore_mem>>
      %dma_start3A_95 = arith.constant 0 : i32
      %dma_start3A_96 = arith.constant 0 : i32
      %dma_start3A_97 = tpu.memref_slice %arg6[%dma_start3A_95, %dma_start3A_96] : memref<128x128xf32, #tpu.memory_space<vmem>> -> memref<128x128xf32, #tpu.memory_space<vmem>>
      %dma_start3A_98 = arith.constant 0 : i32
      %dma_start3A_99 = tpu.memref_slice %arg11[%add3A_25, %dma_start3A_98] : memref<10240x128xf32, #tpu.memory_space<vmem_shared>> -> memref<128x128xf32, #tpu.memory_space<vmem_shared>>
      %dma_start3A_100 = arith.constant 0 : i32
      %dma_start3A_101 = tpu.memref_slice %arg11[%add3A_25, %dma_start3A_100] : memref<10240x128xf32, #tpu.memory_space<vmem_shared>> -> memref<128x128xf32, #tpu.memory_space<vmem_shared>>
      %dma_start3A_102 = arith.constant 0 : i32
      %dma_start3A_103 = arith.constant 0 : i32
      %dma_start3A_104 = tpu.memref_slice %arg6[%dma_start3A_102, %dma_start3A_103] : memref<128x128xf32, #tpu.memory_space<vmem>> -> memref<128x128xf32, #tpu.memory_space<vmem>>
      tpu.enqueue_dma source(%dma_start3A_104 : memref<128x128xf32, #tpu.memory_space<vmem>>) target(%dma_start3A_101 : memref<128x128xf32, #tpu.memory_space<vmem_shared>>) target_semaphore(%run_scoped3A : memref<!tpu.dma_semaphore, #tpu.memory_space<semaphore_mem>>)
      %dma_wait3A_105 = arith.constant 0 : i32
      %dma_wait3A_106 = arith.constant 0 : i32
      %dma_wait3A_107 = tpu.memref_slice %arg6[%dma_wait3A_105, %dma_wait3A_106] : memref<128x128xf32, #tpu.memory_space<vmem>> -> memref<128x128xf32, #tpu.memory_space<vmem>>
      %dma_wait3A_108 = arith.constant 0 : i32
      %dma_wait3A_109 = tpu.memref_slice %arg11[%add3A_25, %dma_wait3A_108] : memref<10240x128xf32, #tpu.memory_space<vmem_shared>> -> memref<128x128xf32, #tpu.memory_space<vmem_shared>>
      %dma_wait3A_110 = arith.constant 0 : i32
      %dma_wait3A_111 = tpu.memref_slice %arg11[%add3A_25, %dma_wait3A_110] : memref<10240x128xf32, #tpu.memory_space<vmem_shared>> -> memref<128x128xf32, #tpu.memory_space<vmem_shared>>
      %dma_wait3A_112 = arith.constant 0 : i32
      %dma_wait3A_113 = arith.constant 0 : i32
      %dma_wait3A_114 = tpu.memref_slice %arg6[%dma_wait3A_112, %dma_wait3A_113] : memref<128x128xf32, #tpu.memory_space<vmem>> -> memref<128x128xf32, #tpu.memory_space<vmem>>
      tpu.wait_dma2 semaphore(%run_scoped3A : memref<!tpu.dma_semaphore, #tpu.memory_space<semaphore_mem>>) src(%dma_wait3A_114 : memref<128x128xf32, #tpu.memory_space<vmem>>) dst(%dma_wait3A_111 : memref<128x128xf32, #tpu.memory_space<vmem_shared>>)
      tpu.yield
    }) : () -> ()
    %sub3A = arith.constant 2500 : i32
    %sub3A_26 = arith.subi %sub3A, %add3A : i32
    %add3A_27 = arith.constant 31 : i32
    %add3A_28 = arith.addi %sub3A_26, %add3A_27 : i32
    %jit3A = arith.constant 32 : i32
    %div3A = arith.divsi %add3A_28, %jit3A : i32
    %sign3A = arith.constant 0 : i32
    %sign3A_29 = arith.cmpi sgt, %add3A_28, %sign3A : i32
    %sign3A_30 = arith.extui %sign3A_29 : i1 to i32
    %sign3A_31 = arith.constant 0 : i32
    %sign3A_32 = arith.cmpi slt, %add3A_28, %sign3A_31 : i32
    %sign3A_33 = arith.extui %sign3A_32 : i1 to i32
    %sign3A_34 = arith.subi %sign3A_30, %sign3A_33 : i32
    %sign3A_35 = arith.constant 0 : i32
    %sign3A_36 = arith.cmpi sgt, %jit3A, %sign3A_35 : i32
    %sign3A_37 = arith.extui %sign3A_36 : i1 to i32
    %sign3A_38 = arith.constant 0 : i32
    %sign3A_39 = arith.cmpi slt, %jit3A, %sign3A_38 : i32
    %sign3A_40 = arith.extui %sign3A_39 : i1 to i32
    %sign3A_41 = arith.subi %sign3A_37, %sign3A_40 : i32
    %ne3A = arith.cmpi ne, %sign3A_34, %sign3A_41 : i32
    %rem3A = arith.remsi %add3A_28, %jit3A : i32
    %ne3A_42 = arith.constant 0 : i32
    %ne3A_43 = arith.cmpi ne, %rem3A, %ne3A_42 : i32
    %and3A = arith.andi %ne3A, %ne3A_43 : i1
    %sub3A_44 = arith.constant 1 : i32
    %sub3A_45 = arith.subi %div3A, %sub3A_44 : i32
    %select_n3A = arith.select %and3A, %sub3A_45, %div3A : i32
    %add3A_46 = arith.constant 0 : i32
    %add3A_47 = arith.addi %add3A, %add3A_46 : i32
    %dma_start3A = arith.constant 0 : i32
    %dma_start3A_48 = arith.constant 0 : i32
    %dma_start3A_49 = tpu.memref_slice %arg3[%add3A_47, %dma_start3A, %dma_start3A_48] : memref<2500x3x128xi32, #tpu.memory_space<hbm>> -> memref<1x3x128xi32, #tpu.memory_space<hbm>>
    %dma_start3A_50 = tpu.memref_squeeze %dma_start3A_49 : memref<1x3x128xi32, #tpu.memory_space<hbm>> -> memref<3x128xi32, #tpu.memory_space<hbm>>
    %dma_start3A_51 = arith.constant 0 : i32
    %dma_start3A_52 = arith.constant 0 : i32
    %dma_start3A_53 = tpu.memref_slice %arg3[%add3A_47, %dma_start3A_51, %dma_start3A_52] : memref<2500x3x128xi32, #tpu.memory_space<hbm>> -> memref<1x3x128xi32, #tpu.memory_space<hbm>>
    %dma_start3A_54 = tpu.memref_squeeze %dma_start3A_53 : memref<1x3x128xi32, #tpu.memory_space<hbm>> -> memref<3x128xi32, #tpu.memory_space<hbm>>
    tpu.enqueue_dma source(%dma_start3A_54 : memref<3x128xi32, #tpu.memory_space<hbm>>) target(%arg5 : memref<3x128xi32, #tpu.memory_space<vmem>>) target_semaphore(%arg14 : memref<!tpu.dma_semaphore, #tpu.memory_space<semaphore_mem>>)
    %add3A_55 = arith.constant 0 : i32
    %add3A_56 = arith.addi %add3A, %add3A_55 : i32
    %dma_wait3A = arith.constant 0 : i32
    %dma_wait3A_57 = arith.constant 0 : i32
    %dma_wait3A_58 = tpu.memref_slice %arg3[%add3A_56, %dma_wait3A, %dma_wait3A_57] : memref<2500x3x128xi32, #tpu.memory_space<hbm>> -> memref<1x3x128xi32, #tpu.memory_space<hbm>>
    %dma_wait3A_59 = tpu.memref_squeeze %dma_wait3A_58 : memref<1x3x128xi32, #tpu.memory_space<hbm>> -> memref<3x128xi32, #tpu.memory_space<hbm>>
    %dma_wait3A_60 = arith.constant 0 : i32
    %dma_wait3A_61 = arith.constant 0 : i32
    %dma_wait3A_62 = tpu.memref_slice %arg3[%add3A_56, %dma_wait3A_60, %dma_wait3A_61] : memref<2500x3x128xi32, #tpu.memory_space<hbm>> -> memref<1x3x128xi32, #tpu.memory_space<hbm>>
    %dma_wait3A_63 = tpu.memref_squeeze %dma_wait3A_62 : memref<1x3x128xi32, #tpu.memory_space<hbm>> -> memref<3x128xi32, #tpu.memory_space<hbm>>
    tpu.wait_dma2 semaphore(%arg14 : memref<!tpu.dma_semaphore, #tpu.memory_space<semaphore_mem>>) src(%dma_wait3A_63 : memref<3x128xi32, #tpu.memory_space<hbm>>) dst(%arg5 : memref<3x128xi32, #tpu.memory_space<vmem>>)
    %dma_start3A_64 = arith.constant 1 : i32
    %dma_start3A_65 = arith.constant 0 : i32
    %dma_start3A_66 = tpu.memref_slice %arg5[%dma_start3A_64, %dma_start3A_65] : memref<3x128xi32, #tpu.memory_space<vmem>> -> memref<1x128xi32, #tpu.memory_space<vmem>>
    %dma_start3A_67 = tpu.memref_squeeze %dma_start3A_66 : memref<1x128xi32, #tpu.memory_space<vmem>> -> memref<128xi32, #tpu.memory_space<vmem>>
    %dma_start3A_68 = arith.constant 0 : i32
    %dma_start3A_69 = arith.constant 0 : i32
    %dma_start3A_70 = tpu.memref_slice %arg2[%dma_start3A_68, %dma_start3A_69] : memref<10000x128xf32, #tpu.memory_space<hbm>> -> memref<10000x128xf32, #tpu.memory_space<hbm>>
    tpu.enqueue_indirect_dma source(%dma_start3A_70 : memref<10000x128xf32, #tpu.memory_space<hbm>>) target(%arg6 : memref<128x128xf32, #tpu.memory_space<vmem>>) offsets(%dma_start3A_67 : memref<128xi32, #tpu.memory_space<vmem>>) semaphore(%arg12 : memref<!tpu.dma_semaphore, #tpu.memory_space<semaphore_mem>>)
    %dma_wait3A_71 = arith.constant 1 : i32
    %dma_wait3A_72 = arith.constant 0 : i32
    %dma_wait3A_73 = tpu.memref_slice %arg5[%dma_wait3A_71, %dma_wait3A_72] : memref<3x128xi32, #tpu.memory_space<vmem>> -> memref<1x128xi32, #tpu.memory_space<vmem>>
    %dma_wait3A_74 = tpu.memref_squeeze %dma_wait3A_73 : memref<1x128xi32, #tpu.memory_space<vmem>> -> memref<128xi32, #tpu.memory_space<vmem>>
    %dma_wait3A_75 = arith.constant 0 : i32
    %dma_wait3A_76 = arith.constant 0 : i32
    %dma_wait3A_77 = tpu.memref_slice %arg2[%dma_wait3A_75, %dma_wait3A_76] : memref<10000x128xf32, #tpu.memory_space<hbm>> -> memref<10000x128xf32, #tpu.memory_space<hbm>>
    tpu.wait_indirect_dma semaphore(%arg12 : memref<!tpu.dma_semaphore, #tpu.memory_space<semaphore_mem>>) src(%dma_wait3A_77 : memref<10000x128xf32, #tpu.memory_space<hbm>>) dst(%arg6 : memref<128x128xf32, #tpu.memory_space<vmem>>)
    %gt3A = arith.constant 1 : i32
    %gt3A_78 = arith.cmpi sgt, %select_n3A, %gt3A : i32
    %convert_element_type3A = arith.extui %gt3A_78 : i1 to i32
    %cond3A = arith.constant 0 : i32
    %cond3A_79 = arith.cmpi ne, %convert_element_type3A, %cond3A : i32
    scf.if %cond3A_79 {
      %add3A_95 = arith.constant 32 : i32
      %add3A_96 = arith.addi %add3A, %add3A_95 : i32
      %dma_start3A_97 = arith.constant 0 : i32
      %dma_start3A_98 = arith.constant 0 : i32
      %dma_start3A_99 = tpu.memref_slice %arg3[%add3A_96, %dma_start3A_97, %dma_start3A_98] : memref<2500x3x128xi32, #tpu.memory_space<hbm>> -> memref<1x3x128xi32, #tpu.memory_space<hbm>>
      %dma_start3A_100 = tpu.memref_squeeze %dma_start3A_99 : memref<1x3x128xi32, #tpu.memory_space<hbm>> -> memref<3x128xi32, #tpu.memory_space<hbm>>
      %dma_start3A_101 = arith.constant 0 : i32
      %dma_start3A_102 = arith.constant 0 : i32
      %dma_start3A_103 = tpu.memref_slice %arg3[%add3A_96, %dma_start3A_101, %dma_start3A_102] : memref<2500x3x128xi32, #tpu.memory_space<hbm>> -> memref<1x3x128xi32, #tpu.memory_space<hbm>>
      %dma_start3A_104 = tpu.memref_squeeze %dma_start3A_103 : memref<1x3x128xi32, #tpu.memory_space<hbm>> -> memref<3x128xi32, #tpu.memory_space<hbm>>
      tpu.enqueue_dma source(%dma_start3A_104 : memref<3x128xi32, #tpu.memory_space<hbm>>) target(%arg7 : memref<3x128xi32, #tpu.memory_space<vmem>>) target_semaphore(%arg15 : memref<!tpu.dma_semaphore, #tpu.memory_space<semaphore_mem>>)
    } else {
    }
    %barrier3A = arith.constant 0 : index
    tpu.barrier barrier_id(%barrier3A)
    %scan3A_80 = arith.constant 0 : i32
    %scan3A_81 = arith.constant 0 : i32
    %scan3A_82 = arith.constant 40 : i32
    %scan3A_83 = arith.addi %scan3A_81, %scan3A_82 : i32
    %scan3A_84 = arith.constant 1 : i32
    scf.for %scan3A_95 = %scan3A_81 to %scan3A_83 step %scan3A_84  : i32 {
      %mul3A_96 = arith.constant 2 : i32
      %mul3A_97 = arith.muli %scan3A_95, %mul3A_96 : i32
      %add3A_98 = arith.constant 0 : i32
      %add3A_99 = arith.addi %mul3A_97, %add3A_98 : i32
      %lt3A_100 = arith.cmpi slt, %add3A_99, %select_n3A : i32
      %convert_element_type3A_101 = arith.extui %lt3A_100 : i1 to i32
      %cond3A_102 = arith.constant 0 : i32
      %cond3A_103 = arith.cmpi ne, %convert_element_type3A_101, %cond3A_102 : i32
      scf.if %cond3A_103 {
        %add3A_112 = arith.constant 1 : i32
        %add3A_113 = arith.addi %add3A_99, %add3A_112 : i32
        %lt3A_114 = arith.cmpi slt, %add3A_113, %select_n3A : i32
        %convert_element_type3A_115 = arith.extui %lt3A_114 : i1 to i32
        %cond3A_116 = arith.constant 0 : i32
        %cond3A_117 = arith.cmpi ne, %convert_element_type3A_115, %cond3A_116 : i32
        scf.if %cond3A_117 {
          %add3A_136 = arith.constant 1 : i32
          %add3A_137 = arith.addi %add3A_99, %add3A_136 : i32
          %mul3A_138 = arith.constant 32 : i32
          %mul3A_139 = arith.muli %add3A_137, %mul3A_138 : i32
          %add3A_140 = arith.addi %add3A, %mul3A_139 : i32
          %dma_wait3A_141 = arith.constant 0 : i32
          %dma_wait3A_142 = arith.constant 0 : i32
          %dma_wait3A_143 = tpu.memref_slice %arg3[%add3A_140, %dma_wait3A_141, %dma_wait3A_142] : memref<2500x3x128xi32, #tpu.memory_space<hbm>> -> memref<1x3x128xi32, #tpu.memory_space<hbm>>
          %dma_wait3A_144 = tpu.memref_squeeze %dma_wait3A_143 : memref<1x3x128xi32, #tpu.memory_space<hbm>> -> memref<3x128xi32, #tpu.memory_space<hbm>>
          %dma_wait3A_145 = arith.constant 0 : i32
          %dma_wait3A_146 = arith.constant 0 : i32
          %dma_wait3A_147 = tpu.memref_slice %arg3[%add3A_140, %dma_wait3A_145, %dma_wait3A_146] : memref<2500x3x128xi32, #tpu.memory_space<hbm>> -> memref<1x3x128xi32, #tpu.memory_space<hbm>>
          %dma_wait3A_148 = tpu.memref_squeeze %dma_wait3A_147 : memref<1x3x128xi32, #tpu.memory_space<hbm>> -> memref<3x128xi32, #tpu.memory_space<hbm>>
          tpu.wait_dma2 semaphore(%arg15 : memref<!tpu.dma_semaphore, #tpu.memory_space<semaphore_mem>>) src(%dma_wait3A_148 : memref<3x128xi32, #tpu.memory_space<hbm>>) dst(%arg7 : memref<3x128xi32, #tpu.memory_space<vmem>>)
          %dma_start3A_149 = arith.constant 1 : i32
          %dma_start3A_150 = arith.constant 0 : i32
          %dma_start3A_151 = tpu.memref_slice %arg7[%dma_start3A_149, %dma_start3A_150] : memref<3x128xi32, #tpu.memory_space<vmem>> -> memref<1x128xi32, #tpu.memory_space<vmem>>
          %dma_start3A_152 = tpu.memref_squeeze %dma_start3A_151 : memref<1x128xi32, #tpu.memory_space<vmem>> -> memref<128xi32, #tpu.memory_space<vmem>>
          %dma_start3A_153 = arith.constant 0 : i32
          %dma_start3A_154 = arith.constant 0 : i32
          %dma_start3A_155 = tpu.memref_slice %arg2[%dma_start3A_153, %dma_start3A_154] : memref<10000x128xf32, #tpu.memory_space<hbm>> -> memref<10000x128xf32, #tpu.memory_space<hbm>>
          tpu.enqueue_indirect_dma source(%dma_start3A_155 : memref<10000x128xf32, #tpu.memory_space<hbm>>) target(%arg8 : memref<128x128xf32, #tpu.memory_space<vmem>>) offsets(%dma_start3A_152 : memref<128xi32, #tpu.memory_space<vmem>>) semaphore(%arg13 : memref<!tpu.dma_semaphore, #tpu.memory_space<semaphore_mem>>)
        } else {
        }
        %scan3A_118 = arith.constant 0 : i32
        %scan3A_119 = arith.constant 0 : i32
        %scan3A_120 = arith.constant 8 : i32
        %scan3A_121 = arith.addi %scan3A_119, %scan3A_120 : i32
        %scan3A_122 = arith.constant 1 : i32
        scf.for %scan3A_136 = %scan3A_119 to %scan3A_121 step %scan3A_122  : i32 {
          %mul3A_137 = arith.constant 16 : i32
          %mul3A_138 = arith.muli %scan3A_136, %mul3A_137 : i32
          %get3A = arith.constant 0 : i32
          %get3A_139 = arith.index_cast %get3A : i32 to index
          %get3A_140 = arith.index_cast %mul3A_138 : i32 to index
          %get3A_141 = tpu.vector_load %arg5[%get3A_139, %get3A_140] {strides = array<i32>} : memref<3x128xi32, #tpu.memory_space<vmem>>, vector<1x16xi32>,
          %get3A_142 = vector.shape_cast %get3A_141 : vector<1x16xi32> to vector<16xi32>
          %mul3A_143 = arith.constant 16 : i32
          %mul3A_144 = arith.muli %scan3A_136, %mul3A_143 : i32
          %swap3A = arith.index_cast %mul3A_144 : i32 to index
          %swap3A_145 = tpu.vector_load %arg9[%swap3A] {strides = array<i32>} : memref<128xi32, #tpu.memory_space<vmem>>, vector<16xi32>,
          %swap3A_146 = vector.shape_cast %swap3A_145 : vector<16xi32> to vector<16xi32>
          %swap3A_147 = vector.shape_cast %get3A_142 : vector<16xi32> to vector<16xi32>
          tpu.vector_store %arg9[%swap3A], %swap3A_147 {strides = array<i32>} : memref<128xi32, #tpu.memory_space<vmem>>, vector<16xi32>,
          %mul3A_148 = arith.constant 16 : i32
          %mul3A_149 = arith.muli %scan3A_136, %mul3A_148 : i32
          %get3A_150 = arith.constant 2 : i32
          %get3A_151 = arith.index_cast %get3A_150 : i32 to index
          %get3A_152 = arith.index_cast %mul3A_149 : i32 to index
          %get3A_153 = tpu.vector_load %arg5[%get3A_151, %get3A_152] {strides = array<i32>} : memref<3x128xi32, #tpu.memory_space<vmem>>, vector<1x16xi32>,
          %get3A_154 = vector.shape_cast %get3A_153 : vector<1x16xi32> to vector<16xi32>
          %bitcast_convert_type3A = tpu.bitcast %get3A_154 : vector<16xi32> -> vector<16xf32>
          %mul3A_155 = arith.constant 16 : i32
          %mul3A_156 = arith.muli %scan3A_136, %mul3A_155 : i32
          %add3A_157 = arith.constant 0 : i32
          %add3A_158 = arith.addi %mul3A_156, %add3A_157 : i32
          %slice3A = vector.extract_strided_slice %bitcast_convert_type3A {offsets = [0], sizes = [1], strides = [1]} : vector<16xf32> to vector<1xf32>
          %squeeze3A = vector.extract %slice3A[0] : f32 from vector<1xf32>
          %broadcast_in_dim3A = vector.broadcast %squeeze3A : f32 to vector<16xf32>
          %get3A_159 = arith.index_cast %add3A_158 : i32 to index
          %get3A_160 = arith.constant 0 : index
          %get3A_161 = tpu.vector_load %arg6[%get3A_159, %get3A_160] {strides = array<i32>} : memref<128x128xf32, #tpu.memory_space<vmem>>, vector<1x16xf32>,
          %get3A_162 = vector.shape_cast %get3A_161 : vector<1x16xf32> to vector<16xf32>
          %mul3A_163 = arith.mulf %get3A_162, %broadcast_in_dim3A : vector<16xf32>
          %swap3A_164 = arith.index_cast %add3A_158 : i32 to index
          %swap3A_165 = arith.constant 0 : index
          %swap3A_166 = tpu.vector_load %arg6[%swap3A_164, %swap3A_165] {strides = array<i32>} : memref<128x128xf32, #tpu.memory_space<vmem>>, vector<1x16xf32>,
          %swap3A_167 = vector.shape_cast %swap3A_166 : vector<1x16xf32> to vector<16xf32>
          %swap3A_168 = vector.shape_cast %mul3A_163 : vector<16xf32> to vector<1x16xf32>
          tpu.vector_store %arg6[%swap3A_164, %swap3A_165], %swap3A_168 {strides = array<i32>} : memref<128x128xf32, #tpu.memory_space<vmem>>, vector<1x16xf32>,
          %get3A_169 = arith.index_cast %add3A_158 : i32 to index
          %get3A_170 = arith.constant 16 : index
          %get3A_171 = tpu.vector_load %arg6[%get3A_169, %get3A_170] {strides = array<i32>} : memref<128x128xf32, #tpu.memory_space<vmem>>, vector<1x16xf32>,
          %get3A_172 = vector.shape_cast %get3A_171 : vector<1x16xf32> to vector<16xf32>
          %mul3A_173 = arith.mulf %get3A_172, %broadcast_in_dim3A : vector<16xf32>
          %swap3A_174 = arith.index_cast %add3A_158 : i32 to index
          %swap3A_175 = arith.constant 16 : index
          %swap3A_176 = tpu.vector_load %arg6[%swap3A_174, %swap3A_175] {strides = array<i32>} : memref<128x128xf32, #tpu.memory_space<vmem>>, vector<1x16xf32>,
          %swap3A_177 = vector.shape_cast %swap3A_176 : vector<1x16xf32> to vector<16xf32>
          %swap3A_178 = vector.shape_cast %mul3A_173 : vector<16xf32> to vector<1x16xf32>
          tpu.vector_store %arg6[%swap3A_174, %swap3A_175], %swap3A_178 {strides = array<i32>} : memref<128x128xf32, #tpu.memory_space<vmem>>, vector<1x16xf32>,
          %get3A_179 = arith.index_cast %add3A_158 : i32 to index
          %get3A_180 = arith.constant 32 : index
          %get3A_181 = tpu.vector_load %arg6[%get3A_179, %get3A_180] {strides = array<i32>} : memref<128x128xf32, #tpu.memory_space<vmem>>, vector<1x16xf32>,
          %get3A_182 = vector.shape_cast %get3A_181 : vector<1x16xf32> to vector<16xf32>
          %mul3A_183 = arith.mulf %get3A_182, %broadcast_in_dim3A : vector<16xf32>
          %swap3A_184 = arith.index_cast %add3A_158 : i32 to index
          %swap3A_185 = arith.constant 32 : index
          %swap3A_186 = tpu.vector_load %arg6[%swap3A_184, %swap3A_185] {strides = array<i32>} : memref<128x128xf32, #tpu.memory_space<vmem>>, vector<1x16xf32>,
          %swap3A_187 = vector.shape_cast %swap3A_186 : vector<1x16xf32> to vector<16xf32>
          %swap3A_188 = vector.shape_cast %mul3A_183 : vector<16xf32> to vector<1x16xf32>
          tpu.vector_store %arg6[%swap3A_184, %swap3A_185], %swap3A_188 {strides = array<i32>} : memref<128x128xf32, #tpu.memory_space<vmem>>, vector<1x16xf32>,
          %get3A_189 = arith.index_cast %add3A_158 : i32 to index
          %get3A_190 = arith.constant 48 : index
          %get3A_191 = tpu.vector_load %arg6[%get3A_189, %get3A_190] {strides = array<i32>} : memref<128x128xf32, #tpu.memory_space<vmem>>, vector<1x16xf32>,
          %get3A_192 = vector.shape_cast %get3A_191 : vector<1x16xf32> to vector<16xf32>
          %mul3A_193 = arith.mulf %get3A_192, %broadcast_in_dim3A : vector<16xf32>
          %swap3A_194 = arith.index_cast %add3A_158 : i32 to index
          %swap3A_195 = arith.constant 48 : index
          %swap3A_196 = tpu.vector_load %arg6[%swap3A_194, %swap3A_195] {strides = array<i32>} : memref<128x128xf32, #tpu.memory_space<vmem>>, vector<1x16xf32>,
          %swap3A_197 = vector.shape_cast %swap3A_196 : vector<1x16xf32> to vector<16xf32>
          %swap3A_198 = vector.shape_cast %mul3A_193 : vector<16xf32> to vector<1x16xf32>
          tpu.vector_store %arg6[%swap3A_194, %swap3A_195], %swap3A_198 {strides = array<i32>} : memref<128x128xf32, #tpu.memory_space<vmem>>, vector<1x16xf32>,
          %get3A_199 = arith.index_cast %add3A_158 : i32 to index
          %get3A_200 = arith.constant 64 : index
          %get3A_201 = tpu.vector_load %arg6[%get3A_199, %get3A_200] {strides = array<i32>} : memref<128x128xf32, #tpu.memory_space<vmem>>, vector<1x16xf32>,
          %get3A_202 = vector.shape_cast %get3A_201 : vector<1x16xf32> to vector<16xf32>
          %mul3A_203 = arith.mulf %get3A_202, %broadcast_in_dim3A : vector<16xf32>
          %swap3A_204 = arith.index_cast %add3A_158 : i32 to index
          %swap3A_205 = arith.constant 64 : index
          %swap3A_206 = tpu.vector_load %arg6[%swap3A_204, %swap3A_205] {strides = array<i32>} : memref<128x128xf32, #tpu.memory_space<vmem>>, vector<1x16xf32>,
          %swap3A_207 = vector.shape_cast %swap3A_206 : vector<1x16xf32> to vector<16xf32>
          %swap3A_208 = vector.shape_cast %mul3A_203 : vector<16xf32> to vector<1x16xf32>
          tpu.vector_store %arg6[%swap3A_204, %swap3A_205], %swap3A_208 {strides = array<i32>} : memref<128x128xf32, #tpu.memory_space<vmem>>, vector<1x16xf32>,
          %get3A_209 = arith.index_cast %add3A_158 : i32 to index
          %get3A_210 = arith.constant 80 : index
          %get3A_211 = tpu.vector_load %arg6[%get3A_209, %get3A_210] {strides = array<i32>} : memref<128x128xf32, #tpu.memory_space<vmem>>, vector<1x16xf32>,
          %get3A_212 = vector.shape_cast %get3A_211 : vector<1x16xf32> to vector<16xf32>
          %mul3A_213 = arith.mulf %get3A_212, %broadcast_in_dim3A : vector<16xf32>
          %swap3A_214 = arith.index_cast %add3A_158 : i32 to index
          %swap3A_215 = arith.constant 80 : index
          %swap3A_216 = tpu.vector_load %arg6[%swap3A_214, %swap3A_215] {strides = array<i32>} : memref<128x128xf32, #tpu.memory_space<vmem>>, vector<1x16xf32>,
          %swap3A_217 = vector.shape_cast %swap3A_216 : vector<1x16xf32> to vector<16xf32>
          %swap3A_218 = vector.shape_cast %mul3A_213 : vector<16xf32> to vector<1x16xf32>
          tpu.vector_store %arg6[%swap3A_214, %swap3A_215], %swap3A_218 {strides = array<i32>} : memref<128x128xf32, #tpu.memory_space<vmem>>, vector<1x16xf32>,
          %get3A_219 = arith.index_cast %add3A_158 : i32 to index
          %get3A_220 = arith.constant 96 : index
          %get3A_221 = tpu.vector_load %arg6[%get3A_219, %get3A_220] {strides = array<i32>} : memref<128x128xf32, #tpu.memory_space<vmem>>, vector<1x16xf32>,
          %get3A_222 = vector.shape_cast %get3A_221 : vector<1x16xf32> to vector<16xf32>
          %mul3A_223 = arith.mulf %get3A_222, %broadcast_in_dim3A : vector<16xf32>
          %swap3A_224 = arith.index_cast %add3A_158 : i32 to index
          %swap3A_225 = arith.constant 96 : index
          %swap3A_226 = tpu.vector_load %arg6[%swap3A_224, %swap3A_225] {strides = array<i32>} : memref<128x128xf32, #tpu.memory_space<vmem>>, vector<1x16xf32>,
          %swap3A_227 = vector.shape_cast %swap3A_226 : vector<1x16xf32> to vector<16xf32>
          %swap3A_228 = vector.shape_cast %mul3A_223 : vector<16xf32> to vector<1x16xf32>
          tpu.vector_store %arg6[%swap3A_224, %swap3A_225], %swap3A_228 {strides = array<i32>} : memref<128x128xf32, #tpu.memory_space<vmem>>, vector<1x16xf32>,
          %get3A_229 = arith.index_cast %add3A_158 : i32 to index
          %get3A_230 = arith.constant 112 : index
          %get3A_231 = tpu.vector_load %arg6[%get3A_229, %get3A_230] {strides = array<i32>} : memref<128x128xf32, #tpu.memory_space<vmem>>, vector<1x16xf32>,
          %get3A_232 = vector.shape_cast %get3A_231 : vector<1x16xf32> to vector<16xf32>
          %mul3A_233 = arith.mulf %get3A_232, %broadcast_in_dim3A : vector<16xf32>
          %swap3A_234 = arith.index_cast %add3A_158 : i32 to index
          %swap3A_235 = arith.constant 112 : index
          %swap3A_236 = tpu.vector_load %arg6[%swap3A_234, %swap3A_235] {strides = array<i32>} : memref<128x128xf32, #tpu.memory_space<vmem>>, vector<1x16xf32>,
          %swap3A_237 = vector.shape_cast %swap3A_236 : vector<1x16xf32> to vector<16xf32>
          %swap3A_238 = vector.shape_cast %mul3A_233 : vector<16xf32> to vector<1x16xf32>
          tpu.vector_store %arg6[%swap3A_234, %swap3A_235], %swap3A_238 {strides = array<i32>} : memref<128x128xf32, #tpu.memory_space<vmem>>, vector<1x16xf32>,
          %mul3A_239 = arith.constant 16 : i32
          %mul3A_240 = arith.muli %scan3A_136, %mul3A_239 : i32
          %add3A_241 = arith.constant 1 : i32
          %add3A_242 = arith.addi %mul3A_240, %add3A_241 : i32
          %slice3A_243 = vector.extract_strided_slice %bitcast_convert_type3A {offsets = [1], sizes = [1], strides = [1]} : vector<16xf32> to vector<1xf32>
          %squeeze3A_244 = vector.extract %slice3A_243[0] : f32 from vector<1xf32>
          %broadcast_in_dim3A_245 = vector.broadcast %squeeze3A_244 : f32 to vector<16xf32>
          %get3A_246 = arith.index_cast %add3A_242 : i32 to index
          %get3A_247 = arith.constant 0 : index
          %get3A_248 = tpu.vector_load %arg6[%get3A_246, %get3A_247] {strides = array<i32>} : memref<128x128xf32, #tpu.memory_space<vmem>>, vector<1x16xf32>,
          %get3A_249 = vector.shape_cast %get3A_248 : vector<1x16xf32> to vector<16xf32>
          %mul3A_250 = arith.mulf %get3A_249, %broadcast_in_dim3A_245 : vector<16xf32>
          %swap3A_251 = arith.index_cast %add3A_242 : i32 to index
          %swap3A_252 = arith.constant 0 : index
          %swap3A_253 = tpu.vector_load %arg6[%swap3A_251, %swap3A_252] {strides = array<i32>} : memref<128x128xf32, #tpu.memory_space<vmem>>, vector<1x16xf32>,
          %swap3A_254 = vector.shape_cast %swap3A_253 : vector<1x16xf32> to vector<16xf32>
          %swap3A_255 = vector.shape_cast %mul3A_250 : vector<16xf32> to vector<1x16xf32>
          tpu.vector_store %arg6[%swap3A_251, %swap3A_252], %swap3A_255 {strides = array<i32>} : memref<128x128xf32, #tpu.memory_space<vmem>>, vector<1x16xf32>,
          %get3A_256 = arith.index_cast %add3A_242 : i32 to index
          %get3A_257 = arith.constant 16 : index
          %get3A_258 = tpu.vector_load %arg6[%get3A_256, %get3A_257] {strides = array<i32>} : memref<128x128xf32, #tpu.memory_space<vmem>>, vector<1x16xf32>,
          %get3A_259 = vector.shape_cast %get3A_258 : vector<1x16xf32> to vector<16xf32>
          %mul3A_260 = arith.mulf %get3A_259, %broadcast_in_dim3A_245 : vector<16xf32>
          %swap3A_261 = arith.index_cast %add3A_242 : i32 to index
          %swap3A_262 = arith.constant 16 : index
          %swap3A_263 = tpu.vector_load %arg6[%swap3A_261, %swap3A_262] {strides = array<i32>} : memref<128x128xf32, #tpu.memory_space<vmem>>, vector<1x16xf32>,
          %swap3A_264 = vector.shape_cast %swap3A_263 : vector<1x16xf32> to vector<16xf32>
          %swap3A_265 = vector.shape_cast %mul3A_260 : vector<16xf32> to vector<1x16xf32>
          tpu.vector_store %arg6[%swap3A_261, %swap3A_262], %swap3A_265 {strides = array<i32>} : memref<128x128xf32, #tpu.memory_space<vmem>>, vector<1x16xf32>,
          %get3A_266 = arith.index_cast %add3A_242 : i32 to index
          %get3A_267 = arith.constant 32 : index
          %get3A_268 = tpu.vector_load %arg6[%get3A_266, %get3A_267] {strides = array<i32>} : memref<128x128xf32, #tpu.memory_space<vmem>>, vector<1x16xf32>,
          %get3A_269 = vector.shape_cast %get3A_268 : vector<1x16xf32> to vector<16xf32>
          %mul3A_270 = arith.mulf %get3A_269, %broadcast_in_dim3A_245 : vector<16xf32>
          %swap3A_271 = arith.index_cast %add3A_242 : i32 to index
          %swap3A_272 = arith.constant 32 : index
          %swap3A_273 = tpu.vector_load %arg6[%swap3A_271, %swap3A_272] {strides = array<i32>} : memref<128x128xf32, #tpu.memory_space<vmem>>, vector<1x16xf32>,
          %swap3A_274 = vector.shape_cast %swap3A_273 : vector<1x16xf32> to vector<16xf32>
          %swap3A_275 = vector.shape_cast %mul3A_270 : vector<16xf32> to vector<1x16xf32>
          tpu.vector_store %arg6[%swap3A_271, %swap3A_272], %swap3A_275 {strides = array<i32>} : memref<128x128xf32, #tpu.memory_space<vmem>>, vector<1x16xf32>,
          %get3A_276 = arith.index_cast %add3A_242 : i32 to index
          %get3A_277 = arith.constant 48 : index
          %get3A_278 = tpu.vector_load %arg6[%get3A_276, %get3A_277] {strides = array<i32>} : memref<128x128xf32, #tpu.memory_space<vmem>>, vector<1x16xf32>,
          %get3A_279 = vector.shape_cast %get3A_278 : vector<1x16xf32> to vector<16xf32>
          %mul3A_280 = arith.mulf %get3A_279, %broadcast_in_dim3A_245 : vector<16xf32>
          %swap3A_281 = arith.index_cast %add3A_242 : i32 to index
          %swap3A_282 = arith.constant 48 : index
          %swap3A_283 = tpu.vector_load %arg6[%swap3A_281, %swap3A_282] {strides = array<i32>} : memref<128x128xf32, #tpu.memory_space<vmem>>, vector<1x16xf32>,
          %swap3A_284 = vector.shape_cast %swap3A_283 : vector<1x16xf32> to vector<16xf32>
          %swap3A_285 = vector.shape_cast %mul3A_280 : vector<16xf32> to vector<1x16xf32>
          tpu.vector_store %arg6[%swap3A_281, %swap3A_282], %swap3A_285 {strides = array<i32>} : memref<128x128xf32, #tpu.memory_space<vmem>>, vector<1x16xf32>,
          %get3A_286 = arith.index_cast %add3A_242 : i32 to index
          %get3A_287 = arith.constant 64 : index
          %get3A_288 = tpu.vector_load %arg6[%get3A_286, %get3A_287] {strides = array<i32>} : memref<128x128xf32, #tpu.memory_space<vmem>>, vector<1x16xf32>,
          %get3A_289 = vector.shape_cast %get3A_288 : vector<1x16xf32> to vector<16xf32>
          %mul3A_290 = arith.mulf %get3A_289, %broadcast_in_dim3A_245 : vector<16xf32>
          %swap3A_291 = arith.index_cast %add3A_242 : i32 to index
          %swap3A_292 = arith.constant 64 : index
          %swap3A_293 = tpu.vector_load %arg6[%swap3A_291, %swap3A_292] {strides = array<i32>} : memref<128x128xf32, #tpu.memory_space<vmem>>, vector<1x16xf32>,
          %swap3A_294 = vector.shape_cast %swap3A_293 : vector<1x16xf32> to vector<16xf32>
          %swap3A_295 = vector.shape_cast %mul3A_290 : vector<16xf32> to vector<1x16xf32>
          tpu.vector_store %arg6[%swap3A_291, %swap3A_292], %swap3A_295 {strides = array<i32>} : memref<128x128xf32, #tpu.memory_space<vmem>>, vector<1x16xf32>,
          %get3A_296 = arith.index_cast %add3A_242 : i32 to index
          %get3A_297 = arith.constant 80 : index
          %get3A_298 = tpu.vector_load %arg6[%get3A_296, %get3A_297] {strides = array<i32>} : memref<128x128xf32, #tpu.memory_space<vmem>>, vector<1x16xf32>,
          %get3A_299 = vector.shape_cast %get3A_298 : vector<1x16xf32> to vector<16xf32>
          %mul3A_300 = arith.mulf %get3A_299, %broadcast_in_dim3A_245 : vector<16xf32>
          %swap3A_301 = arith.index_cast %add3A_242 : i32 to index
          %swap3A_302 = arith.constant 80 : index
          %swap3A_303 = tpu.vector_load %arg6[%swap3A_301, %swap3A_302] {strides = array<i32>} : memref<128x128xf32, #tpu.memory_space<vmem>>, vector<1x16xf32>,
          %swap3A_304 = vector.shape_cast %swap3A_303 : vector<1x16xf32> to vector<16xf32>
          %swap3A_305 = vector.shape_cast %mul3A_300 : vector<16xf32> to vector<1x16xf32>
          tpu.vector_store %arg6[%swap3A_301, %swap3A_302], %swap3A_305 {strides = array<i32>} : memref<128x128xf32, #tpu.memory_space<vmem>>, vector<1x16xf32>,
          %get3A_306 = arith.index_cast %add3A_242 : i32 to index
          %get3A_307 = arith.constant 96 : index
          %get3A_308 = tpu.vector_load %arg6[%get3A_306, %get3A_307] {strides = array<i32>} : memref<128x128xf32, #tpu.memory_space<vmem>>, vector<1x16xf32>,
          %get3A_309 = vector.shape_cast %get3A_308 : vector<1x16xf32> to vector<16xf32>
          %mul3A_310 = arith.mulf %get3A_309, %broadcast_in_dim3A_245 : vector<16xf32>
          %swap3A_311 = arith.index_cast %add3A_242 : i32 to index
          %swap3A_312 = arith.constant 96 : index
          %swap3A_313 = tpu.vector_load %arg6[%swap3A_311, %swap3A_312] {strides = array<i32>} : memref<128x128xf32, #tpu.memory_space<vmem>>, vector<1x16xf32>,
          %swap3A_314 = vector.shape_cast %swap3A_313 : vector<1x16xf32> to vector<16xf32>
          %swap3A_315 = vector.shape_cast %mul3A_310 : vector<16xf32> to vector<1x16xf32>
          tpu.vector_store %arg6[%swap3A_311, %swap3A_312], %swap3A_315 {strides = array<i32>} : memref<128x128xf32, #tpu.memory_space<vmem>>, vector<1x16xf32>,
          %get3A_316 = arith.index_cast %add3A_242 : i32 to index
          %get3A_317 = arith.constant 112 : index
          %get3A_318 = tpu.vector_load %arg6[%get3A_316, %get3A_317] {strides = array<i32>} : memref<128x128xf32, #tpu.memory_space<vmem>>, vector<1x16xf32>,
          %get3A_319 = vector.shape_cast %get3A_318 : vector<1x16xf32> to vector<16xf32>
          %mul3A_320 = arith.mulf %get3A_319, %broadcast_in_dim3A_245 : vector<16xf32>
          %swap3A_321 = arith.index_cast %add3A_242 : i32 to index
          %swap3A_322 = arith.constant 112 : index
          %swap3A_323 = tpu.vector_load %arg6[%swap3A_321, %swap3A_322] {strides = array<i32>} : memref<128x128xf32, #tpu.memory_space<vmem>>, vector<1x16xf32>,
          %swap3A_324 = vector.shape_cast %swap3A_323 : vector<1x16xf32> to vector<16xf32>
          %swap3A_325 = vector.shape_cast %mul3A_320 : vector<16xf32> to vector<1x16xf32>
          tpu.vector_store %arg6[%swap3A_321, %swap3A_322], %swap3A_325 {strides = array<i32>} : memref<128x128xf32, #tpu.memory_space<vmem>>, vector<1x16xf32>,
          %mul3A_326 = arith.constant 16 : i32
          %mul3A_327 = arith.muli %scan3A_136, %mul3A_326 : i32
          %add3A_328 = arith.constant 2 : i32
          %add3A_329 = arith.addi %mul3A_327, %add3A_328 : i32
          %slice3A_330 = vector.extract_strided_slice %bitcast_convert_type3A {offsets = [2], sizes = [1], strides = [1]} : vector<16xf32> to vector<1xf32>
          %squeeze3A_331 = vector.extract %slice3A_330[0] : f32 from vector<1xf32>
          %broadcast_in_dim3A_332 = vector.broadcast %squeeze3A_331 : f32 to vector<16xf32>
          %get3A_333 = arith.index_cast %add3A_329 : i32 to index
          %get3A_334 = arith.constant 0 : index
          %get3A_335 = tpu.vector_load %arg6[%get3A_333, %get3A_334] {strides = array<i32>} : memref<128x128xf32, #tpu.memory_space<vmem>>, vector<1x16xf32>,
          %get3A_336 = vector.shape_cast %get3A_335 : vector<1x16xf32> to vector<16xf32>
          %mul3A_337 = arith.mulf %get3A_336, %broadcast_in_dim3A_332 : vector<16xf32>
          %swap3A_338 = arith.index_cast %add3A_329 : i32 to index
          %swap3A_339 = arith.constant 0 : index
          %swap3A_340 = tpu.vector_load %arg6[%swap3A_338, %swap3A_339] {strides = array<i32>} : memref<128x128xf32, #tpu.memory_space<vmem>>, vector<1x16xf32>,
          %swap3A_341 = vector.shape_cast %swap3A_340 : vector<1x16xf32> to vector<16xf32>
          %swap3A_342 = vector.shape_cast %mul3A_337 : vector<16xf32> to vector<1x16xf32>
          tpu.vector_store %arg6[%swap3A_338, %swap3A_339], %swap3A_342 {strides = array<i32>} : memref<128x128xf32, #tpu.memory_space<vmem>>, vector<1x16xf32>,
          %get3A_343 = arith.index_cast %add3A_329 : i32 to index
          %get3A_344 = arith.constant 16 : index
          %get3A_345 = tpu.vector_load %arg6[%get3A_343, %get3A_344] {strides = array<i32>} : memref<128x128xf32, #tpu.memory_space<vmem>>, vector<1x16xf32>,
          %get3A_346 = vector.shape_cast %get3A_345 : vector<1x16xf32> to vector<16xf32>
          %mul3A_347 = arith.mulf %get3A_346, %broadcast_in_dim3A_332 : vector<16xf32>
          %swap3A_348 = arith.index_cast %add3A_329 : i32 to index
          %swap3A_349 = arith.constant 16 : index
          %swap3A_350 = tpu.vector_load %arg6[%swap3A_348, %swap3A_349] {strides = array<i32>} : memref<128x128xf32, #tpu.memory_space<vmem>>, vector<1x16xf32>,
          %swap3A_351 = vector.shape_cast %swap3A_350 : vector<1x16xf32> to vector<16xf32>
          %swap3A_352 = vector.shape_cast %mul3A_347 : vector<16xf32> to vector<1x16xf32>
          tpu.vector_store %arg6[%swap3A_348, %swap3A_349], %swap3A_352 {strides = array<i32>} : memref<128x128xf32, #tpu.memory_space<vmem>>, vector<1x16xf32>,
          %get3A_353 = arith.index_cast %add3A_329 : i32 to index
          %get3A_354 = arith.constant 32 : index
          %get3A_355 = tpu.vector_load %arg6[%get3A_353, %get3A_354] {strides = array<i32>} : memref<128x128xf32, #tpu.memory_space<vmem>>, vector<1x16xf32>,
          %get3A_356 = vector.shape_cast %get3A_355 : vector<1x16xf32> to vector<16xf32>
          %mul3A_357 = arith.mulf %get3A_356, %broadcast_in_dim3A_332 : vector<16xf32>
          %swap3A_358 = arith.index_cast %add3A_329 : i32 to index
          %swap3A_359 = arith.constant 32 : index
          %swap3A_360 = tpu.vector_load %arg6[%swap3A_358, %swap3A_359] {strides = array<i32>} : memref<128x128xf32, #tpu.memory_space<vmem>>, vector<1x16xf32>,
          %swap3A_361 = vector.shape_cast %swap3A_360 : vector<1x16xf32> to vector<16xf32>
          %swap3A_362 = vector.shape_cast %mul3A_357 : vector<16xf32> to vector<1x16xf32>
          tpu.vector_store %arg6[%swap3A_358, %swap3A_359], %swap3A_362 {strides = array<i32>} : memref<128x128xf32, #tpu.memory_space<vmem>>, vector<1x16xf32>,
          %get3A_363 = arith.index_cast %add3A_329 : i32 to index
          %get3A_364 = arith.constant 48 : index
          %get3A_365 = tpu.vector_load %arg6[%get3A_363, %get3A_364] {strides = array<i32>} : memref<128x128xf32, #tpu.memory_space<vmem>>, vector<1x16xf32>,
          %get3A_366 = vector.shape_cast %get3A_365 : vector<1x16xf32> to vector<16xf32>
          %mul3A_367 = arith.mulf %get3A_366, %broadcast_in_dim3A_332 : vector<16xf32>
          %swap3A_368 = arith.index_cast %add3A_329 : i32 to index
          %swap3A_369 = arith.constant 48 : index
          %swap3A_370 = tpu.vector_load %arg6[%swap3A_368, %swap3A_369] {strides = array<i32>} : memref<128x128xf32, #tpu.memory_space<vmem>>, vector<1x16xf32>,
          %swap3A_371 = vector.shape_cast %swap3A_370 : vector<1x16xf32> to vector<16xf32>
          %swap3A_372 = vector.shape_cast %mul3A_367 : vector<16xf32> to vector<1x16xf32>
          tpu.vector_store %arg6[%swap3A_368, %swap3A_369], %swap3A_372 {strides = array<i32>} : memref<128x128xf32, #tpu.memory_space<vmem>>, vector<1x16xf32>,
          %get3A_373 = arith.index_cast %add3A_329 : i32 to index
          %get3A_374 = arith.constant 64 : index
          %get3A_375 = tpu.vector_load %arg6[%get3A_373, %get3A_374] {strides = array<i32>} : memref<128x128xf32, #tpu.memory_space<vmem>>, vector<1x16xf32>,
          %get3A_376 = vector.shape_cast %get3A_375 : vector<1x16xf32> to vector<16xf32>
          %mul3A_377 = arith.mulf %get3A_376, %broadcast_in_dim3A_332 : vector<16xf32>
          %swap3A_378 = arith.index_cast %add3A_329 : i32 to index
          %swap3A_379 = arith.constant 64 : index
          %swap3A_380 = tpu.vector_load %arg6[%swap3A_378, %swap3A_379] {strides = array<i32>} : memref<128x128xf32, #tpu.memory_space<vmem>>, vector<1x16xf32>,
          %swap3A_381 = vector.shape_cast %swap3A_380 : vector<1x16xf32> to vector<16xf32>
          %swap3A_382 = vector.shape_cast %mul3A_377 : vector<16xf32> to vector<1x16xf32>
          tpu.vector_store %arg6[%swap3A_378, %swap3A_379], %swap3A_382 {strides = array<i32>} : memref<128x128xf32, #tpu.memory_space<vmem>>, vector<1x16xf32>,
          %get3A_383 = arith.index_cast %add3A_329 : i32 to index
          %get3A_384 = arith.constant 80 : index
          %get3A_385 = tpu.vector_load %arg6[%get3A_383, %get3A_384] {strides = array<i32>} : memref<128x128xf32, #tpu.memory_space<vmem>>, vector<1x16xf32>,
          %get3A_386 = vector.shape_cast %get3A_385 : vector<1x16xf32> to vector<16xf32>
          %mul3A_387 = arith.mulf %get3A_386, %broadcast_in_dim3A_332 : vector<16xf32>
          %swap3A_388 = arith.index_cast %add3A_329 : i32 to index
          %swap3A_389 = arith.constant 80 : index
          %swap3A_390 = tpu.vector_load %arg6[%swap3A_388, %swap3A_389] {strides = array<i32>} : memref<128x128xf32, #tpu.memory_space<vmem>>, vector<1x16xf32>,
          %swap3A_391 = vector.shape_cast %swap3A_390 : vector<1x16xf32> to vector<16xf32>
          %swap3A_392 = vector.shape_cast %mul3A_387 : vector<16xf32> to vector<1x16xf32>
          tpu.vector_store %arg6[%swap3A_388, %swap3A_389], %swap3A_392 {strides = array<i32>} : memref<128x128xf32, #tpu.memory_space<vmem>>, vector<1x16xf32>,
          %get3A_393 = arith.index_cast %add3A_329 : i32 to index
          %get3A_394 = arith.constant 96 : index
          %get3A_395 = tpu.vector_load %arg6[%get3A_393, %get3A_394] {strides = array<i32>} : memref<128x128xf32, #tpu.memory_space<vmem>>, vector<1x16xf32>,
          %get3A_396 = vector.shape_cast %get3A_395 : vector<1x16xf32> to vector<16xf32>
          %mul3A_397 = arith.mulf %get3A_396, %broadcast_in_dim3A_332 : vector<16xf32>
          %swap3A_398 = arith.index_cast %add3A_329 : i32 to index
          %swap3A_399 = arith.constant 96 : index
          %swap3A_400 = tpu.vector_load %arg6[%swap3A_398, %swap3A_399] {strides = array<i32>} : memref<128x128xf32, #tpu.memory_space<vmem>>, vector<1x16xf32>,
          %swap3A_401 = vector.shape_cast %swap3A_400 : vector<1x16xf32> to vector<16xf32>
          %swap3A_402 = vector.shape_cast %mul3A_397 : vector<16xf32> to vector<1x16xf32>
          tpu.vector_store %arg6[%swap3A_398, %swap3A_399], %swap3A_402 {strides = array<i32>} : memref<128x128xf32, #tpu.memory_space<vmem>>, vector<1x16xf32>,
          %get3A_403 = arith.index_cast %add3A_329 : i32 to index
          %get3A_404 = arith.constant 112 : index
          %get3A_405 = tpu.vector_load %arg6[%get3A_403, %get3A_404] {strides = array<i32>} : memref<128x128xf32, #tpu.memory_space<vmem>>, vector<1x16xf32>,
          %get3A_406 = vector.shape_cast %get3A_405 : vector<1x16xf32> to vector<16xf32>
          %mul3A_407 = arith.mulf %get3A_406, %broadcast_in_dim3A_332 : vector<16xf32>
          %swap3A_408 = arith.index_cast %add3A_329 : i32 to index
          %swap3A_409 = arith.constant 112 : index
          %swap3A_410 = tpu.vector_load %arg6[%swap3A_408, %swap3A_409] {strides = array<i32>} : memref<128x128xf32, #tpu.memory_space<vmem>>, vector<1x16xf32>,
          %swap3A_411 = vector.shape_cast %swap3A_410 : vector<1x16xf32> to vector<16xf32>
          %swap3A_412 = vector.shape_cast %mul3A_407 : vector<16xf32> to vector<1x16xf32>
          tpu.vector_store %arg6[%swap3A_408, %swap3A_409], %swap3A_412 {strides = array<i32>} : memref<128x128xf32, #tpu.memory_space<vmem>>, vector<1x16xf32>,
          %mul3A_413 = arith.constant 16 : i32
          %mul3A_414 = arith.muli %scan3A_136, %mul3A_413 : i32
          %add3A_415 = arith.constant 3 : i32
          %add3A_416 = arith.addi %mul3A_414, %add3A_415 : i32
          %slice3A_417 = vector.extract_strided_slice %bitcast_convert_type3A {offsets = [3], sizes = [1], strides = [1]} : vector<16xf32> to vector<1xf32>
          %squeeze3A_418 = vector.extract %slice3A_417[0] : f32 from vector<1xf32>
          %broadcast_in_dim3A_419 = vector.broadcast %squeeze3A_418 : f32 to vector<16xf32>
          %get3A_420 = arith.index_cast %add3A_416 : i32 to index
          %get3A_421 = arith.constant 0 : index
          %get3A_422 = tpu.vector_load %arg6[%get3A_420, %get3A_421] {strides = array<i32>} : memref<128x128xf32, #tpu.memory_space<vmem>>, vector<1x16xf32>,
          %get3A_423 = vector.shape_cast %get3A_422 : vector<1x16xf32> to vector<16xf32>
          %mul3A_424 = arith.mulf %get3A_423, %broadcast_in_dim3A_419 : vector<16xf32>
          %swap3A_425 = arith.index_cast %add3A_416 : i32 to index
          %swap3A_426 = arith.constant 0 : index
          %swap3A_427 = tpu.vector_load %arg6[%swap3A_425, %swap3A_426] {strides = array<i32>} : memref<128x128xf32, #tpu.memory_space<vmem>>, vector<1x16xf32>,
          %swap3A_428 = vector.shape_cast %swap3A_427 : vector<1x16xf32> to vector<16xf32>
          %swap3A_429 = vector.shape_cast %mul3A_424 : vector<16xf32> to vector<1x16xf32>
          tpu.vector_store %arg6[%swap3A_425, %swap3A_426], %swap3A_429 {strides = array<i32>} : memref<128x128xf32, #tpu.memory_space<vmem>>, vector<1x16xf32>,
          %get3A_430 = arith.index_cast %add3A_416 : i32 to index
          %get3A_431 = arith.constant 16 : index
          %get3A_432 = tpu.vector_load %arg6[%get3A_430, %get3A_431] {strides = array<i32>} : memref<128x128xf32, #tpu.memory_space<vmem>>, vector<1x16xf32>,
          %get3A_433 = vector.shape_cast %get3A_432 : vector<1x16xf32> to vector<16xf32>
          %mul3A_434 = arith.mulf %get3A_433, %broadcast_in_dim3A_419 : vector<16xf32>
          %swap3A_435 = arith.index_cast %add3A_416 : i32 to index
          %swap3A_436 = arith.constant 16 : index
          %swap3A_437 = tpu.vector_load %arg6[%swap3A_435, %swap3A_436] {strides = array<i32>} : memref<128x128xf32, #tpu.memory_space<vmem>>, vector<1x16xf32>,
          %swap3A_438 = vector.shape_cast %swap3A_437 : vector<1x16xf32> to vector<16xf32>
          %swap3A_439 = vector.shape_cast %mul3A_434 : vector<16xf32> to vector<1x16xf32>
          tpu.vector_store %arg6[%swap3A_435, %swap3A_436], %swap3A_439 {strides = array<i32>} : memref<128x128xf32, #tpu.memory_space<vmem>>, vector<1x16xf32>,
          %get3A_440 = arith.index_cast %add3A_416 : i32 to index
          %get3A_441 = arith.constant 32 : index
          %get3A_442 = tpu.vector_load %arg6[%get3A_440, %get3A_441] {strides = array<i32>} : memref<128x128xf32, #tpu.memory_space<vmem>>, vector<1x16xf32>,
          %get3A_443 = vector.shape_cast %get3A_442 : vector<1x16xf32> to vector<16xf32>
          %mul3A_444 = arith.mulf %get3A_443, %broadcast_in_dim3A_419 : vector<16xf32>
          %swap3A_445 = arith.index_cast %add3A_416 : i32 to index
          %swap3A_446 = arith.constant 32 : index
          %swap3A_447 = tpu.vector_load %arg6[%swap3A_445, %swap3A_446] {strides = array<i32>} : memref<128x128xf32, #tpu.memory_space<vmem>>, vector<1x16xf32>,
          %swap3A_448 = vector.shape_cast %swap3A_447 : vector<1x16xf32> to vector<16xf32>
          %swap3A_449 = vector.shape_cast %mul3A_444 : vector<16xf32> to vector<1x16xf32>
          tpu.vector_store %arg6[%swap3A_445, %swap3A_446], %swap3A_449 {strides = array<i32>} : memref<128x128xf32, #tpu.memory_space<vmem>>, vector<1x16xf32>,
          %get3A_450 = arith.index_cast %add3A_416 : i32 to index
          %get3A_451 = arith.constant 48 : index
          %get3A_452 = tpu.vector_load %arg6[%get3A_450, %get3A_451] {strides = array<i32>} : memref<128x128xf32, #tpu.memory_space<vmem>>, vector<1x16xf32>,
          %get3A_453 = vector.shape_cast %get3A_452 : vector<1x16xf32> to vector<16xf32>
          %mul3A_454 = arith.mulf %get3A_453, %broadcast_in_dim3A_419 : vector<16xf32>
          %swap3A_455 = arith.index_cast %add3A_416 : i32 to index
          %swap3A_456 = arith.constant 48 : index
          %swap3A_457 = tpu.vector_load %arg6[%swap3A_455, %swap3A_456] {strides = array<i32>} : memref<128x128xf32, #tpu.memory_space<vmem>>, vector<1x16xf32>,
          %swap3A_458 = vector.shape_cast %swap3A_457 : vector<1x16xf32> to vector<16xf32>
          %swap3A_459 = vector.shape_cast %mul3A_454 : vector<16xf32> to vector<1x16xf32>
          tpu.vector_store %arg6[%swap3A_455, %swap3A_456], %swap3A_459 {strides = array<i32>} : memref<128x128xf32, #tpu.memory_space<vmem>>, vector<1x16xf32>,
          %get3A_460 = arith.index_cast %add3A_416 : i32 to index
          %get3A_461 = arith.constant 64 : index
          %get3A_462 = tpu.vector_load %arg6[%get3A_460, %get3A_461] {strides = array<i32>} : memref<128x128xf32, #tpu.memory_space<vmem>>, vector<1x16xf32>,
          %get3A_463 = vector.shape_cast %get3A_462 : vector<1x16xf32> to vector<16xf32>
          %mul3A_464 = arith.mulf %get3A_463, %broadcast_in_dim3A_419 : vector<16xf32>
          %swap3A_465 = arith.index_cast %add3A_416 : i32 to index
          %swap3A_466 = arith.constant 64 : index
          %swap3A_467 = tpu.vector_load %arg6[%swap3A_465, %swap3A_466] {strides = array<i32>} : memref<128x128xf32, #tpu.memory_space<vmem>>, vector<1x16xf32>,
          %swap3A_468 = vector.shape_cast %swap3A_467 : vector<1x16xf32> to vector<16xf32>
          %swap3A_469 = vector.shape_cast %mul3A_464 : vector<16xf32> to vector<1x16xf32>
          tpu.vector_store %arg6[%swap3A_465, %swap3A_466], %swap3A_469 {strides = array<i32>} : memref<128x128xf32, #tpu.memory_space<vmem>>, vector<1x16xf32>,
          %get3A_470 = arith.index_cast %add3A_416 : i32 to index
          %get3A_471 = arith.constant 80 : index
          %get3A_472 = tpu.vector_load %arg6[%get3A_470, %get3A_471] {strides = array<i32>} : memref<128x128xf32, #tpu.memory_space<vmem>>, vector<1x16xf32>,
          %get3A_473 = vector.shape_cast %get3A_472 : vector<1x16xf32> to vector<16xf32>
          %mul3A_474 = arith.mulf %get3A_473, %broadcast_in_dim3A_419 : vector<16xf32>
          %swap3A_475 = arith.index_cast %add3A_416 : i32 to index
          %swap3A_476 = arith.constant 80 : index
          %swap3A_477 = tpu.vector_load %arg6[%swap3A_475, %swap3A_476] {strides = array<i32>} : memref<128x128xf32, #tpu.memory_space<vmem>>, vector<1x16xf32>,
          %swap3A_478 = vector.shape_cast %swap3A_477 : vector<1x16xf32> to vector<16xf32>
          %swap3A_479 = vector.shape_cast %mul3A_474 : vector<16xf32> to vector<1x16xf32>
          tpu.vector_store %arg6[%swap3A_475, %swap3A_476], %swap3A_479 {strides = array<i32>} : memref<128x128xf32, #tpu.memory_space<vmem>>, vector<1x16xf32>,
          %get3A_480 = arith.index_cast %add3A_416 : i32 to index
          %get3A_481 = arith.constant 96 : index
          %get3A_482 = tpu.vector_load %arg6[%get3A_480, %get3A_481] {strides = array<i32>} : memref<128x128xf32, #tpu.memory_space<vmem>>, vector<1x16xf32>,
          %get3A_483 = vector.shape_cast %get3A_482 : vector<1x16xf32> to vector<16xf32>
          %mul3A_484 = arith.mulf %get3A_483, %broadcast_in_dim3A_419 : vector<16xf32>
          %swap3A_485 = arith.index_cast %add3A_416 : i32 to index
          %swap3A_486 = arith.constant 96 : index
          %swap3A_487 = tpu.vector_load %arg6[%swap3A_485, %swap3A_486] {strides = array<i32>} : memref<128x128xf32, #tpu.memory_space<vmem>>, vector<1x16xf32>,
          %swap3A_488 = vector.shape_cast %swap3A_487 : vector<1x16xf32> to vector<16xf32>
          %swap3A_489 = vector.shape_cast %mul3A_484 : vector<16xf32> to vector<1x16xf32>
          tpu.vector_store %arg6[%swap3A_485, %swap3A_486], %swap3A_489 {strides = array<i32>} : memref<128x128xf32, #tpu.memory_space<vmem>>, vector<1x16xf32>,
          %get3A_490 = arith.index_cast %add3A_416 : i32 to index
          %get3A_491 = arith.constant 112 : index
          %get3A_492 = tpu.vector_load %arg6[%get3A_490, %get3A_491] {strides = array<i32>} : memref<128x128xf32, #tpu.memory_space<vmem>>, vector<1x16xf32>,
          %get3A_493 = vector.shape_cast %get3A_492 : vector<1x16xf32> to vector<16xf32>
          %mul3A_494 = arith.mulf %get3A_493, %broadcast_in_dim3A_419 : vector<16xf32>
          %swap3A_495 = arith.index_cast %add3A_416 : i32 to index
          %swap3A_496 = arith.constant 112 : index
          %swap3A_497 = tpu.vector_load %arg6[%swap3A_495, %swap3A_496] {strides = array<i32>} : memref<128x128xf32, #tpu.memory_space<vmem>>, vector<1x16xf32>,
          %swap3A_498 = vector.shape_cast %swap3A_497 : vector<1x16xf32> to vector<16xf32>
          %swap3A_499 = vector.shape_cast %mul3A_494 : vector<16xf32> to vector<1x16xf32>
          tpu.vector_store %arg6[%swap3A_495, %swap3A_496], %swap3A_499 {strides = array<i32>} : memref<128x128xf32, #tpu.memory_space<vmem>>, vector<1x16xf32>,
          %mul3A_500 = arith.constant 16 : i32
          %mul3A_501 = arith.muli %scan3A_136, %mul3A_500 : i32
          %add3A_502 = arith.constant 4 : i32
          %add3A_503 = arith.addi %mul3A_501, %add3A_502 : i32
          %slice3A_504 = vector.extract_strided_slice %bitcast_convert_type3A {offsets = [4], sizes = [1], strides = [1]} : vector<16xf32> to vector<1xf32>
          %squeeze3A_505 = vector.extract %slice3A_504[0] : f32 from vector<1xf32>
          %broadcast_in_dim3A_506 = vector.broadcast %squeeze3A_505 : f32 to vector<16xf32>
          %get3A_507 = arith.index_cast %add3A_503 : i32 to index
          %get3A_508 = arith.constant 0 : index
          %get3A_509 = tpu.vector_load %arg6[%get3A_507, %get3A_508] {strides = array<i32>} : memref<128x128xf32, #tpu.memory_space<vmem>>, vector<1x16xf32>,
          %get3A_510 = vector.shape_cast %get3A_509 : vector<1x16xf32> to vector<16xf32>
          %mul3A_511 = arith.mulf %get3A_510, %broadcast_in_dim3A_506 : vector<16xf32>
          %swap3A_512 = arith.index_cast %add3A_503 : i32 to index
          %swap3A_513 = arith.constant 0 : index
          %swap3A_514 = tpu.vector_load %arg6[%swap3A_512, %swap3A_513] {strides = array<i32>} : memref<128x128xf32, #tpu.memory_space<vmem>>, vector<1x16xf32>,
          %swap3A_515 = vector.shape_cast %swap3A_514 : vector<1x16xf32> to vector<16xf32>
          %swap3A_516 = vector.shape_cast %mul3A_511 : vector<16xf32> to vector<1x16xf32>
          tpu.vector_store %arg6[%swap3A_512, %swap3A_513], %swap3A_516 {strides = array<i32>} : memref<128x128xf32, #tpu.memory_space<vmem>>, vector<1x16xf32>,
          %get3A_517 = arith.index_cast %add3A_503 : i32 to index
          %get3A_518 = arith.constant 16 : index
          %get3A_519 = tpu.vector_load %arg6[%get3A_517, %get3A_518] {strides = array<i32>} : memref<128x128xf32, #tpu.memory_space<vmem>>, vector<1x16xf32>,
          %get3A_520 = vector.shape_cast %get3A_519 : vector<1x16xf32> to vector<16xf32>
          %mul3A_521 = arith.mulf %get3A_520, %broadcast_in_dim3A_506 : vector<16xf32>
          %swap3A_522 = arith.index_cast %add3A_503 : i32 to index
          %swap3A_523 = arith.constant 16 : index
          %swap3A_524 = tpu.vector_load %arg6[%swap3A_522, %swap3A_523] {strides = array<i32>} : memref<128x128xf32, #tpu.memory_space<vmem>>, vector<1x16xf32>,
          %swap3A_525 = vector.shape_cast %swap3A_524 : vector<1x16xf32> to vector<16xf32>
          %swap3A_526 = vector.shape_cast %mul3A_521 : vector<16xf32> to vector<1x16xf32>
          tpu.vector_store %arg6[%swap3A_522, %swap3A_523], %swap3A_526 {strides = array<i32>} : memref<128x128xf32, #tpu.memory_space<vmem>>, vector<1x16xf32>,
          %get3A_527 = arith.index_cast %add3A_503 : i32 to index
          %get3A_528 = arith.constant 32 : index
          %get3A_529 = tpu.vector_load %arg6[%get3A_527, %get3A_528] {strides = array<i32>} : memref<128x128xf32, #tpu.memory_space<vmem>>, vector<1x16xf32>,
          %get3A_530 = vector.shape_cast %get3A_529 : vector<1x16xf32> to vector<16xf32>
          %mul3A_531 = arith.mulf %get3A_530, %broadcast_in_dim3A_506 : vector<16xf32>
          %swap3A_532 = arith.index_cast %add3A_503 : i32 to index
          %swap3A_533 = arith.constant 32 : index
          %swap3A_534 = tpu.vector_load %arg6[%swap3A_532, %swap3A_533] {strides = array<i32>} : memref<128x128xf32, #tpu.memory_space<vmem>>, vector<1x16xf32>,
          %swap3A_535 = vector.shape_cast %swap3A_534 : vector<1x16xf32> to vector<16xf32>
          %swap3A_536 = vector.shape_cast %mul3A_531 : vector<16xf32> to vector<1x16xf32>
          tpu.vector_store %arg6[%swap3A_532, %swap3A_533], %swap3A_536 {strides = array<i32>} : memref<128x128xf32, #tpu.memory_space<vmem>>, vector<1x16xf32>,
          %get3A_537 = arith.index_cast %add3A_503 : i32 to index
          %get3A_538 = arith.constant 48 : index
          %get3A_539 = tpu.vector_load %arg6[%get3A_537, %get3A_538] {strides = array<i32>} : memref<128x128xf32, #tpu.memory_space<vmem>>, vector<1x16xf32>,
          %get3A_540 = vector.shape_cast %get3A_539 : vector<1x16xf32> to vector<16xf32>
          %mul3A_541 = arith.mulf %get3A_540, %broadcast_in_dim3A_506 : vector<16xf32>
          %swap3A_542 = arith.index_cast %add3A_503 : i32 to index
          %swap3A_543 = arith.constant 48 : index
          %swap3A_544 = tpu.vector_load %arg6[%swap3A_542, %swap3A_543] {strides = array<i32>} : memref<128x128xf32, #tpu.memory_space<vmem>>, vector<1x16xf32>,
          %swap3A_545 = vector.shape_cast %swap3A_544 : vector<1x16xf32> to vector<16xf32>
          %swap3A_546 = vector.shape_cast %mul3A_541 : vector<16xf32> to vector<1x16xf32>
          tpu.vector_store %arg6[%swap3A_542, %swap3A_543], %swap3A_546 {strides = array<i32>} : memref<128x128xf32, #tpu.memory_space<vmem>>, vector<1x16xf32>,
          %get3A_547 = arith.index_cast %add3A_503 : i32 to index
          %get3A_548 = arith.constant 64 : index
          %get3A_549 = tpu.vector_load %arg6[%get3A_547, %get3A_548] {strides = array<i32>} : memref<128x128xf32, #tpu.memory_space<vmem>>, vector<1x16xf32>,
          %get3A_550 = vector.shape_cast %get3A_549 : vector<1x16xf32> to vector<16xf32>
          %mul3A_551 = arith.mulf %get3A_550, %broadcast_in_dim3A_506 : vector<16xf32>
          %swap3A_552 = arith.index_cast %add3A_503 : i32 to index
          %swap3A_553 = arith.constant 64 : index
          %swap3A_554 = tpu.vector_load %arg6[%swap3A_552, %swap3A_553] {strides = array<i32>} : memref<128x128xf32, #tpu.memory_space<vmem>>, vector<1x16xf32>,
          %swap3A_555 = vector.shape_cast %swap3A_554 : vector<1x16xf32> to vector<16xf32>
          %swap3A_556 = vector.shape_cast %mul3A_551 : vector<16xf32> to vector<1x16xf32>
          tpu.vector_store %arg6[%swap3A_552, %swap3A_553], %swap3A_556 {strides = array<i32>} : memref<128x128xf32, #tpu.memory_space<vmem>>, vector<1x16xf32>,
          %get3A_557 = arith.index_cast %add3A_503 : i32 to index
          %get3A_558 = arith.constant 80 : index
          %get3A_559 = tpu.vector_load %arg6[%get3A_557, %get3A_558] {strides = array<i32>} : memref<128x128xf32, #tpu.memory_space<vmem>>, vector<1x16xf32>,
          %get3A_560 = vector.shape_cast %get3A_559 : vector<1x16xf32> to vector<16xf32>
          %mul3A_561 = arith.mulf %get3A_560, %broadcast_in_dim3A_506 : vector<16xf32>
          %swap3A_562 = arith.index_cast %add3A_503 : i32 to index
          %swap3A_563 = arith.constant 80 : index
          %swap3A_564 = tpu.vector_load %arg6[%swap3A_562, %swap3A_563] {strides = array<i32>} : memref<128x128xf32, #tpu.memory_space<vmem>>, vector<1x16xf32>,
          %swap3A_565 = vector.shape_cast %swap3A_564 : vector<1x16xf32> to vector<16xf32>
          %swap3A_566 = vector.shape_cast %mul3A_561 : vector<16xf32> to vector<1x16xf32>
          tpu.vector_store %arg6[%swap3A_562, %swap3A_563], %swap3A_566 {strides = array<i32>} : memref<128x128xf32, #tpu.memory_space<vmem>>, vector<1x16xf32>,
          %get3A_567 = arith.index_cast %add3A_503 : i32 to index
          %get3A_568 = arith.constant 96 : index
          %get3A_569 = tpu.vector_load %arg6[%get3A_567, %get3A_568] {strides = array<i32>} : memref<128x128xf32, #tpu.memory_space<vmem>>, vector<1x16xf32>,
          %get3A_570 = vector.shape_cast %get3A_569 : vector<1x16xf32> to vector<16xf32>
          %mul3A_571 = arith.mulf %get3A_570, %broadcast_in_dim3A_506 : vector<16xf32>
          %swap3A_572 = arith.index_cast %add3A_503 : i32 to index
          %swap3A_573 = arith.constant 96 : index
          %swap3A_574 = tpu.vector_load %arg6[%swap3A_572, %swap3A_573] {strides = array<i32>} : memref<128x128xf32, #tpu.memory_space<vmem>>, vector<1x16xf32>,
          %swap3A_575 = vector.shape_cast %swap3A_574 : vector<1x16xf32> to vector<16xf32>
          %swap3A_576 = vector.shape_cast %mul3A_571 : vector<16xf32> to vector<1x16xf32>
          tpu.vector_store %arg6[%swap3A_572, %swap3A_573], %swap3A_576 {strides = array<i32>} : memref<128x128xf32, #tpu.memory_space<vmem>>, vector<1x16xf32>,
          %get3A_577 = arith.index_cast %add3A_503 : i32 to index
          %get3A_578 = arith.constant 112 : index
          %get3A_579 = tpu.vector_load %arg6[%get3A_577, %get3A_578] {strides = array<i32>} : memref<128x128xf32, #tpu.memory_space<vmem>>, vector<1x16xf32>,
          %get3A_580 = vector.shape_cast %get3A_579 : vector<1x16xf32> to vector<16xf32>
          %mul3A_581 = arith.mulf %get3A_580, %broadcast_in_dim3A_506 : vector<16xf32>
          %swap3A_582 = arith.index_cast %add3A_503 : i32 to index
          %swap3A_583 = arith.constant 112 : index
          %swap3A_584 = tpu.vector_load %arg6[%swap3A_582, %swap3A_583] {strides = array<i32>} : memref<128x128xf32, #tpu.memory_space<vmem>>, vector<1x16xf32>,
          %swap3A_585 = vector.shape_cast %swap3A_584 : vector<1x16xf32> to vector<16xf32>
          %swap3A_586 = vector.shape_cast %mul3A_581 : vector<16xf32> to vector<1x16xf32>
          tpu.vector_store %arg6[%swap3A_582, %swap3A_583], %swap3A_586 {strides = array<i32>} : memref<128x128xf32, #tpu.memory_space<vmem>>, vector<1x16xf32>,
          %mul3A_587 = arith.constant 16 : i32
          %mul3A_588 = arith.muli %scan3A_136, %mul3A_587 : i32
          %add3A_589 = arith.constant 5 : i32
          %add3A_590 = arith.addi %mul3A_588, %add3A_589 : i32
          %slice3A_591 = vector.extract_strided_slice %bitcast_convert_type3A {offsets = [5], sizes = [1], strides = [1]} : vector<16xf32> to vector<1xf32>
          %squeeze3A_592 = vector.extract %slice3A_591[0] : f32 from vector<1xf32>
          %broadcast_in_dim3A_593 = vector.broadcast %squeeze3A_592 : f32 to vector<16xf32>
          %get3A_594 = arith.index_cast %add3A_590 : i32 to index
          %get3A_595 = arith.constant 0 : index
          %get3A_596 = tpu.vector_load %arg6[%get3A_594, %get3A_595] {strides = array<i32>} : memref<128x128xf32, #tpu.memory_space<vmem>>, vector<1x16xf32>,
          %get3A_597 = vector.shape_cast %get3A_596 : vector<1x16xf32> to vector<16xf32>
          %mul3A_598 = arith.mulf %get3A_597, %broadcast_in_dim3A_593 : vector<16xf32>
          %swap3A_599 = arith.index_cast %add3A_590 : i32 to index
          %swap3A_600 = arith.constant 0 : index
          %swap3A_601 = tpu.vector_load %arg6[%swap3A_599, %swap3A_600] {strides = array<i32>} : memref<128x128xf32, #tpu.memory_space<vmem>>, vector<1x16xf32>,
          %swap3A_602 = vector.shape_cast %swap3A_601 : vector<1x16xf32> to vector<16xf32>
          %swap3A_603 = vector.shape_cast %mul3A_598 : vector<16xf32> to vector<1x16xf32>
          tpu.vector_store %arg6[%swap3A_599, %swap3A_600], %swap3A_603 {strides = array<i32>} : memref<128x128xf32, #tpu.memory_space<vmem>>, vector<1x16xf32>,
          %get3A_604 = arith.index_cast %add3A_590 : i32 to index
          %get3A_605 = arith.constant 16 : index
          %get3A_606 = tpu.vector_load %arg6[%get3A_604, %get3A_605] {strides = array<i32>} : memref<128x128xf32, #tpu.memory_space<vmem>>, vector<1x16xf32>,
          %get3A_607 = vector.shape_cast %get3A_606 : vector<1x16xf32> to vector<16xf32>
          %mul3A_608 = arith.mulf %get3A_607, %broadcast_in_dim3A_593 : vector<16xf32>
          %swap3A_609 = arith.index_cast %add3A_590 : i32 to index
          %swap3A_610 = arith.constant 16 : index
          %swap3A_611 = tpu.vector_load %arg6[%swap3A_609, %swap3A_610] {strides = array<i32>} : memref<128x128xf32, #tpu.memory_space<vmem>>, vector<1x16xf32>,
          %swap3A_612 = vector.shape_cast %swap3A_611 : vector<1x16xf32> to vector<16xf32>
          %swap3A_613 = vector.shape_cast %mul3A_608 : vector<16xf32> to vector<1x16xf32>
          tpu.vector_store %arg6[%swap3A_609, %swap3A_610], %swap3A_613 {strides = array<i32>} : memref<128x128xf32, #tpu.memory_space<vmem>>, vector<1x16xf32>,
          %get3A_614 = arith.index_cast %add3A_590 : i32 to index
          %get3A_615 = arith.constant 32 : index
          %get3A_616 = tpu.vector_load %arg6[%get3A_614, %get3A_615] {strides = array<i32>} : memref<128x128xf32, #tpu.memory_space<vmem>>, vector<1x16xf32>,
          %get3A_617 = vector.shape_cast %get3A_616 : vector<1x16xf32> to vector<16xf32>
          %mul3A_618 = arith.mulf %get3A_617, %broadcast_in_dim3A_593 : vector<16xf32>
          %swap3A_619 = arith.index_cast %add3A_590 : i32 to index
          %swap3A_620 = arith.constant 32 : index
          %swap3A_621 = tpu.vector_load %arg6[%swap3A_619, %swap3A_620] {strides = array<i32>} : memref<128x128xf32, #tpu.memory_space<vmem>>, vector<1x16xf32>,
          %swap3A_622 = vector.shape_cast %swap3A_621 : vector<1x16xf32> to vector<16xf32>
          %swap3A_623 = vector.shape_cast %mul3A_618 : vector<16xf32> to vector<1x16xf32>
          tpu.vector_store %arg6[%swap3A_619, %swap3A_620], %swap3A_623 {strides = array<i32>} : memref<128x128xf32, #tpu.memory_space<vmem>>, vector<1x16xf32>,
          %get3A_624 = arith.index_cast %add3A_590 : i32 to index
          %get3A_625 = arith.constant 48 : index
          %get3A_626 = tpu.vector_load %arg6[%get3A_624, %get3A_625] {strides = array<i32>} : memref<128x128xf32, #tpu.memory_space<vmem>>, vector<1x16xf32>,
          %get3A_627 = vector.shape_cast %get3A_626 : vector<1x16xf32> to vector<16xf32>
          %mul3A_628 = arith.mulf %get3A_627, %broadcast_in_dim3A_593 : vector<16xf32>
          %swap3A_629 = arith.index_cast %add3A_590 : i32 to index
          %swap3A_630 = arith.constant 48 : index
          %swap3A_631 = tpu.vector_load %arg6[%swap3A_629, %swap3A_630] {strides = array<i32>} : memref<128x128xf32, #tpu.memory_space<vmem>>, vector<1x16xf32>,
          %swap3A_632 = vector.shape_cast %swap3A_631 : vector<1x16xf32> to vector<16xf32>
          %swap3A_633 = vector.shape_cast %mul3A_628 : vector<16xf32> to vector<1x16xf32>
          tpu.vector_store %arg6[%swap3A_629, %swap3A_630], %swap3A_633 {strides = array<i32>} : memref<128x128xf32, #tpu.memory_space<vmem>>, vector<1x16xf32>,
          %get3A_634 = arith.index_cast %add3A_590 : i32 to index
          %get3A_635 = arith.constant 64 : index
          %get3A_636 = tpu.vector_load %arg6[%get3A_634, %get3A_635] {strides = array<i32>} : memref<128x128xf32, #tpu.memory_space<vmem>>, vector<1x16xf32>,
          %get3A_637 = vector.shape_cast %get3A_636 : vector<1x16xf32> to vector<16xf32>
          %mul3A_638 = arith.mulf %get3A_637, %broadcast_in_dim3A_593 : vector<16xf32>
          %swap3A_639 = arith.index_cast %add3A_590 : i32 to index
          %swap3A_640 = arith.constant 64 : index
          %swap3A_641 = tpu.vector_load %arg6[%swap3A_639, %swap3A_640] {strides = array<i32>} : memref<128x128xf32, #tpu.memory_space<vmem>>, vector<1x16xf32>,
          %swap3A_642 = vector.shape_cast %swap3A_641 : vector<1x16xf32> to vector<16xf32>
          %swap3A_643 = vector.shape_cast %mul3A_638 : vector<16xf32> to vector<1x16xf32>
          tpu.vector_store %arg6[%swap3A_639, %swap3A_640], %swap3A_643 {strides = array<i32>} : memref<128x128xf32, #tpu.memory_space<vmem>>, vector<1x16xf32>,
          %get3A_644 = arith.index_cast %add3A_590 : i32 to index
          %get3A_645 = arith.constant 80 : index
          %get3A_646 = tpu.vector_load %arg6[%get3A_644, %get3A_645] {strides = array<i32>} : memref<128x128xf32, #tpu.memory_space<vmem>>, vector<1x16xf32>,
          %get3A_647 = vector.shape_cast %get3A_646 : vector<1x16xf32> to vector<16xf32>
          %mul3A_648 = arith.mulf %get3A_647, %broadcast_in_dim3A_593 : vector<16xf32>
          %swap3A_649 = arith.index_cast %add3A_590 : i32 to index
          %swap3A_650 = arith.constant 80 : index
          %swap3A_651 = tpu.vector_load %arg6[%swap3A_649, %swap3A_650] {strides = array<i32>} : memref<128x128xf32, #tpu.memory_space<vmem>>, vector<1x16xf32>,
          %swap3A_652 = vector.shape_cast %swap3A_651 : vector<1x16xf32> to vector<16xf32>
          %swap3A_653 = vector.shape_cast %mul3A_648 : vector<16xf32> to vector<1x16xf32>
          tpu.vector_store %arg6[%swap3A_649, %swap3A_650], %swap3A_653 {strides = array<i32>} : memref<128x128xf32, #tpu.memory_space<vmem>>, vector<1x16xf32>,
          %get3A_654 = arith.index_cast %add3A_590 : i32 to index
          %get3A_655 = arith.constant 96 : index
          %get3A_656 = tpu.vector_load %arg6[%get3A_654, %get3A_655] {strides = array<i32>} : memref<128x128xf32, #tpu.memory_space<vmem>>, vector<1x16xf32>,
          %get3A_657 = vector.shape_cast %get3A_656 : vector<1x16xf32> to vector<16xf32>
          %mul3A_658 = arith.mulf %get3A_657, %broadcast_in_dim3A_593 : vector<16xf32>
          %swap3A_659 = arith.index_cast %add3A_590 : i32 to index
          %swap3A_660 = arith.constant 96 : index
          %swap3A_661 = tpu.vector_load %arg6[%swap3A_659, %swap3A_660] {strides = array<i32>} : memref<128x128xf32, #tpu.memory_space<vmem>>, vector<1x16xf32>,
          %swap3A_662 = vector.shape_cast %swap3A_661 : vector<1x16xf32> to vector<16xf32>
          %swap3A_663 = vector.shape_cast %mul3A_658 : vector<16xf32> to vector<1x16xf32>
          tpu.vector_store %arg6[%swap3A_659, %swap3A_660], %swap3A_663 {strides = array<i32>} : memref<128x128xf32, #tpu.memory_space<vmem>>, vector<1x16xf32>,
          %get3A_664 = arith.index_cast %add3A_590 : i32 to index
          %get3A_665 = arith.constant 112 : index
          %get3A_666 = tpu.vector_load %arg6[%get3A_664, %get3A_665] {strides = array<i32>} : memref<128x128xf32, #tpu.memory_space<vmem>>, vector<1x16xf32>,
          %get3A_667 = vector.shape_cast %get3A_666 : vector<1x16xf32> to vector<16xf32>
          %mul3A_668 = arith.mulf %get3A_667, %broadcast_in_dim3A_593 : vector<16xf32>
          %swap3A_669 = arith.index_cast %add3A_590 : i32 to index
          %swap3A_670 = arith.constant 112 : index
          %swap3A_671 = tpu.vector_load %arg6[%swap3A_669, %swap3A_670] {strides = array<i32>} : memref<128x128xf32, #tpu.memory_space<vmem>>, vector<1x16xf32>,
          %swap3A_672 = vector.shape_cast %swap3A_671 : vector<1x16xf32> to vector<16xf32>
          %swap3A_673 = vector.shape_cast %mul3A_668 : vector<16xf32> to vector<1x16xf32>
          tpu.vector_store %arg6[%swap3A_669, %swap3A_670], %swap3A_673 {strides = array<i32>} : memref<128x128xf32, #tpu.memory_space<vmem>>, vector<1x16xf32>,
          %mul3A_674 = arith.constant 16 : i32
          %mul3A_675 = arith.muli %scan3A_136, %mul3A_674 : i32
          %add3A_676 = arith.constant 6 : i32
          %add3A_677 = arith.addi %mul3A_675, %add3A_676 : i32
          %slice3A_678 = vector.extract_strided_slice %bitcast_convert_type3A {offsets = [6], sizes = [1], strides = [1]} : vector<16xf32> to vector<1xf32>
          %squeeze3A_679 = vector.extract %slice3A_678[0] : f32 from vector<1xf32>
          %broadcast_in_dim3A_680 = vector.broadcast %squeeze3A_679 : f32 to vector<16xf32>
          %get3A_681 = arith.index_cast %add3A_677 : i32 to index
          %get3A_682 = arith.constant 0 : index
          %get3A_683 = tpu.vector_load %arg6[%get3A_681, %get3A_682] {strides = array<i32>} : memref<128x128xf32, #tpu.memory_space<vmem>>, vector<1x16xf32>,
          %get3A_684 = vector.shape_cast %get3A_683 : vector<1x16xf32> to vector<16xf32>
          %mul3A_685 = arith.mulf %get3A_684, %broadcast_in_dim3A_680 : vector<16xf32>
          %swap3A_686 = arith.index_cast %add3A_677 : i32 to index
          %swap3A_687 = arith.constant 0 : index
          %swap3A_688 = tpu.vector_load %arg6[%swap3A_686, %swap3A_687] {strides = array<i32>} : memref<128x128xf32, #tpu.memory_space<vmem>>, vector<1x16xf32>,
          %swap3A_689 = vector.shape_cast %swap3A_688 : vector<1x16xf32> to vector<16xf32>
          %swap3A_690 = vector.shape_cast %mul3A_685 : vector<16xf32> to vector<1x16xf32>
          tpu.vector_store %arg6[%swap3A_686, %swap3A_687], %swap3A_690 {strides = array<i32>} : memref<128x128xf32, #tpu.memory_space<vmem>>, vector<1x16xf32>,
          %get3A_691 = arith.index_cast %add3A_677 : i32 to index
          %get3A_692 = arith.constant 16 : index
          %get3A_693 = tpu.vector_load %arg6[%get3A_691, %get3A_692] {strides = array<i32>} : memref<128x128xf32, #tpu.memory_space<vmem>>, vector<1x16xf32>,
          %get3A_694 = vector.shape_cast %get3A_693 : vector<1x16xf32> to vector<16xf32>
          %mul3A_695 = arith.mulf %get3A_694, %broadcast_in_dim3A_680 : vector<16xf32>
          %swap3A_696 = arith.index_cast %add3A_677 : i32 to index
          %swap3A_697 = arith.constant 16 : index
          %swap3A_698 = tpu.vector_load %arg6[%swap3A_696, %swap3A_697] {strides = array<i32>} : memref<128x128xf32, #tpu.memory_space<vmem>>, vector<1x16xf32>,
          %swap3A_699 = vector.shape_cast %swap3A_698 : vector<1x16xf32> to vector<16xf32>
          %swap3A_700 = vector.shape_cast %mul3A_695 : vector<16xf32> to vector<1x16xf32>
          tpu.vector_store %arg6[%swap3A_696, %swap3A_697], %swap3A_700 {strides = array<i32>} : memref<128x128xf32, #tpu.memory_space<vmem>>, vector<1x16xf32>,
          %get3A_701 = arith.index_cast %add3A_677 : i32 to index
          %get3A_702 = arith.constant 32 : index
          %get3A_703 = tpu.vector_load %arg6[%get3A_701, %get3A_702] {strides = array<i32>} : memref<128x128xf32, #tpu.memory_space<vmem>>, vector<1x16xf32>,
          %get3A_704 = vector.shape_cast %get3A_703 : vector<1x16xf32> to vector<16xf32>
          %mul3A_705 = arith.mulf %get3A_704, %broadcast_in_dim3A_680 : vector<16xf32>
          %swap3A_706 = arith.index_cast %add3A_677 : i32 to index
          %swap3A_707 = arith.constant 32 : index
          %swap3A_708 = tpu.vector_load %arg6[%swap3A_706, %swap3A_707] {strides = array<i32>} : memref<128x128xf32, #tpu.memory_space<vmem>>, vector<1x16xf32>,
          %swap3A_709 = vector.shape_cast %swap3A_708 : vector<1x16xf32> to vector<16xf32>
          %swap3A_710 = vector.shape_cast %mul3A_705 : vector<16xf32> to vector<1x16xf32>
          tpu.vector_store %arg6[%swap3A_706, %swap3A_707], %swap3A_710 {strides = array<i32>} : memref<128x128xf32, #tpu.memory_space<vmem>>, vector<1x16xf32>,
          %get3A_711 = arith.index_cast %add3A_677 : i32 to index
          %get3A_712 = arith.constant 48 : index
          %get3A_713 = tpu.vector_load %arg6[%get3A_711, %get3A_712] {strides = array<i32>} : memref<128x128xf32, #tpu.memory_space<vmem>>, vector<1x16xf32>,
          %get3A_714 = vector.shape_cast %get3A_713 : vector<1x16xf32> to vector<16xf32>
          %mul3A_715 = arith.mulf %get3A_714, %broadcast_in_dim3A_680 : vector<16xf32>
          %swap3A_716 = arith.index_cast %add3A_677 : i32 to index
          %swap3A_717 = arith.constant 48 : index
          %swap3A_718 = tpu.vector_load %arg6[%swap3A_716, %swap3A_717] {strides = array<i32>} : memref<128x128xf32, #tpu.memory_space<vmem>>, vector<1x16xf32>,
          %swap3A_719 = vector.shape_cast %swap3A_718 : vector<1x16xf32> to vector<16xf32>
          %swap3A_720 = vector.shape_cast %mul3A_715 : vector<16xf32> to vector<1x16xf32>
          tpu.vector_store %arg6[%swap3A_716, %swap3A_717], %swap3A_720 {strides = array<i32>} : memref<128x128xf32, #tpu.memory_space<vmem>>, vector<1x16xf32>,
          %get3A_721 = arith.index_cast %add3A_677 : i32 to index
          %get3A_722 = arith.constant 64 : index
          %get3A_723 = tpu.vector_load %arg6[%get3A_721, %get3A_722] {strides = array<i32>} : memref<128x128xf32, #tpu.memory_space<vmem>>, vector<1x16xf32>,
          %get3A_724 = vector.shape_cast %get3A_723 : vector<1x16xf32> to vector<16xf32>
          %mul3A_725 = arith.mulf %get3A_724, %broadcast_in_dim3A_680 : vector<16xf32>
          %swap3A_726 = arith.index_cast %add3A_677 : i32 to index
          %swap3A_727 = arith.constant 64 : index
          %swap3A_728 = tpu.vector_load %arg6[%swap3A_726, %swap3A_727] {strides = array<i32>} : memref<128x128xf32, #tpu.memory_space<vmem>>, vector<1x16xf32>,
          %swap3A_729 = vector.shape_cast %swap3A_728 : vector<1x16xf32> to vector<16xf32>
          %swap3A_730 = vector.shape_cast %mul3A_725 : vector<16xf32> to vector<1x16xf32>
          tpu.vector_store %arg6[%swap3A_726, %swap3A_727], %swap3A_730 {strides = array<i32>} : memref<128x128xf32, #tpu.memory_space<vmem>>, vector<1x16xf32>,
          %get3A_731 = arith.index_cast %add3A_677 : i32 to index
          %get3A_732 = arith.constant 80 : index
          %get3A_733 = tpu.vector_load %arg6[%get3A_731, %get3A_732] {strides = array<i32>} : memref<128x128xf32, #tpu.memory_space<vmem>>, vector<1x16xf32>,
          %get3A_734 = vector.shape_cast %get3A_733 : vector<1x16xf32> to vector<16xf32>
          %mul3A_735 = arith.mulf %get3A_734, %broadcast_in_dim3A_680 : vector<16xf32>
          %swap3A_736 = arith.index_cast %add3A_677 : i32 to index
          %swap3A_737 = arith.constant 80 : index
          %swap3A_738 = tpu.vector_load %arg6[%swap3A_736, %swap3A_737] {strides = array<i32>} : memref<128x128xf32, #tpu.memory_space<vmem>>, vector<1x16xf32>,
          %swap3A_739 = vector.shape_cast %swap3A_738 : vector<1x16xf32> to vector<16xf32>
          %swap3A_740 = vector.shape_cast %mul3A_735 : vector<16xf32> to vector<1x16xf32>
          tpu.vector_store %arg6[%swap3A_736, %swap3A_737], %swap3A_740 {strides = array<i32>} : memref<128x128xf32, #tpu.memory_space<vmem>>, vector<1x16xf32>,
          %get3A_741 = arith.index_cast %add3A_677 : i32 to index
          %get3A_742 = arith.constant 96 : index
          %get3A_743 = tpu.vector_load %arg6[%get3A_741, %get3A_742] {strides = array<i32>} : memref<128x128xf32, #tpu.memory_space<vmem>>, vector<1x16xf32>,
          %get3A_744 = vector.shape_cast %get3A_743 : vector<1x16xf32> to vector<16xf32>
          %mul3A_745 = arith.mulf %get3A_744, %broadcast_in_dim3A_680 : vector<16xf32>
          %swap3A_746 = arith.index_cast %add3A_677 : i32 to index
          %swap3A_747 = arith.constant 96 : index
          %swap3A_748 = tpu.vector_load %arg6[%swap3A_746, %swap3A_747] {strides = array<i32>} : memref<128x128xf32, #tpu.memory_space<vmem>>, vector<1x16xf32>,
          %swap3A_749 = vector.shape_cast %swap3A_748 : vector<1x16xf32> to vector<16xf32>
          %swap3A_750 = vector.shape_cast %mul3A_745 : vector<16xf32> to vector<1x16xf32>
          tpu.vector_store %arg6[%swap3A_746, %swap3A_747], %swap3A_750 {strides = array<i32>} : memref<128x128xf32, #tpu.memory_space<vmem>>, vector<1x16xf32>,
          %get3A_751 = arith.index_cast %add3A_677 : i32 to index
          %get3A_752 = arith.constant 112 : index
          %get3A_753 = tpu.vector_load %arg6[%get3A_751, %get3A_752] {strides = array<i32>} : memref<128x128xf32, #tpu.memory_space<vmem>>, vector<1x16xf32>,
          %get3A_754 = vector.shape_cast %get3A_753 : vector<1x16xf32> to vector<16xf32>
          %mul3A_755 = arith.mulf %get3A_754, %broadcast_in_dim3A_680 : vector<16xf32>
          %swap3A_756 = arith.index_cast %add3A_677 : i32 to index
          %swap3A_757 = arith.constant 112 : index
          %swap3A_758 = tpu.vector_load %arg6[%swap3A_756, %swap3A_757] {strides = array<i32>} : memref<128x128xf32, #tpu.memory_space<vmem>>, vector<1x16xf32>,
          %swap3A_759 = vector.shape_cast %swap3A_758 : vector<1x16xf32> to vector<16xf32>
          %swap3A_760 = vector.shape_cast %mul3A_755 : vector<16xf32> to vector<1x16xf32>
          tpu.vector_store %arg6[%swap3A_756, %swap3A_757], %swap3A_760 {strides = array<i32>} : memref<128x128xf32, #tpu.memory_space<vmem>>, vector<1x16xf32>,
          %mul3A_761 = arith.constant 16 : i32
          %mul3A_762 = arith.muli %scan3A_136, %mul3A_761 : i32
          %add3A_763 = arith.constant 7 : i32
          %add3A_764 = arith.addi %mul3A_762, %add3A_763 : i32
          %slice3A_765 = vector.extract_strided_slice %bitcast_convert_type3A {offsets = [7], sizes = [1], strides = [1]} : vector<16xf32> to vector<1xf32>
          %squeeze3A_766 = vector.extract %slice3A_765[0] : f32 from vector<1xf32>
          %broadcast_in_dim3A_767 = vector.broadcast %squeeze3A_766 : f32 to vector<16xf32>
          %get3A_768 = arith.index_cast %add3A_764 : i32 to index
          %get3A_769 = arith.constant 0 : index
          %get3A_770 = tpu.vector_load %arg6[%get3A_768, %get3A_769] {strides = array<i32>} : memref<128x128xf32, #tpu.memory_space<vmem>>, vector<1x16xf32>,
          %get3A_771 = vector.shape_cast %get3A_770 : vector<1x16xf32> to vector<16xf32>
          %mul3A_772 = arith.mulf %get3A_771, %broadcast_in_dim3A_767 : vector<16xf32>
          %swap3A_773 = arith.index_cast %add3A_764 : i32 to index
          %swap3A_774 = arith.constant 0 : index
          %swap3A_775 = tpu.vector_load %arg6[%swap3A_773, %swap3A_774] {strides = array<i32>} : memref<128x128xf32, #tpu.memory_space<vmem>>, vector<1x16xf32>,
          %swap3A_776 = vector.shape_cast %swap3A_775 : vector<1x16xf32> to vector<16xf32>
          %swap3A_777 = vector.shape_cast %mul3A_772 : vector<16xf32> to vector<1x16xf32>
          tpu.vector_store %arg6[%swap3A_773, %swap3A_774], %swap3A_777 {strides = array<i32>} : memref<128x128xf32, #tpu.memory_space<vmem>>, vector<1x16xf32>,
          %get3A_778 = arith.index_cast %add3A_764 : i32 to index
          %get3A_779 = arith.constant 16 : index
          %get3A_780 = tpu.vector_load %arg6[%get3A_778, %get3A_779] {strides = array<i32>} : memref<128x128xf32, #tpu.memory_space<vmem>>, vector<1x16xf32>,
          %get3A_781 = vector.shape_cast %get3A_780 : vector<1x16xf32> to vector<16xf32>
          %mul3A_782 = arith.mulf %get3A_781, %broadcast_in_dim3A_767 : vector<16xf32>
          %swap3A_783 = arith.index_cast %add3A_764 : i32 to index
          %swap3A_784 = arith.constant 16 : index
          %swap3A_785 = tpu.vector_load %arg6[%swap3A_783, %swap3A_784] {strides = array<i32>} : memref<128x128xf32, #tpu.memory_space<vmem>>, vector<1x16xf32>,
          %swap3A_786 = vector.shape_cast %swap3A_785 : vector<1x16xf32> to vector<16xf32>
          %swap3A_787 = vector.shape_cast %mul3A_782 : vector<16xf32> to vector<1x16xf32>
          tpu.vector_store %arg6[%swap3A_783, %swap3A_784], %swap3A_787 {strides = array<i32>} : memref<128x128xf32, #tpu.memory_space<vmem>>, vector<1x16xf32>,
          %get3A_788 = arith.index_cast %add3A_764 : i32 to index
          %get3A_789 = arith.constant 32 : index
          %get3A_790 = tpu.vector_load %arg6[%get3A_788, %get3A_789] {strides = array<i32>} : memref<128x128xf32, #tpu.memory_space<vmem>>, vector<1x16xf32>,
          %get3A_791 = vector.shape_cast %get3A_790 : vector<1x16xf32> to vector<16xf32>
          %mul3A_792 = arith.mulf %get3A_791, %broadcast_in_dim3A_767 : vector<16xf32>
          %swap3A_793 = arith.index_cast %add3A_764 : i32 to index
          %swap3A_794 = arith.constant 32 : index
          %swap3A_795 = tpu.vector_load %arg6[%swap3A_793, %swap3A_794] {strides = array<i32>} : memref<128x128xf32, #tpu.memory_space<vmem>>, vector<1x16xf32>,
          %swap3A_796 = vector.shape_cast %swap3A_795 : vector<1x16xf32> to vector<16xf32>
          %swap3A_797 = vector.shape_cast %mul3A_792 : vector<16xf32> to vector<1x16xf32>
          tpu.vector_store %arg6[%swap3A_793, %swap3A_794], %swap3A_797 {strides = array<i32>} : memref<128x128xf32, #tpu.memory_space<vmem>>, vector<1x16xf32>,
          %get3A_798 = arith.index_cast %add3A_764 : i32 to index
          %get3A_799 = arith.constant 48 : index
          %get3A_800 = tpu.vector_load %arg6[%get3A_798, %get3A_799] {strides = array<i32>} : memref<128x128xf32, #tpu.memory_space<vmem>>, vector<1x16xf32>,
          %get3A_801 = vector.shape_cast %get3A_800 : vector<1x16xf32> to vector<16xf32>
          %mul3A_802 = arith.mulf %get3A_801, %broadcast_in_dim3A_767 : vector<16xf32>
          %swap3A_803 = arith.index_cast %add3A_764 : i32 to index
          %swap3A_804 = arith.constant 48 : index
          %swap3A_805 = tpu.vector_load %arg6[%swap3A_803, %swap3A_804] {strides = array<i32>} : memref<128x128xf32, #tpu.memory_space<vmem>>, vector<1x16xf32>,
          %swap3A_806 = vector.shape_cast %swap3A_805 : vector<1x16xf32> to vector<16xf32>
          %swap3A_807 = vector.shape_cast %mul3A_802 : vector<16xf32> to vector<1x16xf32>
          tpu.vector_store %arg6[%swap3A_803, %swap3A_804], %swap3A_807 {strides = array<i32>} : memref<128x128xf32, #tpu.memory_space<vmem>>, vector<1x16xf32>,
          %get3A_808 = arith.index_cast %add3A_764 : i32 to index
          %get3A_809 = arith.constant 64 : index
          %get3A_810 = tpu.vector_load %arg6[%get3A_808, %get3A_809] {strides = array<i32>} : memref<128x128xf32, #tpu.memory_space<vmem>>, vector<1x16xf32>,
          %get3A_811 = vector.shape_cast %get3A_810 : vector<1x16xf32> to vector<16xf32>
          %mul3A_812 = arith.mulf %get3A_811, %broadcast_in_dim3A_767 : vector<16xf32>
          %swap3A_813 = arith.index_cast %add3A_764 : i32 to index
          %swap3A_814 = arith.constant 64 : index
          %swap3A_815 = tpu.vector_load %arg6[%swap3A_813, %swap3A_814] {strides = array<i32>} : memref<128x128xf32, #tpu.memory_space<vmem>>, vector<1x16xf32>,
          %swap3A_816 = vector.shape_cast %swap3A_815 : vector<1x16xf32> to vector<16xf32>
          %swap3A_817 = vector.shape_cast %mul3A_812 : vector<16xf32> to vector<1x16xf32>
          tpu.vector_store %arg6[%swap3A_813, %swap3A_814], %swap3A_817 {strides = array<i32>} : memref<128x128xf32, #tpu.memory_space<vmem>>, vector<1x16xf32>,
          %get3A_818 = arith.index_cast %add3A_764 : i32 to index
          %get3A_819 = arith.constant 80 : index
          %get3A_820 = tpu.vector_load %arg6[%get3A_818, %get3A_819] {strides = array<i32>} : memref<128x128xf32, #tpu.memory_space<vmem>>, vector<1x16xf32>,
          %get3A_821 = vector.shape_cast %get3A_820 : vector<1x16xf32> to vector<16xf32>
          %mul3A_822 = arith.mulf %get3A_821, %broadcast_in_dim3A_767 : vector<16xf32>
          %swap3A_823 = arith.index_cast %add3A_764 : i32 to index
          %swap3A_824 = arith.constant 80 : index
          %swap3A_825 = tpu.vector_load %arg6[%swap3A_823, %swap3A_824] {strides = array<i32>} : memref<128x128xf32, #tpu.memory_space<vmem>>, vector<1x16xf32>,
          %swap3A_826 = vector.shape_cast %swap3A_825 : vector<1x16xf32> to vector<16xf32>
          %swap3A_827 = vector.shape_cast %mul3A_822 : vector<16xf32> to vector<1x16xf32>
          tpu.vector_store %arg6[%swap3A_823, %swap3A_824], %swap3A_827 {strides = array<i32>} : memref<128x128xf32, #tpu.memory_space<vmem>>, vector<1x16xf32>,
          %get3A_828 = arith.index_cast %add3A_764 : i32 to index
          %get3A_829 = arith.constant 96 : index
          %get3A_830 = tpu.vector_load %arg6[%get3A_828, %get3A_829] {strides = array<i32>} : memref<128x128xf32, #tpu.memory_space<vmem>>, vector<1x16xf32>,
          %get3A_831 = vector.shape_cast %get3A_830 : vector<1x16xf32> to vector<16xf32>
          %mul3A_832 = arith.mulf %get3A_831, %broadcast_in_dim3A_767 : vector<16xf32>
          %swap3A_833 = arith.index_cast %add3A_764 : i32 to index
          %swap3A_834 = arith.constant 96 : index
          %swap3A_835 = tpu.vector_load %arg6[%swap3A_833, %swap3A_834] {strides = array<i32>} : memref<128x128xf32, #tpu.memory_space<vmem>>, vector<1x16xf32>,
          %swap3A_836 = vector.shape_cast %swap3A_835 : vector<1x16xf32> to vector<16xf32>
          %swap3A_837 = vector.shape_cast %mul3A_832 : vector<16xf32> to vector<1x16xf32>
          tpu.vector_store %arg6[%swap3A_833, %swap3A_834], %swap3A_837 {strides = array<i32>} : memref<128x128xf32, #tpu.memory_space<vmem>>, vector<1x16xf32>,
          %get3A_838 = arith.index_cast %add3A_764 : i32 to index
          %get3A_839 = arith.constant 112 : index
          %get3A_840 = tpu.vector_load %arg6[%get3A_838, %get3A_839] {strides = array<i32>} : memref<128x128xf32, #tpu.memory_space<vmem>>, vector<1x16xf32>,
          %get3A_841 = vector.shape_cast %get3A_840 : vector<1x16xf32> to vector<16xf32>
          %mul3A_842 = arith.mulf %get3A_841, %broadcast_in_dim3A_767 : vector<16xf32>
          %swap3A_843 = arith.index_cast %add3A_764 : i32 to index
          %swap3A_844 = arith.constant 112 : index
          %swap3A_845 = tpu.vector_load %arg6[%swap3A_843, %swap3A_844] {strides = array<i32>} : memref<128x128xf32, #tpu.memory_space<vmem>>, vector<1x16xf32>,
          %swap3A_846 = vector.shape_cast %swap3A_845 : vector<1x16xf32> to vector<16xf32>
          %swap3A_847 = vector.shape_cast %mul3A_842 : vector<16xf32> to vector<1x16xf32>
          tpu.vector_store %arg6[%swap3A_843, %swap3A_844], %swap3A_847 {strides = array<i32>} : memref<128x128xf32, #tpu.memory_space<vmem>>, vector<1x16xf32>,
          %mul3A_848 = arith.constant 16 : i32
          %mul3A_849 = arith.muli %scan3A_136, %mul3A_848 : i32
          %add3A_850 = arith.constant 8 : i32
          %add3A_851 = arith.addi %mul3A_849, %add3A_850 : i32
          %slice3A_852 = vector.extract_strided_slice %bitcast_convert_type3A {offsets = [8], sizes = [1], strides = [1]} : vector<16xf32> to vector<1xf32>
          %squeeze3A_853 = vector.extract %slice3A_852[0] : f32 from vector<1xf32>
          %broadcast_in_dim3A_854 = vector.broadcast %squeeze3A_853 : f32 to vector<16xf32>
          %get3A_855 = arith.index_cast %add3A_851 : i32 to index
          %get3A_856 = arith.constant 0 : index
          %get3A_857 = tpu.vector_load %arg6[%get3A_855, %get3A_856] {strides = array<i32>} : memref<128x128xf32, #tpu.memory_space<vmem>>, vector<1x16xf32>,
          %get3A_858 = vector.shape_cast %get3A_857 : vector<1x16xf32> to vector<16xf32>
          %mul3A_859 = arith.mulf %get3A_858, %broadcast_in_dim3A_854 : vector<16xf32>
          %swap3A_860 = arith.index_cast %add3A_851 : i32 to index
          %swap3A_861 = arith.constant 0 : index
          %swap3A_862 = tpu.vector_load %arg6[%swap3A_860, %swap3A_861] {strides = array<i32>} : memref<128x128xf32, #tpu.memory_space<vmem>>, vector<1x16xf32>,
          %swap3A_863 = vector.shape_cast %swap3A_862 : vector<1x16xf32> to vector<16xf32>
          %swap3A_864 = vector.shape_cast %mul3A_859 : vector<16xf32> to vector<1x16xf32>
          tpu.vector_store %arg6[%swap3A_860, %swap3A_861], %swap3A_864 {strides = array<i32>} : memref<128x128xf32, #tpu.memory_space<vmem>>, vector<1x16xf32>,
          %get3A_865 = arith.index_cast %add3A_851 : i32 to index
          %get3A_866 = arith.constant 16 : index
          %get3A_867 = tpu.vector_load %arg6[%get3A_865, %get3A_866] {strides = array<i32>} : memref<128x128xf32, #tpu.memory_space<vmem>>, vector<1x16xf32>,
          %get3A_868 = vector.shape_cast %get3A_867 : vector<1x16xf32> to vector<16xf32>
          %mul3A_869 = arith.mulf %get3A_868, %broadcast_in_dim3A_854 : vector<16xf32>
          %swap3A_870 = arith.index_cast %add3A_851 : i32 to index
          %swap3A_871 = arith.constant 16 : index
          %swap3A_872 = tpu.vector_load %arg6[%swap3A_870, %swap3A_871] {strides = array<i32>} : memref<128x128xf32, #tpu.memory_space<vmem>>, vector<1x16xf32>,
          %swap3A_873 = vector.shape_cast %swap3A_872 : vector<1x16xf32> to vector<16xf32>
          %swap3A_874 = vector.shape_cast %mul3A_869 : vector<16xf32> to vector<1x16xf32>
          tpu.vector_store %arg6[%swap3A_870, %swap3A_871], %swap3A_874 {strides = array<i32>} : memref<128x128xf32, #tpu.memory_space<vmem>>, vector<1x16xf32>,
          %get3A_875 = arith.index_cast %add3A_851 : i32 to index
          %get3A_876 = arith.constant 32 : index
          %get3A_877 = tpu.vector_load %arg6[%get3A_875, %get3A_876] {strides = array<i32>} : memref<128x128xf32, #tpu.memory_space<vmem>>, vector<1x16xf32>,
          %get3A_878 = vector.shape_cast %get3A_877 : vector<1x16xf32> to vector<16xf32>
          %mul3A_879 = arith.mulf %get3A_878, %broadcast_in_dim3A_854 : vector<16xf32>
          %swap3A_880 = arith.index_cast %add3A_851 : i32 to index
          %swap3A_881 = arith.constant 32 : index
          %swap3A_882 = tpu.vector_load %arg6[%swap3A_880, %swap3A_881] {strides = array<i32>} : memref<128x128xf32, #tpu.memory_space<vmem>>, vector<1x16xf32>,
          %swap3A_883 = vector.shape_cast %swap3A_882 : vector<1x16xf32> to vector<16xf32>
          %swap3A_884 = vector.shape_cast %mul3A_879 : vector<16xf32> to vector<1x16xf32>
          tpu.vector_store %arg6[%swap3A_880, %swap3A_881], %swap3A_884 {strides = array<i32>} : memref<128x128xf32, #tpu.memory_space<vmem>>, vector<1x16xf32>,
          %get3A_885 = arith.index_cast %add3A_851 : i32 to index
          %get3A_886 = arith.constant 48 : index
          %get3A_887 = tpu.vector_load %arg6[%get3A_885, %get3A_886] {strides = array<i32>} : memref<128x128xf32, #tpu.memory_space<vmem>>, vector<1x16xf32>,
          %get3A_888 = vector.shape_cast %get3A_887 : vector<1x16xf32> to vector<16xf32>
          %mul3A_889 = arith.mulf %get3A_888, %broadcast_in_dim3A_854 : vector<16xf32>
          %swap3A_890 = arith.index_cast %add3A_851 : i32 to index
          %swap3A_891 = arith.constant 48 : index
          %swap3A_892 = tpu.vector_load %arg6[%swap3A_890, %swap3A_891] {strides = array<i32>} : memref<128x128xf32, #tpu.memory_space<vmem>>, vector<1x16xf32>,
          %swap3A_893 = vector.shape_cast %swap3A_892 : vector<1x16xf32> to vector<16xf32>
          %swap3A_894 = vector.shape_cast %mul3A_889 : vector<16xf32> to vector<1x16xf32>
          tpu.vector_store %arg6[%swap3A_890, %swap3A_891], %swap3A_894 {strides = array<i32>} : memref<128x128xf32, #tpu.memory_space<vmem>>, vector<1x16xf32>,
          %get3A_895 = arith.index_cast %add3A_851 : i32 to index
          %get3A_896 = arith.constant 64 : index
          %get3A_897 = tpu.vector_load %arg6[%get3A_895, %get3A_896] {strides = array<i32>} : memref<128x128xf32, #tpu.memory_space<vmem>>, vector<1x16xf32>,
          %get3A_898 = vector.shape_cast %get3A_897 : vector<1x16xf32> to vector<16xf32>
          %mul3A_899 = arith.mulf %get3A_898, %broadcast_in_dim3A_854 : vector<16xf32>
          %swap3A_900 = arith.index_cast %add3A_851 : i32 to index
          %swap3A_901 = arith.constant 64 : index
          %swap3A_902 = tpu.vector_load %arg6[%swap3A_900, %swap3A_901] {strides = array<i32>} : memref<128x128xf32, #tpu.memory_space<vmem>>, vector<1x16xf32>,
          %swap3A_903 = vector.shape_cast %swap3A_902 : vector<1x16xf32> to vector<16xf32>
          %swap3A_904 = vector.shape_cast %mul3A_899 : vector<16xf32> to vector<1x16xf32>
          tpu.vector_store %arg6[%swap3A_900, %swap3A_901], %swap3A_904 {strides = array<i32>} : memref<128x128xf32, #tpu.memory_space<vmem>>, vector<1x16xf32>,
          %get3A_905 = arith.index_cast %add3A_851 : i32 to index
          %get3A_906 = arith.constant 80 : index
          %get3A_907 = tpu.vector_load %arg6[%get3A_905, %get3A_906] {strides = array<i32>} : memref<128x128xf32, #tpu.memory_space<vmem>>, vector<1x16xf32>,
          %get3A_908 = vector.shape_cast %get3A_907 : vector<1x16xf32> to vector<16xf32>
          %mul3A_909 = arith.mulf %get3A_908, %broadcast_in_dim3A_854 : vector<16xf32>
          %swap3A_910 = arith.index_cast %add3A_851 : i32 to index
          %swap3A_911 = arith.constant 80 : index
          %swap3A_912 = tpu.vector_load %arg6[%swap3A_910, %swap3A_911] {strides = array<i32>} : memref<128x128xf32, #tpu.memory_space<vmem>>, vector<1x16xf32>,
          %swap3A_913 = vector.shape_cast %swap3A_912 : vector<1x16xf32> to vector<16xf32>
          %swap3A_914 = vector.shape_cast %mul3A_909 : vector<16xf32> to vector<1x16xf32>
          tpu.vector_store %arg6[%swap3A_910, %swap3A_911], %swap3A_914 {strides = array<i32>} : memref<128x128xf32, #tpu.memory_space<vmem>>, vector<1x16xf32>,
          %get3A_915 = arith.index_cast %add3A_851 : i32 to index
          %get3A_916 = arith.constant 96 : index
          %get3A_917 = tpu.vector_load %arg6[%get3A_915, %get3A_916] {strides = array<i32>} : memref<128x128xf32, #tpu.memory_space<vmem>>, vector<1x16xf32>,
          %get3A_918 = vector.shape_cast %get3A_917 : vector<1x16xf32> to vector<16xf32>
          %mul3A_919 = arith.mulf %get3A_918, %broadcast_in_dim3A_854 : vector<16xf32>
          %swap3A_920 = arith.index_cast %add3A_851 : i32 to index
          %swap3A_921 = arith.constant 96 : index
          %swap3A_922 = tpu.vector_load %arg6[%swap3A_920, %swap3A_921] {strides = array<i32>} : memref<128x128xf32, #tpu.memory_space<vmem>>, vector<1x16xf32>,
          %swap3A_923 = vector.shape_cast %swap3A_922 : vector<1x16xf32> to vector<16xf32>
          %swap3A_924 = vector.shape_cast %mul3A_919 : vector<16xf32> to vector<1x16xf32>
          tpu.vector_store %arg6[%swap3A_920, %swap3A_921], %swap3A_924 {strides = array<i32>} : memref<128x128xf32, #tpu.memory_space<vmem>>, vector<1x16xf32>,
          %get3A_925 = arith.index_cast %add3A_851 : i32 to index
          %get3A_926 = arith.constant 112 : index
          %get3A_927 = tpu.vector_load %arg6[%get3A_925, %get3A_926] {strides = array<i32>} : memref<128x128xf32, #tpu.memory_space<vmem>>, vector<1x16xf32>,
          %get3A_928 = vector.shape_cast %get3A_927 : vector<1x16xf32> to vector<16xf32>
          %mul3A_929 = arith.mulf %get3A_928, %broadcast_in_dim3A_854 : vector<16xf32>
          %swap3A_930 = arith.index_cast %add3A_851 : i32 to index
          %swap3A_931 = arith.constant 112 : index
          %swap3A_932 = tpu.vector_load %arg6[%swap3A_930, %swap3A_931] {strides = array<i32>} : memref<128x128xf32, #tpu.memory_space<vmem>>, vector<1x16xf32>,
          %swap3A_933 = vector.shape_cast %swap3A_932 : vector<1x16xf32> to vector<16xf32>
          %swap3A_934 = vector.shape_cast %mul3A_929 : vector<16xf32> to vector<1x16xf32>
          tpu.vector_store %arg6[%swap3A_930, %swap3A_931], %swap3A_934 {strides = array<i32>} : memref<128x128xf32, #tpu.memory_space<vmem>>, vector<1x16xf32>,
          %mul3A_935 = arith.constant 16 : i32
          %mul3A_936 = arith.muli %scan3A_136, %mul3A_935 : i32
          %add3A_937 = arith.constant 9 : i32
          %add3A_938 = arith.addi %mul3A_936, %add3A_937 : i32
          %slice3A_939 = vector.extract_strided_slice %bitcast_convert_type3A {offsets = [9], sizes = [1], strides = [1]} : vector<16xf32> to vector<1xf32>
          %squeeze3A_940 = vector.extract %slice3A_939[0] : f32 from vector<1xf32>
          %broadcast_in_dim3A_941 = vector.broadcast %squeeze3A_940 : f32 to vector<16xf32>
          %get3A_942 = arith.index_cast %add3A_938 : i32 to index
          %get3A_943 = arith.constant 0 : index
          %get3A_944 = tpu.vector_load %arg6[%get3A_942, %get3A_943] {strides = array<i32>} : memref<128x128xf32, #tpu.memory_space<vmem>>, vector<1x16xf32>,
          %get3A_945 = vector.shape_cast %get3A_944 : vector<1x16xf32> to vector<16xf32>
          %mul3A_946 = arith.mulf %get3A_945, %broadcast_in_dim3A_941 : vector<16xf32>
          %swap3A_947 = arith.index_cast %add3A_938 : i32 to index
          %swap3A_948 = arith.constant 0 : index
          %swap3A_949 = tpu.vector_load %arg6[%swap3A_947, %swap3A_948] {strides = array<i32>} : memref<128x128xf32, #tpu.memory_space<vmem>>, vector<1x16xf32>,
          %swap3A_950 = vector.shape_cast %swap3A_949 : vector<1x16xf32> to vector<16xf32>
          %swap3A_951 = vector.shape_cast %mul3A_946 : vector<16xf32> to vector<1x16xf32>
          tpu.vector_store %arg6[%swap3A_947, %swap3A_948], %swap3A_951 {strides = array<i32>} : memref<128x128xf32, #tpu.memory_space<vmem>>, vector<1x16xf32>,
          %get3A_952 = arith.index_cast %add3A_938 : i32 to index
          %get3A_953 = arith.constant 16 : index
          %get3A_954 = tpu.vector_load %arg6[%get3A_952, %get3A_953] {strides = array<i32>} : memref<128x128xf32, #tpu.memory_space<vmem>>, vector<1x16xf32>,
          %get3A_955 = vector.shape_cast %get3A_954 : vector<1x16xf32> to vector<16xf32>
          %mul3A_956 = arith.mulf %get3A_955, %broadcast_in_dim3A_941 : vector<16xf32>
          %swap3A_957 = arith.index_cast %add3A_938 : i32 to index
          %swap3A_958 = arith.constant 16 : index
          %swap3A_959 = tpu.vector_load %arg6[%swap3A_957, %swap3A_958] {strides = array<i32>} : memref<128x128xf32, #tpu.memory_space<vmem>>, vector<1x16xf32>,
          %swap3A_960 = vector.shape_cast %swap3A_959 : vector<1x16xf32> to vector<16xf32>
          %swap3A_961 = vector.shape_cast %mul3A_956 : vector<16xf32> to vector<1x16xf32>
          tpu.vector_store %arg6[%swap3A_957, %swap3A_958], %swap3A_961 {strides = array<i32>} : memref<128x128xf32, #tpu.memory_space<vmem>>, vector<1x16xf32>,
          %get3A_962 = arith.index_cast %add3A_938 : i32 to index
          %get3A_963 = arith.constant 32 : index
          %get3A_964 = tpu.vector_load %arg6[%get3A_962, %get3A_963] {strides = array<i32>} : memref<128x128xf32, #tpu.memory_space<vmem>>, vector<1x16xf32>,
          %get3A_965 = vector.shape_cast %get3A_964 : vector<1x16xf32> to vector<16xf32>
          %mul3A_966 = arith.mulf %get3A_965, %broadcast_in_dim3A_941 : vector<16xf32>
          %swap3A_967 = arith.index_cast %add3A_938 : i32 to index
          %swap3A_968 = arith.constant 32 : index
          %swap3A_969 = tpu.vector_load %arg6[%swap3A_967, %swap3A_968] {strides = array<i32>} : memref<128x128xf32, #tpu.memory_space<vmem>>, vector<1x16xf32>,
          %swap3A_970 = vector.shape_cast %swap3A_969 : vector<1x16xf32> to vector<16xf32>
          %swap3A_971 = vector.shape_cast %mul3A_966 : vector<16xf32> to vector<1x16xf32>
          tpu.vector_store %arg6[%swap3A_967, %swap3A_968], %swap3A_971 {strides = array<i32>} : memref<128x128xf32, #tpu.memory_space<vmem>>, vector<1x16xf32>,
          %get3A_972 = arith.index_cast %add3A_938 : i32 to index
          %get3A_973 = arith.constant 48 : index
          %get3A_974 = tpu.vector_load %arg6[%get3A_972, %get3A_973] {strides = array<i32>} : memref<128x128xf32, #tpu.memory_space<vmem>>, vector<1x16xf32>,
          %get3A_975 = vector.shape_cast %get3A_974 : vector<1x16xf32> to vector<16xf32>
          %mul3A_976 = arith.mulf %get3A_975, %broadcast_in_dim3A_941 : vector<16xf32>
          %swap3A_977 = arith.index_cast %add3A_938 : i32 to index
          %swap3A_978 = arith.constant 48 : index
          %swap3A_979 = tpu.vector_load %arg6[%swap3A_977, %swap3A_978] {strides = array<i32>} : memref<128x128xf32, #tpu.memory_space<vmem>>, vector<1x16xf32>,
          %swap3A_980 = vector.shape_cast %swap3A_979 : vector<1x16xf32> to vector<16xf32>
          %swap3A_981 = vector.shape_cast %mul3A_976 : vector<16xf32> to vector<1x16xf32>
          tpu.vector_store %arg6[%swap3A_977, %swap3A_978], %swap3A_981 {strides = array<i32>} : memref<128x128xf32, #tpu.memory_space<vmem>>, vector<1x16xf32>,
          %get3A_982 = arith.index_cast %add3A_938 : i32 to index
          %get3A_983 = arith.constant 64 : index
          %get3A_984 = tpu.vector_load %arg6[%get3A_982, %get3A_983] {strides = array<i32>} : memref<128x128xf32, #tpu.memory_space<vmem>>, vector<1x16xf32>,
          %get3A_985 = vector.shape_cast %get3A_984 : vector<1x16xf32> to vector<16xf32>
          %mul3A_986 = arith.mulf %get3A_985, %broadcast_in_dim3A_941 : vector<16xf32>
          %swap3A_987 = arith.index_cast %add3A_938 : i32 to index
          %swap3A_988 = arith.constant 64 : index
          %swap3A_989 = tpu.vector_load %arg6[%swap3A_987, %swap3A_988] {strides = array<i32>} : memref<128x128xf32, #tpu.memory_space<vmem>>, vector<1x16xf32>,
          %swap3A_990 = vector.shape_cast %swap3A_989 : vector<1x16xf32> to vector<16xf32>
          %swap3A_991 = vector.shape_cast %mul3A_986 : vector<16xf32> to vector<1x16xf32>
          tpu.vector_store %arg6[%swap3A_987, %swap3A_988], %swap3A_991 {strides = array<i32>} : memref<128x128xf32, #tpu.memory_space<vmem>>, vector<1x16xf32>,
          %get3A_992 = arith.index_cast %add3A_938 : i32 to index
          %get3A_993 = arith.constant 80 : index
          %get3A_994 = tpu.vector_load %arg6[%get3A_992, %get3A_993] {strides = array<i32>} : memref<128x128xf32, #tpu.memory_space<vmem>>, vector<1x16xf32>,
          %get3A_995 = vector.shape_cast %get3A_994 : vector<1x16xf32> to vector<16xf32>
          %mul3A_996 = arith.mulf %get3A_995, %broadcast_in_dim3A_941 : vector<16xf32>
          %swap3A_997 = arith.index_cast %add3A_938 : i32 to index
          %swap3A_998 = arith.constant 80 : index
          %swap3A_999 = tpu.vector_load %arg6[%swap3A_997, %swap3A_998] {strides = array<i32>} : memref<128x128xf32, #tpu.memory_space<vmem>>, vector<1x16xf32>,
          %swap3A_1000 = vector.shape_cast %swap3A_999 : vector<1x16xf32> to vector<16xf32>
          %swap3A_1001 = vector.shape_cast %mul3A_996 : vector<16xf32> to vector<1x16xf32>
          tpu.vector_store %arg6[%swap3A_997, %swap3A_998], %swap3A_1001 {strides = array<i32>} : memref<128x128xf32, #tpu.memory_space<vmem>>, vector<1x16xf32>,
          %get3A_1002 = arith.index_cast %add3A_938 : i32 to index
          %get3A_1003 = arith.constant 96 : index
          %get3A_1004 = tpu.vector_load %arg6[%get3A_1002, %get3A_1003] {strides = array<i32>} : memref<128x128xf32, #tpu.memory_space<vmem>>, vector<1x16xf32>,
          %get3A_1005 = vector.shape_cast %get3A_1004 : vector<1x16xf32> to vector<16xf32>
          %mul3A_1006 = arith.mulf %get3A_1005, %broadcast_in_dim3A_941 : vector<16xf32>
          %swap3A_1007 = arith.index_cast %add3A_938 : i32 to index
          %swap3A_1008 = arith.constant 96 : index
          %swap3A_1009 = tpu.vector_load %arg6[%swap3A_1007, %swap3A_1008] {strides = array<i32>} : memref<128x128xf32, #tpu.memory_space<vmem>>, vector<1x16xf32>,
          %swap3A_1010 = vector.shape_cast %swap3A_1009 : vector<1x16xf32> to vector<16xf32>
          %swap3A_1011 = vector.shape_cast %mul3A_1006 : vector<16xf32> to vector<1x16xf32>
          tpu.vector_store %arg6[%swap3A_1007, %swap3A_1008], %swap3A_1011 {strides = array<i32>} : memref<128x128xf32, #tpu.memory_space<vmem>>, vector<1x16xf32>,
          %get3A_1012 = arith.index_cast %add3A_938 : i32 to index
          %get3A_1013 = arith.constant 112 : index
          %get3A_1014 = tpu.vector_load %arg6[%get3A_1012, %get3A_1013] {strides = array<i32>} : memref<128x128xf32, #tpu.memory_space<vmem>>, vector<1x16xf32>,
          %get3A_1015 = vector.shape_cast %get3A_1014 : vector<1x16xf32> to vector<16xf32>
          %mul3A_1016 = arith.mulf %get3A_1015, %broadcast_in_dim3A_941 : vector<16xf32>
          %swap3A_1017 = arith.index_cast %add3A_938 : i32 to index
          %swap3A_1018 = arith.constant 112 : index
          %swap3A_1019 = tpu.vector_load %arg6[%swap3A_1017, %swap3A_1018] {strides = array<i32>} : memref<128x128xf32, #tpu.memory_space<vmem>>, vector<1x16xf32>,
          %swap3A_1020 = vector.shape_cast %swap3A_1019 : vector<1x16xf32> to vector<16xf32>
          %swap3A_1021 = vector.shape_cast %mul3A_1016 : vector<16xf32> to vector<1x16xf32>
          tpu.vector_store %arg6[%swap3A_1017, %swap3A_1018], %swap3A_1021 {strides = array<i32>} : memref<128x128xf32, #tpu.memory_space<vmem>>, vector<1x16xf32>,
          %mul3A_1022 = arith.constant 16 : i32
          %mul3A_1023 = arith.muli %scan3A_136, %mul3A_1022 : i32
          %add3A_1024 = arith.constant 10 : i32
          %add3A_1025 = arith.addi %mul3A_1023, %add3A_1024 : i32
          %slice3A_1026 = vector.extract_strided_slice %bitcast_convert_type3A {offsets = [10], sizes = [1], strides = [1]} : vector<16xf32> to vector<1xf32>
          %squeeze3A_1027 = vector.extract %slice3A_1026[0] : f32 from vector<1xf32>
          %broadcast_in_dim3A_1028 = vector.broadcast %squeeze3A_1027 : f32 to vector<16xf32>
          %get3A_1029 = arith.index_cast %add3A_1025 : i32 to index
          %get3A_1030 = arith.constant 0 : index
          %get3A_1031 = tpu.vector_load %arg6[%get3A_1029, %get3A_1030] {strides = array<i32>} : memref<128x128xf32, #tpu.memory_space<vmem>>, vector<1x16xf32>,
          %get3A_1032 = vector.shape_cast %get3A_1031 : vector<1x16xf32> to vector<16xf32>
          %mul3A_1033 = arith.mulf %get3A_1032, %broadcast_in_dim3A_1028 : vector<16xf32>
          %swap3A_1034 = arith.index_cast %add3A_1025 : i32 to index
          %swap3A_1035 = arith.constant 0 : index
          %swap3A_1036 = tpu.vector_load %arg6[%swap3A_1034, %swap3A_1035] {strides = array<i32>} : memref<128x128xf32, #tpu.memory_space<vmem>>, vector<1x16xf32>,
          %swap3A_1037 = vector.shape_cast %swap3A_1036 : vector<1x16xf32> to vector<16xf32>
          %swap3A_1038 = vector.shape_cast %mul3A_1033 : vector<16xf32> to vector<1x16xf32>
          tpu.vector_store %arg6[%swap3A_1034, %swap3A_1035], %swap3A_1038 {strides = array<i32>} : memref<128x128xf32, #tpu.memory_space<vmem>>, vector<1x16xf32>,
          %get3A_1039 = arith.index_cast %add3A_1025 : i32 to index
          %get3A_1040 = arith.constant 16 : index
          %get3A_1041 = tpu.vector_load %arg6[%get3A_1039, %get3A_1040] {strides = array<i32>} : memref<128x128xf32, #tpu.memory_space<vmem>>, vector<1x16xf32>,
          %get3A_1042 = vector.shape_cast %get3A_1041 : vector<1x16xf32> to vector<16xf32>
          %mul3A_1043 = arith.mulf %get3A_1042, %broadcast_in_dim3A_1028 : vector<16xf32>
          %swap3A_1044 = arith.index_cast %add3A_1025 : i32 to index
          %swap3A_1045 = arith.constant 16 : index
          %swap3A_1046 = tpu.vector_load %arg6[%swap3A_1044, %swap3A_1045] {strides = array<i32>} : memref<128x128xf32, #tpu.memory_space<vmem>>, vector<1x16xf32>,
          %swap3A_1047 = vector.shape_cast %swap3A_1046 : vector<1x16xf32> to vector<16xf32>
          %swap3A_1048 = vector.shape_cast %mul3A_1043 : vector<16xf32> to vector<1x16xf32>
          tpu.vector_store %arg6[%swap3A_1044, %swap3A_1045], %swap3A_1048 {strides = array<i32>} : memref<128x128xf32, #tpu.memory_space<vmem>>, vector<1x16xf32>,
          %get3A_1049 = arith.index_cast %add3A_1025 : i32 to index
          %get3A_1050 = arith.constant 32 : index
          %get3A_1051 = tpu.vector_load %arg6[%get3A_1049, %get3A_1050] {strides = array<i32>} : memref<128x128xf32, #tpu.memory_space<vmem>>, vector<1x16xf32>,
          %get3A_1052 = vector.shape_cast %get3A_1051 : vector<1x16xf32> to vector<16xf32>
          %mul3A_1053 = arith.mulf %get3A_1052, %broadcast_in_dim3A_1028 : vector<16xf32>
          %swap3A_1054 = arith.index_cast %add3A_1025 : i32 to index
          %swap3A_1055 = arith.constant 32 : index
          %swap3A_1056 = tpu.vector_load %arg6[%swap3A_1054, %swap3A_1055] {strides = array<i32>} : memref<128x128xf32, #tpu.memory_space<vmem>>, vector<1x16xf32>,
          %swap3A_1057 = vector.shape_cast %swap3A_1056 : vector<1x16xf32> to vector<16xf32>
          %swap3A_1058 = vector.shape_cast %mul3A_1053 : vector<16xf32> to vector<1x16xf32>
          tpu.vector_store %arg6[%swap3A_1054, %swap3A_1055], %swap3A_1058 {strides = array<i32>} : memref<128x128xf32, #tpu.memory_space<vmem>>, vector<1x16xf32>,
          %get3A_1059 = arith.index_cast %add3A_1025 : i32 to index
          %get3A_1060 = arith.constant 48 : index
          %get3A_1061 = tpu.vector_load %arg6[%get3A_1059, %get3A_1060] {strides = array<i32>} : memref<128x128xf32, #tpu.memory_space<vmem>>, vector<1x16xf32>,
          %get3A_1062 = vector.shape_cast %get3A_1061 : vector<1x16xf32> to vector<16xf32>
          %mul3A_1063 = arith.mulf %get3A_1062, %broadcast_in_dim3A_1028 : vector<16xf32>
          %swap3A_1064 = arith.index_cast %add3A_1025 : i32 to index
          %swap3A_1065 = arith.constant 48 : index
          %swap3A_1066 = tpu.vector_load %arg6[%swap3A_1064, %swap3A_1065] {strides = array<i32>} : memref<128x128xf32, #tpu.memory_space<vmem>>, vector<1x16xf32>,
          %swap3A_1067 = vector.shape_cast %swap3A_1066 : vector<1x16xf32> to vector<16xf32>
          %swap3A_1068 = vector.shape_cast %mul3A_1063 : vector<16xf32> to vector<1x16xf32>
          tpu.vector_store %arg6[%swap3A_1064, %swap3A_1065], %swap3A_1068 {strides = array<i32>} : memref<128x128xf32, #tpu.memory_space<vmem>>, vector<1x16xf32>,
          %get3A_1069 = arith.index_cast %add3A_1025 : i32 to index
          %get3A_1070 = arith.constant 64 : index
          %get3A_1071 = tpu.vector_load %arg6[%get3A_1069, %get3A_1070] {strides = array<i32>} : memref<128x128xf32, #tpu.memory_space<vmem>>, vector<1x16xf32>,
          %get3A_1072 = vector.shape_cast %get3A_1071 : vector<1x16xf32> to vector<16xf32>
          %mul3A_1073 = arith.mulf %get3A_1072, %broadcast_in_dim3A_1028 : vector<16xf32>
          %swap3A_1074 = arith.index_cast %add3A_1025 : i32 to index
          %swap3A_1075 = arith.constant 64 : index
          %swap3A_1076 = tpu.vector_load %arg6[%swap3A_1074, %swap3A_1075] {strides = array<i32>} : memref<128x128xf32, #tpu.memory_space<vmem>>, vector<1x16xf32>,
          %swap3A_1077 = vector.shape_cast %swap3A_1076 : vector<1x16xf32> to vector<16xf32>
          %swap3A_1078 = vector.shape_cast %mul3A_1073 : vector<16xf32> to vector<1x16xf32>
          tpu.vector_store %arg6[%swap3A_1074, %swap3A_1075], %swap3A_1078 {strides = array<i32>} : memref<128x128xf32, #tpu.memory_space<vmem>>, vector<1x16xf32>,
          %get3A_1079 = arith.index_cast %add3A_1025 : i32 to index
          %get3A_1080 = arith.constant 80 : index
          %get3A_1081 = tpu.vector_load %arg6[%get3A_1079, %get3A_1080] {strides = array<i32>} : memref<128x128xf32, #tpu.memory_space<vmem>>, vector<1x16xf32>,
          %get3A_1082 = vector.shape_cast %get3A_1081 : vector<1x16xf32> to vector<16xf32>
          %mul3A_1083 = arith.mulf %get3A_1082, %broadcast_in_dim3A_1028 : vector<16xf32>
          %swap3A_1084 = arith.index_cast %add3A_1025 : i32 to index
          %swap3A_1085 = arith.constant 80 : index
          %swap3A_1086 = tpu.vector_load %arg6[%swap3A_1084, %swap3A_1085] {strides = array<i32>} : memref<128x128xf32, #tpu.memory_space<vmem>>, vector<1x16xf32>,
          %swap3A_1087 = vector.shape_cast %swap3A_1086 : vector<1x16xf32> to vector<16xf32>
          %swap3A_1088 = vector.shape_cast %mul3A_1083 : vector<16xf32> to vector<1x16xf32>
          tpu.vector_store %arg6[%swap3A_1084, %swap3A_1085], %swap3A_1088 {strides = array<i32>} : memref<128x128xf32, #tpu.memory_space<vmem>>, vector<1x16xf32>,
          %get3A_1089 = arith.index_cast %add3A_1025 : i32 to index
          %get3A_1090 = arith.constant 96 : index
          %get3A_1091 = tpu.vector_load %arg6[%get3A_1089, %get3A_1090] {strides = array<i32>} : memref<128x128xf32, #tpu.memory_space<vmem>>, vector<1x16xf32>,
          %get3A_1092 = vector.shape_cast %get3A_1091 : vector<1x16xf32> to vector<16xf32>
          %mul3A_1093 = arith.mulf %get3A_1092, %broadcast_in_dim3A_1028 : vector<16xf32>
          %swap3A_1094 = arith.index_cast %add3A_1025 : i32 to index
          %swap3A_1095 = arith.constant 96 : index
          %swap3A_1096 = tpu.vector_load %arg6[%swap3A_1094, %swap3A_1095] {strides = array<i32>} : memref<128x128xf32, #tpu.memory_space<vmem>>, vector<1x16xf32>,
          %swap3A_1097 = vector.shape_cast %swap3A_1096 : vector<1x16xf32> to vector<16xf32>
          %swap3A_1098 = vector.shape_cast %mul3A_1093 : vector<16xf32> to vector<1x16xf32>
          tpu.vector_store %arg6[%swap3A_1094, %swap3A_1095], %swap3A_1098 {strides = array<i32>} : memref<128x128xf32, #tpu.memory_space<vmem>>, vector<1x16xf32>,
          %get3A_1099 = arith.index_cast %add3A_1025 : i32 to index
          %get3A_1100 = arith.constant 112 : index
          %get3A_1101 = tpu.vector_load %arg6[%get3A_1099, %get3A_1100] {strides = array<i32>} : memref<128x128xf32, #tpu.memory_space<vmem>>, vector<1x16xf32>,
          %get3A_1102 = vector.shape_cast %get3A_1101 : vector<1x16xf32> to vector<16xf32>
          %mul3A_1103 = arith.mulf %get3A_1102, %broadcast_in_dim3A_1028 : vector<16xf32>
          %swap3A_1104 = arith.index_cast %add3A_1025 : i32 to index
          %swap3A_1105 = arith.constant 112 : index
          %swap3A_1106 = tpu.vector_load %arg6[%swap3A_1104, %swap3A_1105] {strides = array<i32>} : memref<128x128xf32, #tpu.memory_space<vmem>>, vector<1x16xf32>,
          %swap3A_1107 = vector.shape_cast %swap3A_1106 : vector<1x16xf32> to vector<16xf32>
          %swap3A_1108 = vector.shape_cast %mul3A_1103 : vector<16xf32> to vector<1x16xf32>
          tpu.vector_store %arg6[%swap3A_1104, %swap3A_1105], %swap3A_1108 {strides = array<i32>} : memref<128x128xf32, #tpu.memory_space<vmem>>, vector<1x16xf32>,
          %mul3A_1109 = arith.constant 16 : i32
          %mul3A_1110 = arith.muli %scan3A_136, %mul3A_1109 : i32
          %add3A_1111 = arith.constant 11 : i32
          %add3A_1112 = arith.addi %mul3A_1110, %add3A_1111 : i32
          %slice3A_1113 = vector.extract_strided_slice %bitcast_convert_type3A {offsets = [11], sizes = [1], strides = [1]} : vector<16xf32> to vector<1xf32>
          %squeeze3A_1114 = vector.extract %slice3A_1113[0] : f32 from vector<1xf32>
          %broadcast_in_dim3A_1115 = vector.broadcast %squeeze3A_1114 : f32 to vector<16xf32>
          %get3A_1116 = arith.index_cast %add3A_1112 : i32 to index
          %get3A_1117 = arith.constant 0 : index
          %get3A_1118 = tpu.vector_load %arg6[%get3A_1116, %get3A_1117] {strides = array<i32>} : memref<128x128xf32, #tpu.memory_space<vmem>>, vector<1x16xf32>,
          %get3A_1119 = vector.shape_cast %get3A_1118 : vector<1x16xf32> to vector<16xf32>
          %mul3A_1120 = arith.mulf %get3A_1119, %broadcast_in_dim3A_1115 : vector<16xf32>
          %swap3A_1121 = arith.index_cast %add3A_1112 : i32 to index
          %swap3A_1122 = arith.constant 0 : index
          %swap3A_1123 = tpu.vector_load %arg6[%swap3A_1121, %swap3A_1122] {strides = array<i32>} : memref<128x128xf32, #tpu.memory_space<vmem>>, vector<1x16xf32>,
          %swap3A_1124 = vector.shape_cast %swap3A_1123 : vector<1x16xf32> to vector<16xf32>
          %swap3A_1125 = vector.shape_cast %mul3A_1120 : vector<16xf32> to vector<1x16xf32>
          tpu.vector_store %arg6[%swap3A_1121, %swap3A_1122], %swap3A_1125 {strides = array<i32>} : memref<128x128xf32, #tpu.memory_space<vmem>>, vector<1x16xf32>,
          %get3A_1126 = arith.index_cast %add3A_1112 : i32 to index
          %get3A_1127 = arith.constant 16 : index
          %get3A_1128 = tpu.vector_load %arg6[%get3A_1126, %get3A_1127] {strides = array<i32>} : memref<128x128xf32, #tpu.memory_space<vmem>>, vector<1x16xf32>,
          %get3A_1129 = vector.shape_cast %get3A_1128 : vector<1x16xf32> to vector<16xf32>
          %mul3A_1130 = arith.mulf %get3A_1129, %broadcast_in_dim3A_1115 : vector<16xf32>
          %swap3A_1131 = arith.index_cast %add3A_1112 : i32 to index
          %swap3A_1132 = arith.constant 16 : index
          %swap3A_1133 = tpu.vector_load %arg6[%swap3A_1131, %swap3A_1132] {strides = array<i32>} : memref<128x128xf32, #tpu.memory_space<vmem>>, vector<1x16xf32>,
          %swap3A_1134 = vector.shape_cast %swap3A_1133 : vector<1x16xf32> to vector<16xf32>
          %swap3A_1135 = vector.shape_cast %mul3A_1130 : vector<16xf32> to vector<1x16xf32>
          tpu.vector_store %arg6[%swap3A_1131, %swap3A_1132], %swap3A_1135 {strides = array<i32>} : memref<128x128xf32, #tpu.memory_space<vmem>>, vector<1x16xf32>,
          %get3A_1136 = arith.index_cast %add3A_1112 : i32 to index
          %get3A_1137 = arith.constant 32 : index
          %get3A_1138 = tpu.vector_load %arg6[%get3A_1136, %get3A_1137] {strides = array<i32>} : memref<128x128xf32, #tpu.memory_space<vmem>>, vector<1x16xf32>,
          %get3A_1139 = vector.shape_cast %get3A_1138 : vector<1x16xf32> to vector<16xf32>
          %mul3A_1140 = arith.mulf %get3A_1139, %broadcast_in_dim3A_1115 : vector<16xf32>
          %swap3A_1141 = arith.index_cast %add3A_1112 : i32 to index
          %swap3A_1142 = arith.constant 32 : index
          %swap3A_1143 = tpu.vector_load %arg6[%swap3A_1141, %swap3A_1142] {strides = array<i32>} : memref<128x128xf32, #tpu.memory_space<vmem>>, vector<1x16xf32>,
          %swap3A_1144 = vector.shape_cast %swap3A_1143 : vector<1x16xf32> to vector<16xf32>
          %swap3A_1145 = vector.shape_cast %mul3A_1140 : vector<16xf32> to vector<1x16xf32>
          tpu.vector_store %arg6[%swap3A_1141, %swap3A_1142], %swap3A_1145 {strides = array<i32>} : memref<128x128xf32, #tpu.memory_space<vmem>>, vector<1x16xf32>,
          %get3A_1146 = arith.index_cast %add3A_1112 : i32 to index
          %get3A_1147 = arith.constant 48 : index
          %get3A_1148 = tpu.vector_load %arg6[%get3A_1146, %get3A_1147] {strides = array<i32>} : memref<128x128xf32, #tpu.memory_space<vmem>>, vector<1x16xf32>,
          %get3A_1149 = vector.shape_cast %get3A_1148 : vector<1x16xf32> to vector<16xf32>
          %mul3A_1150 = arith.mulf %get3A_1149, %broadcast_in_dim3A_1115 : vector<16xf32>
          %swap3A_1151 = arith.index_cast %add3A_1112 : i32 to index
          %swap3A_1152 = arith.constant 48 : index
          %swap3A_1153 = tpu.vector_load %arg6[%swap3A_1151, %swap3A_1152] {strides = array<i32>} : memref<128x128xf32, #tpu.memory_space<vmem>>, vector<1x16xf32>,
          %swap3A_1154 = vector.shape_cast %swap3A_1153 : vector<1x16xf32> to vector<16xf32>
          %swap3A_1155 = vector.shape_cast %mul3A_1150 : vector<16xf32> to vector<1x16xf32>
          tpu.vector_store %arg6[%swap3A_1151, %swap3A_1152], %swap3A_1155 {strides = array<i32>} : memref<128x128xf32, #tpu.memory_space<vmem>>, vector<1x16xf32>,
          %get3A_1156 = arith.index_cast %add3A_1112 : i32 to index
          %get3A_1157 = arith.constant 64 : index
          %get3A_1158 = tpu.vector_load %arg6[%get3A_1156, %get3A_1157] {strides = array<i32>} : memref<128x128xf32, #tpu.memory_space<vmem>>, vector<1x16xf32>,
          %get3A_1159 = vector.shape_cast %get3A_1158 : vector<1x16xf32> to vector<16xf32>
          %mul3A_1160 = arith.mulf %get3A_1159, %broadcast_in_dim3A_1115 : vector<16xf32>
          %swap3A_1161 = arith.index_cast %add3A_1112 : i32 to index
          %swap3A_1162 = arith.constant 64 : index
          %swap3A_1163 = tpu.vector_load %arg6[%swap3A_1161, %swap3A_1162] {strides = array<i32>} : memref<128x128xf32, #tpu.memory_space<vmem>>, vector<1x16xf32>,
          %swap3A_1164 = vector.shape_cast %swap3A_1163 : vector<1x16xf32> to vector<16xf32>
          %swap3A_1165 = vector.shape_cast %mul3A_1160 : vector<16xf32> to vector<1x16xf32>
          tpu.vector_store %arg6[%swap3A_1161, %swap3A_1162], %swap3A_1165 {strides = array<i32>} : memref<128x128xf32, #tpu.memory_space<vmem>>, vector<1x16xf32>,
          %get3A_1166 = arith.index_cast %add3A_1112 : i32 to index
          %get3A_1167 = arith.constant 80 : index
          %get3A_1168 = tpu.vector_load %arg6[%get3A_1166, %get3A_1167] {strides = array<i32>} : memref<128x128xf32, #tpu.memory_space<vmem>>, vector<1x16xf32>,
          %get3A_1169 = vector.shape_cast %get3A_1168 : vector<1x16xf32> to vector<16xf32>
          %mul3A_1170 = arith.mulf %get3A_1169, %broadcast_in_dim3A_1115 : vector<16xf32>
          %swap3A_1171 = arith.index_cast %add3A_1112 : i32 to index
          %swap3A_1172 = arith.constant 80 : index
          %swap3A_1173 = tpu.vector_load %arg6[%swap3A_1171, %swap3A_1172] {strides = array<i32>} : memref<128x128xf32, #tpu.memory_space<vmem>>, vector<1x16xf32>,
          %swap3A_1174 = vector.shape_cast %swap3A_1173 : vector<1x16xf32> to vector<16xf32>
          %swap3A_1175 = vector.shape_cast %mul3A_1170 : vector<16xf32> to vector<1x16xf32>
          tpu.vector_store %arg6[%swap3A_1171, %swap3A_1172], %swap3A_1175 {strides = array<i32>} : memref<128x128xf32, #tpu.memory_space<vmem>>, vector<1x16xf32>,
          %get3A_1176 = arith.index_cast %add3A_1112 : i32 to index
          %get3A_1177 = arith.constant 96 : index
          %get3A_1178 = tpu.vector_load %arg6[%get3A_1176, %get3A_1177] {strides = array<i32>} : memref<128x128xf32, #tpu.memory_space<vmem>>, vector<1x16xf32>,
          %get3A_1179 = vector.shape_cast %get3A_1178 : vector<1x16xf32> to vector<16xf32>
          %mul3A_1180 = arith.mulf %get3A_1179, %broadcast_in_dim3A_1115 : vector<16xf32>
          %swap3A_1181 = arith.index_cast %add3A_1112 : i32 to index
          %swap3A_1182 = arith.constant 96 : index
          %swap3A_1183 = tpu.vector_load %arg6[%swap3A_1181, %swap3A_1182] {strides = array<i32>} : memref<128x128xf32, #tpu.memory_space<vmem>>, vector<1x16xf32>,
          %swap3A_1184 = vector.shape_cast %swap3A_1183 : vector<1x16xf32> to vector<16xf32>
          %swap3A_1185 = vector.shape_cast %mul3A_1180 : vector<16xf32> to vector<1x16xf32>
          tpu.vector_store %arg6[%swap3A_1181, %swap3A_1182], %swap3A_1185 {strides = array<i32>} : memref<128x128xf32, #tpu.memory_space<vmem>>, vector<1x16xf32>,
          %get3A_1186 = arith.index_cast %add3A_1112 : i32 to index
          %get3A_1187 = arith.constant 112 : index
          %get3A_1188 = tpu.vector_load %arg6[%get3A_1186, %get3A_1187] {strides = array<i32>} : memref<128x128xf32, #tpu.memory_space<vmem>>, vector<1x16xf32>,
          %get3A_1189 = vector.shape_cast %get3A_1188 : vector<1x16xf32> to vector<16xf32>
          %mul3A_1190 = arith.mulf %get3A_1189, %broadcast_in_dim3A_1115 : vector<16xf32>
          %swap3A_1191 = arith.index_cast %add3A_1112 : i32 to index
          %swap3A_1192 = arith.constant 112 : index
          %swap3A_1193 = tpu.vector_load %arg6[%swap3A_1191, %swap3A_1192] {strides = array<i32>} : memref<128x128xf32, #tpu.memory_space<vmem>>, vector<1x16xf32>,
          %swap3A_1194 = vector.shape_cast %swap3A_1193 : vector<1x16xf32> to vector<16xf32>
          %swap3A_1195 = vector.shape_cast %mul3A_1190 : vector<16xf32> to vector<1x16xf32>
          tpu.vector_store %arg6[%swap3A_1191, %swap3A_1192], %swap3A_1195 {strides = array<i32>} : memref<128x128xf32, #tpu.memory_space<vmem>>, vector<1x16xf32>,
          %mul3A_1196 = arith.constant 16 : i32
          %mul3A_1197 = arith.muli %scan3A_136, %mul3A_1196 : i32
          %add3A_1198 = arith.constant 12 : i32
          %add3A_1199 = arith.addi %mul3A_1197, %add3A_1198 : i32
          %slice3A_1200 = vector.extract_strided_slice %bitcast_convert_type3A {offsets = [12], sizes = [1], strides = [1]} : vector<16xf32> to vector<1xf32>
          %squeeze3A_1201 = vector.extract %slice3A_1200[0] : f32 from vector<1xf32>
          %broadcast_in_dim3A_1202 = vector.broadcast %squeeze3A_1201 : f32 to vector<16xf32>
          %get3A_1203 = arith.index_cast %add3A_1199 : i32 to index
          %get3A_1204 = arith.constant 0 : index
          %get3A_1205 = tpu.vector_load %arg6[%get3A_1203, %get3A_1204] {strides = array<i32>} : memref<128x128xf32, #tpu.memory_space<vmem>>, vector<1x16xf32>,
          %get3A_1206 = vector.shape_cast %get3A_1205 : vector<1x16xf32> to vector<16xf32>
          %mul3A_1207 = arith.mulf %get3A_1206, %broadcast_in_dim3A_1202 : vector<16xf32>
          %swap3A_1208 = arith.index_cast %add3A_1199 : i32 to index
          %swap3A_1209 = arith.constant 0 : index
          %swap3A_1210 = tpu.vector_load %arg6[%swap3A_1208, %swap3A_1209] {strides = array<i32>} : memref<128x128xf32, #tpu.memory_space<vmem>>, vector<1x16xf32>,
          %swap3A_1211 = vector.shape_cast %swap3A_1210 : vector<1x16xf32> to vector<16xf32>
          %swap3A_1212 = vector.shape_cast %mul3A_1207 : vector<16xf32> to vector<1x16xf32>
          tpu.vector_store %arg6[%swap3A_1208, %swap3A_1209], %swap3A_1212 {strides = array<i32>} : memref<128x128xf32, #tpu.memory_space<vmem>>, vector<1x16xf32>,
          %get3A_1213 = arith.index_cast %add3A_1199 : i32 to index
          %get3A_1214 = arith.constant 16 : index
          %get3A_1215 = tpu.vector_load %arg6[%get3A_1213, %get3A_1214] {strides = array<i32>} : memref<128x128xf32, #tpu.memory_space<vmem>>, vector<1x16xf32>,
          %get3A_1216 = vector.shape_cast %get3A_1215 : vector<1x16xf32> to vector<16xf32>
          %mul3A_1217 = arith.mulf %get3A_1216, %broadcast_in_dim3A_1202 : vector<16xf32>
          %swap3A_1218 = arith.index_cast %add3A_1199 : i32 to index
          %swap3A_1219 = arith.constant 16 : index
          %swap3A_1220 = tpu.vector_load %arg6[%swap3A_1218, %swap3A_1219] {strides = array<i32>} : memref<128x128xf32, #tpu.memory_space<vmem>>, vector<1x16xf32>,
          %swap3A_1221 = vector.shape_cast %swap3A_1220 : vector<1x16xf32> to vector<16xf32>
          %swap3A_1222 = vector.shape_cast %mul3A_1217 : vector<16xf32> to vector<1x16xf32>
          tpu.vector_store %arg6[%swap3A_1218, %swap3A_1219], %swap3A_1222 {strides = array<i32>} : memref<128x128xf32, #tpu.memory_space<vmem>>, vector<1x16xf32>,
          %get3A_1223 = arith.index_cast %add3A_1199 : i32 to index
          %get3A_1224 = arith.constant 32 : index
          %get3A_1225 = tpu.vector_load %arg6[%get3A_1223, %get3A_1224] {strides = array<i32>} : memref<128x128xf32, #tpu.memory_space<vmem>>, vector<1x16xf32>,
          %get3A_1226 = vector.shape_cast %get3A_1225 : vector<1x16xf32> to vector<16xf32>
          %mul3A_1227 = arith.mulf %get3A_1226, %broadcast_in_dim3A_1202 : vector<16xf32>
          %swap3A_1228 = arith.index_cast %add3A_1199 : i32 to index
          %swap3A_1229 = arith.constant 32 : index
          %swap3A_1230 = tpu.vector_load %arg6[%swap3A_1228, %swap3A_1229] {strides = array<i32>} : memref<128x128xf32, #tpu.memory_space<vmem>>, vector<1x16xf32>,
          %swap3A_1231 = vector.shape_cast %swap3A_1230 : vector<1x16xf32> to vector<16xf32>
          %swap3A_1232 = vector.shape_cast %mul3A_1227 : vector<16xf32> to vector<1x16xf32>
          tpu.vector_store %arg6[%swap3A_1228, %swap3A_1229], %swap3A_1232 {strides = array<i32>} : memref<128x128xf32, #tpu.memory_space<vmem>>, vector<1x16xf32>,
          %get3A_1233 = arith.index_cast %add3A_1199 : i32 to index
          %get3A_1234 = arith.constant 48 : index
          %get3A_1235 = tpu.vector_load %arg6[%get3A_1233, %get3A_1234] {strides = array<i32>} : memref<128x128xf32, #tpu.memory_space<vmem>>, vector<1x16xf32>,
          %get3A_1236 = vector.shape_cast %get3A_1235 : vector<1x16xf32> to vector<16xf32>
          %mul3A_1237 = arith.mulf %get3A_1236, %broadcast_in_dim3A_1202 : vector<16xf32>
          %swap3A_1238 = arith.index_cast %add3A_1199 : i32 to index
          %swap3A_1239 = arith.constant 48 : index
          %swap3A_1240 = tpu.vector_load %arg6[%swap3A_1238, %swap3A_1239] {strides = array<i32>} : memref<128x128xf32, #tpu.memory_space<vmem>>, vector<1x16xf32>,
          %swap3A_1241 = vector.shape_cast %swap3A_1240 : vector<1x16xf32> to vector<16xf32>
          %swap3A_1242 = vector.shape_cast %mul3A_1237 : vector<16xf32> to vector<1x16xf32>
          tpu.vector_store %arg6[%swap3A_1238, %swap3A_1239], %swap3A_1242 {strides = array<i32>} : memref<128x128xf32, #tpu.memory_space<vmem>>, vector<1x16xf32>,
          %get3A_1243 = arith.index_cast %add3A_1199 : i32 to index
          %get3A_1244 = arith.constant 64 : index
          %get3A_1245 = tpu.vector_load %arg6[%get3A_1243, %get3A_1244] {strides = array<i32>} : memref<128x128xf32, #tpu.memory_space<vmem>>, vector<1x16xf32>,
          %get3A_1246 = vector.shape_cast %get3A_1245 : vector<1x16xf32> to vector<16xf32>
          %mul3A_1247 = arith.mulf %get3A_1246, %broadcast_in_dim3A_1202 : vector<16xf32>
          %swap3A_1248 = arith.index_cast %add3A_1199 : i32 to index
          %swap3A_1249 = arith.constant 64 : index
          %swap3A_1250 = tpu.vector_load %arg6[%swap3A_1248, %swap3A_1249] {strides = array<i32>} : memref<128x128xf32, #tpu.memory_space<vmem>>, vector<1x16xf32>,
          %swap3A_1251 = vector.shape_cast %swap3A_1250 : vector<1x16xf32> to vector<16xf32>
          %swap3A_1252 = vector.shape_cast %mul3A_1247 : vector<16xf32> to vector<1x16xf32>
          tpu.vector_store %arg6[%swap3A_1248, %swap3A_1249], %swap3A_1252 {strides = array<i32>} : memref<128x128xf32, #tpu.memory_space<vmem>>, vector<1x16xf32>,
          %get3A_1253 = arith.index_cast %add3A_1199 : i32 to index
          %get3A_1254 = arith.constant 80 : index
          %get3A_1255 = tpu.vector_load %arg6[%get3A_1253, %get3A_1254] {strides = array<i32>} : memref<128x128xf32, #tpu.memory_space<vmem>>, vector<1x16xf32>,
          %get3A_1256 = vector.shape_cast %get3A_1255 : vector<1x16xf32> to vector<16xf32>
          %mul3A_1257 = arith.mulf %get3A_1256, %broadcast_in_dim3A_1202 : vector<16xf32>
          %swap3A_1258 = arith.index_cast %add3A_1199 : i32 to index
          %swap3A_1259 = arith.constant 80 : index
          %swap3A_1260 = tpu.vector_load %arg6[%swap3A_1258, %swap3A_1259] {strides = array<i32>} : memref<128x128xf32, #tpu.memory_space<vmem>>, vector<1x16xf32>,
          %swap3A_1261 = vector.shape_cast %swap3A_1260 : vector<1x16xf32> to vector<16xf32>
          %swap3A_1262 = vector.shape_cast %mul3A_1257 : vector<16xf32> to vector<1x16xf32>
          tpu.vector_store %arg6[%swap3A_1258, %swap3A_1259], %swap3A_1262 {strides = array<i32>} : memref<128x128xf32, #tpu.memory_space<vmem>>, vector<1x16xf32>,
          %get3A_1263 = arith.index_cast %add3A_1199 : i32 to index
          %get3A_1264 = arith.constant 96 : index
          %get3A_1265 = tpu.vector_load %arg6[%get3A_1263, %get3A_1264] {strides = array<i32>} : memref<128x128xf32, #tpu.memory_space<vmem>>, vector<1x16xf32>,
          %get3A_1266 = vector.shape_cast %get3A_1265 : vector<1x16xf32> to vector<16xf32>
          %mul3A_1267 = arith.mulf %get3A_1266, %broadcast_in_dim3A_1202 : vector<16xf32>
          %swap3A_1268 = arith.index_cast %add3A_1199 : i32 to index
          %swap3A_1269 = arith.constant 96 : index
          %swap3A_1270 = tpu.vector_load %arg6[%swap3A_1268, %swap3A_1269] {strides = array<i32>} : memref<128x128xf32, #tpu.memory_space<vmem>>, vector<1x16xf32>,
          %swap3A_1271 = vector.shape_cast %swap3A_1270 : vector<1x16xf32> to vector<16xf32>
          %swap3A_1272 = vector.shape_cast %mul3A_1267 : vector<16xf32> to vector<1x16xf32>
          tpu.vector_store %arg6[%swap3A_1268, %swap3A_1269], %swap3A_1272 {strides = array<i32>} : memref<128x128xf32, #tpu.memory_space<vmem>>, vector<1x16xf32>,
          %get3A_1273 = arith.index_cast %add3A_1199 : i32 to index
          %get3A_1274 = arith.constant 112 : index
          %get3A_1275 = tpu.vector_load %arg6[%get3A_1273, %get3A_1274] {strides = array<i32>} : memref<128x128xf32, #tpu.memory_space<vmem>>, vector<1x16xf32>,
          %get3A_1276 = vector.shape_cast %get3A_1275 : vector<1x16xf32> to vector<16xf32>
          %mul3A_1277 = arith.mulf %get3A_1276, %broadcast_in_dim3A_1202 : vector<16xf32>
          %swap3A_1278 = arith.index_cast %add3A_1199 : i32 to index
          %swap3A_1279 = arith.constant 112 : index
          %swap3A_1280 = tpu.vector_load %arg6[%swap3A_1278, %swap3A_1279] {strides = array<i32>} : memref<128x128xf32, #tpu.memory_space<vmem>>, vector<1x16xf32>,
          %swap3A_1281 = vector.shape_cast %swap3A_1280 : vector<1x16xf32> to vector<16xf32>
          %swap3A_1282 = vector.shape_cast %mul3A_1277 : vector<16xf32> to vector<1x16xf32>
          tpu.vector_store %arg6[%swap3A_1278, %swap3A_1279], %swap3A_1282 {strides = array<i32>} : memref<128x128xf32, #tpu.memory_space<vmem>>, vector<1x16xf32>,
          %mul3A_1283 = arith.constant 16 : i32
          %mul3A_1284 = arith.muli %scan3A_136, %mul3A_1283 : i32
          %add3A_1285 = arith.constant 13 : i32
          %add3A_1286 = arith.addi %mul3A_1284, %add3A_1285 : i32
          %slice3A_1287 = vector.extract_strided_slice %bitcast_convert_type3A {offsets = [13], sizes = [1], strides = [1]} : vector<16xf32> to vector<1xf32>
          %squeeze3A_1288 = vector.extract %slice3A_1287[0] : f32 from vector<1xf32>
          %broadcast_in_dim3A_1289 = vector.broadcast %squeeze3A_1288 : f32 to vector<16xf32>
          %get3A_1290 = arith.index_cast %add3A_1286 : i32 to index
          %get3A_1291 = arith.constant 0 : index
          %get3A_1292 = tpu.vector_load %arg6[%get3A_1290, %get3A_1291] {strides = array<i32>} : memref<128x128xf32, #tpu.memory_space<vmem>>, vector<1x16xf32>,
          %get3A_1293 = vector.shape_cast %get3A_1292 : vector<1x16xf32> to vector<16xf32>
          %mul3A_1294 = arith.mulf %get3A_1293, %broadcast_in_dim3A_1289 : vector<16xf32>
          %swap3A_1295 = arith.index_cast %add3A_1286 : i32 to index
          %swap3A_1296 = arith.constant 0 : index
          %swap3A_1297 = tpu.vector_load %arg6[%swap3A_1295, %swap3A_1296] {strides = array<i32>} : memref<128x128xf32, #tpu.memory_space<vmem>>, vector<1x16xf32>,
          %swap3A_1298 = vector.shape_cast %swap3A_1297 : vector<1x16xf32> to vector<16xf32>
          %swap3A_1299 = vector.shape_cast %mul3A_1294 : vector<16xf32> to vector<1x16xf32>
          tpu.vector_store %arg6[%swap3A_1295, %swap3A_1296], %swap3A_1299 {strides = array<i32>} : memref<128x128xf32, #tpu.memory_space<vmem>>, vector<1x16xf32>,
          %get3A_1300 = arith.index_cast %add3A_1286 : i32 to index
          %get3A_1301 = arith.constant 16 : index
          %get3A_1302 = tpu.vector_load %arg6[%get3A_1300, %get3A_1301] {strides = array<i32>} : memref<128x128xf32, #tpu.memory_space<vmem>>, vector<1x16xf32>,
          %get3A_1303 = vector.shape_cast %get3A_1302 : vector<1x16xf32> to vector<16xf32>
          %mul3A_1304 = arith.mulf %get3A_1303, %broadcast_in_dim3A_1289 : vector<16xf32>
          %swap3A_1305 = arith.index_cast %add3A_1286 : i32 to index
          %swap3A_1306 = arith.constant 16 : index
          %swap3A_1307 = tpu.vector_load %arg6[%swap3A_1305, %swap3A_1306] {strides = array<i32>} : memref<128x128xf32, #tpu.memory_space<vmem>>, vector<1x16xf32>,
          %swap3A_1308 = vector.shape_cast %swap3A_1307 : vector<1x16xf32> to vector<16xf32>
          %swap3A_1309 = vector.shape_cast %mul3A_1304 : vector<16xf32> to vector<1x16xf32>
          tpu.vector_store %arg6[%swap3A_1305, %swap3A_1306], %swap3A_1309 {strides = array<i32>} : memref<128x128xf32, #tpu.memory_space<vmem>>, vector<1x16xf32>,
          %get3A_1310 = arith.index_cast %add3A_1286 : i32 to index
          %get3A_1311 = arith.constant 32 : index
          %get3A_1312 = tpu.vector_load %arg6[%get3A_1310, %get3A_1311] {strides = array<i32>} : memref<128x128xf32, #tpu.memory_space<vmem>>, vector<1x16xf32>,
          %get3A_1313 = vector.shape_cast %get3A_1312 : vector<1x16xf32> to vector<16xf32>
          %mul3A_1314 = arith.mulf %get3A_1313, %broadcast_in_dim3A_1289 : vector<16xf32>
          %swap3A_1315 = arith.index_cast %add3A_1286 : i32 to index
          %swap3A_1316 = arith.constant 32 : index
          %swap3A_1317 = tpu.vector_load %arg6[%swap3A_1315, %swap3A_1316] {strides = array<i32>} : memref<128x128xf32, #tpu.memory_space<vmem>>, vector<1x16xf32>,
          %swap3A_1318 = vector.shape_cast %swap3A_1317 : vector<1x16xf32> to vector<16xf32>
          %swap3A_1319 = vector.shape_cast %mul3A_1314 : vector<16xf32> to vector<1x16xf32>
          tpu.vector_store %arg6[%swap3A_1315, %swap3A_1316], %swap3A_1319 {strides = array<i32>} : memref<128x128xf32, #tpu.memory_space<vmem>>, vector<1x16xf32>,
          %get3A_1320 = arith.index_cast %add3A_1286 : i32 to index
          %get3A_1321 = arith.constant 48 : index
          %get3A_1322 = tpu.vector_load %arg6[%get3A_1320, %get3A_1321] {strides = array<i32>} : memref<128x128xf32, #tpu.memory_space<vmem>>, vector<1x16xf32>,
          %get3A_1323 = vector.shape_cast %get3A_1322 : vector<1x16xf32> to vector<16xf32>
          %mul3A_1324 = arith.mulf %get3A_1323, %broadcast_in_dim3A_1289 : vector<16xf32>
          %swap3A_1325 = arith.index_cast %add3A_1286 : i32 to index
          %swap3A_1326 = arith.constant 48 : index
          %swap3A_1327 = tpu.vector_load %arg6[%swap3A_1325, %swap3A_1326] {strides = array<i32>} : memref<128x128xf32, #tpu.memory_space<vmem>>, vector<1x16xf32>,
          %swap3A_1328 = vector.shape_cast %swap3A_1327 : vector<1x16xf32> to vector<16xf32>
          %swap3A_1329 = vector.shape_cast %mul3A_1324 : vector<16xf32> to vector<1x16xf32>
          tpu.vector_store %arg6[%swap3A_1325, %swap3A_1326], %swap3A_1329 {strides = array<i32>} : memref<128x128xf32, #tpu.memory_space<vmem>>, vector<1x16xf32>,
          %get3A_1330 = arith.index_cast %add3A_1286 : i32 to index
          %get3A_1331 = arith.constant 64 : index
          %get3A_1332 = tpu.vector_load %arg6[%get3A_1330, %get3A_1331] {strides = array<i32>} : memref<128x128xf32, #tpu.memory_space<vmem>>, vector<1x16xf32>,
          %get3A_1333 = vector.shape_cast %get3A_1332 : vector<1x16xf32> to vector<16xf32>
          %mul3A_1334 = arith.mulf %get3A_1333, %broadcast_in_dim3A_1289 : vector<16xf32>
          %swap3A_1335 = arith.index_cast %add3A_1286 : i32 to index
          %swap3A_1336 = arith.constant 64 : index
          %swap3A_1337 = tpu.vector_load %arg6[%swap3A_1335, %swap3A_1336] {strides = array<i32>} : memref<128x128xf32, #tpu.memory_space<vmem>>, vector<1x16xf32>,
          %swap3A_1338 = vector.shape_cast %swap3A_1337 : vector<1x16xf32> to vector<16xf32>
          %swap3A_1339 = vector.shape_cast %mul3A_1334 : vector<16xf32> to vector<1x16xf32>
          tpu.vector_store %arg6[%swap3A_1335, %swap3A_1336], %swap3A_1339 {strides = array<i32>} : memref<128x128xf32, #tpu.memory_space<vmem>>, vector<1x16xf32>,
          %get3A_1340 = arith.index_cast %add3A_1286 : i32 to index
          %get3A_1341 = arith.constant 80 : index
          %get3A_1342 = tpu.vector_load %arg6[%get3A_1340, %get3A_1341] {strides = array<i32>} : memref<128x128xf32, #tpu.memory_space<vmem>>, vector<1x16xf32>,
          %get3A_1343 = vector.shape_cast %get3A_1342 : vector<1x16xf32> to vector<16xf32>
          %mul3A_1344 = arith.mulf %get3A_1343, %broadcast_in_dim3A_1289 : vector<16xf32>
          %swap3A_1345 = arith.index_cast %add3A_1286 : i32 to index
          %swap3A_1346 = arith.constant 80 : index
          %swap3A_1347 = tpu.vector_load %arg6[%swap3A_1345, %swap3A_1346] {strides = array<i32>} : memref<128x128xf32, #tpu.memory_space<vmem>>, vector<1x16xf32>,
          %swap3A_1348 = vector.shape_cast %swap3A_1347 : vector<1x16xf32> to vector<16xf32>
          %swap3A_1349 = vector.shape_cast %mul3A_1344 : vector<16xf32> to vector<1x16xf32>
          tpu.vector_store %arg6[%swap3A_1345, %swap3A_1346], %swap3A_1349 {strides = array<i32>} : memref<128x128xf32, #tpu.memory_space<vmem>>, vector<1x16xf32>,
          %get3A_1350 = arith.index_cast %add3A_1286 : i32 to index
          %get3A_1351 = arith.constant 96 : index
          %get3A_1352 = tpu.vector_load %arg6[%get3A_1350, %get3A_1351] {strides = array<i32>} : memref<128x128xf32, #tpu.memory_space<vmem>>, vector<1x16xf32>,
          %get3A_1353 = vector.shape_cast %get3A_1352 : vector<1x16xf32> to vector<16xf32>
          %mul3A_1354 = arith.mulf %get3A_1353, %broadcast_in_dim3A_1289 : vector<16xf32>
          %swap3A_1355 = arith.index_cast %add3A_1286 : i32 to index
          %swap3A_1356 = arith.constant 96 : index
          %swap3A_1357 = tpu.vector_load %arg6[%swap3A_1355, %swap3A_1356] {strides = array<i32>} : memref<128x128xf32, #tpu.memory_space<vmem>>, vector<1x16xf32>,
          %swap3A_1358 = vector.shape_cast %swap3A_1357 : vector<1x16xf32> to vector<16xf32>
          %swap3A_1359 = vector.shape_cast %mul3A_1354 : vector<16xf32> to vector<1x16xf32>
          tpu.vector_store %arg6[%swap3A_1355, %swap3A_1356], %swap3A_1359 {strides = array<i32>} : memref<128x128xf32, #tpu.memory_space<vmem>>, vector<1x16xf32>,
          %get3A_1360 = arith.index_cast %add3A_1286 : i32 to index
          %get3A_1361 = arith.constant 112 : index
          %get3A_1362 = tpu.vector_load %arg6[%get3A_1360, %get3A_1361] {strides = array<i32>} : memref<128x128xf32, #tpu.memory_space<vmem>>, vector<1x16xf32>,
          %get3A_1363 = vector.shape_cast %get3A_1362 : vector<1x16xf32> to vector<16xf32>
          %mul3A_1364 = arith.mulf %get3A_1363, %broadcast_in_dim3A_1289 : vector<16xf32>
          %swap3A_1365 = arith.index_cast %add3A_1286 : i32 to index
          %swap3A_1366 = arith.constant 112 : index
          %swap3A_1367 = tpu.vector_load %arg6[%swap3A_1365, %swap3A_1366] {strides = array<i32>} : memref<128x128xf32, #tpu.memory_space<vmem>>, vector<1x16xf32>,
          %swap3A_1368 = vector.shape_cast %swap3A_1367 : vector<1x16xf32> to vector<16xf32>
          %swap3A_1369 = vector.shape_cast %mul3A_1364 : vector<16xf32> to vector<1x16xf32>
          tpu.vector_store %arg6[%swap3A_1365, %swap3A_1366], %swap3A_1369 {strides = array<i32>} : memref<128x128xf32, #tpu.memory_space<vmem>>, vector<1x16xf32>,
          %mul3A_1370 = arith.constant 16 : i32
          %mul3A_1371 = arith.muli %scan3A_136, %mul3A_1370 : i32
          %add3A_1372 = arith.constant 14 : i32
          %add3A_1373 = arith.addi %mul3A_1371, %add3A_1372 : i32
          %slice3A_1374 = vector.extract_strided_slice %bitcast_convert_type3A {offsets = [14], sizes = [1], strides = [1]} : vector<16xf32> to vector<1xf32>
          %squeeze3A_1375 = vector.extract %slice3A_1374[0] : f32 from vector<1xf32>
          %broadcast_in_dim3A_1376 = vector.broadcast %squeeze3A_1375 : f32 to vector<16xf32>
          %get3A_1377 = arith.index_cast %add3A_1373 : i32 to index
          %get3A_1378 = arith.constant 0 : index
          %get3A_1379 = tpu.vector_load %arg6[%get3A_1377, %get3A_1378] {strides = array<i32>} : memref<128x128xf32, #tpu.memory_space<vmem>>, vector<1x16xf32>,
          %get3A_1380 = vector.shape_cast %get3A_1379 : vector<1x16xf32> to vector<16xf32>
          %mul3A_1381 = arith.mulf %get3A_1380, %broadcast_in_dim3A_1376 : vector<16xf32>
          %swap3A_1382 = arith.index_cast %add3A_1373 : i32 to index
          %swap3A_1383 = arith.constant 0 : index
          %swap3A_1384 = tpu.vector_load %arg6[%swap3A_1382, %swap3A_1383] {strides = array<i32>} : memref<128x128xf32, #tpu.memory_space<vmem>>, vector<1x16xf32>,
          %swap3A_1385 = vector.shape_cast %swap3A_1384 : vector<1x16xf32> to vector<16xf32>
          %swap3A_1386 = vector.shape_cast %mul3A_1381 : vector<16xf32> to vector<1x16xf32>
          tpu.vector_store %arg6[%swap3A_1382, %swap3A_1383], %swap3A_1386 {strides = array<i32>} : memref<128x128xf32, #tpu.memory_space<vmem>>, vector<1x16xf32>,
          %get3A_1387 = arith.index_cast %add3A_1373 : i32 to index
          %get3A_1388 = arith.constant 16 : index
          %get3A_1389 = tpu.vector_load %arg6[%get3A_1387, %get3A_1388] {strides = array<i32>} : memref<128x128xf32, #tpu.memory_space<vmem>>, vector<1x16xf32>,
          %get3A_1390 = vector.shape_cast %get3A_1389 : vector<1x16xf32> to vector<16xf32>
          %mul3A_1391 = arith.mulf %get3A_1390, %broadcast_in_dim3A_1376 : vector<16xf32>
          %swap3A_1392 = arith.index_cast %add3A_1373 : i32 to index
          %swap3A_1393 = arith.constant 16 : index
          %swap3A_1394 = tpu.vector_load %arg6[%swap3A_1392, %swap3A_1393] {strides = array<i32>} : memref<128x128xf32, #tpu.memory_space<vmem>>, vector<1x16xf32>,
          %swap3A_1395 = vector.shape_cast %swap3A_1394 : vector<1x16xf32> to vector<16xf32>
          %swap3A_1396 = vector.shape_cast %mul3A_1391 : vector<16xf32> to vector<1x16xf32>
          tpu.vector_store %arg6[%swap3A_1392, %swap3A_1393], %swap3A_1396 {strides = array<i32>} : memref<128x128xf32, #tpu.memory_space<vmem>>, vector<1x16xf32>,
          %get3A_1397 = arith.index_cast %add3A_1373 : i32 to index
          %get3A_1398 = arith.constant 32 : index
          %get3A_1399 = tpu.vector_load %arg6[%get3A_1397, %get3A_1398] {strides = array<i32>} : memref<128x128xf32, #tpu.memory_space<vmem>>, vector<1x16xf32>,
          %get3A_1400 = vector.shape_cast %get3A_1399 : vector<1x16xf32> to vector<16xf32>
          %mul3A_1401 = arith.mulf %get3A_1400, %broadcast_in_dim3A_1376 : vector<16xf32>
          %swap3A_1402 = arith.index_cast %add3A_1373 : i32 to index
          %swap3A_1403 = arith.constant 32 : index
          %swap3A_1404 = tpu.vector_load %arg6[%swap3A_1402, %swap3A_1403] {strides = array<i32>} : memref<128x128xf32, #tpu.memory_space<vmem>>, vector<1x16xf32>,
          %swap3A_1405 = vector.shape_cast %swap3A_1404 : vector<1x16xf32> to vector<16xf32>
          %swap3A_1406 = vector.shape_cast %mul3A_1401 : vector<16xf32> to vector<1x16xf32>
          tpu.vector_store %arg6[%swap3A_1402, %swap3A_1403], %swap3A_1406 {strides = array<i32>} : memref<128x128xf32, #tpu.memory_space<vmem>>, vector<1x16xf32>,
          %get3A_1407 = arith.index_cast %add3A_1373 : i32 to index
          %get3A_1408 = arith.constant 48 : index
          %get3A_1409 = tpu.vector_load %arg6[%get3A_1407, %get3A_1408] {strides = array<i32>} : memref<128x128xf32, #tpu.memory_space<vmem>>, vector<1x16xf32>,
          %get3A_1410 = vector.shape_cast %get3A_1409 : vector<1x16xf32> to vector<16xf32>
          %mul3A_1411 = arith.mulf %get3A_1410, %broadcast_in_dim3A_1376 : vector<16xf32>
          %swap3A_1412 = arith.index_cast %add3A_1373 : i32 to index
          %swap3A_1413 = arith.constant 48 : index
          %swap3A_1414 = tpu.vector_load %arg6[%swap3A_1412, %swap3A_1413] {strides = array<i32>} : memref<128x128xf32, #tpu.memory_space<vmem>>, vector<1x16xf32>,
          %swap3A_1415 = vector.shape_cast %swap3A_1414 : vector<1x16xf32> to vector<16xf32>
          %swap3A_1416 = vector.shape_cast %mul3A_1411 : vector<16xf32> to vector<1x16xf32>
          tpu.vector_store %arg6[%swap3A_1412, %swap3A_1413], %swap3A_1416 {strides = array<i32>} : memref<128x128xf32, #tpu.memory_space<vmem>>, vector<1x16xf32>,
          %get3A_1417 = arith.index_cast %add3A_1373 : i32 to index
          %get3A_1418 = arith.constant 64 : index
          %get3A_1419 = tpu.vector_load %arg6[%get3A_1417, %get3A_1418] {strides = array<i32>} : memref<128x128xf32, #tpu.memory_space<vmem>>, vector<1x16xf32>,
          %get3A_1420 = vector.shape_cast %get3A_1419 : vector<1x16xf32> to vector<16xf32>
          %mul3A_1421 = arith.mulf %get3A_1420, %broadcast_in_dim3A_1376 : vector<16xf32>
          %swap3A_1422 = arith.index_cast %add3A_1373 : i32 to index
          %swap3A_1423 = arith.constant 64 : index
          %swap3A_1424 = tpu.vector_load %arg6[%swap3A_1422, %swap3A_1423] {strides = array<i32>} : memref<128x128xf32, #tpu.memory_space<vmem>>, vector<1x16xf32>,
          %swap3A_1425 = vector.shape_cast %swap3A_1424 : vector<1x16xf32> to vector<16xf32>
          %swap3A_1426 = vector.shape_cast %mul3A_1421 : vector<16xf32> to vector<1x16xf32>
          tpu.vector_store %arg6[%swap3A_1422, %swap3A_1423], %swap3A_1426 {strides = array<i32>} : memref<128x128xf32, #tpu.memory_space<vmem>>, vector<1x16xf32>,
          %get3A_1427 = arith.index_cast %add3A_1373 : i32 to index
          %get3A_1428 = arith.constant 80 : index
          %get3A_1429 = tpu.vector_load %arg6[%get3A_1427, %get3A_1428] {strides = array<i32>} : memref<128x128xf32, #tpu.memory_space<vmem>>, vector<1x16xf32>,
          %get3A_1430 = vector.shape_cast %get3A_1429 : vector<1x16xf32> to vector<16xf32>
          %mul3A_1431 = arith.mulf %get3A_1430, %broadcast_in_dim3A_1376 : vector<16xf32>
          %swap3A_1432 = arith.index_cast %add3A_1373 : i32 to index
          %swap3A_1433 = arith.constant 80 : index
          %swap3A_1434 = tpu.vector_load %arg6[%swap3A_1432, %swap3A_1433] {strides = array<i32>} : memref<128x128xf32, #tpu.memory_space<vmem>>, vector<1x16xf32>,
          %swap3A_1435 = vector.shape_cast %swap3A_1434 : vector<1x16xf32> to vector<16xf32>
          %swap3A_1436 = vector.shape_cast %mul3A_1431 : vector<16xf32> to vector<1x16xf32>
          tpu.vector_store %arg6[%swap3A_1432, %swap3A_1433], %swap3A_1436 {strides = array<i32>} : memref<128x128xf32, #tpu.memory_space<vmem>>, vector<1x16xf32>,
          %get3A_1437 = arith.index_cast %add3A_1373 : i32 to index
          %get3A_1438 = arith.constant 96 : index
          %get3A_1439 = tpu.vector_load %arg6[%get3A_1437, %get3A_1438] {strides = array<i32>} : memref<128x128xf32, #tpu.memory_space<vmem>>, vector<1x16xf32>,
          %get3A_1440 = vector.shape_cast %get3A_1439 : vector<1x16xf32> to vector<16xf32>
          %mul3A_1441 = arith.mulf %get3A_1440, %broadcast_in_dim3A_1376 : vector<16xf32>
          %swap3A_1442 = arith.index_cast %add3A_1373 : i32 to index
          %swap3A_1443 = arith.constant 96 : index
          %swap3A_1444 = tpu.vector_load %arg6[%swap3A_1442, %swap3A_1443] {strides = array<i32>} : memref<128x128xf32, #tpu.memory_space<vmem>>, vector<1x16xf32>,
          %swap3A_1445 = vector.shape_cast %swap3A_1444 : vector<1x16xf32> to vector<16xf32>
          %swap3A_1446 = vector.shape_cast %mul3A_1441 : vector<16xf32> to vector<1x16xf32>
          tpu.vector_store %arg6[%swap3A_1442, %swap3A_1443], %swap3A_1446 {strides = array<i32>} : memref<128x128xf32, #tpu.memory_space<vmem>>, vector<1x16xf32>,
          %get3A_1447 = arith.index_cast %add3A_1373 : i32 to index
          %get3A_1448 = arith.constant 112 : index
          %get3A_1449 = tpu.vector_load %arg6[%get3A_1447, %get3A_1448] {strides = array<i32>} : memref<128x128xf32, #tpu.memory_space<vmem>>, vector<1x16xf32>,
          %get3A_1450 = vector.shape_cast %get3A_1449 : vector<1x16xf32> to vector<16xf32>
          %mul3A_1451 = arith.mulf %get3A_1450, %broadcast_in_dim3A_1376 : vector<16xf32>
          %swap3A_1452 = arith.index_cast %add3A_1373 : i32 to index
          %swap3A_1453 = arith.constant 112 : index
          %swap3A_1454 = tpu.vector_load %arg6[%swap3A_1452, %swap3A_1453] {strides = array<i32>} : memref<128x128xf32, #tpu.memory_space<vmem>>, vector<1x16xf32>,
          %swap3A_1455 = vector.shape_cast %swap3A_1454 : vector<1x16xf32> to vector<16xf32>
          %swap3A_1456 = vector.shape_cast %mul3A_1451 : vector<16xf32> to vector<1x16xf32>
          tpu.vector_store %arg6[%swap3A_1452, %swap3A_1453], %swap3A_1456 {strides = array<i32>} : memref<128x128xf32, #tpu.memory_space<vmem>>, vector<1x16xf32>,
          %mul3A_1457 = arith.constant 16 : i32
          %mul3A_1458 = arith.muli %scan3A_136, %mul3A_1457 : i32
          %add3A_1459 = arith.constant 15 : i32
          %add3A_1460 = arith.addi %mul3A_1458, %add3A_1459 : i32
          %slice3A_1461 = vector.extract_strided_slice %bitcast_convert_type3A {offsets = [15], sizes = [1], strides = [1]} : vector<16xf32> to vector<1xf32>
          %squeeze3A_1462 = vector.extract %slice3A_1461[0] : f32 from vector<1xf32>
          %broadcast_in_dim3A_1463 = vector.broadcast %squeeze3A_1462 : f32 to vector<16xf32>
          %get3A_1464 = arith.index_cast %add3A_1460 : i32 to index
          %get3A_1465 = arith.constant 0 : index
          %get3A_1466 = tpu.vector_load %arg6[%get3A_1464, %get3A_1465] {strides = array<i32>} : memref<128x128xf32, #tpu.memory_space<vmem>>, vector<1x16xf32>,
          %get3A_1467 = vector.shape_cast %get3A_1466 : vector<1x16xf32> to vector<16xf32>
          %mul3A_1468 = arith.mulf %get3A_1467, %broadcast_in_dim3A_1463 : vector<16xf32>
          %swap3A_1469 = arith.index_cast %add3A_1460 : i32 to index
          %swap3A_1470 = arith.constant 0 : index
          %swap3A_1471 = tpu.vector_load %arg6[%swap3A_1469, %swap3A_1470] {strides = array<i32>} : memref<128x128xf32, #tpu.memory_space<vmem>>, vector<1x16xf32>,
          %swap3A_1472 = vector.shape_cast %swap3A_1471 : vector<1x16xf32> to vector<16xf32>
          %swap3A_1473 = vector.shape_cast %mul3A_1468 : vector<16xf32> to vector<1x16xf32>
          tpu.vector_store %arg6[%swap3A_1469, %swap3A_1470], %swap3A_1473 {strides = array<i32>} : memref<128x128xf32, #tpu.memory_space<vmem>>, vector<1x16xf32>,
          %get3A_1474 = arith.index_cast %add3A_1460 : i32 to index
          %get3A_1475 = arith.constant 16 : index
          %get3A_1476 = tpu.vector_load %arg6[%get3A_1474, %get3A_1475] {strides = array<i32>} : memref<128x128xf32, #tpu.memory_space<vmem>>, vector<1x16xf32>,
          %get3A_1477 = vector.shape_cast %get3A_1476 : vector<1x16xf32> to vector<16xf32>
          %mul3A_1478 = arith.mulf %get3A_1477, %broadcast_in_dim3A_1463 : vector<16xf32>
          %swap3A_1479 = arith.index_cast %add3A_1460 : i32 to index
          %swap3A_1480 = arith.constant 16 : index
          %swap3A_1481 = tpu.vector_load %arg6[%swap3A_1479, %swap3A_1480] {strides = array<i32>} : memref<128x128xf32, #tpu.memory_space<vmem>>, vector<1x16xf32>,
          %swap3A_1482 = vector.shape_cast %swap3A_1481 : vector<1x16xf32> to vector<16xf32>
          %swap3A_1483 = vector.shape_cast %mul3A_1478 : vector<16xf32> to vector<1x16xf32>
          tpu.vector_store %arg6[%swap3A_1479, %swap3A_1480], %swap3A_1483 {strides = array<i32>} : memref<128x128xf32, #tpu.memory_space<vmem>>, vector<1x16xf32>,
          %get3A_1484 = arith.index_cast %add3A_1460 : i32 to index
          %get3A_1485 = arith.constant 32 : index
          %get3A_1486 = tpu.vector_load %arg6[%get3A_1484, %get3A_1485] {strides = array<i32>} : memref<128x128xf32, #tpu.memory_space<vmem>>, vector<1x16xf32>,
          %get3A_1487 = vector.shape_cast %get3A_1486 : vector<1x16xf32> to vector<16xf32>
          %mul3A_1488 = arith.mulf %get3A_1487, %broadcast_in_dim3A_1463 : vector<16xf32>
          %swap3A_1489 = arith.index_cast %add3A_1460 : i32 to index
          %swap3A_1490 = arith.constant 32 : index
          %swap3A_1491 = tpu.vector_load %arg6[%swap3A_1489, %swap3A_1490] {strides = array<i32>} : memref<128x128xf32, #tpu.memory_space<vmem>>, vector<1x16xf32>,
          %swap3A_1492 = vector.shape_cast %swap3A_1491 : vector<1x16xf32> to vector<16xf32>
          %swap3A_1493 = vector.shape_cast %mul3A_1488 : vector<16xf32> to vector<1x16xf32>
          tpu.vector_store %arg6[%swap3A_1489, %swap3A_1490], %swap3A_1493 {strides = array<i32>} : memref<128x128xf32, #tpu.memory_space<vmem>>, vector<1x16xf32>,
          %get3A_1494 = arith.index_cast %add3A_1460 : i32 to index
          %get3A_1495 = arith.constant 48 : index
          %get3A_1496 = tpu.vector_load %arg6[%get3A_1494, %get3A_1495] {strides = array<i32>} : memref<128x128xf32, #tpu.memory_space<vmem>>, vector<1x16xf32>,
          %get3A_1497 = vector.shape_cast %get3A_1496 : vector<1x16xf32> to vector<16xf32>
          %mul3A_1498 = arith.mulf %get3A_1497, %broadcast_in_dim3A_1463 : vector<16xf32>
          %swap3A_1499 = arith.index_cast %add3A_1460 : i32 to index
          %swap3A_1500 = arith.constant 48 : index
          %swap3A_1501 = tpu.vector_load %arg6[%swap3A_1499, %swap3A_1500] {strides = array<i32>} : memref<128x128xf32, #tpu.memory_space<vmem>>, vector<1x16xf32>,
          %swap3A_1502 = vector.shape_cast %swap3A_1501 : vector<1x16xf32> to vector<16xf32>
          %swap3A_1503 = vector.shape_cast %mul3A_1498 : vector<16xf32> to vector<1x16xf32>
          tpu.vector_store %arg6[%swap3A_1499, %swap3A_1500], %swap3A_1503 {strides = array<i32>} : memref<128x128xf32, #tpu.memory_space<vmem>>, vector<1x16xf32>,
          %get3A_1504 = arith.index_cast %add3A_1460 : i32 to index
          %get3A_1505 = arith.constant 64 : index
          %get3A_1506 = tpu.vector_load %arg6[%get3A_1504, %get3A_1505] {strides = array<i32>} : memref<128x128xf32, #tpu.memory_space<vmem>>, vector<1x16xf32>,
          %get3A_1507 = vector.shape_cast %get3A_1506 : vector<1x16xf32> to vector<16xf32>
          %mul3A_1508 = arith.mulf %get3A_1507, %broadcast_in_dim3A_1463 : vector<16xf32>
          %swap3A_1509 = arith.index_cast %add3A_1460 : i32 to index
          %swap3A_1510 = arith.constant 64 : index
          %swap3A_1511 = tpu.vector_load %arg6[%swap3A_1509, %swap3A_1510] {strides = array<i32>} : memref<128x128xf32, #tpu.memory_space<vmem>>, vector<1x16xf32>,
          %swap3A_1512 = vector.shape_cast %swap3A_1511 : vector<1x16xf32> to vector<16xf32>
          %swap3A_1513 = vector.shape_cast %mul3A_1508 : vector<16xf32> to vector<1x16xf32>
          tpu.vector_store %arg6[%swap3A_1509, %swap3A_1510], %swap3A_1513 {strides = array<i32>} : memref<128x128xf32, #tpu.memory_space<vmem>>, vector<1x16xf32>,
          %get3A_1514 = arith.index_cast %add3A_1460 : i32 to index
          %get3A_1515 = arith.constant 80 : index
          %get3A_1516 = tpu.vector_load %arg6[%get3A_1514, %get3A_1515] {strides = array<i32>} : memref<128x128xf32, #tpu.memory_space<vmem>>, vector<1x16xf32>,
          %get3A_1517 = vector.shape_cast %get3A_1516 : vector<1x16xf32> to vector<16xf32>
          %mul3A_1518 = arith.mulf %get3A_1517, %broadcast_in_dim3A_1463 : vector<16xf32>
          %swap3A_1519 = arith.index_cast %add3A_1460 : i32 to index
          %swap3A_1520 = arith.constant 80 : index
          %swap3A_1521 = tpu.vector_load %arg6[%swap3A_1519, %swap3A_1520] {strides = array<i32>} : memref<128x128xf32, #tpu.memory_space<vmem>>, vector<1x16xf32>,
          %swap3A_1522 = vector.shape_cast %swap3A_1521 : vector<1x16xf32> to vector<16xf32>
          %swap3A_1523 = vector.shape_cast %mul3A_1518 : vector<16xf32> to vector<1x16xf32>
          tpu.vector_store %arg6[%swap3A_1519, %swap3A_1520], %swap3A_1523 {strides = array<i32>} : memref<128x128xf32, #tpu.memory_space<vmem>>, vector<1x16xf32>,
          %get3A_1524 = arith.index_cast %add3A_1460 : i32 to index
          %get3A_1525 = arith.constant 96 : index
          %get3A_1526 = tpu.vector_load %arg6[%get3A_1524, %get3A_1525] {strides = array<i32>} : memref<128x128xf32, #tpu.memory_space<vmem>>, vector<1x16xf32>,
          %get3A_1527 = vector.shape_cast %get3A_1526 : vector<1x16xf32> to vector<16xf32>
          %mul3A_1528 = arith.mulf %get3A_1527, %broadcast_in_dim3A_1463 : vector<16xf32>
          %swap3A_1529 = arith.index_cast %add3A_1460 : i32 to index
          %swap3A_1530 = arith.constant 96 : index
          %swap3A_1531 = tpu.vector_load %arg6[%swap3A_1529, %swap3A_1530] {strides = array<i32>} : memref<128x128xf32, #tpu.memory_space<vmem>>, vector<1x16xf32>,
          %swap3A_1532 = vector.shape_cast %swap3A_1531 : vector<1x16xf32> to vector<16xf32>
          %swap3A_1533 = vector.shape_cast %mul3A_1528 : vector<16xf32> to vector<1x16xf32>
          tpu.vector_store %arg6[%swap3A_1529, %swap3A_1530], %swap3A_1533 {strides = array<i32>} : memref<128x128xf32, #tpu.memory_space<vmem>>, vector<1x16xf32>,
          %get3A_1534 = arith.index_cast %add3A_1460 : i32 to index
          %get3A_1535 = arith.constant 112 : index
          %get3A_1536 = tpu.vector_load %arg6[%get3A_1534, %get3A_1535] {strides = array<i32>} : memref<128x128xf32, #tpu.memory_space<vmem>>, vector<1x16xf32>,
          %get3A_1537 = vector.shape_cast %get3A_1536 : vector<1x16xf32> to vector<16xf32>
          %mul3A_1538 = arith.mulf %get3A_1537, %broadcast_in_dim3A_1463 : vector<16xf32>
          %swap3A_1539 = arith.index_cast %add3A_1460 : i32 to index
          %swap3A_1540 = arith.constant 112 : index
          %swap3A_1541 = tpu.vector_load %arg6[%swap3A_1539, %swap3A_1540] {strides = array<i32>} : memref<128x128xf32, #tpu.memory_space<vmem>>, vector<1x16xf32>,
          %swap3A_1542 = vector.shape_cast %swap3A_1541 : vector<1x16xf32> to vector<16xf32>
          %swap3A_1543 = vector.shape_cast %mul3A_1538 : vector<16xf32> to vector<1x16xf32>
          tpu.vector_store %arg6[%swap3A_1539, %swap3A_1540], %swap3A_1543 {strides = array<i32>} : memref<128x128xf32, #tpu.memory_space<vmem>>, vector<1x16xf32>,
        }
        %scan3A_123 = arith.constant 8 : i32
        %add3A_124 = arith.constant 1 : i32
        %add3A_125 = arith.addi %add3A_99, %add3A_124 : i32
        %lt3A_126 = arith.cmpi slt, %add3A_125, %select_n3A : i32
        %convert_element_type3A_127 = arith.extui %lt3A_126 : i1 to i32
        %cond3A_128 = arith.constant 0 : i32
        %cond3A_129 = arith.cmpi ne, %convert_element_type3A_127, %cond3A_128 : i32
        scf.if %cond3A_129 {
          %dma_wait3A_136 = arith.constant 1 : i32
          %dma_wait3A_137 = arith.constant 0 : i32
          %dma_wait3A_138 = tpu.memref_slice %arg7[%dma_wait3A_136, %dma_wait3A_137] : memref<3x128xi32, #tpu.memory_space<vmem>> -> memref<1x128xi32, #tpu.memory_space<vmem>>
          %dma_wait3A_139 = tpu.memref_squeeze %dma_wait3A_138 : memref<1x128xi32, #tpu.memory_space<vmem>> -> memref<128xi32, #tpu.memory_space<vmem>>
          %dma_wait3A_140 = arith.constant 0 : i32
          %dma_wait3A_141 = arith.constant 0 : i32
          %dma_wait3A_142 = tpu.memref_slice %arg2[%dma_wait3A_140, %dma_wait3A_141] : memref<10000x128xf32, #tpu.memory_space<hbm>> -> memref<10000x128xf32, #tpu.memory_space<hbm>>
          tpu.wait_indirect_dma semaphore(%arg13 : memref<!tpu.dma_semaphore, #tpu.memory_space<semaphore_mem>>) src(%dma_wait3A_142 : memref<10000x128xf32, #tpu.memory_space<hbm>>) dst(%arg8 : memref<128x128xf32, #tpu.memory_space<vmem>>)
        } else {
        }
        %add3A_130 = arith.constant 2 : i32
        %add3A_131 = arith.addi %add3A_99, %add3A_130 : i32
        %lt3A_132 = arith.cmpi slt, %add3A_131, %select_n3A : i32
        %convert_element_type3A_133 = arith.extui %lt3A_132 : i1 to i32
        %cond3A_134 = arith.constant 0 : i32
        %cond3A_135 = arith.cmpi ne, %convert_element_type3A_133, %cond3A_134 : i32
        scf.if %cond3A_135 {
          %add3A_136 = arith.constant 2 : i32
          %add3A_137 = arith.addi %add3A_99, %add3A_136 : i32
          %mul3A_138 = arith.constant 32 : i32
          %mul3A_139 = arith.muli %add3A_137, %mul3A_138 : i32
          %add3A_140 = arith.addi %add3A, %mul3A_139 : i32
          %dma_start3A_141 = arith.constant 0 : i32
          %dma_start3A_142 = arith.constant 0 : i32
          %dma_start3A_143 = tpu.memref_slice %arg3[%add3A_140, %dma_start3A_141, %dma_start3A_142] : memref<2500x3x128xi32, #tpu.memory_space<hbm>> -> memref<1x3x128xi32, #tpu.memory_space<hbm>>
          %dma_start3A_144 = tpu.memref_squeeze %dma_start3A_143 : memref<1x3x128xi32, #tpu.memory_space<hbm>> -> memref<3x128xi32, #tpu.memory_space<hbm>>
          %dma_start3A_145 = arith.constant 0 : i32
          %dma_start3A_146 = arith.constant 0 : i32
          %dma_start3A_147 = tpu.memref_slice %arg3[%add3A_140, %dma_start3A_145, %dma_start3A_146] : memref<2500x3x128xi32, #tpu.memory_space<hbm>> -> memref<1x3x128xi32, #tpu.memory_space<hbm>>
          %dma_start3A_148 = tpu.memref_squeeze %dma_start3A_147 : memref<1x3x128xi32, #tpu.memory_space<hbm>> -> memref<3x128xi32, #tpu.memory_space<hbm>>
          tpu.enqueue_dma source(%dma_start3A_148 : memref<3x128xi32, #tpu.memory_space<hbm>>) target(%arg5 : memref<3x128xi32, #tpu.memory_space<vmem>>) target_semaphore(%arg14 : memref<!tpu.dma_semaphore, #tpu.memory_space<semaphore_mem>>)
        } else {
        }
        "tpu.region"() ({
          %run_scoped3A = tpu.sem_alloc : memref<!tpu.dma_semaphore, #tpu.memory_space<semaphore_mem>>
          %dma_start3A_136 = arith.constant 0 : i32
          %dma_start3A_137 = arith.constant 0 : i32
          %dma_start3A_138 = tpu.memref_slice %arg11[%dma_start3A_136, %dma_start3A_137] : memref<10240x128xf32, #tpu.memory_space<vmem_shared>> -> memref<10240x128xf32, #tpu.memory_space<vmem_shared>>
          tpu.enqueue_indirect_dma source(%arg6 : memref<128x128xf32, #tpu.memory_space<vmem>>) target(%dma_start3A_138 : memref<10240x128xf32, #tpu.memory_space<vmem_shared>>) offsets(%arg9 : memref<128xi32, #tpu.memory_space<vmem>>) semaphore(%run_scoped3A : memref<!tpu.dma_semaphore, #tpu.memory_space<semaphore_mem>>) {add = true}
          %dma_wait3A_139 = arith.constant 0 : i32
          %dma_wait3A_140 = arith.constant 0 : i32
          %dma_wait3A_141 = tpu.memref_slice %arg11[%dma_wait3A_139, %dma_wait3A_140] : memref<10240x128xf32, #tpu.memory_space<vmem_shared>> -> memref<10240x128xf32, #tpu.memory_space<vmem_shared>>
          tpu.wait_indirect_dma semaphore(%run_scoped3A : memref<!tpu.dma_semaphore, #tpu.memory_space<semaphore_mem>>) src(%arg6 : memref<128x128xf32, #tpu.memory_space<vmem>>) dst(%dma_wait3A_141 : memref<10240x128xf32, #tpu.memory_space<vmem_shared>>)
          tpu.yield
        }) : () -> ()
      } else {
      }
      %mul3A_104 = arith.constant 2 : i32
      %mul3A_105 = arith.muli %scan3A_95, %mul3A_104 : i32
      %add3A_106 = arith.constant 1 : i32
      %add3A_107 = arith.addi %mul3A_105, %add3A_106 : i32
      %lt3A_108 = arith.cmpi slt, %add3A_107, %select_n3A : i32
      %convert_element_type3A_109 = arith.extui %lt3A_108 : i1 to i32
      %cond3A_110 = arith.constant 0 : i32
      %cond3A_111 = arith.cmpi ne, %convert_element_type3A_109, %cond3A_110 : i32
      scf.if %cond3A_111 {
        %add3A_112 = arith.constant 1 : i32
        %add3A_113 = arith.addi %add3A_107, %add3A_112 : i32
        %lt3A_114 = arith.cmpi slt, %add3A_113, %select_n3A : i32
        %convert_element_type3A_115 = arith.extui %lt3A_114 : i1 to i32
        %cond3A_116 = arith.constant 0 : i32
        %cond3A_117 = arith.cmpi ne, %convert_element_type3A_115, %cond3A_116 : i32
        scf.if %cond3A_117 {
          %add3A_136 = arith.constant 1 : i32
          %add3A_137 = arith.addi %add3A_107, %add3A_136 : i32
          %mul3A_138 = arith.constant 32 : i32
          %mul3A_139 = arith.muli %add3A_137, %mul3A_138 : i32
          %add3A_140 = arith.addi %add3A, %mul3A_139 : i32
          %dma_wait3A_141 = arith.constant 0 : i32
          %dma_wait3A_142 = arith.constant 0 : i32
          %dma_wait3A_143 = tpu.memref_slice %arg3[%add3A_140, %dma_wait3A_141, %dma_wait3A_142] : memref<2500x3x128xi32, #tpu.memory_space<hbm>> -> memref<1x3x128xi32, #tpu.memory_space<hbm>>
          %dma_wait3A_144 = tpu.memref_squeeze %dma_wait3A_143 : memref<1x3x128xi32, #tpu.memory_space<hbm>> -> memref<3x128xi32, #tpu.memory_space<hbm>>
          %dma_wait3A_145 = arith.constant 0 : i32
          %dma_wait3A_146 = arith.constant 0 : i32
          %dma_wait3A_147 = tpu.memref_slice %arg3[%add3A_140, %dma_wait3A_145, %dma_wait3A_146] : memref<2500x3x128xi32, #tpu.memory_space<hbm>> -> memref<1x3x128xi32, #tpu.memory_space<hbm>>
          %dma_wait3A_148 = tpu.memref_squeeze %dma_wait3A_147 : memref<1x3x128xi32, #tpu.memory_space<hbm>> -> memref<3x128xi32, #tpu.memory_space<hbm>>
          tpu.wait_dma2 semaphore(%arg14 : memref<!tpu.dma_semaphore, #tpu.memory_space<semaphore_mem>>) src(%dma_wait3A_148 : memref<3x128xi32, #tpu.memory_space<hbm>>) dst(%arg5 : memref<3x128xi32, #tpu.memory_space<vmem>>)
          %dma_start3A_149 = arith.constant 1 : i32
          %dma_start3A_150 = arith.constant 0 : i32
          %dma_start3A_151 = tpu.memref_slice %arg5[%dma_start3A_149, %dma_start3A_150] : memref<3x128xi32, #tpu.memory_space<vmem>> -> memref<1x128xi32, #tpu.memory_space<vmem>>
          %dma_start3A_152 = tpu.memref_squeeze %dma_start3A_151 : memref<1x128xi32, #tpu.memory_space<vmem>> -> memref<128xi32, #tpu.memory_space<vmem>>
          %dma_start3A_153 = arith.constant 0 : i32
          %dma_start3A_154 = arith.constant 0 : i32
          %dma_start3A_155 = tpu.memref_slice %arg2[%dma_start3A_153, %dma_start3A_154] : memref<10000x128xf32, #tpu.memory_space<hbm>> -> memref<10000x128xf32, #tpu.memory_space<hbm>>
          tpu.enqueue_indirect_dma source(%dma_start3A_155 : memref<10000x128xf32, #tpu.memory_space<hbm>>) target(%arg6 : memref<128x128xf32, #tpu.memory_space<vmem>>) offsets(%dma_start3A_152 : memref<128xi32, #tpu.memory_space<vmem>>) semaphore(%arg12 : memref<!tpu.dma_semaphore, #tpu.memory_space<semaphore_mem>>)
        } else {
        }
        %scan3A_118 = arith.constant 0 : i32
        %scan3A_119 = arith.constant 0 : i32
        %scan3A_120 = arith.constant 8 : i32
        %scan3A_121 = arith.addi %scan3A_119, %scan3A_120 : i32
        %scan3A_122 = arith.constant 1 : i32
        scf.for %scan3A_136 = %scan3A_119 to %scan3A_121 step %scan3A_122  : i32 {
          %mul3A_137 = arith.constant 16 : i32
          %mul3A_138 = arith.muli %scan3A_136, %mul3A_137 : i32
          %get3A = arith.constant 0 : i32
          %get3A_139 = arith.index_cast %get3A : i32 to index
          %get3A_140 = arith.index_cast %mul3A_138 : i32 to index
          %get3A_141 = tpu.vector_load %arg7[%get3A_139, %get3A_140] {strides = array<i32>} : memref<3x128xi32, #tpu.memory_space<vmem>>, vector<1x16xi32>,
          %get3A_142 = vector.shape_cast %get3A_141 : vector<1x16xi32> to vector<16xi32>
          %mul3A_143 = arith.constant 16 : i32
          %mul3A_144 = arith.muli %scan3A_136, %mul3A_143 : i32
          %swap3A = arith.index_cast %mul3A_144 : i32 to index
          %swap3A_145 = tpu.vector_load %arg10[%swap3A] {strides = array<i32>} : memref<128xi32, #tpu.memory_space<vmem>>, vector<16xi32>,
          %swap3A_146 = vector.shape_cast %swap3A_145 : vector<16xi32> to vector<16xi32>
          %swap3A_147 = vector.shape_cast %get3A_142 : vector<16xi32> to vector<16xi32>
          tpu.vector_store %arg10[%swap3A], %swap3A_147 {strides = array<i32>} : memref<128xi32, #tpu.memory_space<vmem>>, vector<16xi32>,
          %mul3A_148 = arith.constant 16 : i32
          %mul3A_149 = arith.muli %scan3A_136, %mul3A_148 : i32
          %get3A_150 = arith.constant 2 : i32
          %get3A_151 = arith.index_cast %get3A_150 : i32 to index
          %get3A_152 = arith.index_cast %mul3A_149 : i32 to index
          %get3A_153 = tpu.vector_load %arg7[%get3A_151, %get3A_152] {strides = array<i32>} : memref<3x128xi32, #tpu.memory_space<vmem>>, vector<1x16xi32>,
          %get3A_154 = vector.shape_cast %get3A_153 : vector<1x16xi32> to vector<16xi32>
          %bitcast_convert_type3A = tpu.bitcast %get3A_154 : vector<16xi32> -> vector<16xf32>
          %mul3A_155 = arith.constant 16 : i32
          %mul3A_156 = arith.muli %scan3A_136, %mul3A_155 : i32
          %add3A_157 = arith.constant 0 : i32
          %add3A_158 = arith.addi %mul3A_156, %add3A_157 : i32
          %slice3A = vector.extract_strided_slice %bitcast_convert_type3A {offsets = [0], sizes = [1], strides = [1]} : vector<16xf32> to vector<1xf32>
          %squeeze3A = vector.extract %slice3A[0] : f32 from vector<1xf32>
          %broadcast_in_dim3A = vector.broadcast %squeeze3A : f32 to vector<16xf32>
          %get3A_159 = arith.index_cast %add3A_158 : i32 to index
          %get3A_160 = arith.constant 0 : index
          %get3A_161 = tpu.vector_load %arg8[%get3A_159, %get3A_160] {strides = array<i32>} : memref<128x128xf32, #tpu.memory_space<vmem>>, vector<1x16xf32>,
          %get3A_162 = vector.shape_cast %get3A_161 : vector<1x16xf32> to vector<16xf32>
          %mul3A_163 = arith.mulf %get3A_162, %broadcast_in_dim3A : vector<16xf32>
          %swap3A_164 = arith.index_cast %add3A_158 : i32 to index
          %swap3A_165 = arith.constant 0 : index
          %swap3A_166 = tpu.vector_load %arg8[%swap3A_164, %swap3A_165] {strides = array<i32>} : memref<128x128xf32, #tpu.memory_space<vmem>>, vector<1x16xf32>,
          %swap3A_167 = vector.shape_cast %swap3A_166 : vector<1x16xf32> to vector<16xf32>
          %swap3A_168 = vector.shape_cast %mul3A_163 : vector<16xf32> to vector<1x16xf32>
          tpu.vector_store %arg8[%swap3A_164, %swap3A_165], %swap3A_168 {strides = array<i32>} : memref<128x128xf32, #tpu.memory_space<vmem>>, vector<1x16xf32>,
          %get3A_169 = arith.index_cast %add3A_158 : i32 to index
          %get3A_170 = arith.constant 16 : index
          %get3A_171 = tpu.vector_load %arg8[%get3A_169, %get3A_170] {strides = array<i32>} : memref<128x128xf32, #tpu.memory_space<vmem>>, vector<1x16xf32>,
          %get3A_172 = vector.shape_cast %get3A_171 : vector<1x16xf32> to vector<16xf32>
          %mul3A_173 = arith.mulf %get3A_172, %broadcast_in_dim3A : vector<16xf32>
          %swap3A_174 = arith.index_cast %add3A_158 : i32 to index
          %swap3A_175 = arith.constant 16 : index
          %swap3A_176 = tpu.vector_load %arg8[%swap3A_174, %swap3A_175] {strides = array<i32>} : memref<128x128xf32, #tpu.memory_space<vmem>>, vector<1x16xf32>,
          %swap3A_177 = vector.shape_cast %swap3A_176 : vector<1x16xf32> to vector<16xf32>
          %swap3A_178 = vector.shape_cast %mul3A_173 : vector<16xf32> to vector<1x16xf32>
          tpu.vector_store %arg8[%swap3A_174, %swap3A_175], %swap3A_178 {strides = array<i32>} : memref<128x128xf32, #tpu.memory_space<vmem>>, vector<1x16xf32>,
          %get3A_179 = arith.index_cast %add3A_158 : i32 to index
          %get3A_180 = arith.constant 32 : index
          %get3A_181 = tpu.vector_load %arg8[%get3A_179, %get3A_180] {strides = array<i32>} : memref<128x128xf32, #tpu.memory_space<vmem>>, vector<1x16xf32>,
          %get3A_182 = vector.shape_cast %get3A_181 : vector<1x16xf32> to vector<16xf32>
          %mul3A_183 = arith.mulf %get3A_182, %broadcast_in_dim3A : vector<16xf32>
          %swap3A_184 = arith.index_cast %add3A_158 : i32 to index
          %swap3A_185 = arith.constant 32 : index
          %swap3A_186 = tpu.vector_load %arg8[%swap3A_184, %swap3A_185] {strides = array<i32>} : memref<128x128xf32, #tpu.memory_space<vmem>>, vector<1x16xf32>,
          %swap3A_187 = vector.shape_cast %swap3A_186 : vector<1x16xf32> to vector<16xf32>
          %swap3A_188 = vector.shape_cast %mul3A_183 : vector<16xf32> to vector<1x16xf32>
          tpu.vector_store %arg8[%swap3A_184, %swap3A_185], %swap3A_188 {strides = array<i32>} : memref<128x128xf32, #tpu.memory_space<vmem>>, vector<1x16xf32>,
          %get3A_189 = arith.index_cast %add3A_158 : i32 to index
          %get3A_190 = arith.constant 48 : index
          %get3A_191 = tpu.vector_load %arg8[%get3A_189, %get3A_190] {strides = array<i32>} : memref<128x128xf32, #tpu.memory_space<vmem>>, vector<1x16xf32>,
          %get3A_192 = vector.shape_cast %get3A_191 : vector<1x16xf32> to vector<16xf32>
          %mul3A_193 = arith.mulf %get3A_192, %broadcast_in_dim3A : vector<16xf32>
          %swap3A_194 = arith.index_cast %add3A_158 : i32 to index
          %swap3A_195 = arith.constant 48 : index
          %swap3A_196 = tpu.vector_load %arg8[%swap3A_194, %swap3A_195] {strides = array<i32>} : memref<128x128xf32, #tpu.memory_space<vmem>>, vector<1x16xf32>,
          %swap3A_197 = vector.shape_cast %swap3A_196 : vector<1x16xf32> to vector<16xf32>
          %swap3A_198 = vector.shape_cast %mul3A_193 : vector<16xf32> to vector<1x16xf32>
          tpu.vector_store %arg8[%swap3A_194, %swap3A_195], %swap3A_198 {strides = array<i32>} : memref<128x128xf32, #tpu.memory_space<vmem>>, vector<1x16xf32>,
          %get3A_199 = arith.index_cast %add3A_158 : i32 to index
          %get3A_200 = arith.constant 64 : index
          %get3A_201 = tpu.vector_load %arg8[%get3A_199, %get3A_200] {strides = array<i32>} : memref<128x128xf32, #tpu.memory_space<vmem>>, vector<1x16xf32>,
          %get3A_202 = vector.shape_cast %get3A_201 : vector<1x16xf32> to vector<16xf32>
          %mul3A_203 = arith.mulf %get3A_202, %broadcast_in_dim3A : vector<16xf32>
          %swap3A_204 = arith.index_cast %add3A_158 : i32 to index
          %swap3A_205 = arith.constant 64 : index
          %swap3A_206 = tpu.vector_load %arg8[%swap3A_204, %swap3A_205] {strides = array<i32>} : memref<128x128xf32, #tpu.memory_space<vmem>>, vector<1x16xf32>,
          %swap3A_207 = vector.shape_cast %swap3A_206 : vector<1x16xf32> to vector<16xf32>
          %swap3A_208 = vector.shape_cast %mul3A_203 : vector<16xf32> to vector<1x16xf32>
          tpu.vector_store %arg8[%swap3A_204, %swap3A_205], %swap3A_208 {strides = array<i32>} : memref<128x128xf32, #tpu.memory_space<vmem>>, vector<1x16xf32>,
          %get3A_209 = arith.index_cast %add3A_158 : i32 to index
          %get3A_210 = arith.constant 80 : index
          %get3A_211 = tpu.vector_load %arg8[%get3A_209, %get3A_210] {strides = array<i32>} : memref<128x128xf32, #tpu.memory_space<vmem>>, vector<1x16xf32>,
          %get3A_212 = vector.shape_cast %get3A_211 : vector<1x16xf32> to vector<16xf32>
          %mul3A_213 = arith.mulf %get3A_212, %broadcast_in_dim3A : vector<16xf32>
          %swap3A_214 = arith.index_cast %add3A_158 : i32 to index
          %swap3A_215 = arith.constant 80 : index
          %swap3A_216 = tpu.vector_load %arg8[%swap3A_214, %swap3A_215] {strides = array<i32>} : memref<128x128xf32, #tpu.memory_space<vmem>>, vector<1x16xf32>,
          %swap3A_217 = vector.shape_cast %swap3A_216 : vector<1x16xf32> to vector<16xf32>
          %swap3A_218 = vector.shape_cast %mul3A_213 : vector<16xf32> to vector<1x16xf32>
          tpu.vector_store %arg8[%swap3A_214, %swap3A_215], %swap3A_218 {strides = array<i32>} : memref<128x128xf32, #tpu.memory_space<vmem>>, vector<1x16xf32>,
          %get3A_219 = arith.index_cast %add3A_158 : i32 to index
          %get3A_220 = arith.constant 96 : index
          %get3A_221 = tpu.vector_load %arg8[%get3A_219, %get3A_220] {strides = array<i32>} : memref<128x128xf32, #tpu.memory_space<vmem>>, vector<1x16xf32>,
          %get3A_222 = vector.shape_cast %get3A_221 : vector<1x16xf32> to vector<16xf32>
          %mul3A_223 = arith.mulf %get3A_222, %broadcast_in_dim3A : vector<16xf32>
          %swap3A_224 = arith.index_cast %add3A_158 : i32 to index
          %swap3A_225 = arith.constant 96 : index
          %swap3A_226 = tpu.vector_load %arg8[%swap3A_224, %swap3A_225] {strides = array<i32>} : memref<128x128xf32, #tpu.memory_space<vmem>>, vector<1x16xf32>,
          %swap3A_227 = vector.shape_cast %swap3A_226 : vector<1x16xf32> to vector<16xf32>
          %swap3A_228 = vector.shape_cast %mul3A_223 : vector<16xf32> to vector<1x16xf32>
          tpu.vector_store %arg8[%swap3A_224, %swap3A_225], %swap3A_228 {strides = array<i32>} : memref<128x128xf32, #tpu.memory_space<vmem>>, vector<1x16xf32>,
          %get3A_229 = arith.index_cast %add3A_158 : i32 to index
          %get3A_230 = arith.constant 112 : index
          %get3A_231 = tpu.vector_load %arg8[%get3A_229, %get3A_230] {strides = array<i32>} : memref<128x128xf32, #tpu.memory_space<vmem>>, vector<1x16xf32>,
          %get3A_232 = vector.shape_cast %get3A_231 : vector<1x16xf32> to vector<16xf32>
          %mul3A_233 = arith.mulf %get3A_232, %broadcast_in_dim3A : vector<16xf32>
          %swap3A_234 = arith.index_cast %add3A_158 : i32 to index
          %swap3A_235 = arith.constant 112 : index
          %swap3A_236 = tpu.vector_load %arg8[%swap3A_234, %swap3A_235] {strides = array<i32>} : memref<128x128xf32, #tpu.memory_space<vmem>>, vector<1x16xf32>,
          %swap3A_237 = vector.shape_cast %swap3A_236 : vector<1x16xf32> to vector<16xf32>
          %swap3A_238 = vector.shape_cast %mul3A_233 : vector<16xf32> to vector<1x16xf32>
          tpu.vector_store %arg8[%swap3A_234, %swap3A_235], %swap3A_238 {strides = array<i32>} : memref<128x128xf32, #tpu.memory_space<vmem>>, vector<1x16xf32>,
          %mul3A_239 = arith.constant 16 : i32
          %mul3A_240 = arith.muli %scan3A_136, %mul3A_239 : i32
          %add3A_241 = arith.constant 1 : i32
          %add3A_242 = arith.addi %mul3A_240, %add3A_241 : i32
          %slice3A_243 = vector.extract_strided_slice %bitcast_convert_type3A {offsets = [1], sizes = [1], strides = [1]} : vector<16xf32> to vector<1xf32>
          %squeeze3A_244 = vector.extract %slice3A_243[0] : f32 from vector<1xf32>
          %broadcast_in_dim3A_245 = vector.broadcast %squeeze3A_244 : f32 to vector<16xf32>
          %get3A_246 = arith.index_cast %add3A_242 : i32 to index
          %get3A_247 = arith.constant 0 : index
          %get3A_248 = tpu.vector_load %arg8[%get3A_246, %get3A_247] {strides = array<i32>} : memref<128x128xf32, #tpu.memory_space<vmem>>, vector<1x16xf32>,
          %get3A_249 = vector.shape_cast %get3A_248 : vector<1x16xf32> to vector<16xf32>
          %mul3A_250 = arith.mulf %get3A_249, %broadcast_in_dim3A_245 : vector<16xf32>
          %swap3A_251 = arith.index_cast %add3A_242 : i32 to index
          %swap3A_252 = arith.constant 0 : index
          %swap3A_253 = tpu.vector_load %arg8[%swap3A_251, %swap3A_252] {strides = array<i32>} : memref<128x128xf32, #tpu.memory_space<vmem>>, vector<1x16xf32>,
          %swap3A_254 = vector.shape_cast %swap3A_253 : vector<1x16xf32> to vector<16xf32>
          %swap3A_255 = vector.shape_cast %mul3A_250 : vector<16xf32> to vector<1x16xf32>
          tpu.vector_store %arg8[%swap3A_251, %swap3A_252], %swap3A_255 {strides = array<i32>} : memref<128x128xf32, #tpu.memory_space<vmem>>, vector<1x16xf32>,
          %get3A_256 = arith.index_cast %add3A_242 : i32 to index
          %get3A_257 = arith.constant 16 : index
          %get3A_258 = tpu.vector_load %arg8[%get3A_256, %get3A_257] {strides = array<i32>} : memref<128x128xf32, #tpu.memory_space<vmem>>, vector<1x16xf32>,
          %get3A_259 = vector.shape_cast %get3A_258 : vector<1x16xf32> to vector<16xf32>
          %mul3A_260 = arith.mulf %get3A_259, %broadcast_in_dim3A_245 : vector<16xf32>
          %swap3A_261 = arith.index_cast %add3A_242 : i32 to index
          %swap3A_262 = arith.constant 16 : index
          %swap3A_263 = tpu.vector_load %arg8[%swap3A_261, %swap3A_262] {strides = array<i32>} : memref<128x128xf32, #tpu.memory_space<vmem>>, vector<1x16xf32>,
          %swap3A_264 = vector.shape_cast %swap3A_263 : vector<1x16xf32> to vector<16xf32>
          %swap3A_265 = vector.shape_cast %mul3A_260 : vector<16xf32> to vector<1x16xf32>
          tpu.vector_store %arg8[%swap3A_261, %swap3A_262], %swap3A_265 {strides = array<i32>} : memref<128x128xf32, #tpu.memory_space<vmem>>, vector<1x16xf32>,
          %get3A_266 = arith.index_cast %add3A_242 : i32 to index
          %get3A_267 = arith.constant 32 : index
          %get3A_268 = tpu.vector_load %arg8[%get3A_266, %get3A_267] {strides = array<i32>} : memref<128x128xf32, #tpu.memory_space<vmem>>, vector<1x16xf32>,
          %get3A_269 = vector.shape_cast %get3A_268 : vector<1x16xf32> to vector<16xf32>
          %mul3A_270 = arith.mulf %get3A_269, %broadcast_in_dim3A_245 : vector<16xf32>
          %swap3A_271 = arith.index_cast %add3A_242 : i32 to index
          %swap3A_272 = arith.constant 32 : index
          %swap3A_273 = tpu.vector_load %arg8[%swap3A_271, %swap3A_272] {strides = array<i32>} : memref<128x128xf32, #tpu.memory_space<vmem>>, vector<1x16xf32>,
          %swap3A_274 = vector.shape_cast %swap3A_273 : vector<1x16xf32> to vector<16xf32>
          %swap3A_275 = vector.shape_cast %mul3A_270 : vector<16xf32> to vector<1x16xf32>
          tpu.vector_store %arg8[%swap3A_271, %swap3A_272], %swap3A_275 {strides = array<i32>} : memref<128x128xf32, #tpu.memory_space<vmem>>, vector<1x16xf32>,
          %get3A_276 = arith.index_cast %add3A_242 : i32 to index
          %get3A_277 = arith.constant 48 : index
          %get3A_278 = tpu.vector_load %arg8[%get3A_276, %get3A_277] {strides = array<i32>} : memref<128x128xf32, #tpu.memory_space<vmem>>, vector<1x16xf32>,
          %get3A_279 = vector.shape_cast %get3A_278 : vector<1x16xf32> to vector<16xf32>
          %mul3A_280 = arith.mulf %get3A_279, %broadcast_in_dim3A_245 : vector<16xf32>
          %swap3A_281 = arith.index_cast %add3A_242 : i32 to index
          %swap3A_282 = arith.constant 48 : index
          %swap3A_283 = tpu.vector_load %arg8[%swap3A_281, %swap3A_282] {strides = array<i32>} : memref<128x128xf32, #tpu.memory_space<vmem>>, vector<1x16xf32>,
          %swap3A_284 = vector.shape_cast %swap3A_283 : vector<1x16xf32> to vector<16xf32>
          %swap3A_285 = vector.shape_cast %mul3A_280 : vector<16xf32> to vector<1x16xf32>
          tpu.vector_store %arg8[%swap3A_281, %swap3A_282], %swap3A_285 {strides = array<i32>} : memref<128x128xf32, #tpu.memory_space<vmem>>, vector<1x16xf32>,
          %get3A_286 = arith.index_cast %add3A_242 : i32 to index
          %get3A_287 = arith.constant 64 : index
          %get3A_288 = tpu.vector_load %arg8[%get3A_286, %get3A_287] {strides = array<i32>} : memref<128x128xf32, #tpu.memory_space<vmem>>, vector<1x16xf32>,
          %get3A_289 = vector.shape_cast %get3A_288 : vector<1x16xf32> to vector<16xf32>
          %mul3A_290 = arith.mulf %get3A_289, %broadcast_in_dim3A_245 : vector<16xf32>
          %swap3A_291 = arith.index_cast %add3A_242 : i32 to index
          %swap3A_292 = arith.constant 64 : index
          %swap3A_293 = tpu.vector_load %arg8[%swap3A_291, %swap3A_292] {strides = array<i32>} : memref<128x128xf32, #tpu.memory_space<vmem>>, vector<1x16xf32>,
          %swap3A_294 = vector.shape_cast %swap3A_293 : vector<1x16xf32> to vector<16xf32>
          %swap3A_295 = vector.shape_cast %mul3A_290 : vector<16xf32> to vector<1x16xf32>
          tpu.vector_store %arg8[%swap3A_291, %swap3A_292], %swap3A_295 {strides = array<i32>} : memref<128x128xf32, #tpu.memory_space<vmem>>, vector<1x16xf32>,
          %get3A_296 = arith.index_cast %add3A_242 : i32 to index
          %get3A_297 = arith.constant 80 : index
          %get3A_298 = tpu.vector_load %arg8[%get3A_296, %get3A_297] {strides = array<i32>} : memref<128x128xf32, #tpu.memory_space<vmem>>, vector<1x16xf32>,
          %get3A_299 = vector.shape_cast %get3A_298 : vector<1x16xf32> to vector<16xf32>
          %mul3A_300 = arith.mulf %get3A_299, %broadcast_in_dim3A_245 : vector<16xf32>
          %swap3A_301 = arith.index_cast %add3A_242 : i32 to index
          %swap3A_302 = arith.constant 80 : index
          %swap3A_303 = tpu.vector_load %arg8[%swap3A_301, %swap3A_302] {strides = array<i32>} : memref<128x128xf32, #tpu.memory_space<vmem>>, vector<1x16xf32>,
          %swap3A_304 = vector.shape_cast %swap3A_303 : vector<1x16xf32> to vector<16xf32>
          %swap3A_305 = vector.shape_cast %mul3A_300 : vector<16xf32> to vector<1x16xf32>
          tpu.vector_store %arg8[%swap3A_301, %swap3A_302], %swap3A_305 {strides = array<i32>} : memref<128x128xf32, #tpu.memory_space<vmem>>, vector<1x16xf32>,
          %get3A_306 = arith.index_cast %add3A_242 : i32 to index
          %get3A_307 = arith.constant 96 : index
          %get3A_308 = tpu.vector_load %arg8[%get3A_306, %get3A_307] {strides = array<i32>} : memref<128x128xf32, #tpu.memory_space<vmem>>, vector<1x16xf32>,
          %get3A_309 = vector.shape_cast %get3A_308 : vector<1x16xf32> to vector<16xf32>
          %mul3A_310 = arith.mulf %get3A_309, %broadcast_in_dim3A_245 : vector<16xf32>
          %swap3A_311 = arith.index_cast %add3A_242 : i32 to index
          %swap3A_312 = arith.constant 96 : index
          %swap3A_313 = tpu.vector_load %arg8[%swap3A_311, %swap3A_312] {strides = array<i32>} : memref<128x128xf32, #tpu.memory_space<vmem>>, vector<1x16xf32>,
          %swap3A_314 = vector.shape_cast %swap3A_313 : vector<1x16xf32> to vector<16xf32>
          %swap3A_315 = vector.shape_cast %mul3A_310 : vector<16xf32> to vector<1x16xf32>
          tpu.vector_store %arg8[%swap3A_311, %swap3A_312], %swap3A_315 {strides = array<i32>} : memref<128x128xf32, #tpu.memory_space<vmem>>, vector<1x16xf32>,
          %get3A_316 = arith.index_cast %add3A_242 : i32 to index
          %get3A_317 = arith.constant 112 : index
          %get3A_318 = tpu.vector_load %arg8[%get3A_316, %get3A_317] {strides = array<i32>} : memref<128x128xf32, #tpu.memory_space<vmem>>, vector<1x16xf32>,
          %get3A_319 = vector.shape_cast %get3A_318 : vector<1x16xf32> to vector<16xf32>
          %mul3A_320 = arith.mulf %get3A_319, %broadcast_in_dim3A_245 : vector<16xf32>
          %swap3A_321 = arith.index_cast %add3A_242 : i32 to index
          %swap3A_322 = arith.constant 112 : index
          %swap3A_323 = tpu.vector_load %arg8[%swap3A_321, %swap3A_322] {strides = array<i32>} : memref<128x128xf32, #tpu.memory_space<vmem>>, vector<1x16xf32>,
          %swap3A_324 = vector.shape_cast %swap3A_323 : vector<1x16xf32> to vector<16xf32>
          %swap3A_325 = vector.shape_cast %mul3A_320 : vector<16xf32> to vector<1x16xf32>
          tpu.vector_store %arg8[%swap3A_321, %swap3A_322], %swap3A_325 {strides = array<i32>} : memref<128x128xf32, #tpu.memory_space<vmem>>, vector<1x16xf32>,
          %mul3A_326 = arith.constant 16 : i32
          %mul3A_327 = arith.muli %scan3A_136, %mul3A_326 : i32
          %add3A_328 = arith.constant 2 : i32
          %add3A_329 = arith.addi %mul3A_327, %add3A_328 : i32
          %slice3A_330 = vector.extract_strided_slice %bitcast_convert_type3A {offsets = [2], sizes = [1], strides = [1]} : vector<16xf32> to vector<1xf32>
          %squeeze3A_331 = vector.extract %slice3A_330[0] : f32 from vector<1xf32>
          %broadcast_in_dim3A_332 = vector.broadcast %squeeze3A_331 : f32 to vector<16xf32>
          %get3A_333 = arith.index_cast %add3A_329 : i32 to index
          %get3A_334 = arith.constant 0 : index
          %get3A_335 = tpu.vector_load %arg8[%get3A_333, %get3A_334] {strides = array<i32>} : memref<128x128xf32, #tpu.memory_space<vmem>>, vector<1x16xf32>,
          %get3A_336 = vector.shape_cast %get3A_335 : vector<1x16xf32> to vector<16xf32>
          %mul3A_337 = arith.mulf %get3A_336, %broadcast_in_dim3A_332 : vector<16xf32>
          %swap3A_338 = arith.index_cast %add3A_329 : i32 to index
          %swap3A_339 = arith.constant 0 : index
          %swap3A_340 = tpu.vector_load %arg8[%swap3A_338, %swap3A_339] {strides = array<i32>} : memref<128x128xf32, #tpu.memory_space<vmem>>, vector<1x16xf32>,
          %swap3A_341 = vector.shape_cast %swap3A_340 : vector<1x16xf32> to vector<16xf32>
          %swap3A_342 = vector.shape_cast %mul3A_337 : vector<16xf32> to vector<1x16xf32>
          tpu.vector_store %arg8[%swap3A_338, %swap3A_339], %swap3A_342 {strides = array<i32>} : memref<128x128xf32, #tpu.memory_space<vmem>>, vector<1x16xf32>,
          %get3A_343 = arith.index_cast %add3A_329 : i32 to index
          %get3A_344 = arith.constant 16 : index
          %get3A_345 = tpu.vector_load %arg8[%get3A_343, %get3A_344] {strides = array<i32>} : memref<128x128xf32, #tpu.memory_space<vmem>>, vector<1x16xf32>,
          %get3A_346 = vector.shape_cast %get3A_345 : vector<1x16xf32> to vector<16xf32>
          %mul3A_347 = arith.mulf %get3A_346, %broadcast_in_dim3A_332 : vector<16xf32>
          %swap3A_348 = arith.index_cast %add3A_329 : i32 to index
          %swap3A_349 = arith.constant 16 : index
          %swap3A_350 = tpu.vector_load %arg8[%swap3A_348, %swap3A_349] {strides = array<i32>} : memref<128x128xf32, #tpu.memory_space<vmem>>, vector<1x16xf32>,
          %swap3A_351 = vector.shape_cast %swap3A_350 : vector<1x16xf32> to vector<16xf32>
          %swap3A_352 = vector.shape_cast %mul3A_347 : vector<16xf32> to vector<1x16xf32>
          tpu.vector_store %arg8[%swap3A_348, %swap3A_349], %swap3A_352 {strides = array<i32>} : memref<128x128xf32, #tpu.memory_space<vmem>>, vector<1x16xf32>,
          %get3A_353 = arith.index_cast %add3A_329 : i32 to index
          %get3A_354 = arith.constant 32 : index
          %get3A_355 = tpu.vector_load %arg8[%get3A_353, %get3A_354] {strides = array<i32>} : memref<128x128xf32, #tpu.memory_space<vmem>>, vector<1x16xf32>,
          %get3A_356 = vector.shape_cast %get3A_355 : vector<1x16xf32> to vector<16xf32>
          %mul3A_357 = arith.mulf %get3A_356, %broadcast_in_dim3A_332 : vector<16xf32>
          %swap3A_358 = arith.index_cast %add3A_329 : i32 to index
          %swap3A_359 = arith.constant 32 : index
          %swap3A_360 = tpu.vector_load %arg8[%swap3A_358, %swap3A_359] {strides = array<i32>} : memref<128x128xf32, #tpu.memory_space<vmem>>, vector<1x16xf32>,
          %swap3A_361 = vector.shape_cast %swap3A_360 : vector<1x16xf32> to vector<16xf32>
          %swap3A_362 = vector.shape_cast %mul3A_357 : vector<16xf32> to vector<1x16xf32>
          tpu.vector_store %arg8[%swap3A_358, %swap3A_359], %swap3A_362 {strides = array<i32>} : memref<128x128xf32, #tpu.memory_space<vmem>>, vector<1x16xf32>,
          %get3A_363 = arith.index_cast %add3A_329 : i32 to index
          %get3A_364 = arith.constant 48 : index
          %get3A_365 = tpu.vector_load %arg8[%get3A_363, %get3A_364] {strides = array<i32>} : memref<128x128xf32, #tpu.memory_space<vmem>>, vector<1x16xf32>,
          %get3A_366 = vector.shape_cast %get3A_365 : vector<1x16xf32> to vector<16xf32>
          %mul3A_367 = arith.mulf %get3A_366, %broadcast_in_dim3A_332 : vector<16xf32>
          %swap3A_368 = arith.index_cast %add3A_329 : i32 to index
          %swap3A_369 = arith.constant 48 : index
          %swap3A_370 = tpu.vector_load %arg8[%swap3A_368, %swap3A_369] {strides = array<i32>} : memref<128x128xf32, #tpu.memory_space<vmem>>, vector<1x16xf32>,
          %swap3A_371 = vector.shape_cast %swap3A_370 : vector<1x16xf32> to vector<16xf32>
          %swap3A_372 = vector.shape_cast %mul3A_367 : vector<16xf32> to vector<1x16xf32>
          tpu.vector_store %arg8[%swap3A_368, %swap3A_369], %swap3A_372 {strides = array<i32>} : memref<128x128xf32, #tpu.memory_space<vmem>>, vector<1x16xf32>,
          %get3A_373 = arith.index_cast %add3A_329 : i32 to index
          %get3A_374 = arith.constant 64 : index
          %get3A_375 = tpu.vector_load %arg8[%get3A_373, %get3A_374] {strides = array<i32>} : memref<128x128xf32, #tpu.memory_space<vmem>>, vector<1x16xf32>,
          %get3A_376 = vector.shape_cast %get3A_375 : vector<1x16xf32> to vector<16xf32>
          %mul3A_377 = arith.mulf %get3A_376, %broadcast_in_dim3A_332 : vector<16xf32>
          %swap3A_378 = arith.index_cast %add3A_329 : i32 to index
          %swap3A_379 = arith.constant 64 : index
          %swap3A_380 = tpu.vector_load %arg8[%swap3A_378, %swap3A_379] {strides = array<i32>} : memref<128x128xf32, #tpu.memory_space<vmem>>, vector<1x16xf32>,
          %swap3A_381 = vector.shape_cast %swap3A_380 : vector<1x16xf32> to vector<16xf32>
          %swap3A_382 = vector.shape_cast %mul3A_377 : vector<16xf32> to vector<1x16xf32>
          tpu.vector_store %arg8[%swap3A_378, %swap3A_379], %swap3A_382 {strides = array<i32>} : memref<128x128xf32, #tpu.memory_space<vmem>>, vector<1x16xf32>,
          %get3A_383 = arith.index_cast %add3A_329 : i32 to index
          %get3A_384 = arith.constant 80 : index
          %get3A_385 = tpu.vector_load %arg8[%get3A_383, %get3A_384] {strides = array<i32>} : memref<128x128xf32, #tpu.memory_space<vmem>>, vector<1x16xf32>,
          %get3A_386 = vector.shape_cast %get3A_385 : vector<1x16xf32> to vector<16xf32>
          %mul3A_387 = arith.mulf %get3A_386, %broadcast_in_dim3A_332 : vector<16xf32>
          %swap3A_388 = arith.index_cast %add3A_329 : i32 to index
          %swap3A_389 = arith.constant 80 : index
          %swap3A_390 = tpu.vector_load %arg8[%swap3A_388, %swap3A_389] {strides = array<i32>} : memref<128x128xf32, #tpu.memory_space<vmem>>, vector<1x16xf32>,
          %swap3A_391 = vector.shape_cast %swap3A_390 : vector<1x16xf32> to vector<16xf32>
          %swap3A_392 = vector.shape_cast %mul3A_387 : vector<16xf32> to vector<1x16xf32>
          tpu.vector_store %arg8[%swap3A_388, %swap3A_389], %swap3A_392 {strides = array<i32>} : memref<128x128xf32, #tpu.memory_space<vmem>>, vector<1x16xf32>,
          %get3A_393 = arith.index_cast %add3A_329 : i32 to index
          %get3A_394 = arith.constant 96 : index
          %get3A_395 = tpu.vector_load %arg8[%get3A_393, %get3A_394] {strides = array<i32>} : memref<128x128xf32, #tpu.memory_space<vmem>>, vector<1x16xf32>,
          %get3A_396 = vector.shape_cast %get3A_395 : vector<1x16xf32> to vector<16xf32>
          %mul3A_397 = arith.mulf %get3A_396, %broadcast_in_dim3A_332 : vector<16xf32>
          %swap3A_398 = arith.index_cast %add3A_329 : i32 to index
          %swap3A_399 = arith.constant 96 : index
          %swap3A_400 = tpu.vector_load %arg8[%swap3A_398, %swap3A_399] {strides = array<i32>} : memref<128x128xf32, #tpu.memory_space<vmem>>, vector<1x16xf32>,
          %swap3A_401 = vector.shape_cast %swap3A_400 : vector<1x16xf32> to vector<16xf32>
          %swap3A_402 = vector.shape_cast %mul3A_397 : vector<16xf32> to vector<1x16xf32>
          tpu.vector_store %arg8[%swap3A_398, %swap3A_399], %swap3A_402 {strides = array<i32>} : memref<128x128xf32, #tpu.memory_space<vmem>>, vector<1x16xf32>,
          %get3A_403 = arith.index_cast %add3A_329 : i32 to index
          %get3A_404 = arith.constant 112 : index
          %get3A_405 = tpu.vector_load %arg8[%get3A_403, %get3A_404] {strides = array<i32>} : memref<128x128xf32, #tpu.memory_space<vmem>>, vector<1x16xf32>,
          %get3A_406 = vector.shape_cast %get3A_405 : vector<1x16xf32> to vector<16xf32>
          %mul3A_407 = arith.mulf %get3A_406, %broadcast_in_dim3A_332 : vector<16xf32>
          %swap3A_408 = arith.index_cast %add3A_329 : i32 to index
          %swap3A_409 = arith.constant 112 : index
          %swap3A_410 = tpu.vector_load %arg8[%swap3A_408, %swap3A_409] {strides = array<i32>} : memref<128x128xf32, #tpu.memory_space<vmem>>, vector<1x16xf32>,
          %swap3A_411 = vector.shape_cast %swap3A_410 : vector<1x16xf32> to vector<16xf32>
          %swap3A_412 = vector.shape_cast %mul3A_407 : vector<16xf32> to vector<1x16xf32>
          tpu.vector_store %arg8[%swap3A_408, %swap3A_409], %swap3A_412 {strides = array<i32>} : memref<128x128xf32, #tpu.memory_space<vmem>>, vector<1x16xf32>,
          %mul3A_413 = arith.constant 16 : i32
          %mul3A_414 = arith.muli %scan3A_136, %mul3A_413 : i32
          %add3A_415 = arith.constant 3 : i32
          %add3A_416 = arith.addi %mul3A_414, %add3A_415 : i32
          %slice3A_417 = vector.extract_strided_slice %bitcast_convert_type3A {offsets = [3], sizes = [1], strides = [1]} : vector<16xf32> to vector<1xf32>
          %squeeze3A_418 = vector.extract %slice3A_417[0] : f32 from vector<1xf32>
          %broadcast_in_dim3A_419 = vector.broadcast %squeeze3A_418 : f32 to vector<16xf32>
          %get3A_420 = arith.index_cast %add3A_416 : i32 to index
          %get3A_421 = arith.constant 0 : index
          %get3A_422 = tpu.vector_load %arg8[%get3A_420, %get3A_421] {strides = array<i32>} : memref<128x128xf32, #tpu.memory_space<vmem>>, vector<1x16xf32>,
          %get3A_423 = vector.shape_cast %get3A_422 : vector<1x16xf32> to vector<16xf32>
          %mul3A_424 = arith.mulf %get3A_423, %broadcast_in_dim3A_419 : vector<16xf32>
          %swap3A_425 = arith.index_cast %add3A_416 : i32 to index
          %swap3A_426 = arith.constant 0 : index
          %swap3A_427 = tpu.vector_load %arg8[%swap3A_425, %swap3A_426] {strides = array<i32>} : memref<128x128xf32, #tpu.memory_space<vmem>>, vector<1x16xf32>,
          %swap3A_428 = vector.shape_cast %swap3A_427 : vector<1x16xf32> to vector<16xf32>
          %swap3A_429 = vector.shape_cast %mul3A_424 : vector<16xf32> to vector<1x16xf32>
          tpu.vector_store %arg8[%swap3A_425, %swap3A_426], %swap3A_429 {strides = array<i32>} : memref<128x128xf32, #tpu.memory_space<vmem>>, vector<1x16xf32>,
          %get3A_430 = arith.index_cast %add3A_416 : i32 to index
          %get3A_431 = arith.constant 16 : index
          %get3A_432 = tpu.vector_load %arg8[%get3A_430, %get3A_431] {strides = array<i32>} : memref<128x128xf32, #tpu.memory_space<vmem>>, vector<1x16xf32>,
          %get3A_433 = vector.shape_cast %get3A_432 : vector<1x16xf32> to vector<16xf32>
          %mul3A_434 = arith.mulf %get3A_433, %broadcast_in_dim3A_419 : vector<16xf32>
          %swap3A_435 = arith.index_cast %add3A_416 : i32 to index
          %swap3A_436 = arith.constant 16 : index
          %swap3A_437 = tpu.vector_load %arg8[%swap3A_435, %swap3A_436] {strides = array<i32>} : memref<128x128xf32, #tpu.memory_space<vmem>>, vector<1x16xf32>,
          %swap3A_438 = vector.shape_cast %swap3A_437 : vector<1x16xf32> to vector<16xf32>
          %swap3A_439 = vector.shape_cast %mul3A_434 : vector<16xf32> to vector<1x16xf32>
          tpu.vector_store %arg8[%swap3A_435, %swap3A_436], %swap3A_439 {strides = array<i32>} : memref<128x128xf32, #tpu.memory_space<vmem>>, vector<1x16xf32>,
          %get3A_440 = arith.index_cast %add3A_416 : i32 to index
          %get3A_441 = arith.constant 32 : index
          %get3A_442 = tpu.vector_load %arg8[%get3A_440, %get3A_441] {strides = array<i32>} : memref<128x128xf32, #tpu.memory_space<vmem>>, vector<1x16xf32>,
          %get3A_443 = vector.shape_cast %get3A_442 : vector<1x16xf32> to vector<16xf32>
          %mul3A_444 = arith.mulf %get3A_443, %broadcast_in_dim3A_419 : vector<16xf32>
          %swap3A_445 = arith.index_cast %add3A_416 : i32 to index
          %swap3A_446 = arith.constant 32 : index
          %swap3A_447 = tpu.vector_load %arg8[%swap3A_445, %swap3A_446] {strides = array<i32>} : memref<128x128xf32, #tpu.memory_space<vmem>>, vector<1x16xf32>,
          %swap3A_448 = vector.shape_cast %swap3A_447 : vector<1x16xf32> to vector<16xf32>
          %swap3A_449 = vector.shape_cast %mul3A_444 : vector<16xf32> to vector<1x16xf32>
          tpu.vector_store %arg8[%swap3A_445, %swap3A_446], %swap3A_449 {strides = array<i32>} : memref<128x128xf32, #tpu.memory_space<vmem>>, vector<1x16xf32>,
          %get3A_450 = arith.index_cast %add3A_416 : i32 to index
          %get3A_451 = arith.constant 48 : index
          %get3A_452 = tpu.vector_load %arg8[%get3A_450, %get3A_451] {strides = array<i32>} : memref<128x128xf32, #tpu.memory_space<vmem>>, vector<1x16xf32>,
          %get3A_453 = vector.shape_cast %get3A_452 : vector<1x16xf32> to vector<16xf32>
          %mul3A_454 = arith.mulf %get3A_453, %broadcast_in_dim3A_419 : vector<16xf32>
          %swap3A_455 = arith.index_cast %add3A_416 : i32 to index
          %swap3A_456 = arith.constant 48 : index
          %swap3A_457 = tpu.vector_load %arg8[%swap3A_455, %swap3A_456] {strides = array<i32>} : memref<128x128xf32, #tpu.memory_space<vmem>>, vector<1x16xf32>,
          %swap3A_458 = vector.shape_cast %swap3A_457 : vector<1x16xf32> to vector<16xf32>
          %swap3A_459 = vector.shape_cast %mul3A_454 : vector<16xf32> to vector<1x16xf32>
          tpu.vector_store %arg8[%swap3A_455, %swap3A_456], %swap3A_459 {strides = array<i32>} : memref<128x128xf32, #tpu.memory_space<vmem>>, vector<1x16xf32>,
          %get3A_460 = arith.index_cast %add3A_416 : i32 to index
          %get3A_461 = arith.constant 64 : index
          %get3A_462 = tpu.vector_load %arg8[%get3A_460, %get3A_461] {strides = array<i32>} : memref<128x128xf32, #tpu.memory_space<vmem>>, vector<1x16xf32>,
          %get3A_463 = vector.shape_cast %get3A_462 : vector<1x16xf32> to vector<16xf32>
          %mul3A_464 = arith.mulf %get3A_463, %broadcast_in_dim3A_419 : vector<16xf32>
          %swap3A_465 = arith.index_cast %add3A_416 : i32 to index
          %swap3A_466 = arith.constant 64 : index
          %swap3A_467 = tpu.vector_load %arg8[%swap3A_465, %swap3A_466] {strides = array<i32>} : memref<128x128xf32, #tpu.memory_space<vmem>>, vector<1x16xf32>,
          %swap3A_468 = vector.shape_cast %swap3A_467 : vector<1x16xf32> to vector<16xf32>
          %swap3A_469 = vector.shape_cast %mul3A_464 : vector<16xf32> to vector<1x16xf32>
          tpu.vector_store %arg8[%swap3A_465, %swap3A_466], %swap3A_469 {strides = array<i32>} : memref<128x128xf32, #tpu.memory_space<vmem>>, vector<1x16xf32>,
          %get3A_470 = arith.index_cast %add3A_416 : i32 to index
          %get3A_471 = arith.constant 80 : index
          %get3A_472 = tpu.vector_load %arg8[%get3A_470, %get3A_471] {strides = array<i32>} : memref<128x128xf32, #tpu.memory_space<vmem>>, vector<1x16xf32>,
          %get3A_473 = vector.shape_cast %get3A_472 : vector<1x16xf32> to vector<16xf32>
          %mul3A_474 = arith.mulf %get3A_473, %broadcast_in_dim3A_419 : vector<16xf32>
          %swap3A_475 = arith.index_cast %add3A_416 : i32 to index
          %swap3A_476 = arith.constant 80 : index
          %swap3A_477 = tpu.vector_load %arg8[%swap3A_475, %swap3A_476] {strides = array<i32>} : memref<128x128xf32, #tpu.memory_space<vmem>>, vector<1x16xf32>,
          %swap3A_478 = vector.shape_cast %swap3A_477 : vector<1x16xf32> to vector<16xf32>
          %swap3A_479 = vector.shape_cast %mul3A_474 : vector<16xf32> to vector<1x16xf32>
          tpu.vector_store %arg8[%swap3A_475, %swap3A_476], %swap3A_479 {strides = array<i32>} : memref<128x128xf32, #tpu.memory_space<vmem>>, vector<1x16xf32>,
          %get3A_480 = arith.index_cast %add3A_416 : i32 to index
          %get3A_481 = arith.constant 96 : index
          %get3A_482 = tpu.vector_load %arg8[%get3A_480, %get3A_481] {strides = array<i32>} : memref<128x128xf32, #tpu.memory_space<vmem>>, vector<1x16xf32>,
          %get3A_483 = vector.shape_cast %get3A_482 : vector<1x16xf32> to vector<16xf32>
          %mul3A_484 = arith.mulf %get3A_483, %broadcast_in_dim3A_419 : vector<16xf32>
          %swap3A_485 = arith.index_cast %add3A_416 : i32 to index
          %swap3A_486 = arith.constant 96 : index
          %swap3A_487 = tpu.vector_load %arg8[%swap3A_485, %swap3A_486] {strides = array<i32>} : memref<128x128xf32, #tpu.memory_space<vmem>>, vector<1x16xf32>,
          %swap3A_488 = vector.shape_cast %swap3A_487 : vector<1x16xf32> to vector<16xf32>
          %swap3A_489 = vector.shape_cast %mul3A_484 : vector<16xf32> to vector<1x16xf32>
          tpu.vector_store %arg8[%swap3A_485, %swap3A_486], %swap3A_489 {strides = array<i32>} : memref<128x128xf32, #tpu.memory_space<vmem>>, vector<1x16xf32>,
          %get3A_490 = arith.index_cast %add3A_416 : i32 to index
          %get3A_491 = arith.constant 112 : index
          %get3A_492 = tpu.vector_load %arg8[%get3A_490, %get3A_491] {strides = array<i32>} : memref<128x128xf32, #tpu.memory_space<vmem>>, vector<1x16xf32>,
          %get3A_493 = vector.shape_cast %get3A_492 : vector<1x16xf32> to vector<16xf32>
          %mul3A_494 = arith.mulf %get3A_493, %broadcast_in_dim3A_419 : vector<16xf32>
          %swap3A_495 = arith.index_cast %add3A_416 : i32 to index
          %swap3A_496 = arith.constant 112 : index
          %swap3A_497 = tpu.vector_load %arg8[%swap3A_495, %swap3A_496] {strides = array<i32>} : memref<128x128xf32, #tpu.memory_space<vmem>>, vector<1x16xf32>,
          %swap3A_498 = vector.shape_cast %swap3A_497 : vector<1x16xf32> to vector<16xf32>
          %swap3A_499 = vector.shape_cast %mul3A_494 : vector<16xf32> to vector<1x16xf32>
          tpu.vector_store %arg8[%swap3A_495, %swap3A_496], %swap3A_499 {strides = array<i32>} : memref<128x128xf32, #tpu.memory_space<vmem>>, vector<1x16xf32>,
          %mul3A_500 = arith.constant 16 : i32
          %mul3A_501 = arith.muli %scan3A_136, %mul3A_500 : i32
          %add3A_502 = arith.constant 4 : i32
          %add3A_503 = arith.addi %mul3A_501, %add3A_502 : i32
          %slice3A_504 = vector.extract_strided_slice %bitcast_convert_type3A {offsets = [4], sizes = [1], strides = [1]} : vector<16xf32> to vector<1xf32>
          %squeeze3A_505 = vector.extract %slice3A_504[0] : f32 from vector<1xf32>
          %broadcast_in_dim3A_506 = vector.broadcast %squeeze3A_505 : f32 to vector<16xf32>
          %get3A_507 = arith.index_cast %add3A_503 : i32 to index
          %get3A_508 = arith.constant 0 : index
          %get3A_509 = tpu.vector_load %arg8[%get3A_507, %get3A_508] {strides = array<i32>} : memref<128x128xf32, #tpu.memory_space<vmem>>, vector<1x16xf32>,
          %get3A_510 = vector.shape_cast %get3A_509 : vector<1x16xf32> to vector<16xf32>
          %mul3A_511 = arith.mulf %get3A_510, %broadcast_in_dim3A_506 : vector<16xf32>
          %swap3A_512 = arith.index_cast %add3A_503 : i32 to index
          %swap3A_513 = arith.constant 0 : index
          %swap3A_514 = tpu.vector_load %arg8[%swap3A_512, %swap3A_513] {strides = array<i32>} : memref<128x128xf32, #tpu.memory_space<vmem>>, vector<1x16xf32>,
          %swap3A_515 = vector.shape_cast %swap3A_514 : vector<1x16xf32> to vector<16xf32>
          %swap3A_516 = vector.shape_cast %mul3A_511 : vector<16xf32> to vector<1x16xf32>
          tpu.vector_store %arg8[%swap3A_512, %swap3A_513], %swap3A_516 {strides = array<i32>} : memref<128x128xf32, #tpu.memory_space<vmem>>, vector<1x16xf32>,
          %get3A_517 = arith.index_cast %add3A_503 : i32 to index
          %get3A_518 = arith.constant 16 : index
          %get3A_519 = tpu.vector_load %arg8[%get3A_517, %get3A_518] {strides = array<i32>} : memref<128x128xf32, #tpu.memory_space<vmem>>, vector<1x16xf32>,
          %get3A_520 = vector.shape_cast %get3A_519 : vector<1x16xf32> to vector<16xf32>
          %mul3A_521 = arith.mulf %get3A_520, %broadcast_in_dim3A_506 : vector<16xf32>
          %swap3A_522 = arith.index_cast %add3A_503 : i32 to index
          %swap3A_523 = arith.constant 16 : index
          %swap3A_524 = tpu.vector_load %arg8[%swap3A_522, %swap3A_523] {strides = array<i32>} : memref<128x128xf32, #tpu.memory_space<vmem>>, vector<1x16xf32>,
          %swap3A_525 = vector.shape_cast %swap3A_524 : vector<1x16xf32> to vector<16xf32>
          %swap3A_526 = vector.shape_cast %mul3A_521 : vector<16xf32> to vector<1x16xf32>
          tpu.vector_store %arg8[%swap3A_522, %swap3A_523], %swap3A_526 {strides = array<i32>} : memref<128x128xf32, #tpu.memory_space<vmem>>, vector<1x16xf32>,
          %get3A_527 = arith.index_cast %add3A_503 : i32 to index
          %get3A_528 = arith.constant 32 : index
          %get3A_529 = tpu.vector_load %arg8[%get3A_527, %get3A_528] {strides = array<i32>} : memref<128x128xf32, #tpu.memory_space<vmem>>, vector<1x16xf32>,
          %get3A_530 = vector.shape_cast %get3A_529 : vector<1x16xf32> to vector<16xf32>
          %mul3A_531 = arith.mulf %get3A_530, %broadcast_in_dim3A_506 : vector<16xf32>
          %swap3A_532 = arith.index_cast %add3A_503 : i32 to index
          %swap3A_533 = arith.constant 32 : index
          %swap3A_534 = tpu.vector_load %arg8[%swap3A_532, %swap3A_533] {strides = array<i32>} : memref<128x128xf32, #tpu.memory_space<vmem>>, vector<1x16xf32>,
          %swap3A_535 = vector.shape_cast %swap3A_534 : vector<1x16xf32> to vector<16xf32>
          %swap3A_536 = vector.shape_cast %mul3A_531 : vector<16xf32> to vector<1x16xf32>
          tpu.vector_store %arg8[%swap3A_532, %swap3A_533], %swap3A_536 {strides = array<i32>} : memref<128x128xf32, #tpu.memory_space<vmem>>, vector<1x16xf32>,
          %get3A_537 = arith.index_cast %add3A_503 : i32 to index
          %get3A_538 = arith.constant 48 : index
          %get3A_539 = tpu.vector_load %arg8[%get3A_537, %get3A_538] {strides = array<i32>} : memref<128x128xf32, #tpu.memory_space<vmem>>, vector<1x16xf32>,
          %get3A_540 = vector.shape_cast %get3A_539 : vector<1x16xf32> to vector<16xf32>
          %mul3A_541 = arith.mulf %get3A_540, %broadcast_in_dim3A_506 : vector<16xf32>
          %swap3A_542 = arith.index_cast %add3A_503 : i32 to index
          %swap3A_543 = arith.constant 48 : index
          %swap3A_544 = tpu.vector_load %arg8[%swap3A_542, %swap3A_543] {strides = array<i32>} : memref<128x128xf32, #tpu.memory_space<vmem>>, vector<1x16xf32>,
          %swap3A_545 = vector.shape_cast %swap3A_544 : vector<1x16xf32> to vector<16xf32>
          %swap3A_546 = vector.shape_cast %mul3A_541 : vector<16xf32> to vector<1x16xf32>
          tpu.vector_store %arg8[%swap3A_542, %swap3A_543], %swap3A_546 {strides = array<i32>} : memref<128x128xf32, #tpu.memory_space<vmem>>, vector<1x16xf32>,
          %get3A_547 = arith.index_cast %add3A_503 : i32 to index
          %get3A_548 = arith.constant 64 : index
          %get3A_549 = tpu.vector_load %arg8[%get3A_547, %get3A_548] {strides = array<i32>} : memref<128x128xf32, #tpu.memory_space<vmem>>, vector<1x16xf32>,
          %get3A_550 = vector.shape_cast %get3A_549 : vector<1x16xf32> to vector<16xf32>
          %mul3A_551 = arith.mulf %get3A_550, %broadcast_in_dim3A_506 : vector<16xf32>
          %swap3A_552 = arith.index_cast %add3A_503 : i32 to index
          %swap3A_553 = arith.constant 64 : index
          %swap3A_554 = tpu.vector_load %arg8[%swap3A_552, %swap3A_553] {strides = array<i32>} : memref<128x128xf32, #tpu.memory_space<vmem>>, vector<1x16xf32>,
          %swap3A_555 = vector.shape_cast %swap3A_554 : vector<1x16xf32> to vector<16xf32>
          %swap3A_556 = vector.shape_cast %mul3A_551 : vector<16xf32> to vector<1x16xf32>
          tpu.vector_store %arg8[%swap3A_552, %swap3A_553], %swap3A_556 {strides = array<i32>} : memref<128x128xf32, #tpu.memory_space<vmem>>, vector<1x16xf32>,
          %get3A_557 = arith.index_cast %add3A_503 : i32 to index
          %get3A_558 = arith.constant 80 : index
          %get3A_559 = tpu.vector_load %arg8[%get3A_557, %get3A_558] {strides = array<i32>} : memref<128x128xf32, #tpu.memory_space<vmem>>, vector<1x16xf32>,
          %get3A_560 = vector.shape_cast %get3A_559 : vector<1x16xf32> to vector<16xf32>
          %mul3A_561 = arith.mulf %get3A_560, %broadcast_in_dim3A_506 : vector<16xf32>
          %swap3A_562 = arith.index_cast %add3A_503 : i32 to index
          %swap3A_563 = arith.constant 80 : index
          %swap3A_564 = tpu.vector_load %arg8[%swap3A_562, %swap3A_563] {strides = array<i32>} : memref<128x128xf32, #tpu.memory_space<vmem>>, vector<1x16xf32>,
          %swap3A_565 = vector.shape_cast %swap3A_564 : vector<1x16xf32> to vector<16xf32>
          %swap3A_566 = vector.shape_cast %mul3A_561 : vector<16xf32> to vector<1x16xf32>
          tpu.vector_store %arg8[%swap3A_562, %swap3A_563], %swap3A_566 {strides = array<i32>} : memref<128x128xf32, #tpu.memory_space<vmem>>, vector<1x16xf32>,
          %get3A_567 = arith.index_cast %add3A_503 : i32 to index
          %get3A_568 = arith.constant 96 : index
          %get3A_569 = tpu.vector_load %arg8[%get3A_567, %get3A_568] {strides = array<i32>} : memref<128x128xf32, #tpu.memory_space<vmem>>, vector<1x16xf32>,
          %get3A_570 = vector.shape_cast %get3A_569 : vector<1x16xf32> to vector<16xf32>
          %mul3A_571 = arith.mulf %get3A_570, %broadcast_in_dim3A_506 : vector<16xf32>
          %swap3A_572 = arith.index_cast %add3A_503 : i32 to index
          %swap3A_573 = arith.constant 96 : index
          %swap3A_574 = tpu.vector_load %arg8[%swap3A_572, %swap3A_573] {strides = array<i32>} : memref<128x128xf32, #tpu.memory_space<vmem>>, vector<1x16xf32>,
          %swap3A_575 = vector.shape_cast %swap3A_574 : vector<1x16xf32> to vector<16xf32>
          %swap3A_576 = vector.shape_cast %mul3A_571 : vector<16xf32> to vector<1x16xf32>
          tpu.vector_store %arg8[%swap3A_572, %swap3A_573], %swap3A_576 {strides = array<i32>} : memref<128x128xf32, #tpu.memory_space<vmem>>, vector<1x16xf32>,
          %get3A_577 = arith.index_cast %add3A_503 : i32 to index
          %get3A_578 = arith.constant 112 : index
          %get3A_579 = tpu.vector_load %arg8[%get3A_577, %get3A_578] {strides = array<i32>} : memref<128x128xf32, #tpu.memory_space<vmem>>, vector<1x16xf32>,
          %get3A_580 = vector.shape_cast %get3A_579 : vector<1x16xf32> to vector<16xf32>
          %mul3A_581 = arith.mulf %get3A_580, %broadcast_in_dim3A_506 : vector<16xf32>
          %swap3A_582 = arith.index_cast %add3A_503 : i32 to index
          %swap3A_583 = arith.constant 112 : index
          %swap3A_584 = tpu.vector_load %arg8[%swap3A_582, %swap3A_583] {strides = array<i32>} : memref<128x128xf32, #tpu.memory_space<vmem>>, vector<1x16xf32>,
          %swap3A_585 = vector.shape_cast %swap3A_584 : vector<1x16xf32> to vector<16xf32>
          %swap3A_586 = vector.shape_cast %mul3A_581 : vector<16xf32> to vector<1x16xf32>
          tpu.vector_store %arg8[%swap3A_582, %swap3A_583], %swap3A_586 {strides = array<i32>} : memref<128x128xf32, #tpu.memory_space<vmem>>, vector<1x16xf32>,
          %mul3A_587 = arith.constant 16 : i32
          %mul3A_588 = arith.muli %scan3A_136, %mul3A_587 : i32
          %add3A_589 = arith.constant 5 : i32
          %add3A_590 = arith.addi %mul3A_588, %add3A_589 : i32
          %slice3A_591 = vector.extract_strided_slice %bitcast_convert_type3A {offsets = [5], sizes = [1], strides = [1]} : vector<16xf32> to vector<1xf32>
          %squeeze3A_592 = vector.extract %slice3A_591[0] : f32 from vector<1xf32>
          %broadcast_in_dim3A_593 = vector.broadcast %squeeze3A_592 : f32 to vector<16xf32>
          %get3A_594 = arith.index_cast %add3A_590 : i32 to index
          %get3A_595 = arith.constant 0 : index
          %get3A_596 = tpu.vector_load %arg8[%get3A_594, %get3A_595] {strides = array<i32>} : memref<128x128xf32, #tpu.memory_space<vmem>>, vector<1x16xf32>,
          %get3A_597 = vector.shape_cast %get3A_596 : vector<1x16xf32> to vector<16xf32>
          %mul3A_598 = arith.mulf %get3A_597, %broadcast_in_dim3A_593 : vector<16xf32>
          %swap3A_599 = arith.index_cast %add3A_590 : i32 to index
          %swap3A_600 = arith.constant 0 : index
          %swap3A_601 = tpu.vector_load %arg8[%swap3A_599, %swap3A_600] {strides = array<i32>} : memref<128x128xf32, #tpu.memory_space<vmem>>, vector<1x16xf32>,
          %swap3A_602 = vector.shape_cast %swap3A_601 : vector<1x16xf32> to vector<16xf32>
          %swap3A_603 = vector.shape_cast %mul3A_598 : vector<16xf32> to vector<1x16xf32>
          tpu.vector_store %arg8[%swap3A_599, %swap3A_600], %swap3A_603 {strides = array<i32>} : memref<128x128xf32, #tpu.memory_space<vmem>>, vector<1x16xf32>,
          %get3A_604 = arith.index_cast %add3A_590 : i32 to index
          %get3A_605 = arith.constant 16 : index
          %get3A_606 = tpu.vector_load %arg8[%get3A_604, %get3A_605] {strides = array<i32>} : memref<128x128xf32, #tpu.memory_space<vmem>>, vector<1x16xf32>,
          %get3A_607 = vector.shape_cast %get3A_606 : vector<1x16xf32> to vector<16xf32>
          %mul3A_608 = arith.mulf %get3A_607, %broadcast_in_dim3A_593 : vector<16xf32>
          %swap3A_609 = arith.index_cast %add3A_590 : i32 to index
          %swap3A_610 = arith.constant 16 : index
          %swap3A_611 = tpu.vector_load %arg8[%swap3A_609, %swap3A_610] {strides = array<i32>} : memref<128x128xf32, #tpu.memory_space<vmem>>, vector<1x16xf32>,
          %swap3A_612 = vector.shape_cast %swap3A_611 : vector<1x16xf32> to vector<16xf32>
          %swap3A_613 = vector.shape_cast %mul3A_608 : vector<16xf32> to vector<1x16xf32>
          tpu.vector_store %arg8[%swap3A_609, %swap3A_610], %swap3A_613 {strides = array<i32>} : memref<128x128xf32, #tpu.memory_space<vmem>>, vector<1x16xf32>,
          %get3A_614 = arith.index_cast %add3A_590 : i32 to index
          %get3A_615 = arith.constant 32 : index
          %get3A_616 = tpu.vector_load %arg8[%get3A_614, %get3A_615] {strides = array<i32>} : memref<128x128xf32, #tpu.memory_space<vmem>>, vector<1x16xf32>,
          %get3A_617 = vector.shape_cast %get3A_616 : vector<1x16xf32> to vector<16xf32>
          %mul3A_618 = arith.mulf %get3A_617, %broadcast_in_dim3A_593 : vector<16xf32>
          %swap3A_619 = arith.index_cast %add3A_590 : i32 to index
          %swap3A_620 = arith.constant 32 : index
          %swap3A_621 = tpu.vector_load %arg8[%swap3A_619, %swap3A_620] {strides = array<i32>} : memref<128x128xf32, #tpu.memory_space<vmem>>, vector<1x16xf32>,
          %swap3A_622 = vector.shape_cast %swap3A_621 : vector<1x16xf32> to vector<16xf32>
          %swap3A_623 = vector.shape_cast %mul3A_618 : vector<16xf32> to vector<1x16xf32>
          tpu.vector_store %arg8[%swap3A_619, %swap3A_620], %swap3A_623 {strides = array<i32>} : memref<128x128xf32, #tpu.memory_space<vmem>>, vector<1x16xf32>,
          %get3A_624 = arith.index_cast %add3A_590 : i32 to index
          %get3A_625 = arith.constant 48 : index
          %get3A_626 = tpu.vector_load %arg8[%get3A_624, %get3A_625] {strides = array<i32>} : memref<128x128xf32, #tpu.memory_space<vmem>>, vector<1x16xf32>,
          %get3A_627 = vector.shape_cast %get3A_626 : vector<1x16xf32> to vector<16xf32>
          %mul3A_628 = arith.mulf %get3A_627, %broadcast_in_dim3A_593 : vector<16xf32>
          %swap3A_629 = arith.index_cast %add3A_590 : i32 to index
          %swap3A_630 = arith.constant 48 : index
          %swap3A_631 = tpu.vector_load %arg8[%swap3A_629, %swap3A_630] {strides = array<i32>} : memref<128x128xf32, #tpu.memory_space<vmem>>, vector<1x16xf32>,
          %swap3A_632 = vector.shape_cast %swap3A_631 : vector<1x16xf32> to vector<16xf32>
          %swap3A_633 = vector.shape_cast %mul3A_628 : vector<16xf32> to vector<1x16xf32>
          tpu.vector_store %arg8[%swap3A_629, %swap3A_630], %swap3A_633 {strides = array<i32>} : memref<128x128xf32, #tpu.memory_space<vmem>>, vector<1x16xf32>,
          %get3A_634 = arith.index_cast %add3A_590 : i32 to index
          %get3A_635 = arith.constant 64 : index
          %get3A_636 = tpu.vector_load %arg8[%get3A_634, %get3A_635] {strides = array<i32>} : memref<128x128xf32, #tpu.memory_space<vmem>>, vector<1x16xf32>,
          %get3A_637 = vector.shape_cast %get3A_636 : vector<1x16xf32> to vector<16xf32>
          %mul3A_638 = arith.mulf %get3A_637, %broadcast_in_dim3A_593 : vector<16xf32>
          %swap3A_639 = arith.index_cast %add3A_590 : i32 to index
          %swap3A_640 = arith.constant 64 : index
          %swap3A_641 = tpu.vector_load %arg8[%swap3A_639, %swap3A_640] {strides = array<i32>} : memref<128x128xf32, #tpu.memory_space<vmem>>, vector<1x16xf32>,
          %swap3A_642 = vector.shape_cast %swap3A_641 : vector<1x16xf32> to vector<16xf32>
          %swap3A_643 = vector.shape_cast %mul3A_638 : vector<16xf32> to vector<1x16xf32>
          tpu.vector_store %arg8[%swap3A_639, %swap3A_640], %swap3A_643 {strides = array<i32>} : memref<128x128xf32, #tpu.memory_space<vmem>>, vector<1x16xf32>,
          %get3A_644 = arith.index_cast %add3A_590 : i32 to index
          %get3A_645 = arith.constant 80 : index
          %get3A_646 = tpu.vector_load %arg8[%get3A_644, %get3A_645] {strides = array<i32>} : memref<128x128xf32, #tpu.memory_space<vmem>>, vector<1x16xf32>,
          %get3A_647 = vector.shape_cast %get3A_646 : vector<1x16xf32> to vector<16xf32>
          %mul3A_648 = arith.mulf %get3A_647, %broadcast_in_dim3A_593 : vector<16xf32>
          %swap3A_649 = arith.index_cast %add3A_590 : i32 to index
          %swap3A_650 = arith.constant 80 : index
          %swap3A_651 = tpu.vector_load %arg8[%swap3A_649, %swap3A_650] {strides = array<i32>} : memref<128x128xf32, #tpu.memory_space<vmem>>, vector<1x16xf32>,
          %swap3A_652 = vector.shape_cast %swap3A_651 : vector<1x16xf32> to vector<16xf32>
          %swap3A_653 = vector.shape_cast %mul3A_648 : vector<16xf32> to vector<1x16xf32>
          tpu.vector_store %arg8[%swap3A_649, %swap3A_650], %swap3A_653 {strides = array<i32>} : memref<128x128xf32, #tpu.memory_space<vmem>>, vector<1x16xf32>,
          %get3A_654 = arith.index_cast %add3A_590 : i32 to index
          %get3A_655 = arith.constant 96 : index
          %get3A_656 = tpu.vector_load %arg8[%get3A_654, %get3A_655] {strides = array<i32>} : memref<128x128xf32, #tpu.memory_space<vmem>>, vector<1x16xf32>,
          %get3A_657 = vector.shape_cast %get3A_656 : vector<1x16xf32> to vector<16xf32>
          %mul3A_658 = arith.mulf %get3A_657, %broadcast_in_dim3A_593 : vector<16xf32>
          %swap3A_659 = arith.index_cast %add3A_590 : i32 to index
          %swap3A_660 = arith.constant 96 : index
          %swap3A_661 = tpu.vector_load %arg8[%swap3A_659, %swap3A_660] {strides = array<i32>} : memref<128x128xf32, #tpu.memory_space<vmem>>, vector<1x16xf32>,
          %swap3A_662 = vector.shape_cast %swap3A_661 : vector<1x16xf32> to vector<16xf32>
          %swap3A_663 = vector.shape_cast %mul3A_658 : vector<16xf32> to vector<1x16xf32>
          tpu.vector_store %arg8[%swap3A_659, %swap3A_660], %swap3A_663 {strides = array<i32>} : memref<128x128xf32, #tpu.memory_space<vmem>>, vector<1x16xf32>,
          %get3A_664 = arith.index_cast %add3A_590 : i32 to index
          %get3A_665 = arith.constant 112 : index
          %get3A_666 = tpu.vector_load %arg8[%get3A_664, %get3A_665] {strides = array<i32>} : memref<128x128xf32, #tpu.memory_space<vmem>>, vector<1x16xf32>,
          %get3A_667 = vector.shape_cast %get3A_666 : vector<1x16xf32> to vector<16xf32>
          %mul3A_668 = arith.mulf %get3A_667, %broadcast_in_dim3A_593 : vector<16xf32>
          %swap3A_669 = arith.index_cast %add3A_590 : i32 to index
          %swap3A_670 = arith.constant 112 : index
          %swap3A_671 = tpu.vector_load %arg8[%swap3A_669, %swap3A_670] {strides = array<i32>} : memref<128x128xf32, #tpu.memory_space<vmem>>, vector<1x16xf32>,
          %swap3A_672 = vector.shape_cast %swap3A_671 : vector<1x16xf32> to vector<16xf32>
          %swap3A_673 = vector.shape_cast %mul3A_668 : vector<16xf32> to vector<1x16xf32>
          tpu.vector_store %arg8[%swap3A_669, %swap3A_670], %swap3A_673 {strides = array<i32>} : memref<128x128xf32, #tpu.memory_space<vmem>>, vector<1x16xf32>,
          %mul3A_674 = arith.constant 16 : i32
          %mul3A_675 = arith.muli %scan3A_136, %mul3A_674 : i32
          %add3A_676 = arith.constant 6 : i32
          %add3A_677 = arith.addi %mul3A_675, %add3A_676 : i32
          %slice3A_678 = vector.extract_strided_slice %bitcast_convert_type3A {offsets = [6], sizes = [1], strides = [1]} : vector<16xf32> to vector<1xf32>
          %squeeze3A_679 = vector.extract %slice3A_678[0] : f32 from vector<1xf32>
          %broadcast_in_dim3A_680 = vector.broadcast %squeeze3A_679 : f32 to vector<16xf32>
          %get3A_681 = arith.index_cast %add3A_677 : i32 to index
          %get3A_682 = arith.constant 0 : index
          %get3A_683 = tpu.vector_load %arg8[%get3A_681, %get3A_682] {strides = array<i32>} : memref<128x128xf32, #tpu.memory_space<vmem>>, vector<1x16xf32>,
          %get3A_684 = vector.shape_cast %get3A_683 : vector<1x16xf32> to vector<16xf32>
          %mul3A_685 = arith.mulf %get3A_684, %broadcast_in_dim3A_680 : vector<16xf32>
          %swap3A_686 = arith.index_cast %add3A_677 : i32 to index
          %swap3A_687 = arith.constant 0 : index
          %swap3A_688 = tpu.vector_load %arg8[%swap3A_686, %swap3A_687] {strides = array<i32>} : memref<128x128xf32, #tpu.memory_space<vmem>>, vector<1x16xf32>,
          %swap3A_689 = vector.shape_cast %swap3A_688 : vector<1x16xf32> to vector<16xf32>
          %swap3A_690 = vector.shape_cast %mul3A_685 : vector<16xf32> to vector<1x16xf32>
          tpu.vector_store %arg8[%swap3A_686, %swap3A_687], %swap3A_690 {strides = array<i32>} : memref<128x128xf32, #tpu.memory_space<vmem>>, vector<1x16xf32>,
          %get3A_691 = arith.index_cast %add3A_677 : i32 to index
          %get3A_692 = arith.constant 16 : index
          %get3A_693 = tpu.vector_load %arg8[%get3A_691, %get3A_692] {strides = array<i32>} : memref<128x128xf32, #tpu.memory_space<vmem>>, vector<1x16xf32>,
          %get3A_694 = vector.shape_cast %get3A_693 : vector<1x16xf32> to vector<16xf32>
          %mul3A_695 = arith.mulf %get3A_694, %broadcast_in_dim3A_680 : vector<16xf32>
          %swap3A_696 = arith.index_cast %add3A_677 : i32 to index
          %swap3A_697 = arith.constant 16 : index
          %swap3A_698 = tpu.vector_load %arg8[%swap3A_696, %swap3A_697] {strides = array<i32>} : memref<128x128xf32, #tpu.memory_space<vmem>>, vector<1x16xf32>,
          %swap3A_699 = vector.shape_cast %swap3A_698 : vector<1x16xf32> to vector<16xf32>
          %swap3A_700 = vector.shape_cast %mul3A_695 : vector<16xf32> to vector<1x16xf32>
          tpu.vector_store %arg8[%swap3A_696, %swap3A_697], %swap3A_700 {strides = array<i32>} : memref<128x128xf32, #tpu.memory_space<vmem>>, vector<1x16xf32>,
          %get3A_701 = arith.index_cast %add3A_677 : i32 to index
          %get3A_702 = arith.constant 32 : index
          %get3A_703 = tpu.vector_load %arg8[%get3A_701, %get3A_702] {strides = array<i32>} : memref<128x128xf32, #tpu.memory_space<vmem>>, vector<1x16xf32>,
          %get3A_704 = vector.shape_cast %get3A_703 : vector<1x16xf32> to vector<16xf32>
          %mul3A_705 = arith.mulf %get3A_704, %broadcast_in_dim3A_680 : vector<16xf32>
          %swap3A_706 = arith.index_cast %add3A_677 : i32 to index
          %swap3A_707 = arith.constant 32 : index
          %swap3A_708 = tpu.vector_load %arg8[%swap3A_706, %swap3A_707] {strides = array<i32>} : memref<128x128xf32, #tpu.memory_space<vmem>>, vector<1x16xf32>,
          %swap3A_709 = vector.shape_cast %swap3A_708 : vector<1x16xf32> to vector<16xf32>
          %swap3A_710 = vector.shape_cast %mul3A_705 : vector<16xf32> to vector<1x16xf32>
          tpu.vector_store %arg8[%swap3A_706, %swap3A_707], %swap3A_710 {strides = array<i32>} : memref<128x128xf32, #tpu.memory_space<vmem>>, vector<1x16xf32>,
          %get3A_711 = arith.index_cast %add3A_677 : i32 to index
          %get3A_712 = arith.constant 48 : index
          %get3A_713 = tpu.vector_load %arg8[%get3A_711, %get3A_712] {strides = array<i32>} : memref<128x128xf32, #tpu.memory_space<vmem>>, vector<1x16xf32>,
          %get3A_714 = vector.shape_cast %get3A_713 : vector<1x16xf32> to vector<16xf32>
          %mul3A_715 = arith.mulf %get3A_714, %broadcast_in_dim3A_680 : vector<16xf32>
          %swap3A_716 = arith.index_cast %add3A_677 : i32 to index
          %swap3A_717 = arith.constant 48 : index
          %swap3A_718 = tpu.vector_load %arg8[%swap3A_716, %swap3A_717] {strides = array<i32>} : memref<128x128xf32, #tpu.memory_space<vmem>>, vector<1x16xf32>,
          %swap3A_719 = vector.shape_cast %swap3A_718 : vector<1x16xf32> to vector<16xf32>
          %swap3A_720 = vector.shape_cast %mul3A_715 : vector<16xf32> to vector<1x16xf32>
          tpu.vector_store %arg8[%swap3A_716, %swap3A_717], %swap3A_720 {strides = array<i32>} : memref<128x128xf32, #tpu.memory_space<vmem>>, vector<1x16xf32>,
          %get3A_721 = arith.index_cast %add3A_677 : i32 to index
          %get3A_722 = arith.constant 64 : index
          %get3A_723 = tpu.vector_load %arg8[%get3A_721, %get3A_722] {strides = array<i32>} : memref<128x128xf32, #tpu.memory_space<vmem>>, vector<1x16xf32>,
          %get3A_724 = vector.shape_cast %get3A_723 : vector<1x16xf32> to vector<16xf32>
          %mul3A_725 = arith.mulf %get3A_724, %broadcast_in_dim3A_680 : vector<16xf32>
          %swap3A_726 = arith.index_cast %add3A_677 : i32 to index
          %swap3A_727 = arith.constant 64 : index
          %swap3A_728 = tpu.vector_load %arg8[%swap3A_726, %swap3A_727] {strides = array<i32>} : memref<128x128xf32, #tpu.memory_space<vmem>>, vector<1x16xf32>,
          %swap3A_729 = vector.shape_cast %swap3A_728 : vector<1x16xf32> to vector<16xf32>
          %swap3A_730 = vector.shape_cast %mul3A_725 : vector<16xf32> to vector<1x16xf32>
          tpu.vector_store %arg8[%swap3A_726, %swap3A_727], %swap3A_730 {strides = array<i32>} : memref<128x128xf32, #tpu.memory_space<vmem>>, vector<1x16xf32>,
          %get3A_731 = arith.index_cast %add3A_677 : i32 to index
          %get3A_732 = arith.constant 80 : index
          %get3A_733 = tpu.vector_load %arg8[%get3A_731, %get3A_732] {strides = array<i32>} : memref<128x128xf32, #tpu.memory_space<vmem>>, vector<1x16xf32>,
          %get3A_734 = vector.shape_cast %get3A_733 : vector<1x16xf32> to vector<16xf32>
          %mul3A_735 = arith.mulf %get3A_734, %broadcast_in_dim3A_680 : vector<16xf32>
          %swap3A_736 = arith.index_cast %add3A_677 : i32 to index
          %swap3A_737 = arith.constant 80 : index
          %swap3A_738 = tpu.vector_load %arg8[%swap3A_736, %swap3A_737] {strides = array<i32>} : memref<128x128xf32, #tpu.memory_space<vmem>>, vector<1x16xf32>,
          %swap3A_739 = vector.shape_cast %swap3A_738 : vector<1x16xf32> to vector<16xf32>
          %swap3A_740 = vector.shape_cast %mul3A_735 : vector<16xf32> to vector<1x16xf32>
          tpu.vector_store %arg8[%swap3A_736, %swap3A_737], %swap3A_740 {strides = array<i32>} : memref<128x128xf32, #tpu.memory_space<vmem>>, vector<1x16xf32>,
          %get3A_741 = arith.index_cast %add3A_677 : i32 to index
          %get3A_742 = arith.constant 96 : index
          %get3A_743 = tpu.vector_load %arg8[%get3A_741, %get3A_742] {strides = array<i32>} : memref<128x128xf32, #tpu.memory_space<vmem>>, vector<1x16xf32>,
          %get3A_744 = vector.shape_cast %get3A_743 : vector<1x16xf32> to vector<16xf32>
          %mul3A_745 = arith.mulf %get3A_744, %broadcast_in_dim3A_680 : vector<16xf32>
          %swap3A_746 = arith.index_cast %add3A_677 : i32 to index
          %swap3A_747 = arith.constant 96 : index
          %swap3A_748 = tpu.vector_load %arg8[%swap3A_746, %swap3A_747] {strides = array<i32>} : memref<128x128xf32, #tpu.memory_space<vmem>>, vector<1x16xf32>,
          %swap3A_749 = vector.shape_cast %swap3A_748 : vector<1x16xf32> to vector<16xf32>
          %swap3A_750 = vector.shape_cast %mul3A_745 : vector<16xf32> to vector<1x16xf32>
          tpu.vector_store %arg8[%swap3A_746, %swap3A_747], %swap3A_750 {strides = array<i32>} : memref<128x128xf32, #tpu.memory_space<vmem>>, vector<1x16xf32>,
          %get3A_751 = arith.index_cast %add3A_677 : i32 to index
          %get3A_752 = arith.constant 112 : index
          %get3A_753 = tpu.vector_load %arg8[%get3A_751, %get3A_752] {strides = array<i32>} : memref<128x128xf32, #tpu.memory_space<vmem>>, vector<1x16xf32>,
          %get3A_754 = vector.shape_cast %get3A_753 : vector<1x16xf32> to vector<16xf32>
          %mul3A_755 = arith.mulf %get3A_754, %broadcast_in_dim3A_680 : vector<16xf32>
          %swap3A_756 = arith.index_cast %add3A_677 : i32 to index
          %swap3A_757 = arith.constant 112 : index
          %swap3A_758 = tpu.vector_load %arg8[%swap3A_756, %swap3A_757] {strides = array<i32>} : memref<128x128xf32, #tpu.memory_space<vmem>>, vector<1x16xf32>,
          %swap3A_759 = vector.shape_cast %swap3A_758 : vector<1x16xf32> to vector<16xf32>
          %swap3A_760 = vector.shape_cast %mul3A_755 : vector<16xf32> to vector<1x16xf32>
          tpu.vector_store %arg8[%swap3A_756, %swap3A_757], %swap3A_760 {strides = array<i32>} : memref<128x128xf32, #tpu.memory_space<vmem>>, vector<1x16xf32>,
          %mul3A_761 = arith.constant 16 : i32
          %mul3A_762 = arith.muli %scan3A_136, %mul3A_761 : i32
          %add3A_763 = arith.constant 7 : i32
          %add3A_764 = arith.addi %mul3A_762, %add3A_763 : i32
          %slice3A_765 = vector.extract_strided_slice %bitcast_convert_type3A {offsets = [7], sizes = [1], strides = [1]} : vector<16xf32> to vector<1xf32>
          %squeeze3A_766 = vector.extract %slice3A_765[0] : f32 from vector<1xf32>
          %broadcast_in_dim3A_767 = vector.broadcast %squeeze3A_766 : f32 to vector<16xf32>
          %get3A_768 = arith.index_cast %add3A_764 : i32 to index
          %get3A_769 = arith.constant 0 : index
          %get3A_770 = tpu.vector_load %arg8[%get3A_768, %get3A_769] {strides = array<i32>} : memref<128x128xf32, #tpu.memory_space<vmem>>, vector<1x16xf32>,
          %get3A_771 = vector.shape_cast %get3A_770 : vector<1x16xf32> to vector<16xf32>
          %mul3A_772 = arith.mulf %get3A_771, %broadcast_in_dim3A_767 : vector<16xf32>
          %swap3A_773 = arith.index_cast %add3A_764 : i32 to index
          %swap3A_774 = arith.constant 0 : index
          %swap3A_775 = tpu.vector_load %arg8[%swap3A_773, %swap3A_774] {strides = array<i32>} : memref<128x128xf32, #tpu.memory_space<vmem>>, vector<1x16xf32>,
          %swap3A_776 = vector.shape_cast %swap3A_775 : vector<1x16xf32> to vector<16xf32>
          %swap3A_777 = vector.shape_cast %mul3A_772 : vector<16xf32> to vector<1x16xf32>
          tpu.vector_store %arg8[%swap3A_773, %swap3A_774], %swap3A_777 {strides = array<i32>} : memref<128x128xf32, #tpu.memory_space<vmem>>, vector<1x16xf32>,
          %get3A_778 = arith.index_cast %add3A_764 : i32 to index
          %get3A_779 = arith.constant 16 : index
          %get3A_780 = tpu.vector_load %arg8[%get3A_778, %get3A_779] {strides = array<i32>} : memref<128x128xf32, #tpu.memory_space<vmem>>, vector<1x16xf32>,
          %get3A_781 = vector.shape_cast %get3A_780 : vector<1x16xf32> to vector<16xf32>
          %mul3A_782 = arith.mulf %get3A_781, %broadcast_in_dim3A_767 : vector<16xf32>
          %swap3A_783 = arith.index_cast %add3A_764 : i32 to index
          %swap3A_784 = arith.constant 16 : index
          %swap3A_785 = tpu.vector_load %arg8[%swap3A_783, %swap3A_784] {strides = array<i32>} : memref<128x128xf32, #tpu.memory_space<vmem>>, vector<1x16xf32>,
          %swap3A_786 = vector.shape_cast %swap3A_785 : vector<1x16xf32> to vector<16xf32>
          %swap3A_787 = vector.shape_cast %mul3A_782 : vector<16xf32> to vector<1x16xf32>
          tpu.vector_store %arg8[%swap3A_783, %swap3A_784], %swap3A_787 {strides = array<i32>} : memref<128x128xf32, #tpu.memory_space<vmem>>, vector<1x16xf32>,
          %get3A_788 = arith.index_cast %add3A_764 : i32 to index
          %get3A_789 = arith.constant 32 : index
          %get3A_790 = tpu.vector_load %arg8[%get3A_788, %get3A_789] {strides = array<i32>} : memref<128x128xf32, #tpu.memory_space<vmem>>, vector<1x16xf32>,
          %get3A_791 = vector.shape_cast %get3A_790 : vector<1x16xf32> to vector<16xf32>
          %mul3A_792 = arith.mulf %get3A_791, %broadcast_in_dim3A_767 : vector<16xf32>
          %swap3A_793 = arith.index_cast %add3A_764 : i32 to index
          %swap3A_794 = arith.constant 32 : index
          %swap3A_795 = tpu.vector_load %arg8[%swap3A_793, %swap3A_794] {strides = array<i32>} : memref<128x128xf32, #tpu.memory_space<vmem>>, vector<1x16xf32>,
          %swap3A_796 = vector.shape_cast %swap3A_795 : vector<1x16xf32> to vector<16xf32>
          %swap3A_797 = vector.shape_cast %mul3A_792 : vector<16xf32> to vector<1x16xf32>
          tpu.vector_store %arg8[%swap3A_793, %swap3A_794], %swap3A_797 {strides = array<i32>} : memref<128x128xf32, #tpu.memory_space<vmem>>, vector<1x16xf32>,
          %get3A_798 = arith.index_cast %add3A_764 : i32 to index
          %get3A_799 = arith.constant 48 : index
          %get3A_800 = tpu.vector_load %arg8[%get3A_798, %get3A_799] {strides = array<i32>} : memref<128x128xf32, #tpu.memory_space<vmem>>, vector<1x16xf32>,
          %get3A_801 = vector.shape_cast %get3A_800 : vector<1x16xf32> to vector<16xf32>
          %mul3A_802 = arith.mulf %get3A_801, %broadcast_in_dim3A_767 : vector<16xf32>
          %swap3A_803 = arith.index_cast %add3A_764 : i32 to index
          %swap3A_804 = arith.constant 48 : index
          %swap3A_805 = tpu.vector_load %arg8[%swap3A_803, %swap3A_804] {strides = array<i32>} : memref<128x128xf32, #tpu.memory_space<vmem>>, vector<1x16xf32>,
          %swap3A_806 = vector.shape_cast %swap3A_805 : vector<1x16xf32> to vector<16xf32>
          %swap3A_807 = vector.shape_cast %mul3A_802 : vector<16xf32> to vector<1x16xf32>
          tpu.vector_store %arg8[%swap3A_803, %swap3A_804], %swap3A_807 {strides = array<i32>} : memref<128x128xf32, #tpu.memory_space<vmem>>, vector<1x16xf32>,
          %get3A_808 = arith.index_cast %add3A_764 : i32 to index
          %get3A_809 = arith.constant 64 : index
          %get3A_810 = tpu.vector_load %arg8[%get3A_808, %get3A_809] {strides = array<i32>} : memref<128x128xf32, #tpu.memory_space<vmem>>, vector<1x16xf32>,
          %get3A_811 = vector.shape_cast %get3A_810 : vector<1x16xf32> to vector<16xf32>
          %mul3A_812 = arith.mulf %get3A_811, %broadcast_in_dim3A_767 : vector<16xf32>
          %swap3A_813 = arith.index_cast %add3A_764 : i32 to index
          %swap3A_814 = arith.constant 64 : index
          %swap3A_815 = tpu.vector_load %arg8[%swap3A_813, %swap3A_814] {strides = array<i32>} : memref<128x128xf32, #tpu.memory_space<vmem>>, vector<1x16xf32>,
          %swap3A_816 = vector.shape_cast %swap3A_815 : vector<1x16xf32> to vector<16xf32>
          %swap3A_817 = vector.shape_cast %mul3A_812 : vector<16xf32> to vector<1x16xf32>
          tpu.vector_store %arg8[%swap3A_813, %swap3A_814], %swap3A_817 {strides = array<i32>} : memref<128x128xf32, #tpu.memory_space<vmem>>, vector<1x16xf32>,
          %get3A_818 = arith.index_cast %add3A_764 : i32 to index
          %get3A_819 = arith.constant 80 : index
          %get3A_820 = tpu.vector_load %arg8[%get3A_818, %get3A_819] {strides = array<i32>} : memref<128x128xf32, #tpu.memory_space<vmem>>, vector<1x16xf32>,
          %get3A_821 = vector.shape_cast %get3A_820 : vector<1x16xf32> to vector<16xf32>
          %mul3A_822 = arith.mulf %get3A_821, %broadcast_in_dim3A_767 : vector<16xf32>
          %swap3A_823 = arith.index_cast %add3A_764 : i32 to index
          %swap3A_824 = arith.constant 80 : index
          %swap3A_825 = tpu.vector_load %arg8[%swap3A_823, %swap3A_824] {strides = array<i32>} : memref<128x128xf32, #tpu.memory_space<vmem>>, vector<1x16xf32>,
          %swap3A_826 = vector.shape_cast %swap3A_825 : vector<1x16xf32> to vector<16xf32>
          %swap3A_827 = vector.shape_cast %mul3A_822 : vector<16xf32> to vector<1x16xf32>
          tpu.vector_store %arg8[%swap3A_823, %swap3A_824], %swap3A_827 {strides = array<i32>} : memref<128x128xf32, #tpu.memory_space<vmem>>, vector<1x16xf32>,
          %get3A_828 = arith.index_cast %add3A_764 : i32 to index
          %get3A_829 = arith.constant 96 : index
          %get3A_830 = tpu.vector_load %arg8[%get3A_828, %get3A_829] {strides = array<i32>} : memref<128x128xf32, #tpu.memory_space<vmem>>, vector<1x16xf32>,
          %get3A_831 = vector.shape_cast %get3A_830 : vector<1x16xf32> to vector<16xf32>
          %mul3A_832 = arith.mulf %get3A_831, %broadcast_in_dim3A_767 : vector<16xf32>
          %swap3A_833 = arith.index_cast %add3A_764 : i32 to index
          %swap3A_834 = arith.constant 96 : index
          %swap3A_835 = tpu.vector_load %arg8[%swap3A_833, %swap3A_834] {strides = array<i32>} : memref<128x128xf32, #tpu.memory_space<vmem>>, vector<1x16xf32>,
          %swap3A_836 = vector.shape_cast %swap3A_835 : vector<1x16xf32> to vector<16xf32>
          %swap3A_837 = vector.shape_cast %mul3A_832 : vector<16xf32> to vector<1x16xf32>
          tpu.vector_store %arg8[%swap3A_833, %swap3A_834], %swap3A_837 {strides = array<i32>} : memref<128x128xf32, #tpu.memory_space<vmem>>, vector<1x16xf32>,
          %get3A_838 = arith.index_cast %add3A_764 : i32 to index
          %get3A_839 = arith.constant 112 : index
          %get3A_840 = tpu.vector_load %arg8[%get3A_838, %get3A_839] {strides = array<i32>} : memref<128x128xf32, #tpu.memory_space<vmem>>, vector<1x16xf32>,
          %get3A_841 = vector.shape_cast %get3A_840 : vector<1x16xf32> to vector<16xf32>
          %mul3A_842 = arith.mulf %get3A_841, %broadcast_in_dim3A_767 : vector<16xf32>
          %swap3A_843 = arith.index_cast %add3A_764 : i32 to index
          %swap3A_844 = arith.constant 112 : index
          %swap3A_845 = tpu.vector_load %arg8[%swap3A_843, %swap3A_844] {strides = array<i32>} : memref<128x128xf32, #tpu.memory_space<vmem>>, vector<1x16xf32>,
          %swap3A_846 = vector.shape_cast %swap3A_845 : vector<1x16xf32> to vector<16xf32>
          %swap3A_847 = vector.shape_cast %mul3A_842 : vector<16xf32> to vector<1x16xf32>
          tpu.vector_store %arg8[%swap3A_843, %swap3A_844], %swap3A_847 {strides = array<i32>} : memref<128x128xf32, #tpu.memory_space<vmem>>, vector<1x16xf32>,
          %mul3A_848 = arith.constant 16 : i32
          %mul3A_849 = arith.muli %scan3A_136, %mul3A_848 : i32
          %add3A_850 = arith.constant 8 : i32
          %add3A_851 = arith.addi %mul3A_849, %add3A_850 : i32
          %slice3A_852 = vector.extract_strided_slice %bitcast_convert_type3A {offsets = [8], sizes = [1], strides = [1]} : vector<16xf32> to vector<1xf32>
          %squeeze3A_853 = vector.extract %slice3A_852[0] : f32 from vector<1xf32>
          %broadcast_in_dim3A_854 = vector.broadcast %squeeze3A_853 : f32 to vector<16xf32>
          %get3A_855 = arith.index_cast %add3A_851 : i32 to index
          %get3A_856 = arith.constant 0 : index
          %get3A_857 = tpu.vector_load %arg8[%get3A_855, %get3A_856] {strides = array<i32>} : memref<128x128xf32, #tpu.memory_space<vmem>>, vector<1x16xf32>,
          %get3A_858 = vector.shape_cast %get3A_857 : vector<1x16xf32> to vector<16xf32>
          %mul3A_859 = arith.mulf %get3A_858, %broadcast_in_dim3A_854 : vector<16xf32>
          %swap3A_860 = arith.index_cast %add3A_851 : i32 to index
          %swap3A_861 = arith.constant 0 : index
          %swap3A_862 = tpu.vector_load %arg8[%swap3A_860, %swap3A_861] {strides = array<i32>} : memref<128x128xf32, #tpu.memory_space<vmem>>, vector<1x16xf32>,
          %swap3A_863 = vector.shape_cast %swap3A_862 : vector<1x16xf32> to vector<16xf32>
          %swap3A_864 = vector.shape_cast %mul3A_859 : vector<16xf32> to vector<1x16xf32>
          tpu.vector_store %arg8[%swap3A_860, %swap3A_861], %swap3A_864 {strides = array<i32>} : memref<128x128xf32, #tpu.memory_space<vmem>>, vector<1x16xf32>,
          %get3A_865 = arith.index_cast %add3A_851 : i32 to index
          %get3A_866 = arith.constant 16 : index
          %get3A_867 = tpu.vector_load %arg8[%get3A_865, %get3A_866] {strides = array<i32>} : memref<128x128xf32, #tpu.memory_space<vmem>>, vector<1x16xf32>,
          %get3A_868 = vector.shape_cast %get3A_867 : vector<1x16xf32> to vector<16xf32>
          %mul3A_869 = arith.mulf %get3A_868, %broadcast_in_dim3A_854 : vector<16xf32>
          %swap3A_870 = arith.index_cast %add3A_851 : i32 to index
          %swap3A_871 = arith.constant 16 : index
          %swap3A_872 = tpu.vector_load %arg8[%swap3A_870, %swap3A_871] {strides = array<i32>} : memref<128x128xf32, #tpu.memory_space<vmem>>, vector<1x16xf32>,
          %swap3A_873 = vector.shape_cast %swap3A_872 : vector<1x16xf32> to vector<16xf32>
          %swap3A_874 = vector.shape_cast %mul3A_869 : vector<16xf32> to vector<1x16xf32>
          tpu.vector_store %arg8[%swap3A_870, %swap3A_871], %swap3A_874 {strides = array<i32>} : memref<128x128xf32, #tpu.memory_space<vmem>>, vector<1x16xf32>,
          %get3A_875 = arith.index_cast %add3A_851 : i32 to index
          %get3A_876 = arith.constant 32 : index
          %get3A_877 = tpu.vector_load %arg8[%get3A_875, %get3A_876] {strides = array<i32>} : memref<128x128xf32, #tpu.memory_space<vmem>>, vector<1x16xf32>,
          %get3A_878 = vector.shape_cast %get3A_877 : vector<1x16xf32> to vector<16xf32>
          %mul3A_879 = arith.mulf %get3A_878, %broadcast_in_dim3A_854 : vector<16xf32>
          %swap3A_880 = arith.index_cast %add3A_851 : i32 to index
          %swap3A_881 = arith.constant 32 : index
          %swap3A_882 = tpu.vector_load %arg8[%swap3A_880, %swap3A_881] {strides = array<i32>} : memref<128x128xf32, #tpu.memory_space<vmem>>, vector<1x16xf32>,
          %swap3A_883 = vector.shape_cast %swap3A_882 : vector<1x16xf32> to vector<16xf32>
          %swap3A_884 = vector.shape_cast %mul3A_879 : vector<16xf32> to vector<1x16xf32>
          tpu.vector_store %arg8[%swap3A_880, %swap3A_881], %swap3A_884 {strides = array<i32>} : memref<128x128xf32, #tpu.memory_space<vmem>>, vector<1x16xf32>,
          %get3A_885 = arith.index_cast %add3A_851 : i32 to index
          %get3A_886 = arith.constant 48 : index
          %get3A_887 = tpu.vector_load %arg8[%get3A_885, %get3A_886] {strides = array<i32>} : memref<128x128xf32, #tpu.memory_space<vmem>>, vector<1x16xf32>,
          %get3A_888 = vector.shape_cast %get3A_887 : vector<1x16xf32> to vector<16xf32>
          %mul3A_889 = arith.mulf %get3A_888, %broadcast_in_dim3A_854 : vector<16xf32>
          %swap3A_890 = arith.index_cast %add3A_851 : i32 to index
          %swap3A_891 = arith.constant 48 : index
          %swap3A_892 = tpu.vector_load %arg8[%swap3A_890, %swap3A_891] {strides = array<i32>} : memref<128x128xf32, #tpu.memory_space<vmem>>, vector<1x16xf32>,
          %swap3A_893 = vector.shape_cast %swap3A_892 : vector<1x16xf32> to vector<16xf32>
          %swap3A_894 = vector.shape_cast %mul3A_889 : vector<16xf32> to vector<1x16xf32>
          tpu.vector_store %arg8[%swap3A_890, %swap3A_891], %swap3A_894 {strides = array<i32>} : memref<128x128xf32, #tpu.memory_space<vmem>>, vector<1x16xf32>,
          %get3A_895 = arith.index_cast %add3A_851 : i32 to index
          %get3A_896 = arith.constant 64 : index
          %get3A_897 = tpu.vector_load %arg8[%get3A_895, %get3A_896] {strides = array<i32>} : memref<128x128xf32, #tpu.memory_space<vmem>>, vector<1x16xf32>,
          %get3A_898 = vector.shape_cast %get3A_897 : vector<1x16xf32> to vector<16xf32>
          %mul3A_899 = arith.mulf %get3A_898, %broadcast_in_dim3A_854 : vector<16xf32>
          %swap3A_900 = arith.index_cast %add3A_851 : i32 to index
          %swap3A_901 = arith.constant 64 : index
          %swap3A_902 = tpu.vector_load %arg8[%swap3A_900, %swap3A_901] {strides = array<i32>} : memref<128x128xf32, #tpu.memory_space<vmem>>, vector<1x16xf32>,
          %swap3A_903 = vector.shape_cast %swap3A_902 : vector<1x16xf32> to vector<16xf32>
          %swap3A_904 = vector.shape_cast %mul3A_899 : vector<16xf32> to vector<1x16xf32>
          tpu.vector_store %arg8[%swap3A_900, %swap3A_901], %swap3A_904 {strides = array<i32>} : memref<128x128xf32, #tpu.memory_space<vmem>>, vector<1x16xf32>,
          %get3A_905 = arith.index_cast %add3A_851 : i32 to index
          %get3A_906 = arith.constant 80 : index
          %get3A_907 = tpu.vector_load %arg8[%get3A_905, %get3A_906] {strides = array<i32>} : memref<128x128xf32, #tpu.memory_space<vmem>>, vector<1x16xf32>,
          %get3A_908 = vector.shape_cast %get3A_907 : vector<1x16xf32> to vector<16xf32>
          %mul3A_909 = arith.mulf %get3A_908, %broadcast_in_dim3A_854 : vector<16xf32>
          %swap3A_910 = arith.index_cast %add3A_851 : i32 to index
          %swap3A_911 = arith.constant 80 : index
          %swap3A_912 = tpu.vector_load %arg8[%swap3A_910, %swap3A_911] {strides = array<i32>} : memref<128x128xf32, #tpu.memory_space<vmem>>, vector<1x16xf32>,
          %swap3A_913 = vector.shape_cast %swap3A_912 : vector<1x16xf32> to vector<16xf32>
          %swap3A_914 = vector.shape_cast %mul3A_909 : vector<16xf32> to vector<1x16xf32>
          tpu.vector_store %arg8[%swap3A_910, %swap3A_911], %swap3A_914 {strides = array<i32>} : memref<128x128xf32, #tpu.memory_space<vmem>>, vector<1x16xf32>,
          %get3A_915 = arith.index_cast %add3A_851 : i32 to index
          %get3A_916 = arith.constant 96 : index
          %get3A_917 = tpu.vector_load %arg8[%get3A_915, %get3A_916] {strides = array<i32>} : memref<128x128xf32, #tpu.memory_space<vmem>>, vector<1x16xf32>,
          %get3A_918 = vector.shape_cast %get3A_917 : vector<1x16xf32> to vector<16xf32>
          %mul3A_919 = arith.mulf %get3A_918, %broadcast_in_dim3A_854 : vector<16xf32>
          %swap3A_920 = arith.index_cast %add3A_851 : i32 to index
          %swap3A_921 = arith.constant 96 : index
          %swap3A_922 = tpu.vector_load %arg8[%swap3A_920, %swap3A_921] {strides = array<i32>} : memref<128x128xf32, #tpu.memory_space<vmem>>, vector<1x16xf32>,
          %swap3A_923 = vector.shape_cast %swap3A_922 : vector<1x16xf32> to vector<16xf32>
          %swap3A_924 = vector.shape_cast %mul3A_919 : vector<16xf32> to vector<1x16xf32>
          tpu.vector_store %arg8[%swap3A_920, %swap3A_921], %swap3A_924 {strides = array<i32>} : memref<128x128xf32, #tpu.memory_space<vmem>>, vector<1x16xf32>,
          %get3A_925 = arith.index_cast %add3A_851 : i32 to index
          %get3A_926 = arith.constant 112 : index
          %get3A_927 = tpu.vector_load %arg8[%get3A_925, %get3A_926] {strides = array<i32>} : memref<128x128xf32, #tpu.memory_space<vmem>>, vector<1x16xf32>,
          %get3A_928 = vector.shape_cast %get3A_927 : vector<1x16xf32> to vector<16xf32>
          %mul3A_929 = arith.mulf %get3A_928, %broadcast_in_dim3A_854 : vector<16xf32>
          %swap3A_930 = arith.index_cast %add3A_851 : i32 to index
          %swap3A_931 = arith.constant 112 : index
          %swap3A_932 = tpu.vector_load %arg8[%swap3A_930, %swap3A_931] {strides = array<i32>} : memref<128x128xf32, #tpu.memory_space<vmem>>, vector<1x16xf32>,
          %swap3A_933 = vector.shape_cast %swap3A_932 : vector<1x16xf32> to vector<16xf32>
          %swap3A_934 = vector.shape_cast %mul3A_929 : vector<16xf32> to vector<1x16xf32>
          tpu.vector_store %arg8[%swap3A_930, %swap3A_931], %swap3A_934 {strides = array<i32>} : memref<128x128xf32, #tpu.memory_space<vmem>>, vector<1x16xf32>,
          %mul3A_935 = arith.constant 16 : i32
          %mul3A_936 = arith.muli %scan3A_136, %mul3A_935 : i32
          %add3A_937 = arith.constant 9 : i32
          %add3A_938 = arith.addi %mul3A_936, %add3A_937 : i32
          %slice3A_939 = vector.extract_strided_slice %bitcast_convert_type3A {offsets = [9], sizes = [1], strides = [1]} : vector<16xf32> to vector<1xf32>
          %squeeze3A_940 = vector.extract %slice3A_939[0] : f32 from vector<1xf32>
          %broadcast_in_dim3A_941 = vector.broadcast %squeeze3A_940 : f32 to vector<16xf32>
          %get3A_942 = arith.index_cast %add3A_938 : i32 to index
          %get3A_943 = arith.constant 0 : index
          %get3A_944 = tpu.vector_load %arg8[%get3A_942, %get3A_943] {strides = array<i32>} : memref<128x128xf32, #tpu.memory_space<vmem>>, vector<1x16xf32>,
          %get3A_945 = vector.shape_cast %get3A_944 : vector<1x16xf32> to vector<16xf32>
          %mul3A_946 = arith.mulf %get3A_945, %broadcast_in_dim3A_941 : vector<16xf32>
          %swap3A_947 = arith.index_cast %add3A_938 : i32 to index
          %swap3A_948 = arith.constant 0 : index
          %swap3A_949 = tpu.vector_load %arg8[%swap3A_947, %swap3A_948] {strides = array<i32>} : memref<128x128xf32, #tpu.memory_space<vmem>>, vector<1x16xf32>,
          %swap3A_950 = vector.shape_cast %swap3A_949 : vector<1x16xf32> to vector<16xf32>
          %swap3A_951 = vector.shape_cast %mul3A_946 : vector<16xf32> to vector<1x16xf32>
          tpu.vector_store %arg8[%swap3A_947, %swap3A_948], %swap3A_951 {strides = array<i32>} : memref<128x128xf32, #tpu.memory_space<vmem>>, vector<1x16xf32>,
          %get3A_952 = arith.index_cast %add3A_938 : i32 to index
          %get3A_953 = arith.constant 16 : index
          %get3A_954 = tpu.vector_load %arg8[%get3A_952, %get3A_953] {strides = array<i32>} : memref<128x128xf32, #tpu.memory_space<vmem>>, vector<1x16xf32>,
          %get3A_955 = vector.shape_cast %get3A_954 : vector<1x16xf32> to vector<16xf32>
          %mul3A_956 = arith.mulf %get3A_955, %broadcast_in_dim3A_941 : vector<16xf32>
          %swap3A_957 = arith.index_cast %add3A_938 : i32 to index
          %swap3A_958 = arith.constant 16 : index
          %swap3A_959 = tpu.vector_load %arg8[%swap3A_957, %swap3A_958] {strides = array<i32>} : memref<128x128xf32, #tpu.memory_space<vmem>>, vector<1x16xf32>,
          %swap3A_960 = vector.shape_cast %swap3A_959 : vector<1x16xf32> to vector<16xf32>
          %swap3A_961 = vector.shape_cast %mul3A_956 : vector<16xf32> to vector<1x16xf32>
          tpu.vector_store %arg8[%swap3A_957, %swap3A_958], %swap3A_961 {strides = array<i32>} : memref<128x128xf32, #tpu.memory_space<vmem>>, vector<1x16xf32>,
          %get3A_962 = arith.index_cast %add3A_938 : i32 to index
          %get3A_963 = arith.constant 32 : index
          %get3A_964 = tpu.vector_load %arg8[%get3A_962, %get3A_963] {strides = array<i32>} : memref<128x128xf32, #tpu.memory_space<vmem>>, vector<1x16xf32>,
          %get3A_965 = vector.shape_cast %get3A_964 : vector<1x16xf32> to vector<16xf32>
          %mul3A_966 = arith.mulf %get3A_965, %broadcast_in_dim3A_941 : vector<16xf32>
          %swap3A_967 = arith.index_cast %add3A_938 : i32 to index
          %swap3A_968 = arith.constant 32 : index
          %swap3A_969 = tpu.vector_load %arg8[%swap3A_967, %swap3A_968] {strides = array<i32>} : memref<128x128xf32, #tpu.memory_space<vmem>>, vector<1x16xf32>,
          %swap3A_970 = vector.shape_cast %swap3A_969 : vector<1x16xf32> to vector<16xf32>
          %swap3A_971 = vector.shape_cast %mul3A_966 : vector<16xf32> to vector<1x16xf32>
          tpu.vector_store %arg8[%swap3A_967, %swap3A_968], %swap3A_971 {strides = array<i32>} : memref<128x128xf32, #tpu.memory_space<vmem>>, vector<1x16xf32>,
          %get3A_972 = arith.index_cast %add3A_938 : i32 to index
          %get3A_973 = arith.constant 48 : index
          %get3A_974 = tpu.vector_load %arg8[%get3A_972, %get3A_973] {strides = array<i32>} : memref<128x128xf32, #tpu.memory_space<vmem>>, vector<1x16xf32>,
          %get3A_975 = vector.shape_cast %get3A_974 : vector<1x16xf32> to vector<16xf32>
          %mul3A_976 = arith.mulf %get3A_975, %broadcast_in_dim3A_941 : vector<16xf32>
          %swap3A_977 = arith.index_cast %add3A_938 : i32 to index
          %swap3A_978 = arith.constant 48 : index
          %swap3A_979 = tpu.vector_load %arg8[%swap3A_977, %swap3A_978] {strides = array<i32>} : memref<128x128xf32, #tpu.memory_space<vmem>>, vector<1x16xf32>,
          %swap3A_980 = vector.shape_cast %swap3A_979 : vector<1x16xf32> to vector<16xf32>
          %swap3A_981 = vector.shape_cast %mul3A_976 : vector<16xf32> to vector<1x16xf32>
          tpu.vector_store %arg8[%swap3A_977, %swap3A_978], %swap3A_981 {strides = array<i32>} : memref<128x128xf32, #tpu.memory_space<vmem>>, vector<1x16xf32>,
          %get3A_982 = arith.index_cast %add3A_938 : i32 to index
          %get3A_983 = arith.constant 64 : index
          %get3A_984 = tpu.vector_load %arg8[%get3A_982, %get3A_983] {strides = array<i32>} : memref<128x128xf32, #tpu.memory_space<vmem>>, vector<1x16xf32>,
          %get3A_985 = vector.shape_cast %get3A_984 : vector<1x16xf32> to vector<16xf32>
          %mul3A_986 = arith.mulf %get3A_985, %broadcast_in_dim3A_941 : vector<16xf32>
          %swap3A_987 = arith.index_cast %add3A_938 : i32 to index
          %swap3A_988 = arith.constant 64 : index
          %swap3A_989 = tpu.vector_load %arg8[%swap3A_987, %swap3A_988] {strides = array<i32>} : memref<128x128xf32, #tpu.memory_space<vmem>>, vector<1x16xf32>,
          %swap3A_990 = vector.shape_cast %swap3A_989 : vector<1x16xf32> to vector<16xf32>
          %swap3A_991 = vector.shape_cast %mul3A_986 : vector<16xf32> to vector<1x16xf32>
          tpu.vector_store %arg8[%swap3A_987, %swap3A_988], %swap3A_991 {strides = array<i32>} : memref<128x128xf32, #tpu.memory_space<vmem>>, vector<1x16xf32>,
          %get3A_992 = arith.index_cast %add3A_938 : i32 to index
          %get3A_993 = arith.constant 80 : index
          %get3A_994 = tpu.vector_load %arg8[%get3A_992, %get3A_993] {strides = array<i32>} : memref<128x128xf32, #tpu.memory_space<vmem>>, vector<1x16xf32>,
          %get3A_995 = vector.shape_cast %get3A_994 : vector<1x16xf32> to vector<16xf32>
          %mul3A_996 = arith.mulf %get3A_995, %broadcast_in_dim3A_941 : vector<16xf32>
          %swap3A_997 = arith.index_cast %add3A_938 : i32 to index
          %swap3A_998 = arith.constant 80 : index
          %swap3A_999 = tpu.vector_load %arg8[%swap3A_997, %swap3A_998] {strides = array<i32>} : memref<128x128xf32, #tpu.memory_space<vmem>>, vector<1x16xf32>,
          %swap3A_1000 = vector.shape_cast %swap3A_999 : vector<1x16xf32> to vector<16xf32>
          %swap3A_1001 = vector.shape_cast %mul3A_996 : vector<16xf32> to vector<1x16xf32>
          tpu.vector_store %arg8[%swap3A_997, %swap3A_998], %swap3A_1001 {strides = array<i32>} : memref<128x128xf32, #tpu.memory_space<vmem>>, vector<1x16xf32>,
          %get3A_1002 = arith.index_cast %add3A_938 : i32 to index
          %get3A_1003 = arith.constant 96 : index
          %get3A_1004 = tpu.vector_load %arg8[%get3A_1002, %get3A_1003] {strides = array<i32>} : memref<128x128xf32, #tpu.memory_space<vmem>>, vector<1x16xf32>,
          %get3A_1005 = vector.shape_cast %get3A_1004 : vector<1x16xf32> to vector<16xf32>
          %mul3A_1006 = arith.mulf %get3A_1005, %broadcast_in_dim3A_941 : vector<16xf32>
          %swap3A_1007 = arith.index_cast %add3A_938 : i32 to index
          %swap3A_1008 = arith.constant 96 : index
          %swap3A_1009 = tpu.vector_load %arg8[%swap3A_1007, %swap3A_1008] {strides = array<i32>} : memref<128x128xf32, #tpu.memory_space<vmem>>, vector<1x16xf32>,
          %swap3A_1010 = vector.shape_cast %swap3A_1009 : vector<1x16xf32> to vector<16xf32>
          %swap3A_1011 = vector.shape_cast %mul3A_1006 : vector<16xf32> to vector<1x16xf32>
          tpu.vector_store %arg8[%swap3A_1007, %swap3A_1008], %swap3A_1011 {strides = array<i32>} : memref<128x128xf32, #tpu.memory_space<vmem>>, vector<1x16xf32>,
          %get3A_1012 = arith.index_cast %add3A_938 : i32 to index
          %get3A_1013 = arith.constant 112 : index
          %get3A_1014 = tpu.vector_load %arg8[%get3A_1012, %get3A_1013] {strides = array<i32>} : memref<128x128xf32, #tpu.memory_space<vmem>>, vector<1x16xf32>,
          %get3A_1015 = vector.shape_cast %get3A_1014 : vector<1x16xf32> to vector<16xf32>
          %mul3A_1016 = arith.mulf %get3A_1015, %broadcast_in_dim3A_941 : vector<16xf32>
          %swap3A_1017 = arith.index_cast %add3A_938 : i32 to index
          %swap3A_1018 = arith.constant 112 : index
          %swap3A_1019 = tpu.vector_load %arg8[%swap3A_1017, %swap3A_1018] {strides = array<i32>} : memref<128x128xf32, #tpu.memory_space<vmem>>, vector<1x16xf32>,
          %swap3A_1020 = vector.shape_cast %swap3A_1019 : vector<1x16xf32> to vector<16xf32>
          %swap3A_1021 = vector.shape_cast %mul3A_1016 : vector<16xf32> to vector<1x16xf32>
          tpu.vector_store %arg8[%swap3A_1017, %swap3A_1018], %swap3A_1021 {strides = array<i32>} : memref<128x128xf32, #tpu.memory_space<vmem>>, vector<1x16xf32>,
          %mul3A_1022 = arith.constant 16 : i32
          %mul3A_1023 = arith.muli %scan3A_136, %mul3A_1022 : i32
          %add3A_1024 = arith.constant 10 : i32
          %add3A_1025 = arith.addi %mul3A_1023, %add3A_1024 : i32
          %slice3A_1026 = vector.extract_strided_slice %bitcast_convert_type3A {offsets = [10], sizes = [1], strides = [1]} : vector<16xf32> to vector<1xf32>
          %squeeze3A_1027 = vector.extract %slice3A_1026[0] : f32 from vector<1xf32>
          %broadcast_in_dim3A_1028 = vector.broadcast %squeeze3A_1027 : f32 to vector<16xf32>
          %get3A_1029 = arith.index_cast %add3A_1025 : i32 to index
          %get3A_1030 = arith.constant 0 : index
          %get3A_1031 = tpu.vector_load %arg8[%get3A_1029, %get3A_1030] {strides = array<i32>} : memref<128x128xf32, #tpu.memory_space<vmem>>, vector<1x16xf32>,
          %get3A_1032 = vector.shape_cast %get3A_1031 : vector<1x16xf32> to vector<16xf32>
          %mul3A_1033 = arith.mulf %get3A_1032, %broadcast_in_dim3A_1028 : vector<16xf32>
          %swap3A_1034 = arith.index_cast %add3A_1025 : i32 to index
          %swap3A_1035 = arith.constant 0 : index
          %swap3A_1036 = tpu.vector_load %arg8[%swap3A_1034, %swap3A_1035] {strides = array<i32>} : memref<128x128xf32, #tpu.memory_space<vmem>>, vector<1x16xf32>,
          %swap3A_1037 = vector.shape_cast %swap3A_1036 : vector<1x16xf32> to vector<16xf32>
          %swap3A_1038 = vector.shape_cast %mul3A_1033 : vector<16xf32> to vector<1x16xf32>
          tpu.vector_store %arg8[%swap3A_1034, %swap3A_1035], %swap3A_1038 {strides = array<i32>} : memref<128x128xf32, #tpu.memory_space<vmem>>, vector<1x16xf32>,
          %get3A_1039 = arith.index_cast %add3A_1025 : i32 to index
          %get3A_1040 = arith.constant 16 : index
          %get3A_1041 = tpu.vector_load %arg8[%get3A_1039, %get3A_1040] {strides = array<i32>} : memref<128x128xf32, #tpu.memory_space<vmem>>, vector<1x16xf32>,
          %get3A_1042 = vector.shape_cast %get3A_1041 : vector<1x16xf32> to vector<16xf32>
          %mul3A_1043 = arith.mulf %get3A_1042, %broadcast_in_dim3A_1028 : vector<16xf32>
          %swap3A_1044 = arith.index_cast %add3A_1025 : i32 to index
          %swap3A_1045 = arith.constant 16 : index
          %swap3A_1046 = tpu.vector_load %arg8[%swap3A_1044, %swap3A_1045] {strides = array<i32>} : memref<128x128xf32, #tpu.memory_space<vmem>>, vector<1x16xf32>,
          %swap3A_1047 = vector.shape_cast %swap3A_1046 : vector<1x16xf32> to vector<16xf32>
          %swap3A_1048 = vector.shape_cast %mul3A_1043 : vector<16xf32> to vector<1x16xf32>
          tpu.vector_store %arg8[%swap3A_1044, %swap3A_1045], %swap3A_1048 {strides = array<i32>} : memref<128x128xf32, #tpu.memory_space<vmem>>, vector<1x16xf32>,
          %get3A_1049 = arith.index_cast %add3A_1025 : i32 to index
          %get3A_1050 = arith.constant 32 : index
          %get3A_1051 = tpu.vector_load %arg8[%get3A_1049, %get3A_1050] {strides = array<i32>} : memref<128x128xf32, #tpu.memory_space<vmem>>, vector<1x16xf32>,
          %get3A_1052 = vector.shape_cast %get3A_1051 : vector<1x16xf32> to vector<16xf32>
          %mul3A_1053 = arith.mulf %get3A_1052, %broadcast_in_dim3A_1028 : vector<16xf32>
          %swap3A_1054 = arith.index_cast %add3A_1025 : i32 to index
          %swap3A_1055 = arith.constant 32 : index
          %swap3A_1056 = tpu.vector_load %arg8[%swap3A_1054, %swap3A_1055] {strides = array<i32>} : memref<128x128xf32, #tpu.memory_space<vmem>>, vector<1x16xf32>,
          %swap3A_1057 = vector.shape_cast %swap3A_1056 : vector<1x16xf32> to vector<16xf32>
          %swap3A_1058 = vector.shape_cast %mul3A_1053 : vector<16xf32> to vector<1x16xf32>
          tpu.vector_store %arg8[%swap3A_1054, %swap3A_1055], %swap3A_1058 {strides = array<i32>} : memref<128x128xf32, #tpu.memory_space<vmem>>, vector<1x16xf32>,
          %get3A_1059 = arith.index_cast %add3A_1025 : i32 to index
          %get3A_1060 = arith.constant 48 : index
          %get3A_1061 = tpu.vector_load %arg8[%get3A_1059, %get3A_1060] {strides = array<i32>} : memref<128x128xf32, #tpu.memory_space<vmem>>, vector<1x16xf32>,
          %get3A_1062 = vector.shape_cast %get3A_1061 : vector<1x16xf32> to vector<16xf32>
          %mul3A_1063 = arith.mulf %get3A_1062, %broadcast_in_dim3A_1028 : vector<16xf32>
          %swap3A_1064 = arith.index_cast %add3A_1025 : i32 to index
          %swap3A_1065 = arith.constant 48 : index
          %swap3A_1066 = tpu.vector_load %arg8[%swap3A_1064, %swap3A_1065] {strides = array<i32>} : memref<128x128xf32, #tpu.memory_space<vmem>>, vector<1x16xf32>,
          %swap3A_1067 = vector.shape_cast %swap3A_1066 : vector<1x16xf32> to vector<16xf32>
          %swap3A_1068 = vector.shape_cast %mul3A_1063 : vector<16xf32> to vector<1x16xf32>
          tpu.vector_store %arg8[%swap3A_1064, %swap3A_1065], %swap3A_1068 {strides = array<i32>} : memref<128x128xf32, #tpu.memory_space<vmem>>, vector<1x16xf32>,
          %get3A_1069 = arith.index_cast %add3A_1025 : i32 to index
          %get3A_1070 = arith.constant 64 : index
          %get3A_1071 = tpu.vector_load %arg8[%get3A_1069, %get3A_1070] {strides = array<i32>} : memref<128x128xf32, #tpu.memory_space<vmem>>, vector<1x16xf32>,
          %get3A_1072 = vector.shape_cast %get3A_1071 : vector<1x16xf32> to vector<16xf32>
          %mul3A_1073 = arith.mulf %get3A_1072, %broadcast_in_dim3A_1028 : vector<16xf32>
          %swap3A_1074 = arith.index_cast %add3A_1025 : i32 to index
          %swap3A_1075 = arith.constant 64 : index
          %swap3A_1076 = tpu.vector_load %arg8[%swap3A_1074, %swap3A_1075] {strides = array<i32>} : memref<128x128xf32, #tpu.memory_space<vmem>>, vector<1x16xf32>,
          %swap3A_1077 = vector.shape_cast %swap3A_1076 : vector<1x16xf32> to vector<16xf32>
          %swap3A_1078 = vector.shape_cast %mul3A_1073 : vector<16xf32> to vector<1x16xf32>
          tpu.vector_store %arg8[%swap3A_1074, %swap3A_1075], %swap3A_1078 {strides = array<i32>} : memref<128x128xf32, #tpu.memory_space<vmem>>, vector<1x16xf32>,
          %get3A_1079 = arith.index_cast %add3A_1025 : i32 to index
          %get3A_1080 = arith.constant 80 : index
          %get3A_1081 = tpu.vector_load %arg8[%get3A_1079, %get3A_1080] {strides = array<i32>} : memref<128x128xf32, #tpu.memory_space<vmem>>, vector<1x16xf32>,
          %get3A_1082 = vector.shape_cast %get3A_1081 : vector<1x16xf32> to vector<16xf32>
          %mul3A_1083 = arith.mulf %get3A_1082, %broadcast_in_dim3A_1028 : vector<16xf32>
          %swap3A_1084 = arith.index_cast %add3A_1025 : i32 to index
          %swap3A_1085 = arith.constant 80 : index
          %swap3A_1086 = tpu.vector_load %arg8[%swap3A_1084, %swap3A_1085] {strides = array<i32>} : memref<128x128xf32, #tpu.memory_space<vmem>>, vector<1x16xf32>,
          %swap3A_1087 = vector.shape_cast %swap3A_1086 : vector<1x16xf32> to vector<16xf32>
          %swap3A_1088 = vector.shape_cast %mul3A_1083 : vector<16xf32> to vector<1x16xf32>
          tpu.vector_store %arg8[%swap3A_1084, %swap3A_1085], %swap3A_1088 {strides = array<i32>} : memref<128x128xf32, #tpu.memory_space<vmem>>, vector<1x16xf32>,
          %get3A_1089 = arith.index_cast %add3A_1025 : i32 to index
          %get3A_1090 = arith.constant 96 : index
          %get3A_1091 = tpu.vector_load %arg8[%get3A_1089, %get3A_1090] {strides = array<i32>} : memref<128x128xf32, #tpu.memory_space<vmem>>, vector<1x16xf32>,
          %get3A_1092 = vector.shape_cast %get3A_1091 : vector<1x16xf32> to vector<16xf32>
          %mul3A_1093 = arith.mulf %get3A_1092, %broadcast_in_dim3A_1028 : vector<16xf32>
          %swap3A_1094 = arith.index_cast %add3A_1025 : i32 to index
          %swap3A_1095 = arith.constant 96 : index
          %swap3A_1096 = tpu.vector_load %arg8[%swap3A_1094, %swap3A_1095] {strides = array<i32>} : memref<128x128xf32, #tpu.memory_space<vmem>>, vector<1x16xf32>,
          %swap3A_1097 = vector.shape_cast %swap3A_1096 : vector<1x16xf32> to vector<16xf32>
          %swap3A_1098 = vector.shape_cast %mul3A_1093 : vector<16xf32> to vector<1x16xf32>
          tpu.vector_store %arg8[%swap3A_1094, %swap3A_1095], %swap3A_1098 {strides = array<i32>} : memref<128x128xf32, #tpu.memory_space<vmem>>, vector<1x16xf32>,
          %get3A_1099 = arith.index_cast %add3A_1025 : i32 to index
          %get3A_1100 = arith.constant 112 : index
          %get3A_1101 = tpu.vector_load %arg8[%get3A_1099, %get3A_1100] {strides = array<i32>} : memref<128x128xf32, #tpu.memory_space<vmem>>, vector<1x16xf32>,
          %get3A_1102 = vector.shape_cast %get3A_1101 : vector<1x16xf32> to vector<16xf32>
          %mul3A_1103 = arith.mulf %get3A_1102, %broadcast_in_dim3A_1028 : vector<16xf32>
          %swap3A_1104 = arith.index_cast %add3A_1025 : i32 to index
          %swap3A_1105 = arith.constant 112 : index
          %swap3A_1106 = tpu.vector_load %arg8[%swap3A_1104, %swap3A_1105] {strides = array<i32>} : memref<128x128xf32, #tpu.memory_space<vmem>>, vector<1x16xf32>,
          %swap3A_1107 = vector.shape_cast %swap3A_1106 : vector<1x16xf32> to vector<16xf32>
          %swap3A_1108 = vector.shape_cast %mul3A_1103 : vector<16xf32> to vector<1x16xf32>
          tpu.vector_store %arg8[%swap3A_1104, %swap3A_1105], %swap3A_1108 {strides = array<i32>} : memref<128x128xf32, #tpu.memory_space<vmem>>, vector<1x16xf32>,
          %mul3A_1109 = arith.constant 16 : i32
          %mul3A_1110 = arith.muli %scan3A_136, %mul3A_1109 : i32
          %add3A_1111 = arith.constant 11 : i32
          %add3A_1112 = arith.addi %mul3A_1110, %add3A_1111 : i32
          %slice3A_1113 = vector.extract_strided_slice %bitcast_convert_type3A {offsets = [11], sizes = [1], strides = [1]} : vector<16xf32> to vector<1xf32>
          %squeeze3A_1114 = vector.extract %slice3A_1113[0] : f32 from vector<1xf32>
          %broadcast_in_dim3A_1115 = vector.broadcast %squeeze3A_1114 : f32 to vector<16xf32>
          %get3A_1116 = arith.index_cast %add3A_1112 : i32 to index
          %get3A_1117 = arith.constant 0 : index
          %get3A_1118 = tpu.vector_load %arg8[%get3A_1116, %get3A_1117] {strides = array<i32>} : memref<128x128xf32, #tpu.memory_space<vmem>>, vector<1x16xf32>,
          %get3A_1119 = vector.shape_cast %get3A_1118 : vector<1x16xf32> to vector<16xf32>
          %mul3A_1120 = arith.mulf %get3A_1119, %broadcast_in_dim3A_1115 : vector<16xf32>
          %swap3A_1121 = arith.index_cast %add3A_1112 : i32 to index
          %swap3A_1122 = arith.constant 0 : index
          %swap3A_1123 = tpu.vector_load %arg8[%swap3A_1121, %swap3A_1122] {strides = array<i32>} : memref<128x128xf32, #tpu.memory_space<vmem>>, vector<1x16xf32>,
          %swap3A_1124 = vector.shape_cast %swap3A_1123 : vector<1x16xf32> to vector<16xf32>
          %swap3A_1125 = vector.shape_cast %mul3A_1120 : vector<16xf32> to vector<1x16xf32>
          tpu.vector_store %arg8[%swap3A_1121, %swap3A_1122], %swap3A_1125 {strides = array<i32>} : memref<128x128xf32, #tpu.memory_space<vmem>>, vector<1x16xf32>,
          %get3A_1126 = arith.index_cast %add3A_1112 : i32 to index
          %get3A_1127 = arith.constant 16 : index
          %get3A_1128 = tpu.vector_load %arg8[%get3A_1126, %get3A_1127] {strides = array<i32>} : memref<128x128xf32, #tpu.memory_space<vmem>>, vector<1x16xf32>,
          %get3A_1129 = vector.shape_cast %get3A_1128 : vector<1x16xf32> to vector<16xf32>
          %mul3A_1130 = arith.mulf %get3A_1129, %broadcast_in_dim3A_1115 : vector<16xf32>
          %swap3A_1131 = arith.index_cast %add3A_1112 : i32 to index
          %swap3A_1132 = arith.constant 16 : index
          %swap3A_1133 = tpu.vector_load %arg8[%swap3A_1131, %swap3A_1132] {strides = array<i32>} : memref<128x128xf32, #tpu.memory_space<vmem>>, vector<1x16xf32>,
          %swap3A_1134 = vector.shape_cast %swap3A_1133 : vector<1x16xf32> to vector<16xf32>
          %swap3A_1135 = vector.shape_cast %mul3A_1130 : vector<16xf32> to vector<1x16xf32>
          tpu.vector_store %arg8[%swap3A_1131, %swap3A_1132], %swap3A_1135 {strides = array<i32>} : memref<128x128xf32, #tpu.memory_space<vmem>>, vector<1x16xf32>,
          %get3A_1136 = arith.index_cast %add3A_1112 : i32 to index
          %get3A_1137 = arith.constant 32 : index
          %get3A_1138 = tpu.vector_load %arg8[%get3A_1136, %get3A_1137] {strides = array<i32>} : memref<128x128xf32, #tpu.memory_space<vmem>>, vector<1x16xf32>,
          %get3A_1139 = vector.shape_cast %get3A_1138 : vector<1x16xf32> to vector<16xf32>
          %mul3A_1140 = arith.mulf %get3A_1139, %broadcast_in_dim3A_1115 : vector<16xf32>
          %swap3A_1141 = arith.index_cast %add3A_1112 : i32 to index
          %swap3A_1142 = arith.constant 32 : index
          %swap3A_1143 = tpu.vector_load %arg8[%swap3A_1141, %swap3A_1142] {strides = array<i32>} : memref<128x128xf32, #tpu.memory_space<vmem>>, vector<1x16xf32>,
          %swap3A_1144 = vector.shape_cast %swap3A_1143 : vector<1x16xf32> to vector<16xf32>
          %swap3A_1145 = vector.shape_cast %mul3A_1140 : vector<16xf32> to vector<1x16xf32>
          tpu.vector_store %arg8[%swap3A_1141, %swap3A_1142], %swap3A_1145 {strides = array<i32>} : memref<128x128xf32, #tpu.memory_space<vmem>>, vector<1x16xf32>,
          %get3A_1146 = arith.index_cast %add3A_1112 : i32 to index
          %get3A_1147 = arith.constant 48 : index
          %get3A_1148 = tpu.vector_load %arg8[%get3A_1146, %get3A_1147] {strides = array<i32>} : memref<128x128xf32, #tpu.memory_space<vmem>>, vector<1x16xf32>,
          %get3A_1149 = vector.shape_cast %get3A_1148 : vector<1x16xf32> to vector<16xf32>
          %mul3A_1150 = arith.mulf %get3A_1149, %broadcast_in_dim3A_1115 : vector<16xf32>
          %swap3A_1151 = arith.index_cast %add3A_1112 : i32 to index
          %swap3A_1152 = arith.constant 48 : index
          %swap3A_1153 = tpu.vector_load %arg8[%swap3A_1151, %swap3A_1152] {strides = array<i32>} : memref<128x128xf32, #tpu.memory_space<vmem>>, vector<1x16xf32>,
          %swap3A_1154 = vector.shape_cast %swap3A_1153 : vector<1x16xf32> to vector<16xf32>
          %swap3A_1155 = vector.shape_cast %mul3A_1150 : vector<16xf32> to vector<1x16xf32>
          tpu.vector_store %arg8[%swap3A_1151, %swap3A_1152], %swap3A_1155 {strides = array<i32>} : memref<128x128xf32, #tpu.memory_space<vmem>>, vector<1x16xf32>,
          %get3A_1156 = arith.index_cast %add3A_1112 : i32 to index
          %get3A_1157 = arith.constant 64 : index
          %get3A_1158 = tpu.vector_load %arg8[%get3A_1156, %get3A_1157] {strides = array<i32>} : memref<128x128xf32, #tpu.memory_space<vmem>>, vector<1x16xf32>,
          %get3A_1159 = vector.shape_cast %get3A_1158 : vector<1x16xf32> to vector<16xf32>
          %mul3A_1160 = arith.mulf %get3A_1159, %broadcast_in_dim3A_1115 : vector<16xf32>
          %swap3A_1161 = arith.index_cast %add3A_1112 : i32 to index
          %swap3A_1162 = arith.constant 64 : index
          %swap3A_1163 = tpu.vector_load %arg8[%swap3A_1161, %swap3A_1162] {strides = array<i32>} : memref<128x128xf32, #tpu.memory_space<vmem>>, vector<1x16xf32>,
          %swap3A_1164 = vector.shape_cast %swap3A_1163 : vector<1x16xf32> to vector<16xf32>
          %swap3A_1165 = vector.shape_cast %mul3A_1160 : vector<16xf32> to vector<1x16xf32>
          tpu.vector_store %arg8[%swap3A_1161, %swap3A_1162], %swap3A_1165 {strides = array<i32>} : memref<128x128xf32, #tpu.memory_space<vmem>>, vector<1x16xf32>,
          %get3A_1166 = arith.index_cast %add3A_1112 : i32 to index
          %get3A_1167 = arith.constant 80 : index
          %get3A_1168 = tpu.vector_load %arg8[%get3A_1166, %get3A_1167] {strides = array<i32>} : memref<128x128xf32, #tpu.memory_space<vmem>>, vector<1x16xf32>,
          %get3A_1169 = vector.shape_cast %get3A_1168 : vector<1x16xf32> to vector<16xf32>
          %mul3A_1170 = arith.mulf %get3A_1169, %broadcast_in_dim3A_1115 : vector<16xf32>
          %swap3A_1171 = arith.index_cast %add3A_1112 : i32 to index
          %swap3A_1172 = arith.constant 80 : index
          %swap3A_1173 = tpu.vector_load %arg8[%swap3A_1171, %swap3A_1172] {strides = array<i32>} : memref<128x128xf32, #tpu.memory_space<vmem>>, vector<1x16xf32>,
          %swap3A_1174 = vector.shape_cast %swap3A_1173 : vector<1x16xf32> to vector<16xf32>
          %swap3A_1175 = vector.shape_cast %mul3A_1170 : vector<16xf32> to vector<1x16xf32>
          tpu.vector_store %arg8[%swap3A_1171, %swap3A_1172], %swap3A_1175 {strides = array<i32>} : memref<128x128xf32, #tpu.memory_space<vmem>>, vector<1x16xf32>,
          %get3A_1176 = arith.index_cast %add3A_1112 : i32 to index
          %get3A_1177 = arith.constant 96 : index
          %get3A_1178 = tpu.vector_load %arg8[%get3A_1176, %get3A_1177] {strides = array<i32>} : memref<128x128xf32, #tpu.memory_space<vmem>>, vector<1x16xf32>,
          %get3A_1179 = vector.shape_cast %get3A_1178 : vector<1x16xf32> to vector<16xf32>
          %mul3A_1180 = arith.mulf %get3A_1179, %broadcast_in_dim3A_1115 : vector<16xf32>
          %swap3A_1181 = arith.index_cast %add3A_1112 : i32 to index
          %swap3A_1182 = arith.constant 96 : index
          %swap3A_1183 = tpu.vector_load %arg8[%swap3A_1181, %swap3A_1182] {strides = array<i32>} : memref<128x128xf32, #tpu.memory_space<vmem>>, vector<1x16xf32>,
          %swap3A_1184 = vector.shape_cast %swap3A_1183 : vector<1x16xf32> to vector<16xf32>
          %swap3A_1185 = vector.shape_cast %mul3A_1180 : vector<16xf32> to vector<1x16xf32>
          tpu.vector_store %arg8[%swap3A_1181, %swap3A_1182], %swap3A_1185 {strides = array<i32>} : memref<128x128xf32, #tpu.memory_space<vmem>>, vector<1x16xf32>,
          %get3A_1186 = arith.index_cast %add3A_1112 : i32 to index
          %get3A_1187 = arith.constant 112 : index
          %get3A_1188 = tpu.vector_load %arg8[%get3A_1186, %get3A_1187] {strides = array<i32>} : memref<128x128xf32, #tpu.memory_space<vmem>>, vector<1x16xf32>,
          %get3A_1189 = vector.shape_cast %get3A_1188 : vector<1x16xf32> to vector<16xf32>
          %mul3A_1190 = arith.mulf %get3A_1189, %broadcast_in_dim3A_1115 : vector<16xf32>
          %swap3A_1191 = arith.index_cast %add3A_1112 : i32 to index
          %swap3A_1192 = arith.constant 112 : index
          %swap3A_1193 = tpu.vector_load %arg8[%swap3A_1191, %swap3A_1192] {strides = array<i32>} : memref<128x128xf32, #tpu.memory_space<vmem>>, vector<1x16xf32>,
          %swap3A_1194 = vector.shape_cast %swap3A_1193 : vector<1x16xf32> to vector<16xf32>
          %swap3A_1195 = vector.shape_cast %mul3A_1190 : vector<16xf32> to vector<1x16xf32>
          tpu.vector_store %arg8[%swap3A_1191, %swap3A_1192], %swap3A_1195 {strides = array<i32>} : memref<128x128xf32, #tpu.memory_space<vmem>>, vector<1x16xf32>,
          %mul3A_1196 = arith.constant 16 : i32
          %mul3A_1197 = arith.muli %scan3A_136, %mul3A_1196 : i32
          %add3A_1198 = arith.constant 12 : i32
          %add3A_1199 = arith.addi %mul3A_1197, %add3A_1198 : i32
          %slice3A_1200 = vector.extract_strided_slice %bitcast_convert_type3A {offsets = [12], sizes = [1], strides = [1]} : vector<16xf32> to vector<1xf32>
          %squeeze3A_1201 = vector.extract %slice3A_1200[0] : f32 from vector<1xf32>
          %broadcast_in_dim3A_1202 = vector.broadcast %squeeze3A_1201 : f32 to vector<16xf32>
          %get3A_1203 = arith.index_cast %add3A_1199 : i32 to index
          %get3A_1204 = arith.constant 0 : index
          %get3A_1205 = tpu.vector_load %arg8[%get3A_1203, %get3A_1204] {strides = array<i32>} : memref<128x128xf32, #tpu.memory_space<vmem>>, vector<1x16xf32>,
          %get3A_1206 = vector.shape_cast %get3A_1205 : vector<1x16xf32> to vector<16xf32>
          %mul3A_1207 = arith.mulf %get3A_1206, %broadcast_in_dim3A_1202 : vector<16xf32>
          %swap3A_1208 = arith.index_cast %add3A_1199 : i32 to index
          %swap3A_1209 = arith.constant 0 : index
          %swap3A_1210 = tpu.vector_load %arg8[%swap3A_1208, %swap3A_1209] {strides = array<i32>} : memref<128x128xf32, #tpu.memory_space<vmem>>, vector<1x16xf32>,
          %swap3A_1211 = vector.shape_cast %swap3A_1210 : vector<1x16xf32> to vector<16xf32>
          %swap3A_1212 = vector.shape_cast %mul3A_1207 : vector<16xf32> to vector<1x16xf32>
          tpu.vector_store %arg8[%swap3A_1208, %swap3A_1209], %swap3A_1212 {strides = array<i32>} : memref<128x128xf32, #tpu.memory_space<vmem>>, vector<1x16xf32>,
          %get3A_1213 = arith.index_cast %add3A_1199 : i32 to index
          %get3A_1214 = arith.constant 16 : index
          %get3A_1215 = tpu.vector_load %arg8[%get3A_1213, %get3A_1214] {strides = array<i32>} : memref<128x128xf32, #tpu.memory_space<vmem>>, vector<1x16xf32>,
          %get3A_1216 = vector.shape_cast %get3A_1215 : vector<1x16xf32> to vector<16xf32>
          %mul3A_1217 = arith.mulf %get3A_1216, %broadcast_in_dim3A_1202 : vector<16xf32>
          %swap3A_1218 = arith.index_cast %add3A_1199 : i32 to index
          %swap3A_1219 = arith.constant 16 : index
          %swap3A_1220 = tpu.vector_load %arg8[%swap3A_1218, %swap3A_1219] {strides = array<i32>} : memref<128x128xf32, #tpu.memory_space<vmem>>, vector<1x16xf32>,
          %swap3A_1221 = vector.shape_cast %swap3A_1220 : vector<1x16xf32> to vector<16xf32>
          %swap3A_1222 = vector.shape_cast %mul3A_1217 : vector<16xf32> to vector<1x16xf32>
          tpu.vector_store %arg8[%swap3A_1218, %swap3A_1219], %swap3A_1222 {strides = array<i32>} : memref<128x128xf32, #tpu.memory_space<vmem>>, vector<1x16xf32>,
          %get3A_1223 = arith.index_cast %add3A_1199 : i32 to index
          %get3A_1224 = arith.constant 32 : index
          %get3A_1225 = tpu.vector_load %arg8[%get3A_1223, %get3A_1224] {strides = array<i32>} : memref<128x128xf32, #tpu.memory_space<vmem>>, vector<1x16xf32>,
          %get3A_1226 = vector.shape_cast %get3A_1225 : vector<1x16xf32> to vector<16xf32>
          %mul3A_1227 = arith.mulf %get3A_1226, %broadcast_in_dim3A_1202 : vector<16xf32>
          %swap3A_1228 = arith.index_cast %add3A_1199 : i32 to index
          %swap3A_1229 = arith.constant 32 : index
          %swap3A_1230 = tpu.vector_load %arg8[%swap3A_1228, %swap3A_1229] {strides = array<i32>} : memref<128x128xf32, #tpu.memory_space<vmem>>, vector<1x16xf32>,
          %swap3A_1231 = vector.shape_cast %swap3A_1230 : vector<1x16xf32> to vector<16xf32>
          %swap3A_1232 = vector.shape_cast %mul3A_1227 : vector<16xf32> to vector<1x16xf32>
          tpu.vector_store %arg8[%swap3A_1228, %swap3A_1229], %swap3A_1232 {strides = array<i32>} : memref<128x128xf32, #tpu.memory_space<vmem>>, vector<1x16xf32>,
          %get3A_1233 = arith.index_cast %add3A_1199 : i32 to index
          %get3A_1234 = arith.constant 48 : index
          %get3A_1235 = tpu.vector_load %arg8[%get3A_1233, %get3A_1234] {strides = array<i32>} : memref<128x128xf32, #tpu.memory_space<vmem>>, vector<1x16xf32>,
          %get3A_1236 = vector.shape_cast %get3A_1235 : vector<1x16xf32> to vector<16xf32>
          %mul3A_1237 = arith.mulf %get3A_1236, %broadcast_in_dim3A_1202 : vector<16xf32>
          %swap3A_1238 = arith.index_cast %add3A_1199 : i32 to index
          %swap3A_1239 = arith.constant 48 : index
          %swap3A_1240 = tpu.vector_load %arg8[%swap3A_1238, %swap3A_1239] {strides = array<i32>} : memref<128x128xf32, #tpu.memory_space<vmem>>, vector<1x16xf32>,
          %swap3A_1241 = vector.shape_cast %swap3A_1240 : vector<1x16xf32> to vector<16xf32>
          %swap3A_1242 = vector.shape_cast %mul3A_1237 : vector<16xf32> to vector<1x16xf32>
          tpu.vector_store %arg8[%swap3A_1238, %swap3A_1239], %swap3A_1242 {strides = array<i32>} : memref<128x128xf32, #tpu.memory_space<vmem>>, vector<1x16xf32>,
          %get3A_1243 = arith.index_cast %add3A_1199 : i32 to index
          %get3A_1244 = arith.constant 64 : index
          %get3A_1245 = tpu.vector_load %arg8[%get3A_1243, %get3A_1244] {strides = array<i32>} : memref<128x128xf32, #tpu.memory_space<vmem>>, vector<1x16xf32>,
          %get3A_1246 = vector.shape_cast %get3A_1245 : vector<1x16xf32> to vector<16xf32>
          %mul3A_1247 = arith.mulf %get3A_1246, %broadcast_in_dim3A_1202 : vector<16xf32>
          %swap3A_1248 = arith.index_cast %add3A_1199 : i32 to index
          %swap3A_1249 = arith.constant 64 : index
          %swap3A_1250 = tpu.vector_load %arg8[%swap3A_1248, %swap3A_1249] {strides = array<i32>} : memref<128x128xf32, #tpu.memory_space<vmem>>, vector<1x16xf32>,
          %swap3A_1251 = vector.shape_cast %swap3A_1250 : vector<1x16xf32> to vector<16xf32>
          %swap3A_1252 = vector.shape_cast %mul3A_1247 : vector<16xf32> to vector<1x16xf32>
          tpu.vector_store %arg8[%swap3A_1248, %swap3A_1249], %swap3A_1252 {strides = array<i32>} : memref<128x128xf32, #tpu.memory_space<vmem>>, vector<1x16xf32>,
          %get3A_1253 = arith.index_cast %add3A_1199 : i32 to index
          %get3A_1254 = arith.constant 80 : index
          %get3A_1255 = tpu.vector_load %arg8[%get3A_1253, %get3A_1254] {strides = array<i32>} : memref<128x128xf32, #tpu.memory_space<vmem>>, vector<1x16xf32>,
          %get3A_1256 = vector.shape_cast %get3A_1255 : vector<1x16xf32> to vector<16xf32>
          %mul3A_1257 = arith.mulf %get3A_1256, %broadcast_in_dim3A_1202 : vector<16xf32>
          %swap3A_1258 = arith.index_cast %add3A_1199 : i32 to index
          %swap3A_1259 = arith.constant 80 : index
          %swap3A_1260 = tpu.vector_load %arg8[%swap3A_1258, %swap3A_1259] {strides = array<i32>} : memref<128x128xf32, #tpu.memory_space<vmem>>, vector<1x16xf32>,
          %swap3A_1261 = vector.shape_cast %swap3A_1260 : vector<1x16xf32> to vector<16xf32>
          %swap3A_1262 = vector.shape_cast %mul3A_1257 : vector<16xf32> to vector<1x16xf32>
          tpu.vector_store %arg8[%swap3A_1258, %swap3A_1259], %swap3A_1262 {strides = array<i32>} : memref<128x128xf32, #tpu.memory_space<vmem>>, vector<1x16xf32>,
          %get3A_1263 = arith.index_cast %add3A_1199 : i32 to index
          %get3A_1264 = arith.constant 96 : index
          %get3A_1265 = tpu.vector_load %arg8[%get3A_1263, %get3A_1264] {strides = array<i32>} : memref<128x128xf32, #tpu.memory_space<vmem>>, vector<1x16xf32>,
          %get3A_1266 = vector.shape_cast %get3A_1265 : vector<1x16xf32> to vector<16xf32>
          %mul3A_1267 = arith.mulf %get3A_1266, %broadcast_in_dim3A_1202 : vector<16xf32>
          %swap3A_1268 = arith.index_cast %add3A_1199 : i32 to index
          %swap3A_1269 = arith.constant 96 : index
          %swap3A_1270 = tpu.vector_load %arg8[%swap3A_1268, %swap3A_1269] {strides = array<i32>} : memref<128x128xf32, #tpu.memory_space<vmem>>, vector<1x16xf32>,
          %swap3A_1271 = vector.shape_cast %swap3A_1270 : vector<1x16xf32> to vector<16xf32>
          %swap3A_1272 = vector.shape_cast %mul3A_1267 : vector<16xf32> to vector<1x16xf32>
          tpu.vector_store %arg8[%swap3A_1268, %swap3A_1269], %swap3A_1272 {strides = array<i32>} : memref<128x128xf32, #tpu.memory_space<vmem>>, vector<1x16xf32>,
          %get3A_1273 = arith.index_cast %add3A_1199 : i32 to index
          %get3A_1274 = arith.constant 112 : index
          %get3A_1275 = tpu.vector_load %arg8[%get3A_1273, %get3A_1274] {strides = array<i32>} : memref<128x128xf32, #tpu.memory_space<vmem>>, vector<1x16xf32>,
          %get3A_1276 = vector.shape_cast %get3A_1275 : vector<1x16xf32> to vector<16xf32>
          %mul3A_1277 = arith.mulf %get3A_1276, %broadcast_in_dim3A_1202 : vector<16xf32>
          %swap3A_1278 = arith.index_cast %add3A_1199 : i32 to index
          %swap3A_1279 = arith.constant 112 : index
          %swap3A_1280 = tpu.vector_load %arg8[%swap3A_1278, %swap3A_1279] {strides = array<i32>} : memref<128x128xf32, #tpu.memory_space<vmem>>, vector<1x16xf32>,
          %swap3A_1281 = vector.shape_cast %swap3A_1280 : vector<1x16xf32> to vector<16xf32>
          %swap3A_1282 = vector.shape_cast %mul3A_1277 : vector<16xf32> to vector<1x16xf32>
          tpu.vector_store %arg8[%swap3A_1278, %swap3A_1279], %swap3A_1282 {strides = array<i32>} : memref<128x128xf32, #tpu.memory_space<vmem>>, vector<1x16xf32>,
          %mul3A_1283 = arith.constant 16 : i32
          %mul3A_1284 = arith.muli %scan3A_136, %mul3A_1283 : i32
          %add3A_1285 = arith.constant 13 : i32
          %add3A_1286 = arith.addi %mul3A_1284, %add3A_1285 : i32
          %slice3A_1287 = vector.extract_strided_slice %bitcast_convert_type3A {offsets = [13], sizes = [1], strides = [1]} : vector<16xf32> to vector<1xf32>
          %squeeze3A_1288 = vector.extract %slice3A_1287[0] : f32 from vector<1xf32>
          %broadcast_in_dim3A_1289 = vector.broadcast %squeeze3A_1288 : f32 to vector<16xf32>
          %get3A_1290 = arith.index_cast %add3A_1286 : i32 to index
          %get3A_1291 = arith.constant 0 : index
          %get3A_1292 = tpu.vector_load %arg8[%get3A_1290, %get3A_1291] {strides = array<i32>} : memref<128x128xf32, #tpu.memory_space<vmem>>, vector<1x16xf32>,
          %get3A_1293 = vector.shape_cast %get3A_1292 : vector<1x16xf32> to vector<16xf32>
          %mul3A_1294 = arith.mulf %get3A_1293, %broadcast_in_dim3A_1289 : vector<16xf32>
          %swap3A_1295 = arith.index_cast %add3A_1286 : i32 to index
          %swap3A_1296 = arith.constant 0 : index
          %swap3A_1297 = tpu.vector_load %arg8[%swap3A_1295, %swap3A_1296] {strides = array<i32>} : memref<128x128xf32, #tpu.memory_space<vmem>>, vector<1x16xf32>,
          %swap3A_1298 = vector.shape_cast %swap3A_1297 : vector<1x16xf32> to vector<16xf32>
          %swap3A_1299 = vector.shape_cast %mul3A_1294 : vector<16xf32> to vector<1x16xf32>
          tpu.vector_store %arg8[%swap3A_1295, %swap3A_1296], %swap3A_1299 {strides = array<i32>} : memref<128x128xf32, #tpu.memory_space<vmem>>, vector<1x16xf32>,
          %get3A_1300 = arith.index_cast %add3A_1286 : i32 to index
          %get3A_1301 = arith.constant 16 : index
          %get3A_1302 = tpu.vector_load %arg8[%get3A_1300, %get3A_1301] {strides = array<i32>} : memref<128x128xf32, #tpu.memory_space<vmem>>, vector<1x16xf32>,
          %get3A_1303 = vector.shape_cast %get3A_1302 : vector<1x16xf32> to vector<16xf32>
          %mul3A_1304 = arith.mulf %get3A_1303, %broadcast_in_dim3A_1289 : vector<16xf32>
          %swap3A_1305 = arith.index_cast %add3A_1286 : i32 to index
          %swap3A_1306 = arith.constant 16 : index
          %swap3A_1307 = tpu.vector_load %arg8[%swap3A_1305, %swap3A_1306] {strides = array<i32>} : memref<128x128xf32, #tpu.memory_space<vmem>>, vector<1x16xf32>,
          %swap3A_1308 = vector.shape_cast %swap3A_1307 : vector<1x16xf32> to vector<16xf32>
          %swap3A_1309 = vector.shape_cast %mul3A_1304 : vector<16xf32> to vector<1x16xf32>
          tpu.vector_store %arg8[%swap3A_1305, %swap3A_1306], %swap3A_1309 {strides = array<i32>} : memref<128x128xf32, #tpu.memory_space<vmem>>, vector<1x16xf32>,
          %get3A_1310 = arith.index_cast %add3A_1286 : i32 to index
          %get3A_1311 = arith.constant 32 : index
          %get3A_1312 = tpu.vector_load %arg8[%get3A_1310, %get3A_1311] {strides = array<i32>} : memref<128x128xf32, #tpu.memory_space<vmem>>, vector<1x16xf32>,
          %get3A_1313 = vector.shape_cast %get3A_1312 : vector<1x16xf32> to vector<16xf32>
          %mul3A_1314 = arith.mulf %get3A_1313, %broadcast_in_dim3A_1289 : vector<16xf32>
          %swap3A_1315 = arith.index_cast %add3A_1286 : i32 to index
          %swap3A_1316 = arith.constant 32 : index
          %swap3A_1317 = tpu.vector_load %arg8[%swap3A_1315, %swap3A_1316] {strides = array<i32>} : memref<128x128xf32, #tpu.memory_space<vmem>>, vector<1x16xf32>,
          %swap3A_1318 = vector.shape_cast %swap3A_1317 : vector<1x16xf32> to vector<16xf32>
          %swap3A_1319 = vector.shape_cast %mul3A_1314 : vector<16xf32> to vector<1x16xf32>
          tpu.vector_store %arg8[%swap3A_1315, %swap3A_1316], %swap3A_1319 {strides = array<i32>} : memref<128x128xf32, #tpu.memory_space<vmem>>, vector<1x16xf32>,
          %get3A_1320 = arith.index_cast %add3A_1286 : i32 to index
          %get3A_1321 = arith.constant 48 : index
          %get3A_1322 = tpu.vector_load %arg8[%get3A_1320, %get3A_1321] {strides = array<i32>} : memref<128x128xf32, #tpu.memory_space<vmem>>, vector<1x16xf32>,
          %get3A_1323 = vector.shape_cast %get3A_1322 : vector<1x16xf32> to vector<16xf32>
          %mul3A_1324 = arith.mulf %get3A_1323, %broadcast_in_dim3A_1289 : vector<16xf32>
          %swap3A_1325 = arith.index_cast %add3A_1286 : i32 to index
          %swap3A_1326 = arith.constant 48 : index
          %swap3A_1327 = tpu.vector_load %arg8[%swap3A_1325, %swap3A_1326] {strides = array<i32>} : memref<128x128xf32, #tpu.memory_space<vmem>>, vector<1x16xf32>,
          %swap3A_1328 = vector.shape_cast %swap3A_1327 : vector<1x16xf32> to vector<16xf32>
          %swap3A_1329 = vector.shape_cast %mul3A_1324 : vector<16xf32> to vector<1x16xf32>
          tpu.vector_store %arg8[%swap3A_1325, %swap3A_1326], %swap3A_1329 {strides = array<i32>} : memref<128x128xf32, #tpu.memory_space<vmem>>, vector<1x16xf32>,
          %get3A_1330 = arith.index_cast %add3A_1286 : i32 to index
          %get3A_1331 = arith.constant 64 : index
          %get3A_1332 = tpu.vector_load %arg8[%get3A_1330, %get3A_1331] {strides = array<i32>} : memref<128x128xf32, #tpu.memory_space<vmem>>, vector<1x16xf32>,
          %get3A_1333 = vector.shape_cast %get3A_1332 : vector<1x16xf32> to vector<16xf32>
          %mul3A_1334 = arith.mulf %get3A_1333, %broadcast_in_dim3A_1289 : vector<16xf32>
          %swap3A_1335 = arith.index_cast %add3A_1286 : i32 to index
          %swap3A_1336 = arith.constant 64 : index
          %swap3A_1337 = tpu.vector_load %arg8[%swap3A_1335, %swap3A_1336] {strides = array<i32>} : memref<128x128xf32, #tpu.memory_space<vmem>>, vector<1x16xf32>,
          %swap3A_1338 = vector.shape_cast %swap3A_1337 : vector<1x16xf32> to vector<16xf32>
          %swap3A_1339 = vector.shape_cast %mul3A_1334 : vector<16xf32> to vector<1x16xf32>
          tpu.vector_store %arg8[%swap3A_1335, %swap3A_1336], %swap3A_1339 {strides = array<i32>} : memref<128x128xf32, #tpu.memory_space<vmem>>, vector<1x16xf32>,
          %get3A_1340 = arith.index_cast %add3A_1286 : i32 to index
          %get3A_1341 = arith.constant 80 : index
          %get3A_1342 = tpu.vector_load %arg8[%get3A_1340, %get3A_1341] {strides = array<i32>} : memref<128x128xf32, #tpu.memory_space<vmem>>, vector<1x16xf32>,
          %get3A_1343 = vector.shape_cast %get3A_1342 : vector<1x16xf32> to vector<16xf32>
          %mul3A_1344 = arith.mulf %get3A_1343, %broadcast_in_dim3A_1289 : vector<16xf32>
          %swap3A_1345 = arith.index_cast %add3A_1286 : i32 to index
          %swap3A_1346 = arith.constant 80 : index
          %swap3A_1347 = tpu.vector_load %arg8[%swap3A_1345, %swap3A_1346] {strides = array<i32>} : memref<128x128xf32, #tpu.memory_space<vmem>>, vector<1x16xf32>,
          %swap3A_1348 = vector.shape_cast %swap3A_1347 : vector<1x16xf32> to vector<16xf32>
          %swap3A_1349 = vector.shape_cast %mul3A_1344 : vector<16xf32> to vector<1x16xf32>
          tpu.vector_store %arg8[%swap3A_1345, %swap3A_1346], %swap3A_1349 {strides = array<i32>} : memref<128x128xf32, #tpu.memory_space<vmem>>, vector<1x16xf32>,
          %get3A_1350 = arith.index_cast %add3A_1286 : i32 to index
          %get3A_1351 = arith.constant 96 : index
          %get3A_1352 = tpu.vector_load %arg8[%get3A_1350, %get3A_1351] {strides = array<i32>} : memref<128x128xf32, #tpu.memory_space<vmem>>, vector<1x16xf32>,
          %get3A_1353 = vector.shape_cast %get3A_1352 : vector<1x16xf32> to vector<16xf32>
          %mul3A_1354 = arith.mulf %get3A_1353, %broadcast_in_dim3A_1289 : vector<16xf32>
          %swap3A_1355 = arith.index_cast %add3A_1286 : i32 to index
          %swap3A_1356 = arith.constant 96 : index
          %swap3A_1357 = tpu.vector_load %arg8[%swap3A_1355, %swap3A_1356] {strides = array<i32>} : memref<128x128xf32, #tpu.memory_space<vmem>>, vector<1x16xf32>,
          %swap3A_1358 = vector.shape_cast %swap3A_1357 : vector<1x16xf32> to vector<16xf32>
          %swap3A_1359 = vector.shape_cast %mul3A_1354 : vector<16xf32> to vector<1x16xf32>
          tpu.vector_store %arg8[%swap3A_1355, %swap3A_1356], %swap3A_1359 {strides = array<i32>} : memref<128x128xf32, #tpu.memory_space<vmem>>, vector<1x16xf32>,
          %get3A_1360 = arith.index_cast %add3A_1286 : i32 to index
          %get3A_1361 = arith.constant 112 : index
          %get3A_1362 = tpu.vector_load %arg8[%get3A_1360, %get3A_1361] {strides = array<i32>} : memref<128x128xf32, #tpu.memory_space<vmem>>, vector<1x16xf32>,
          %get3A_1363 = vector.shape_cast %get3A_1362 : vector<1x16xf32> to vector<16xf32>
          %mul3A_1364 = arith.mulf %get3A_1363, %broadcast_in_dim3A_1289 : vector<16xf32>
          %swap3A_1365 = arith.index_cast %add3A_1286 : i32 to index
          %swap3A_1366 = arith.constant 112 : index
          %swap3A_1367 = tpu.vector_load %arg8[%swap3A_1365, %swap3A_1366] {strides = array<i32>} : memref<128x128xf32, #tpu.memory_space<vmem>>, vector<1x16xf32>,
          %swap3A_1368 = vector.shape_cast %swap3A_1367 : vector<1x16xf32> to vector<16xf32>
          %swap3A_1369 = vector.shape_cast %mul3A_1364 : vector<16xf32> to vector<1x16xf32>
          tpu.vector_store %arg8[%swap3A_1365, %swap3A_1366], %swap3A_1369 {strides = array<i32>} : memref<128x128xf32, #tpu.memory_space<vmem>>, vector<1x16xf32>,
          %mul3A_1370 = arith.constant 16 : i32
          %mul3A_1371 = arith.muli %scan3A_136, %mul3A_1370 : i32
          %add3A_1372 = arith.constant 14 : i32
          %add3A_1373 = arith.addi %mul3A_1371, %add3A_1372 : i32
          %slice3A_1374 = vector.extract_strided_slice %bitcast_convert_type3A {offsets = [14], sizes = [1], strides = [1]} : vector<16xf32> to vector<1xf32>
          %squeeze3A_1375 = vector.extract %slice3A_1374[0] : f32 from vector<1xf32>
          %broadcast_in_dim3A_1376 = vector.broadcast %squeeze3A_1375 : f32 to vector<16xf32>
          %get3A_1377 = arith.index_cast %add3A_1373 : i32 to index
          %get3A_1378 = arith.constant 0 : index
          %get3A_1379 = tpu.vector_load %arg8[%get3A_1377, %get3A_1378] {strides = array<i32>} : memref<128x128xf32, #tpu.memory_space<vmem>>, vector<1x16xf32>,
          %get3A_1380 = vector.shape_cast %get3A_1379 : vector<1x16xf32> to vector<16xf32>
          %mul3A_1381 = arith.mulf %get3A_1380, %broadcast_in_dim3A_1376 : vector<16xf32>
          %swap3A_1382 = arith.index_cast %add3A_1373 : i32 to index
          %swap3A_1383 = arith.constant 0 : index
          %swap3A_1384 = tpu.vector_load %arg8[%swap3A_1382, %swap3A_1383] {strides = array<i32>} : memref<128x128xf32, #tpu.memory_space<vmem>>, vector<1x16xf32>,
          %swap3A_1385 = vector.shape_cast %swap3A_1384 : vector<1x16xf32> to vector<16xf32>
          %swap3A_1386 = vector.shape_cast %mul3A_1381 : vector<16xf32> to vector<1x16xf32>
          tpu.vector_store %arg8[%swap3A_1382, %swap3A_1383], %swap3A_1386 {strides = array<i32>} : memref<128x128xf32, #tpu.memory_space<vmem>>, vector<1x16xf32>,
          %get3A_1387 = arith.index_cast %add3A_1373 : i32 to index
          %get3A_1388 = arith.constant 16 : index
          %get3A_1389 = tpu.vector_load %arg8[%get3A_1387, %get3A_1388] {strides = array<i32>} : memref<128x128xf32, #tpu.memory_space<vmem>>, vector<1x16xf32>,
          %get3A_1390 = vector.shape_cast %get3A_1389 : vector<1x16xf32> to vector<16xf32>
          %mul3A_1391 = arith.mulf %get3A_1390, %broadcast_in_dim3A_1376 : vector<16xf32>
          %swap3A_1392 = arith.index_cast %add3A_1373 : i32 to index
          %swap3A_1393 = arith.constant 16 : index
          %swap3A_1394 = tpu.vector_load %arg8[%swap3A_1392, %swap3A_1393] {strides = array<i32>} : memref<128x128xf32, #tpu.memory_space<vmem>>, vector<1x16xf32>,
          %swap3A_1395 = vector.shape_cast %swap3A_1394 : vector<1x16xf32> to vector<16xf32>
          %swap3A_1396 = vector.shape_cast %mul3A_1391 : vector<16xf32> to vector<1x16xf32>
          tpu.vector_store %arg8[%swap3A_1392, %swap3A_1393], %swap3A_1396 {strides = array<i32>} : memref<128x128xf32, #tpu.memory_space<vmem>>, vector<1x16xf32>,
          %get3A_1397 = arith.index_cast %add3A_1373 : i32 to index
          %get3A_1398 = arith.constant 32 : index
          %get3A_1399 = tpu.vector_load %arg8[%get3A_1397, %get3A_1398] {strides = array<i32>} : memref<128x128xf32, #tpu.memory_space<vmem>>, vector<1x16xf32>,
          %get3A_1400 = vector.shape_cast %get3A_1399 : vector<1x16xf32> to vector<16xf32>
          %mul3A_1401 = arith.mulf %get3A_1400, %broadcast_in_dim3A_1376 : vector<16xf32>
          %swap3A_1402 = arith.index_cast %add3A_1373 : i32 to index
          %swap3A_1403 = arith.constant 32 : index
          %swap3A_1404 = tpu.vector_load %arg8[%swap3A_1402, %swap3A_1403] {strides = array<i32>} : memref<128x128xf32, #tpu.memory_space<vmem>>, vector<1x16xf32>,
          %swap3A_1405 = vector.shape_cast %swap3A_1404 : vector<1x16xf32> to vector<16xf32>
          %swap3A_1406 = vector.shape_cast %mul3A_1401 : vector<16xf32> to vector<1x16xf32>
          tpu.vector_store %arg8[%swap3A_1402, %swap3A_1403], %swap3A_1406 {strides = array<i32>} : memref<128x128xf32, #tpu.memory_space<vmem>>, vector<1x16xf32>,
          %get3A_1407 = arith.index_cast %add3A_1373 : i32 to index
          %get3A_1408 = arith.constant 48 : index
          %get3A_1409 = tpu.vector_load %arg8[%get3A_1407, %get3A_1408] {strides = array<i32>} : memref<128x128xf32, #tpu.memory_space<vmem>>, vector<1x16xf32>,
          %get3A_1410 = vector.shape_cast %get3A_1409 : vector<1x16xf32> to vector<16xf32>
          %mul3A_1411 = arith.mulf %get3A_1410, %broadcast_in_dim3A_1376 : vector<16xf32>
          %swap3A_1412 = arith.index_cast %add3A_1373 : i32 to index
          %swap3A_1413 = arith.constant 48 : index
          %swap3A_1414 = tpu.vector_load %arg8[%swap3A_1412, %swap3A_1413] {strides = array<i32>} : memref<128x128xf32, #tpu.memory_space<vmem>>, vector<1x16xf32>,
          %swap3A_1415 = vector.shape_cast %swap3A_1414 : vector<1x16xf32> to vector<16xf32>
          %swap3A_1416 = vector.shape_cast %mul3A_1411 : vector<16xf32> to vector<1x16xf32>
          tpu.vector_store %arg8[%swap3A_1412, %swap3A_1413], %swap3A_1416 {strides = array<i32>} : memref<128x128xf32, #tpu.memory_space<vmem>>, vector<1x16xf32>,
          %get3A_1417 = arith.index_cast %add3A_1373 : i32 to index
          %get3A_1418 = arith.constant 64 : index
          %get3A_1419 = tpu.vector_load %arg8[%get3A_1417, %get3A_1418] {strides = array<i32>} : memref<128x128xf32, #tpu.memory_space<vmem>>, vector<1x16xf32>,
          %get3A_1420 = vector.shape_cast %get3A_1419 : vector<1x16xf32> to vector<16xf32>
          %mul3A_1421 = arith.mulf %get3A_1420, %broadcast_in_dim3A_1376 : vector<16xf32>
          %swap3A_1422 = arith.index_cast %add3A_1373 : i32 to index
          %swap3A_1423 = arith.constant 64 : index
          %swap3A_1424 = tpu.vector_load %arg8[%swap3A_1422, %swap3A_1423] {strides = array<i32>} : memref<128x128xf32, #tpu.memory_space<vmem>>, vector<1x16xf32>,
          %swap3A_1425 = vector.shape_cast %swap3A_1424 : vector<1x16xf32> to vector<16xf32>
          %swap3A_1426 = vector.shape_cast %mul3A_1421 : vector<16xf32> to vector<1x16xf32>
          tpu.vector_store %arg8[%swap3A_1422, %swap3A_1423], %swap3A_1426 {strides = array<i32>} : memref<128x128xf32, #tpu.memory_space<vmem>>, vector<1x16xf32>,
          %get3A_1427 = arith.index_cast %add3A_1373 : i32 to index
          %get3A_1428 = arith.constant 80 : index
          %get3A_1429 = tpu.vector_load %arg8[%get3A_1427, %get3A_1428] {strides = array<i32>} : memref<128x128xf32, #tpu.memory_space<vmem>>, vector<1x16xf32>,
          %get3A_1430 = vector.shape_cast %get3A_1429 : vector<1x16xf32> to vector<16xf32>
          %mul3A_1431 = arith.mulf %get3A_1430, %broadcast_in_dim3A_1376 : vector<16xf32>
          %swap3A_1432 = arith.index_cast %add3A_1373 : i32 to index
          %swap3A_1433 = arith.constant 80 : index
          %swap3A_1434 = tpu.vector_load %arg8[%swap3A_1432, %swap3A_1433] {strides = array<i32>} : memref<128x128xf32, #tpu.memory_space<vmem>>, vector<1x16xf32>,
          %swap3A_1435 = vector.shape_cast %swap3A_1434 : vector<1x16xf32> to vector<16xf32>
          %swap3A_1436 = vector.shape_cast %mul3A_1431 : vector<16xf32> to vector<1x16xf32>
          tpu.vector_store %arg8[%swap3A_1432, %swap3A_1433], %swap3A_1436 {strides = array<i32>} : memref<128x128xf32, #tpu.memory_space<vmem>>, vector<1x16xf32>,
          %get3A_1437 = arith.index_cast %add3A_1373 : i32 to index
          %get3A_1438 = arith.constant 96 : index
          %get3A_1439 = tpu.vector_load %arg8[%get3A_1437, %get3A_1438] {strides = array<i32>} : memref<128x128xf32, #tpu.memory_space<vmem>>, vector<1x16xf32>,
          %get3A_1440 = vector.shape_cast %get3A_1439 : vector<1x16xf32> to vector<16xf32>
          %mul3A_1441 = arith.mulf %get3A_1440, %broadcast_in_dim3A_1376 : vector<16xf32>
          %swap3A_1442 = arith.index_cast %add3A_1373 : i32 to index
          %swap3A_1443 = arith.constant 96 : index
          %swap3A_1444 = tpu.vector_load %arg8[%swap3A_1442, %swap3A_1443] {strides = array<i32>} : memref<128x128xf32, #tpu.memory_space<vmem>>, vector<1x16xf32>,
          %swap3A_1445 = vector.shape_cast %swap3A_1444 : vector<1x16xf32> to vector<16xf32>
          %swap3A_1446 = vector.shape_cast %mul3A_1441 : vector<16xf32> to vector<1x16xf32>
          tpu.vector_store %arg8[%swap3A_1442, %swap3A_1443], %swap3A_1446 {strides = array<i32>} : memref<128x128xf32, #tpu.memory_space<vmem>>, vector<1x16xf32>,
          %get3A_1447 = arith.index_cast %add3A_1373 : i32 to index
          %get3A_1448 = arith.constant 112 : index
          %get3A_1449 = tpu.vector_load %arg8[%get3A_1447, %get3A_1448] {strides = array<i32>} : memref<128x128xf32, #tpu.memory_space<vmem>>, vector<1x16xf32>,
          %get3A_1450 = vector.shape_cast %get3A_1449 : vector<1x16xf32> to vector<16xf32>
          %mul3A_1451 = arith.mulf %get3A_1450, %broadcast_in_dim3A_1376 : vector<16xf32>
          %swap3A_1452 = arith.index_cast %add3A_1373 : i32 to index
          %swap3A_1453 = arith.constant 112 : index
          %swap3A_1454 = tpu.vector_load %arg8[%swap3A_1452, %swap3A_1453] {strides = array<i32>} : memref<128x128xf32, #tpu.memory_space<vmem>>, vector<1x16xf32>,
          %swap3A_1455 = vector.shape_cast %swap3A_1454 : vector<1x16xf32> to vector<16xf32>
          %swap3A_1456 = vector.shape_cast %mul3A_1451 : vector<16xf32> to vector<1x16xf32>
          tpu.vector_store %arg8[%swap3A_1452, %swap3A_1453], %swap3A_1456 {strides = array<i32>} : memref<128x128xf32, #tpu.memory_space<vmem>>, vector<1x16xf32>,
          %mul3A_1457 = arith.constant 16 : i32
          %mul3A_1458 = arith.muli %scan3A_136, %mul3A_1457 : i32
          %add3A_1459 = arith.constant 15 : i32
          %add3A_1460 = arith.addi %mul3A_1458, %add3A_1459 : i32
          %slice3A_1461 = vector.extract_strided_slice %bitcast_convert_type3A {offsets = [15], sizes = [1], strides = [1]} : vector<16xf32> to vector<1xf32>
          %squeeze3A_1462 = vector.extract %slice3A_1461[0] : f32 from vector<1xf32>
          %broadcast_in_dim3A_1463 = vector.broadcast %squeeze3A_1462 : f32 to vector<16xf32>
          %get3A_1464 = arith.index_cast %add3A_1460 : i32 to index
          %get3A_1465 = arith.constant 0 : index
          %get3A_1466 = tpu.vector_load %arg8[%get3A_1464, %get3A_1465] {strides = array<i32>} : memref<128x128xf32, #tpu.memory_space<vmem>>, vector<1x16xf32>,
          %get3A_1467 = vector.shape_cast %get3A_1466 : vector<1x16xf32> to vector<16xf32>
          %mul3A_1468 = arith.mulf %get3A_1467, %broadcast_in_dim3A_1463 : vector<16xf32>
          %swap3A_1469 = arith.index_cast %add3A_1460 : i32 to index
          %swap3A_1470 = arith.constant 0 : index
          %swap3A_1471 = tpu.vector_load %arg8[%swap3A_1469, %swap3A_1470] {strides = array<i32>} : memref<128x128xf32, #tpu.memory_space<vmem>>, vector<1x16xf32>,
          %swap3A_1472 = vector.shape_cast %swap3A_1471 : vector<1x16xf32> to vector<16xf32>
          %swap3A_1473 = vector.shape_cast %mul3A_1468 : vector<16xf32> to vector<1x16xf32>
          tpu.vector_store %arg8[%swap3A_1469, %swap3A_1470], %swap3A_1473 {strides = array<i32>} : memref<128x128xf32, #tpu.memory_space<vmem>>, vector<1x16xf32>,
          %get3A_1474 = arith.index_cast %add3A_1460 : i32 to index
          %get3A_1475 = arith.constant 16 : index
          %get3A_1476 = tpu.vector_load %arg8[%get3A_1474, %get3A_1475] {strides = array<i32>} : memref<128x128xf32, #tpu.memory_space<vmem>>, vector<1x16xf32>,
          %get3A_1477 = vector.shape_cast %get3A_1476 : vector<1x16xf32> to vector<16xf32>
          %mul3A_1478 = arith.mulf %get3A_1477, %broadcast_in_dim3A_1463 : vector<16xf32>
          %swap3A_1479 = arith.index_cast %add3A_1460 : i32 to index
          %swap3A_1480 = arith.constant 16 : index
          %swap3A_1481 = tpu.vector_load %arg8[%swap3A_1479, %swap3A_1480] {strides = array<i32>} : memref<128x128xf32, #tpu.memory_space<vmem>>, vector<1x16xf32>,
          %swap3A_1482 = vector.shape_cast %swap3A_1481 : vector<1x16xf32> to vector<16xf32>
          %swap3A_1483 = vector.shape_cast %mul3A_1478 : vector<16xf32> to vector<1x16xf32>
          tpu.vector_store %arg8[%swap3A_1479, %swap3A_1480], %swap3A_1483 {strides = array<i32>} : memref<128x128xf32, #tpu.memory_space<vmem>>, vector<1x16xf32>,
          %get3A_1484 = arith.index_cast %add3A_1460 : i32 to index
          %get3A_1485 = arith.constant 32 : index
          %get3A_1486 = tpu.vector_load %arg8[%get3A_1484, %get3A_1485] {strides = array<i32>} : memref<128x128xf32, #tpu.memory_space<vmem>>, vector<1x16xf32>,
          %get3A_1487 = vector.shape_cast %get3A_1486 : vector<1x16xf32> to vector<16xf32>
          %mul3A_1488 = arith.mulf %get3A_1487, %broadcast_in_dim3A_1463 : vector<16xf32>
          %swap3A_1489 = arith.index_cast %add3A_1460 : i32 to index
          %swap3A_1490 = arith.constant 32 : index
          %swap3A_1491 = tpu.vector_load %arg8[%swap3A_1489, %swap3A_1490] {strides = array<i32>} : memref<128x128xf32, #tpu.memory_space<vmem>>, vector<1x16xf32>,
          %swap3A_1492 = vector.shape_cast %swap3A_1491 : vector<1x16xf32> to vector<16xf32>
          %swap3A_1493 = vector.shape_cast %mul3A_1488 : vector<16xf32> to vector<1x16xf32>
          tpu.vector_store %arg8[%swap3A_1489, %swap3A_1490], %swap3A_1493 {strides = array<i32>} : memref<128x128xf32, #tpu.memory_space<vmem>>, vector<1x16xf32>,
          %get3A_1494 = arith.index_cast %add3A_1460 : i32 to index
          %get3A_1495 = arith.constant 48 : index
          %get3A_1496 = tpu.vector_load %arg8[%get3A_1494, %get3A_1495] {strides = array<i32>} : memref<128x128xf32, #tpu.memory_space<vmem>>, vector<1x16xf32>,
          %get3A_1497 = vector.shape_cast %get3A_1496 : vector<1x16xf32> to vector<16xf32>
          %mul3A_1498 = arith.mulf %get3A_1497, %broadcast_in_dim3A_1463 : vector<16xf32>
          %swap3A_1499 = arith.index_cast %add3A_1460 : i32 to index
          %swap3A_1500 = arith.constant 48 : index
          %swap3A_1501 = tpu.vector_load %arg8[%swap3A_1499, %swap3A_1500] {strides = array<i32>} : memref<128x128xf32, #tpu.memory_space<vmem>>, vector<1x16xf32>,
          %swap3A_1502 = vector.shape_cast %swap3A_1501 : vector<1x16xf32> to vector<16xf32>
          %swap3A_1503 = vector.shape_cast %mul3A_1498 : vector<16xf32> to vector<1x16xf32>
          tpu.vector_store %arg8[%swap3A_1499, %swap3A_1500], %swap3A_1503 {strides = array<i32>} : memref<128x128xf32, #tpu.memory_space<vmem>>, vector<1x16xf32>,
          %get3A_1504 = arith.index_cast %add3A_1460 : i32 to index
          %get3A_1505 = arith.constant 64 : index
          %get3A_1506 = tpu.vector_load %arg8[%get3A_1504, %get3A_1505] {strides = array<i32>} : memref<128x128xf32, #tpu.memory_space<vmem>>, vector<1x16xf32>,
          %get3A_1507 = vector.shape_cast %get3A_1506 : vector<1x16xf32> to vector<16xf32>
          %mul3A_1508 = arith.mulf %get3A_1507, %broadcast_in_dim3A_1463 : vector<16xf32>
          %swap3A_1509 = arith.index_cast %add3A_1460 : i32 to index
          %swap3A_1510 = arith.constant 64 : index
          %swap3A_1511 = tpu.vector_load %arg8[%swap3A_1509, %swap3A_1510] {strides = array<i32>} : memref<128x128xf32, #tpu.memory_space<vmem>>, vector<1x16xf32>,
          %swap3A_1512 = vector.shape_cast %swap3A_1511 : vector<1x16xf32> to vector<16xf32>
          %swap3A_1513 = vector.shape_cast %mul3A_1508 : vector<16xf32> to vector<1x16xf32>
          tpu.vector_store %arg8[%swap3A_1509, %swap3A_1510], %swap3A_1513 {strides = array<i32>} : memref<128x128xf32, #tpu.memory_space<vmem>>, vector<1x16xf32>,
          %get3A_1514 = arith.index_cast %add3A_1460 : i32 to index
          %get3A_1515 = arith.constant 80 : index
          %get3A_1516 = tpu.vector_load %arg8[%get3A_1514, %get3A_1515] {strides = array<i32>} : memref<128x128xf32, #tpu.memory_space<vmem>>, vector<1x16xf32>,
          %get3A_1517 = vector.shape_cast %get3A_1516 : vector<1x16xf32> to vector<16xf32>
          %mul3A_1518 = arith.mulf %get3A_1517, %broadcast_in_dim3A_1463 : vector<16xf32>
          %swap3A_1519 = arith.index_cast %add3A_1460 : i32 to index
          %swap3A_1520 = arith.constant 80 : index
          %swap3A_1521 = tpu.vector_load %arg8[%swap3A_1519, %swap3A_1520] {strides = array<i32>} : memref<128x128xf32, #tpu.memory_space<vmem>>, vector<1x16xf32>,
          %swap3A_1522 = vector.shape_cast %swap3A_1521 : vector<1x16xf32> to vector<16xf32>
          %swap3A_1523 = vector.shape_cast %mul3A_1518 : vector<16xf32> to vector<1x16xf32>
          tpu.vector_store %arg8[%swap3A_1519, %swap3A_1520], %swap3A_1523 {strides = array<i32>} : memref<128x128xf32, #tpu.memory_space<vmem>>, vector<1x16xf32>,
          %get3A_1524 = arith.index_cast %add3A_1460 : i32 to index
          %get3A_1525 = arith.constant 96 : index
          %get3A_1526 = tpu.vector_load %arg8[%get3A_1524, %get3A_1525] {strides = array<i32>} : memref<128x128xf32, #tpu.memory_space<vmem>>, vector<1x16xf32>,
          %get3A_1527 = vector.shape_cast %get3A_1526 : vector<1x16xf32> to vector<16xf32>
          %mul3A_1528 = arith.mulf %get3A_1527, %broadcast_in_dim3A_1463 : vector<16xf32>
          %swap3A_1529 = arith.index_cast %add3A_1460 : i32 to index
          %swap3A_1530 = arith.constant 96 : index
          %swap3A_1531 = tpu.vector_load %arg8[%swap3A_1529, %swap3A_1530] {strides = array<i32>} : memref<128x128xf32, #tpu.memory_space<vmem>>, vector<1x16xf32>,
          %swap3A_1532 = vector.shape_cast %swap3A_1531 : vector<1x16xf32> to vector<16xf32>
          %swap3A_1533 = vector.shape_cast %mul3A_1528 : vector<16xf32> to vector<1x16xf32>
          tpu.vector_store %arg8[%swap3A_1529, %swap3A_1530], %swap3A_1533 {strides = array<i32>} : memref<128x128xf32, #tpu.memory_space<vmem>>, vector<1x16xf32>,
          %get3A_1534 = arith.index_cast %add3A_1460 : i32 to index
          %get3A_1535 = arith.constant 112 : index
          %get3A_1536 = tpu.vector_load %arg8[%get3A_1534, %get3A_1535] {strides = array<i32>} : memref<128x128xf32, #tpu.memory_space<vmem>>, vector<1x16xf32>,
          %get3A_1537 = vector.shape_cast %get3A_1536 : vector<1x16xf32> to vector<16xf32>
          %mul3A_1538 = arith.mulf %get3A_1537, %broadcast_in_dim3A_1463 : vector<16xf32>
          %swap3A_1539 = arith.index_cast %add3A_1460 : i32 to index
          %swap3A_1540 = arith.constant 112 : index
          %swap3A_1541 = tpu.vector_load %arg8[%swap3A_1539, %swap3A_1540] {strides = array<i32>} : memref<128x128xf32, #tpu.memory_space<vmem>>, vector<1x16xf32>,
          %swap3A_1542 = vector.shape_cast %swap3A_1541 : vector<1x16xf32> to vector<16xf32>
          %swap3A_1543 = vector.shape_cast %mul3A_1538 : vector<16xf32> to vector<1x16xf32>
          tpu.vector_store %arg8[%swap3A_1539, %swap3A_1540], %swap3A_1543 {strides = array<i32>} : memref<128x128xf32, #tpu.memory_space<vmem>>, vector<1x16xf32>,
        }
        %scan3A_123 = arith.constant 8 : i32
        %add3A_124 = arith.constant 1 : i32
        %add3A_125 = arith.addi %add3A_107, %add3A_124 : i32
        %lt3A_126 = arith.cmpi slt, %add3A_125, %select_n3A : i32
        %convert_element_type3A_127 = arith.extui %lt3A_126 : i1 to i32
        %cond3A_128 = arith.constant 0 : i32
        %cond3A_129 = arith.cmpi ne, %convert_element_type3A_127, %cond3A_128 : i32
        scf.if %cond3A_129 {
          %dma_wait3A_136 = arith.constant 1 : i32
          %dma_wait3A_137 = arith.constant 0 : i32
          %dma_wait3A_138 = tpu.memref_slice %arg5[%dma_wait3A_136, %dma_wait3A_137] : memref<3x128xi32, #tpu.memory_space<vmem>> -> memref<1x128xi32, #tpu.memory_space<vmem>>
          %dma_wait3A_139 = tpu.memref_squeeze %dma_wait3A_138 : memref<1x128xi32, #tpu.memory_space<vmem>> -> memref<128xi32, #tpu.memory_space<vmem>>
          %dma_wait3A_140 = arith.constant 0 : i32
          %dma_wait3A_141 = arith.constant 0 : i32
          %dma_wait3A_142 = tpu.memref_slice %arg2[%dma_wait3A_140, %dma_wait3A_141] : memref<10000x128xf32, #tpu.memory_space<hbm>> -> memref<10000x128xf32, #tpu.memory_space<hbm>>
          tpu.wait_indirect_dma semaphore(%arg12 : memref<!tpu.dma_semaphore, #tpu.memory_space<semaphore_mem>>) src(%dma_wait3A_142 : memref<10000x128xf32, #tpu.memory_space<hbm>>) dst(%arg6 : memref<128x128xf32, #tpu.memory_space<vmem>>)
        } else {
        }
        %add3A_130 = arith.constant 2 : i32
        %add3A_131 = arith.addi %add3A_107, %add3A_130 : i32
        %lt3A_132 = arith.cmpi slt, %add3A_131, %select_n3A : i32
        %convert_element_type3A_133 = arith.extui %lt3A_132 : i1 to i32
        %cond3A_134 = arith.constant 0 : i32
        %cond3A_135 = arith.cmpi ne, %convert_element_type3A_133, %cond3A_134 : i32
        scf.if %cond3A_135 {
          %add3A_136 = arith.constant 2 : i32
          %add3A_137 = arith.addi %add3A_107, %add3A_136 : i32
          %mul3A_138 = arith.constant 32 : i32
          %mul3A_139 = arith.muli %add3A_137, %mul3A_138 : i32
          %add3A_140 = arith.addi %add3A, %mul3A_139 : i32
          %dma_start3A_141 = arith.constant 0 : i32
          %dma_start3A_142 = arith.constant 0 : i32
          %dma_start3A_143 = tpu.memref_slice %arg3[%add3A_140, %dma_start3A_141, %dma_start3A_142] : memref<2500x3x128xi32, #tpu.memory_space<hbm>> -> memref<1x3x128xi32, #tpu.memory_space<hbm>>
          %dma_start3A_144 = tpu.memref_squeeze %dma_start3A_143 : memref<1x3x128xi32, #tpu.memory_space<hbm>> -> memref<3x128xi32, #tpu.memory_space<hbm>>
          %dma_start3A_145 = arith.constant 0 : i32
          %dma_start3A_146 = arith.constant 0 : i32
          %dma_start3A_147 = tpu.memref_slice %arg3[%add3A_140, %dma_start3A_145, %dma_start3A_146] : memref<2500x3x128xi32, #tpu.memory_space<hbm>> -> memref<1x3x128xi32, #tpu.memory_space<hbm>>
          %dma_start3A_148 = tpu.memref_squeeze %dma_start3A_147 : memref<1x3x128xi32, #tpu.memory_space<hbm>> -> memref<3x128xi32, #tpu.memory_space<hbm>>
          tpu.enqueue_dma source(%dma_start3A_148 : memref<3x128xi32, #tpu.memory_space<hbm>>) target(%arg7 : memref<3x128xi32, #tpu.memory_space<vmem>>) target_semaphore(%arg15 : memref<!tpu.dma_semaphore, #tpu.memory_space<semaphore_mem>>)
        } else {
        }
        "tpu.region"() ({
          %run_scoped3A = tpu.sem_alloc : memref<!tpu.dma_semaphore, #tpu.memory_space<semaphore_mem>>
          %dma_start3A_136 = arith.constant 0 : i32
          %dma_start3A_137 = arith.constant 0 : i32
          %dma_start3A_138 = tpu.memref_slice %arg11[%dma_start3A_136, %dma_start3A_137] : memref<10240x128xf32, #tpu.memory_space<vmem_shared>> -> memref<10240x128xf32, #tpu.memory_space<vmem_shared>>
          tpu.enqueue_indirect_dma source(%arg8 : memref<128x128xf32, #tpu.memory_space<vmem>>) target(%dma_start3A_138 : memref<10240x128xf32, #tpu.memory_space<vmem_shared>>) offsets(%arg10 : memref<128xi32, #tpu.memory_space<vmem>>) semaphore(%run_scoped3A : memref<!tpu.dma_semaphore, #tpu.memory_space<semaphore_mem>>) {add = true}
          %dma_wait3A_139 = arith.constant 0 : i32
          %dma_wait3A_140 = arith.constant 0 : i32
          %dma_wait3A_141 = tpu.memref_slice %arg11[%dma_wait3A_139, %dma_wait3A_140] : memref<10240x128xf32, #tpu.memory_space<vmem_shared>> -> memref<10240x128xf32, #tpu.memory_space<vmem_shared>>
          tpu.wait_indirect_dma semaphore(%run_scoped3A : memref<!tpu.dma_semaphore, #tpu.memory_space<semaphore_mem>>) src(%arg8 : memref<128x128xf32, #tpu.memory_space<vmem>>) dst(%dma_wait3A_141 : memref<10240x128xf32, #tpu.memory_space<vmem_shared>>)
          tpu.yield
        }) : () -> ()
      } else {
      }
    }
    %scan3A_85 = arith.constant 40 : i32
    %barrier3A_86 = arith.constant 0 : index
    tpu.barrier barrier_id(%barrier3A_86)
    %lt3A = arith.constant 15 : i32
    %lt3A_87 = arith.cmpi slt, %arg1, %lt3A : i32
    %convert_element_type3A_88 = arith.extui %lt3A_87 : i1 to i32
    %cond3A_89 = arith.constant 0 : i32
    %cond3A_90 = arith.cmpi ne, %convert_element_type3A_88, %cond3A_89 : i32
    scf.if %cond3A_90 {
      %mul3A_95 = arith.constant 640 : i32
      %mul3A_96 = arith.muli %arg1, %mul3A_95 : i32
      %mul3A_97 = arith.constant 10000 : i32
      %mul3A_98 = arith.muli %arg0, %mul3A_97 : i32
      %mul3A_99 = arith.constant 640 : i32
      %mul3A_100 = arith.muli %arg1, %mul3A_99 : i32
      %add3A_101 = arith.addi %mul3A_98, %mul3A_100 : i32
      "tpu.region"() ({
        %run_scoped3A = tpu.sem_alloc : memref<!tpu.dma_semaphore, #tpu.memory_space<semaphore_mem>>
        %dma_start3A_102 = arith.constant 0 : i32
        %dma_start3A_103 = tpu.memref_slice %arg4[%add3A_101, %dma_start3A_102] : memref<20000x128xf32, #tpu.memory_space<hbm>> -> memref<640x128xf32, #tpu.memory_space<hbm>>
        %dma_start3A_104 = arith.constant 0 : i32
        %dma_start3A_105 = tpu.memref_slice %arg11[%mul3A_96, %dma_start3A_104] : memref<10240x128xf32, #tpu.memory_space<vmem_shared>> -> memref<640x128xf32, #tpu.memory_space<vmem_shared>>
        tpu.enqueue_dma source(%dma_start3A_105 : memref<640x128xf32, #tpu.memory_space<vmem_shared>>) target(%dma_start3A_103 : memref<640x128xf32, #tpu.memory_space<hbm>>) target_semaphore(%run_scoped3A : memref<!tpu.dma_semaphore, #tpu.memory_space<semaphore_mem>>)
        %dma_wait3A_106 = arith.constant 0 : i32
        %dma_wait3A_107 = tpu.memref_slice %arg4[%add3A_101, %dma_wait3A_106] : memref<20000x128xf32, #tpu.memory_space<hbm>> -> memref<640x128xf32, #tpu.memory_space<hbm>>
        %dma_wait3A_108 = arith.constant 0 : i32
        %dma_wait3A_109 = tpu.memref_slice %arg11[%mul3A_96, %dma_wait3A_108] : memref<10240x128xf32, #tpu.memory_space<vmem_shared>> -> memref<640x128xf32, #tpu.memory_space<vmem_shared>>
        tpu.wait_dma2 semaphore(%run_scoped3A : memref<!tpu.dma_semaphore, #tpu.memory_space<semaphore_mem>>) src(%dma_wait3A_109 : memref<640x128xf32, #tpu.memory_space<vmem_shared>>) dst(%dma_wait3A_107 : memref<640x128xf32, #tpu.memory_space<hbm>>)
        tpu.yield
      }) : () -> ()
    } else {
    }
    %eq3A = arith.constant 15 : i32
    %eq3A_91 = arith.cmpi eq, %arg1, %eq3A : i32
    %convert_element_type3A_92 = arith.extui %eq3A_91 : i1 to i32
    %cond3A_93 = arith.constant 0 : i32
    %cond3A_94 = arith.cmpi ne, %convert_element_type3A_92, %cond3A_93 : i32
    scf.if %cond3A_94 {
      %mul3A_95 = arith.constant 10000 : i32
      %mul3A_96 = arith.muli %arg0, %mul3A_95 : i32
      %add3A_97 = arith.constant 9600 : i32
      %add3A_98 = arith.addi %mul3A_96, %add3A_97 : i32
      "tpu.region"() ({
        %run_scoped3A = tpu.sem_alloc : memref<!tpu.dma_semaphore, #tpu.memory_space<semaphore_mem>>
        %dma_start3A_99 = arith.constant 0 : i32
        %dma_start3A_100 = tpu.memref_slice %arg4[%add3A_98, %dma_start3A_99] : memref<20000x128xf32, #tpu.memory_space<hbm>> -> memref<400x128xf32, #tpu.memory_space<hbm>>
        %dma_start3A_101 = arith.constant 9600 : i32
        %dma_start3A_102 = arith.constant 0 : i32
        %dma_start3A_103 = tpu.memref_slice %arg11[%dma_start3A_101, %dma_start3A_102] : memref<10240x128xf32, #tpu.memory_space<vmem_shared>> -> memref<400x128xf32, #tpu.memory_space<vmem_shared>>
        tpu.enqueue_dma source(%dma_start3A_103 : memref<400x128xf32, #tpu.memory_space<vmem_shared>>) target(%dma_start3A_100 : memref<400x128xf32, #tpu.memory_space<hbm>>) target_semaphore(%run_scoped3A : memref<!tpu.dma_semaphore, #tpu.memory_space<semaphore_mem>>)
        %dma_wait3A_104 = arith.constant 0 : i32
        %dma_wait3A_105 = tpu.memref_slice %arg4[%add3A_98, %dma_wait3A_104] : memref<20000x128xf32, #tpu.memory_space<hbm>> -> memref<400x128xf32, #tpu.memory_space<hbm>>
        %dma_wait3A_106 = arith.constant 9600 : i32
        %dma_wait3A_107 = arith.constant 0 : i32
        %dma_wait3A_108 = tpu.memref_slice %arg11[%dma_wait3A_106, %dma_wait3A_107] : memref<10240x128xf32, #tpu.memory_space<vmem_shared>> -> memref<400x128xf32, #tpu.memory_space<vmem_shared>>
        tpu.wait_dma2 semaphore(%run_scoped3A : memref<!tpu.dma_semaphore, #tpu.memory_space<semaphore_mem>>) src(%dma_wait3A_108 : memref<400x128xf32, #tpu.memory_space<vmem_shared>>) dst(%dma_wait3A_105 : memref<400x128xf32, #tpu.memory_space<hbm>>)
        tpu.yield
      }) : () -> ()
    } else {
    }
    return
  }
}

module attributes {stable_mosaic.version = 14 : i64} {
  func.func @_filter_body(%arg0: i32, %arg1: memref<8x1000xf32, #tpu.memory_space<vmem>>, %arg2: memref<4x64xf32, #tpu.memory_space<vmem>>, %arg3: memref<8x1000xf32, #tpu.memory_space<vmem>>) attributes {dimension_semantics = [#tpu.dimension_semantics<arbitrary>], iteration_bounds = array<i64: 40>, scalar_prefetch = 0 : i64, scratch_operands = 0 : i64, tpu.core_type = #tpu.core_type<tc>, window_params = [{transform_indices = @transform_0, window_bounds = array<i64: 8, 1000>}, {pipeline_mode = #tpu.pipeline_mode<synchronous>, transform_indices = @transform_1, window_bounds = array<i64: 4, 64>}, {transform_indices = @transform_2, window_bounds = array<i64: 8, 1000>}]} {
    %get3A = arith.constant 0 : index
    %get3A_0 = arith.constant 0 : index
    %get3A_1 = vector.load %arg1[%get3A, %get3A_0] : memref<8x1000xf32, #tpu.memory_space<vmem>>, vector<8x1000xf32>
    %mul3A = arith.constant 4.000000e-01 : f32
    %mul3A_2 = vector.broadcast %mul3A : f32 to vector<8x1000xf32>
    %mul3A_3 = arith.mulf %get3A_1, %mul3A_2 : vector<8x1000xf32>
    %sub3A = arith.constant 1.000000e+00 : f32
    %sub3A_4 = vector.broadcast %sub3A : f32 to vector<8x1000xf32>
    %sub3A_5 = arith.subf %mul3A_3, %sub3A_4 : vector<8x1000xf32>
    %broadcast_in_dim3A = arith.constant 0.000000e+00 : f32
    %broadcast_in_dim3A_6 = vector.broadcast %broadcast_in_dim3A : f32 to vector<8x1000xf32>
    %get3A_7 = arith.constant 0 : index
    %get3A_8 = arith.constant 0 : index
    %get3A_9 = vector.load %arg2[%get3A_7, %get3A_8] : memref<4x64xf32, #tpu.memory_space<vmem>>, vector<1x1xf32>
    %get3A_10 = vector.extract %get3A_9[0, 0] : f32 from vector<1x1xf32>
    %get3A_11 = arith.constant 1 : index
    %get3A_12 = arith.constant 0 : index
    %get3A_13 = vector.load %arg2[%get3A_11, %get3A_12] : memref<4x64xf32, #tpu.memory_space<vmem>>, vector<1x1xf32>
    %get3A_14 = vector.extract %get3A_13[0, 0] : f32 from vector<1x1xf32>
    %get3A_15 = arith.constant 2 : index
    %get3A_16 = arith.constant 0 : index
    %get3A_17 = vector.load %arg2[%get3A_15, %get3A_16] : memref<4x64xf32, #tpu.memory_space<vmem>>, vector<1x1xf32>
    %get3A_18 = vector.extract %get3A_17[0, 0] : f32 from vector<1x1xf32>
    %mul3A_19 = vector.broadcast %get3A_10 : f32 to vector<8x1000xf32>
    %mul3A_20 = arith.mulf %sub3A_5, %mul3A_19 : vector<8x1000xf32>
    %add3A = vector.broadcast %get3A_14 : f32 to vector<8x1000xf32>
    %add3A_21 = arith.addf %mul3A_20, %add3A : vector<8x1000xf32>
    %tanh3A = math.tanh %add3A_21 : vector<8x1000xf32>
    %mul3A_22 = vector.broadcast %get3A_18 : f32 to vector<8x1000xf32>
    %mul3A_23 = arith.mulf %mul3A_22, %tanh3A : vector<8x1000xf32>
    %add3A_24 = arith.addf %broadcast_in_dim3A_6, %mul3A_23 : vector<8x1000xf32>
    %get3A_25 = arith.constant 0 : index
    %get3A_26 = arith.constant 1 : index
    %get3A_27 = vector.load %arg2[%get3A_25, %get3A_26] : memref<4x64xf32, #tpu.memory_space<vmem>>, vector<1x1xf32>
    %get3A_28 = vector.extract %get3A_27[0, 0] : f32 from vector<1x1xf32>
    %get3A_29 = arith.constant 1 : index
    %get3A_30 = arith.constant 1 : index
    %get3A_31 = vector.load %arg2[%get3A_29, %get3A_30] : memref<4x64xf32, #tpu.memory_space<vmem>>, vector<1x1xf32>
    %get3A_32 = vector.extract %get3A_31[0, 0] : f32 from vector<1x1xf32>
    %get3A_33 = arith.constant 2 : index
    %get3A_34 = arith.constant 1 : index
    %get3A_35 = vector.load %arg2[%get3A_33, %get3A_34] : memref<4x64xf32, #tpu.memory_space<vmem>>, vector<1x1xf32>
    %get3A_36 = vector.extract %get3A_35[0, 0] : f32 from vector<1x1xf32>
    %mul3A_37 = vector.broadcast %get3A_28 : f32 to vector<8x1000xf32>
    %mul3A_38 = arith.mulf %sub3A_5, %mul3A_37 : vector<8x1000xf32>
    %add3A_39 = vector.broadcast %get3A_32 : f32 to vector<8x1000xf32>
    %add3A_40 = arith.addf %mul3A_38, %add3A_39 : vector<8x1000xf32>
    %tanh3A_41 = math.tanh %add3A_40 : vector<8x1000xf32>
    %mul3A_42 = vector.broadcast %get3A_36 : f32 to vector<8x1000xf32>
    %mul3A_43 = arith.mulf %mul3A_42, %tanh3A_41 : vector<8x1000xf32>
    %add3A_44 = arith.addf %add3A_24, %mul3A_43 : vector<8x1000xf32>
    %get3A_45 = arith.constant 0 : index
    %get3A_46 = arith.constant 2 : index
    %get3A_47 = vector.load %arg2[%get3A_45, %get3A_46] : memref<4x64xf32, #tpu.memory_space<vmem>>, vector<1x1xf32>
    %get3A_48 = vector.extract %get3A_47[0, 0] : f32 from vector<1x1xf32>
    %get3A_49 = arith.constant 1 : index
    %get3A_50 = arith.constant 2 : index
    %get3A_51 = vector.load %arg2[%get3A_49, %get3A_50] : memref<4x64xf32, #tpu.memory_space<vmem>>, vector<1x1xf32>
    %get3A_52 = vector.extract %get3A_51[0, 0] : f32 from vector<1x1xf32>
    %get3A_53 = arith.constant 2 : index
    %get3A_54 = arith.constant 2 : index
    %get3A_55 = vector.load %arg2[%get3A_53, %get3A_54] : memref<4x64xf32, #tpu.memory_space<vmem>>, vector<1x1xf32>
    %get3A_56 = vector.extract %get3A_55[0, 0] : f32 from vector<1x1xf32>
    %mul3A_57 = vector.broadcast %get3A_48 : f32 to vector<8x1000xf32>
    %mul3A_58 = arith.mulf %sub3A_5, %mul3A_57 : vector<8x1000xf32>
    %add3A_59 = vector.broadcast %get3A_52 : f32 to vector<8x1000xf32>
    %add3A_60 = arith.addf %mul3A_58, %add3A_59 : vector<8x1000xf32>
    %tanh3A_61 = math.tanh %add3A_60 : vector<8x1000xf32>
    %mul3A_62 = vector.broadcast %get3A_56 : f32 to vector<8x1000xf32>
    %mul3A_63 = arith.mulf %mul3A_62, %tanh3A_61 : vector<8x1000xf32>
    %add3A_64 = arith.addf %add3A_44, %mul3A_63 : vector<8x1000xf32>
    %get3A_65 = arith.constant 0 : index
    %get3A_66 = arith.constant 3 : index
    %get3A_67 = vector.load %arg2[%get3A_65, %get3A_66] : memref<4x64xf32, #tpu.memory_space<vmem>>, vector<1x1xf32>
    %get3A_68 = vector.extract %get3A_67[0, 0] : f32 from vector<1x1xf32>
    %get3A_69 = arith.constant 1 : index
    %get3A_70 = arith.constant 3 : index
    %get3A_71 = vector.load %arg2[%get3A_69, %get3A_70] : memref<4x64xf32, #tpu.memory_space<vmem>>, vector<1x1xf32>
    %get3A_72 = vector.extract %get3A_71[0, 0] : f32 from vector<1x1xf32>
    %get3A_73 = arith.constant 2 : index
    %get3A_74 = arith.constant 3 : index
    %get3A_75 = vector.load %arg2[%get3A_73, %get3A_74] : memref<4x64xf32, #tpu.memory_space<vmem>>, vector<1x1xf32>
    %get3A_76 = vector.extract %get3A_75[0, 0] : f32 from vector<1x1xf32>
    %mul3A_77 = vector.broadcast %get3A_68 : f32 to vector<8x1000xf32>
    %mul3A_78 = arith.mulf %sub3A_5, %mul3A_77 : vector<8x1000xf32>
    %add3A_79 = vector.broadcast %get3A_72 : f32 to vector<8x1000xf32>
    %add3A_80 = arith.addf %mul3A_78, %add3A_79 : vector<8x1000xf32>
    %tanh3A_81 = math.tanh %add3A_80 : vector<8x1000xf32>
    %mul3A_82 = vector.broadcast %get3A_76 : f32 to vector<8x1000xf32>
    %mul3A_83 = arith.mulf %mul3A_82, %tanh3A_81 : vector<8x1000xf32>
    %add3A_84 = arith.addf %add3A_64, %mul3A_83 : vector<8x1000xf32>
    %get3A_85 = arith.constant 0 : index
    %get3A_86 = arith.constant 4 : index
    %get3A_87 = vector.load %arg2[%get3A_85, %get3A_86] : memref<4x64xf32, #tpu.memory_space<vmem>>, vector<1x1xf32>
    %get3A_88 = vector.extract %get3A_87[0, 0] : f32 from vector<1x1xf32>
    %get3A_89 = arith.constant 1 : index
    %get3A_90 = arith.constant 4 : index
    %get3A_91 = vector.load %arg2[%get3A_89, %get3A_90] : memref<4x64xf32, #tpu.memory_space<vmem>>, vector<1x1xf32>
    %get3A_92 = vector.extract %get3A_91[0, 0] : f32 from vector<1x1xf32>
    %get3A_93 = arith.constant 2 : index
    %get3A_94 = arith.constant 4 : index
    %get3A_95 = vector.load %arg2[%get3A_93, %get3A_94] : memref<4x64xf32, #tpu.memory_space<vmem>>, vector<1x1xf32>
    %get3A_96 = vector.extract %get3A_95[0, 0] : f32 from vector<1x1xf32>
    %mul3A_97 = vector.broadcast %get3A_88 : f32 to vector<8x1000xf32>
    %mul3A_98 = arith.mulf %sub3A_5, %mul3A_97 : vector<8x1000xf32>
    %add3A_99 = vector.broadcast %get3A_92 : f32 to vector<8x1000xf32>
    %add3A_100 = arith.addf %mul3A_98, %add3A_99 : vector<8x1000xf32>
    %tanh3A_101 = math.tanh %add3A_100 : vector<8x1000xf32>
    %mul3A_102 = vector.broadcast %get3A_96 : f32 to vector<8x1000xf32>
    %mul3A_103 = arith.mulf %mul3A_102, %tanh3A_101 : vector<8x1000xf32>
    %add3A_104 = arith.addf %add3A_84, %mul3A_103 : vector<8x1000xf32>
    %get3A_105 = arith.constant 0 : index
    %get3A_106 = arith.constant 5 : index
    %get3A_107 = vector.load %arg2[%get3A_105, %get3A_106] : memref<4x64xf32, #tpu.memory_space<vmem>>, vector<1x1xf32>
    %get3A_108 = vector.extract %get3A_107[0, 0] : f32 from vector<1x1xf32>
    %get3A_109 = arith.constant 1 : index
    %get3A_110 = arith.constant 5 : index
    %get3A_111 = vector.load %arg2[%get3A_109, %get3A_110] : memref<4x64xf32, #tpu.memory_space<vmem>>, vector<1x1xf32>
    %get3A_112 = vector.extract %get3A_111[0, 0] : f32 from vector<1x1xf32>
    %get3A_113 = arith.constant 2 : index
    %get3A_114 = arith.constant 5 : index
    %get3A_115 = vector.load %arg2[%get3A_113, %get3A_114] : memref<4x64xf32, #tpu.memory_space<vmem>>, vector<1x1xf32>
    %get3A_116 = vector.extract %get3A_115[0, 0] : f32 from vector<1x1xf32>
    %mul3A_117 = vector.broadcast %get3A_108 : f32 to vector<8x1000xf32>
    %mul3A_118 = arith.mulf %sub3A_5, %mul3A_117 : vector<8x1000xf32>
    %add3A_119 = vector.broadcast %get3A_112 : f32 to vector<8x1000xf32>
    %add3A_120 = arith.addf %mul3A_118, %add3A_119 : vector<8x1000xf32>
    %tanh3A_121 = math.tanh %add3A_120 : vector<8x1000xf32>
    %mul3A_122 = vector.broadcast %get3A_116 : f32 to vector<8x1000xf32>
    %mul3A_123 = arith.mulf %mul3A_122, %tanh3A_121 : vector<8x1000xf32>
    %add3A_124 = arith.addf %add3A_104, %mul3A_123 : vector<8x1000xf32>
    %get3A_125 = arith.constant 0 : index
    %get3A_126 = arith.constant 6 : index
    %get3A_127 = vector.load %arg2[%get3A_125, %get3A_126] : memref<4x64xf32, #tpu.memory_space<vmem>>, vector<1x1xf32>
    %get3A_128 = vector.extract %get3A_127[0, 0] : f32 from vector<1x1xf32>
    %get3A_129 = arith.constant 1 : index
    %get3A_130 = arith.constant 6 : index
    %get3A_131 = vector.load %arg2[%get3A_129, %get3A_130] : memref<4x64xf32, #tpu.memory_space<vmem>>, vector<1x1xf32>
    %get3A_132 = vector.extract %get3A_131[0, 0] : f32 from vector<1x1xf32>
    %get3A_133 = arith.constant 2 : index
    %get3A_134 = arith.constant 6 : index
    %get3A_135 = vector.load %arg2[%get3A_133, %get3A_134] : memref<4x64xf32, #tpu.memory_space<vmem>>, vector<1x1xf32>
    %get3A_136 = vector.extract %get3A_135[0, 0] : f32 from vector<1x1xf32>
    %mul3A_137 = vector.broadcast %get3A_128 : f32 to vector<8x1000xf32>
    %mul3A_138 = arith.mulf %sub3A_5, %mul3A_137 : vector<8x1000xf32>
    %add3A_139 = vector.broadcast %get3A_132 : f32 to vector<8x1000xf32>
    %add3A_140 = arith.addf %mul3A_138, %add3A_139 : vector<8x1000xf32>
    %tanh3A_141 = math.tanh %add3A_140 : vector<8x1000xf32>
    %mul3A_142 = vector.broadcast %get3A_136 : f32 to vector<8x1000xf32>
    %mul3A_143 = arith.mulf %mul3A_142, %tanh3A_141 : vector<8x1000xf32>
    %add3A_144 = arith.addf %add3A_124, %mul3A_143 : vector<8x1000xf32>
    %get3A_145 = arith.constant 0 : index
    %get3A_146 = arith.constant 7 : index
    %get3A_147 = vector.load %arg2[%get3A_145, %get3A_146] : memref<4x64xf32, #tpu.memory_space<vmem>>, vector<1x1xf32>
    %get3A_148 = vector.extract %get3A_147[0, 0] : f32 from vector<1x1xf32>
    %get3A_149 = arith.constant 1 : index
    %get3A_150 = arith.constant 7 : index
    %get3A_151 = vector.load %arg2[%get3A_149, %get3A_150] : memref<4x64xf32, #tpu.memory_space<vmem>>, vector<1x1xf32>
    %get3A_152 = vector.extract %get3A_151[0, 0] : f32 from vector<1x1xf32>
    %get3A_153 = arith.constant 2 : index
    %get3A_154 = arith.constant 7 : index
    %get3A_155 = vector.load %arg2[%get3A_153, %get3A_154] : memref<4x64xf32, #tpu.memory_space<vmem>>, vector<1x1xf32>
    %get3A_156 = vector.extract %get3A_155[0, 0] : f32 from vector<1x1xf32>
    %mul3A_157 = vector.broadcast %get3A_148 : f32 to vector<8x1000xf32>
    %mul3A_158 = arith.mulf %sub3A_5, %mul3A_157 : vector<8x1000xf32>
    %add3A_159 = vector.broadcast %get3A_152 : f32 to vector<8x1000xf32>
    %add3A_160 = arith.addf %mul3A_158, %add3A_159 : vector<8x1000xf32>
    %tanh3A_161 = math.tanh %add3A_160 : vector<8x1000xf32>
    %mul3A_162 = vector.broadcast %get3A_156 : f32 to vector<8x1000xf32>
    %mul3A_163 = arith.mulf %mul3A_162, %tanh3A_161 : vector<8x1000xf32>
    %add3A_164 = arith.addf %add3A_144, %mul3A_163 : vector<8x1000xf32>
    %get3A_165 = arith.constant 0 : index
    %get3A_166 = arith.constant 8 : index
    %get3A_167 = vector.load %arg2[%get3A_165, %get3A_166] : memref<4x64xf32, #tpu.memory_space<vmem>>, vector<1x1xf32>
    %get3A_168 = vector.extract %get3A_167[0, 0] : f32 from vector<1x1xf32>
    %get3A_169 = arith.constant 1 : index
    %get3A_170 = arith.constant 8 : index
    %get3A_171 = vector.load %arg2[%get3A_169, %get3A_170] : memref<4x64xf32, #tpu.memory_space<vmem>>, vector<1x1xf32>
    %get3A_172 = vector.extract %get3A_171[0, 0] : f32 from vector<1x1xf32>
    %get3A_173 = arith.constant 2 : index
    %get3A_174 = arith.constant 8 : index
    %get3A_175 = vector.load %arg2[%get3A_173, %get3A_174] : memref<4x64xf32, #tpu.memory_space<vmem>>, vector<1x1xf32>
    %get3A_176 = vector.extract %get3A_175[0, 0] : f32 from vector<1x1xf32>
    %mul3A_177 = vector.broadcast %get3A_168 : f32 to vector<8x1000xf32>
    %mul3A_178 = arith.mulf %sub3A_5, %mul3A_177 : vector<8x1000xf32>
    %add3A_179 = vector.broadcast %get3A_172 : f32 to vector<8x1000xf32>
    %add3A_180 = arith.addf %mul3A_178, %add3A_179 : vector<8x1000xf32>
    %tanh3A_181 = math.tanh %add3A_180 : vector<8x1000xf32>
    %mul3A_182 = vector.broadcast %get3A_176 : f32 to vector<8x1000xf32>
    %mul3A_183 = arith.mulf %mul3A_182, %tanh3A_181 : vector<8x1000xf32>
    %add3A_184 = arith.addf %add3A_164, %mul3A_183 : vector<8x1000xf32>
    %get3A_185 = arith.constant 0 : index
    %get3A_186 = arith.constant 9 : index
    %get3A_187 = vector.load %arg2[%get3A_185, %get3A_186] : memref<4x64xf32, #tpu.memory_space<vmem>>, vector<1x1xf32>
    %get3A_188 = vector.extract %get3A_187[0, 0] : f32 from vector<1x1xf32>
    %get3A_189 = arith.constant 1 : index
    %get3A_190 = arith.constant 9 : index
    %get3A_191 = vector.load %arg2[%get3A_189, %get3A_190] : memref<4x64xf32, #tpu.memory_space<vmem>>, vector<1x1xf32>
    %get3A_192 = vector.extract %get3A_191[0, 0] : f32 from vector<1x1xf32>
    %get3A_193 = arith.constant 2 : index
    %get3A_194 = arith.constant 9 : index
    %get3A_195 = vector.load %arg2[%get3A_193, %get3A_194] : memref<4x64xf32, #tpu.memory_space<vmem>>, vector<1x1xf32>
    %get3A_196 = vector.extract %get3A_195[0, 0] : f32 from vector<1x1xf32>
    %mul3A_197 = vector.broadcast %get3A_188 : f32 to vector<8x1000xf32>
    %mul3A_198 = arith.mulf %sub3A_5, %mul3A_197 : vector<8x1000xf32>
    %add3A_199 = vector.broadcast %get3A_192 : f32 to vector<8x1000xf32>
    %add3A_200 = arith.addf %mul3A_198, %add3A_199 : vector<8x1000xf32>
    %tanh3A_201 = math.tanh %add3A_200 : vector<8x1000xf32>
    %mul3A_202 = vector.broadcast %get3A_196 : f32 to vector<8x1000xf32>
    %mul3A_203 = arith.mulf %mul3A_202, %tanh3A_201 : vector<8x1000xf32>
    %add3A_204 = arith.addf %add3A_184, %mul3A_203 : vector<8x1000xf32>
    %get3A_205 = arith.constant 0 : index
    %get3A_206 = arith.constant 10 : index
    %get3A_207 = vector.load %arg2[%get3A_205, %get3A_206] : memref<4x64xf32, #tpu.memory_space<vmem>>, vector<1x1xf32>
    %get3A_208 = vector.extract %get3A_207[0, 0] : f32 from vector<1x1xf32>
    %get3A_209 = arith.constant 1 : index
    %get3A_210 = arith.constant 10 : index
    %get3A_211 = vector.load %arg2[%get3A_209, %get3A_210] : memref<4x64xf32, #tpu.memory_space<vmem>>, vector<1x1xf32>
    %get3A_212 = vector.extract %get3A_211[0, 0] : f32 from vector<1x1xf32>
    %get3A_213 = arith.constant 2 : index
    %get3A_214 = arith.constant 10 : index
    %get3A_215 = vector.load %arg2[%get3A_213, %get3A_214] : memref<4x64xf32, #tpu.memory_space<vmem>>, vector<1x1xf32>
    %get3A_216 = vector.extract %get3A_215[0, 0] : f32 from vector<1x1xf32>
    %mul3A_217 = vector.broadcast %get3A_208 : f32 to vector<8x1000xf32>
    %mul3A_218 = arith.mulf %sub3A_5, %mul3A_217 : vector<8x1000xf32>
    %add3A_219 = vector.broadcast %get3A_212 : f32 to vector<8x1000xf32>
    %add3A_220 = arith.addf %mul3A_218, %add3A_219 : vector<8x1000xf32>
    %tanh3A_221 = math.tanh %add3A_220 : vector<8x1000xf32>
    %mul3A_222 = vector.broadcast %get3A_216 : f32 to vector<8x1000xf32>
    %mul3A_223 = arith.mulf %mul3A_222, %tanh3A_221 : vector<8x1000xf32>
    %add3A_224 = arith.addf %add3A_204, %mul3A_223 : vector<8x1000xf32>
    %get3A_225 = arith.constant 0 : index
    %get3A_226 = arith.constant 11 : index
    %get3A_227 = vector.load %arg2[%get3A_225, %get3A_226] : memref<4x64xf32, #tpu.memory_space<vmem>>, vector<1x1xf32>
    %get3A_228 = vector.extract %get3A_227[0, 0] : f32 from vector<1x1xf32>
    %get3A_229 = arith.constant 1 : index
    %get3A_230 = arith.constant 11 : index
    %get3A_231 = vector.load %arg2[%get3A_229, %get3A_230] : memref<4x64xf32, #tpu.memory_space<vmem>>, vector<1x1xf32>
    %get3A_232 = vector.extract %get3A_231[0, 0] : f32 from vector<1x1xf32>
    %get3A_233 = arith.constant 2 : index
    %get3A_234 = arith.constant 11 : index
    %get3A_235 = vector.load %arg2[%get3A_233, %get3A_234] : memref<4x64xf32, #tpu.memory_space<vmem>>, vector<1x1xf32>
    %get3A_236 = vector.extract %get3A_235[0, 0] : f32 from vector<1x1xf32>
    %mul3A_237 = vector.broadcast %get3A_228 : f32 to vector<8x1000xf32>
    %mul3A_238 = arith.mulf %sub3A_5, %mul3A_237 : vector<8x1000xf32>
    %add3A_239 = vector.broadcast %get3A_232 : f32 to vector<8x1000xf32>
    %add3A_240 = arith.addf %mul3A_238, %add3A_239 : vector<8x1000xf32>
    %tanh3A_241 = math.tanh %add3A_240 : vector<8x1000xf32>
    %mul3A_242 = vector.broadcast %get3A_236 : f32 to vector<8x1000xf32>
    %mul3A_243 = arith.mulf %mul3A_242, %tanh3A_241 : vector<8x1000xf32>
    %add3A_244 = arith.addf %add3A_224, %mul3A_243 : vector<8x1000xf32>
    %get3A_245 = arith.constant 0 : index
    %get3A_246 = arith.constant 12 : index
    %get3A_247 = vector.load %arg2[%get3A_245, %get3A_246] : memref<4x64xf32, #tpu.memory_space<vmem>>, vector<1x1xf32>
    %get3A_248 = vector.extract %get3A_247[0, 0] : f32 from vector<1x1xf32>
    %get3A_249 = arith.constant 1 : index
    %get3A_250 = arith.constant 12 : index
    %get3A_251 = vector.load %arg2[%get3A_249, %get3A_250] : memref<4x64xf32, #tpu.memory_space<vmem>>, vector<1x1xf32>
    %get3A_252 = vector.extract %get3A_251[0, 0] : f32 from vector<1x1xf32>
    %get3A_253 = arith.constant 2 : index
    %get3A_254 = arith.constant 12 : index
    %get3A_255 = vector.load %arg2[%get3A_253, %get3A_254] : memref<4x64xf32, #tpu.memory_space<vmem>>, vector<1x1xf32>
    %get3A_256 = vector.extract %get3A_255[0, 0] : f32 from vector<1x1xf32>
    %mul3A_257 = vector.broadcast %get3A_248 : f32 to vector<8x1000xf32>
    %mul3A_258 = arith.mulf %sub3A_5, %mul3A_257 : vector<8x1000xf32>
    %add3A_259 = vector.broadcast %get3A_252 : f32 to vector<8x1000xf32>
    %add3A_260 = arith.addf %mul3A_258, %add3A_259 : vector<8x1000xf32>
    %tanh3A_261 = math.tanh %add3A_260 : vector<8x1000xf32>
    %mul3A_262 = vector.broadcast %get3A_256 : f32 to vector<8x1000xf32>
    %mul3A_263 = arith.mulf %mul3A_262, %tanh3A_261 : vector<8x1000xf32>
    %add3A_264 = arith.addf %add3A_244, %mul3A_263 : vector<8x1000xf32>
    %get3A_265 = arith.constant 0 : index
    %get3A_266 = arith.constant 13 : index
    %get3A_267 = vector.load %arg2[%get3A_265, %get3A_266] : memref<4x64xf32, #tpu.memory_space<vmem>>, vector<1x1xf32>
    %get3A_268 = vector.extract %get3A_267[0, 0] : f32 from vector<1x1xf32>
    %get3A_269 = arith.constant 1 : index
    %get3A_270 = arith.constant 13 : index
    %get3A_271 = vector.load %arg2[%get3A_269, %get3A_270] : memref<4x64xf32, #tpu.memory_space<vmem>>, vector<1x1xf32>
    %get3A_272 = vector.extract %get3A_271[0, 0] : f32 from vector<1x1xf32>
    %get3A_273 = arith.constant 2 : index
    %get3A_274 = arith.constant 13 : index
    %get3A_275 = vector.load %arg2[%get3A_273, %get3A_274] : memref<4x64xf32, #tpu.memory_space<vmem>>, vector<1x1xf32>
    %get3A_276 = vector.extract %get3A_275[0, 0] : f32 from vector<1x1xf32>
    %mul3A_277 = vector.broadcast %get3A_268 : f32 to vector<8x1000xf32>
    %mul3A_278 = arith.mulf %sub3A_5, %mul3A_277 : vector<8x1000xf32>
    %add3A_279 = vector.broadcast %get3A_272 : f32 to vector<8x1000xf32>
    %add3A_280 = arith.addf %mul3A_278, %add3A_279 : vector<8x1000xf32>
    %tanh3A_281 = math.tanh %add3A_280 : vector<8x1000xf32>
    %mul3A_282 = vector.broadcast %get3A_276 : f32 to vector<8x1000xf32>
    %mul3A_283 = arith.mulf %mul3A_282, %tanh3A_281 : vector<8x1000xf32>
    %add3A_284 = arith.addf %add3A_264, %mul3A_283 : vector<8x1000xf32>
    %get3A_285 = arith.constant 0 : index
    %get3A_286 = arith.constant 14 : index
    %get3A_287 = vector.load %arg2[%get3A_285, %get3A_286] : memref<4x64xf32, #tpu.memory_space<vmem>>, vector<1x1xf32>
    %get3A_288 = vector.extract %get3A_287[0, 0] : f32 from vector<1x1xf32>
    %get3A_289 = arith.constant 1 : index
    %get3A_290 = arith.constant 14 : index
    %get3A_291 = vector.load %arg2[%get3A_289, %get3A_290] : memref<4x64xf32, #tpu.memory_space<vmem>>, vector<1x1xf32>
    %get3A_292 = vector.extract %get3A_291[0, 0] : f32 from vector<1x1xf32>
    %get3A_293 = arith.constant 2 : index
    %get3A_294 = arith.constant 14 : index
    %get3A_295 = vector.load %arg2[%get3A_293, %get3A_294] : memref<4x64xf32, #tpu.memory_space<vmem>>, vector<1x1xf32>
    %get3A_296 = vector.extract %get3A_295[0, 0] : f32 from vector<1x1xf32>
    %mul3A_297 = vector.broadcast %get3A_288 : f32 to vector<8x1000xf32>
    %mul3A_298 = arith.mulf %sub3A_5, %mul3A_297 : vector<8x1000xf32>
    %add3A_299 = vector.broadcast %get3A_292 : f32 to vector<8x1000xf32>
    %add3A_300 = arith.addf %mul3A_298, %add3A_299 : vector<8x1000xf32>
    %tanh3A_301 = math.tanh %add3A_300 : vector<8x1000xf32>
    %mul3A_302 = vector.broadcast %get3A_296 : f32 to vector<8x1000xf32>
    %mul3A_303 = arith.mulf %mul3A_302, %tanh3A_301 : vector<8x1000xf32>
    %add3A_304 = arith.addf %add3A_284, %mul3A_303 : vector<8x1000xf32>
    %get3A_305 = arith.constant 0 : index
    %get3A_306 = arith.constant 15 : index
    %get3A_307 = vector.load %arg2[%get3A_305, %get3A_306] : memref<4x64xf32, #tpu.memory_space<vmem>>, vector<1x1xf32>
    %get3A_308 = vector.extract %get3A_307[0, 0] : f32 from vector<1x1xf32>
    %get3A_309 = arith.constant 1 : index
    %get3A_310 = arith.constant 15 : index
    %get3A_311 = vector.load %arg2[%get3A_309, %get3A_310] : memref<4x64xf32, #tpu.memory_space<vmem>>, vector<1x1xf32>
    %get3A_312 = vector.extract %get3A_311[0, 0] : f32 from vector<1x1xf32>
    %get3A_313 = arith.constant 2 : index
    %get3A_314 = arith.constant 15 : index
    %get3A_315 = vector.load %arg2[%get3A_313, %get3A_314] : memref<4x64xf32, #tpu.memory_space<vmem>>, vector<1x1xf32>
    %get3A_316 = vector.extract %get3A_315[0, 0] : f32 from vector<1x1xf32>
    %mul3A_317 = vector.broadcast %get3A_308 : f32 to vector<8x1000xf32>
    %mul3A_318 = arith.mulf %sub3A_5, %mul3A_317 : vector<8x1000xf32>
    %add3A_319 = vector.broadcast %get3A_312 : f32 to vector<8x1000xf32>
    %add3A_320 = arith.addf %mul3A_318, %add3A_319 : vector<8x1000xf32>
    %tanh3A_321 = math.tanh %add3A_320 : vector<8x1000xf32>
    %mul3A_322 = vector.broadcast %get3A_316 : f32 to vector<8x1000xf32>
    %mul3A_323 = arith.mulf %mul3A_322, %tanh3A_321 : vector<8x1000xf32>
    %add3A_324 = arith.addf %add3A_304, %mul3A_323 : vector<8x1000xf32>
    %get3A_325 = arith.constant 0 : index
    %get3A_326 = arith.constant 16 : index
    %get3A_327 = vector.load %arg2[%get3A_325, %get3A_326] : memref<4x64xf32, #tpu.memory_space<vmem>>, vector<1x1xf32>
    %get3A_328 = vector.extract %get3A_327[0, 0] : f32 from vector<1x1xf32>
    %get3A_329 = arith.constant 1 : index
    %get3A_330 = arith.constant 16 : index
    %get3A_331 = vector.load %arg2[%get3A_329, %get3A_330] : memref<4x64xf32, #tpu.memory_space<vmem>>, vector<1x1xf32>
    %get3A_332 = vector.extract %get3A_331[0, 0] : f32 from vector<1x1xf32>
    %get3A_333 = arith.constant 2 : index
    %get3A_334 = arith.constant 16 : index
    %get3A_335 = vector.load %arg2[%get3A_333, %get3A_334] : memref<4x64xf32, #tpu.memory_space<vmem>>, vector<1x1xf32>
    %get3A_336 = vector.extract %get3A_335[0, 0] : f32 from vector<1x1xf32>
    %mul3A_337 = vector.broadcast %get3A_328 : f32 to vector<8x1000xf32>
    %mul3A_338 = arith.mulf %sub3A_5, %mul3A_337 : vector<8x1000xf32>
    %add3A_339 = vector.broadcast %get3A_332 : f32 to vector<8x1000xf32>
    %add3A_340 = arith.addf %mul3A_338, %add3A_339 : vector<8x1000xf32>
    %tanh3A_341 = math.tanh %add3A_340 : vector<8x1000xf32>
    %mul3A_342 = vector.broadcast %get3A_336 : f32 to vector<8x1000xf32>
    %mul3A_343 = arith.mulf %mul3A_342, %tanh3A_341 : vector<8x1000xf32>
    %add3A_344 = arith.addf %add3A_324, %mul3A_343 : vector<8x1000xf32>
    %get3A_345 = arith.constant 0 : index
    %get3A_346 = arith.constant 17 : index
    %get3A_347 = vector.load %arg2[%get3A_345, %get3A_346] : memref<4x64xf32, #tpu.memory_space<vmem>>, vector<1x1xf32>
    %get3A_348 = vector.extract %get3A_347[0, 0] : f32 from vector<1x1xf32>
    %get3A_349 = arith.constant 1 : index
    %get3A_350 = arith.constant 17 : index
    %get3A_351 = vector.load %arg2[%get3A_349, %get3A_350] : memref<4x64xf32, #tpu.memory_space<vmem>>, vector<1x1xf32>
    %get3A_352 = vector.extract %get3A_351[0, 0] : f32 from vector<1x1xf32>
    %get3A_353 = arith.constant 2 : index
    %get3A_354 = arith.constant 17 : index
    %get3A_355 = vector.load %arg2[%get3A_353, %get3A_354] : memref<4x64xf32, #tpu.memory_space<vmem>>, vector<1x1xf32>
    %get3A_356 = vector.extract %get3A_355[0, 0] : f32 from vector<1x1xf32>
    %mul3A_357 = vector.broadcast %get3A_348 : f32 to vector<8x1000xf32>
    %mul3A_358 = arith.mulf %sub3A_5, %mul3A_357 : vector<8x1000xf32>
    %add3A_359 = vector.broadcast %get3A_352 : f32 to vector<8x1000xf32>
    %add3A_360 = arith.addf %mul3A_358, %add3A_359 : vector<8x1000xf32>
    %tanh3A_361 = math.tanh %add3A_360 : vector<8x1000xf32>
    %mul3A_362 = vector.broadcast %get3A_356 : f32 to vector<8x1000xf32>
    %mul3A_363 = arith.mulf %mul3A_362, %tanh3A_361 : vector<8x1000xf32>
    %add3A_364 = arith.addf %add3A_344, %mul3A_363 : vector<8x1000xf32>
    %get3A_365 = arith.constant 0 : index
    %get3A_366 = arith.constant 18 : index
    %get3A_367 = vector.load %arg2[%get3A_365, %get3A_366] : memref<4x64xf32, #tpu.memory_space<vmem>>, vector<1x1xf32>
    %get3A_368 = vector.extract %get3A_367[0, 0] : f32 from vector<1x1xf32>
    %get3A_369 = arith.constant 1 : index
    %get3A_370 = arith.constant 18 : index
    %get3A_371 = vector.load %arg2[%get3A_369, %get3A_370] : memref<4x64xf32, #tpu.memory_space<vmem>>, vector<1x1xf32>
    %get3A_372 = vector.extract %get3A_371[0, 0] : f32 from vector<1x1xf32>
    %get3A_373 = arith.constant 2 : index
    %get3A_374 = arith.constant 18 : index
    %get3A_375 = vector.load %arg2[%get3A_373, %get3A_374] : memref<4x64xf32, #tpu.memory_space<vmem>>, vector<1x1xf32>
    %get3A_376 = vector.extract %get3A_375[0, 0] : f32 from vector<1x1xf32>
    %mul3A_377 = vector.broadcast %get3A_368 : f32 to vector<8x1000xf32>
    %mul3A_378 = arith.mulf %sub3A_5, %mul3A_377 : vector<8x1000xf32>
    %add3A_379 = vector.broadcast %get3A_372 : f32 to vector<8x1000xf32>
    %add3A_380 = arith.addf %mul3A_378, %add3A_379 : vector<8x1000xf32>
    %tanh3A_381 = math.tanh %add3A_380 : vector<8x1000xf32>
    %mul3A_382 = vector.broadcast %get3A_376 : f32 to vector<8x1000xf32>
    %mul3A_383 = arith.mulf %mul3A_382, %tanh3A_381 : vector<8x1000xf32>
    %add3A_384 = arith.addf %add3A_364, %mul3A_383 : vector<8x1000xf32>
    %get3A_385 = arith.constant 0 : index
    %get3A_386 = arith.constant 19 : index
    %get3A_387 = vector.load %arg2[%get3A_385, %get3A_386] : memref<4x64xf32, #tpu.memory_space<vmem>>, vector<1x1xf32>
    %get3A_388 = vector.extract %get3A_387[0, 0] : f32 from vector<1x1xf32>
    %get3A_389 = arith.constant 1 : index
    %get3A_390 = arith.constant 19 : index
    %get3A_391 = vector.load %arg2[%get3A_389, %get3A_390] : memref<4x64xf32, #tpu.memory_space<vmem>>, vector<1x1xf32>
    %get3A_392 = vector.extract %get3A_391[0, 0] : f32 from vector<1x1xf32>
    %get3A_393 = arith.constant 2 : index
    %get3A_394 = arith.constant 19 : index
    %get3A_395 = vector.load %arg2[%get3A_393, %get3A_394] : memref<4x64xf32, #tpu.memory_space<vmem>>, vector<1x1xf32>
    %get3A_396 = vector.extract %get3A_395[0, 0] : f32 from vector<1x1xf32>
    %mul3A_397 = vector.broadcast %get3A_388 : f32 to vector<8x1000xf32>
    %mul3A_398 = arith.mulf %sub3A_5, %mul3A_397 : vector<8x1000xf32>
    %add3A_399 = vector.broadcast %get3A_392 : f32 to vector<8x1000xf32>
    %add3A_400 = arith.addf %mul3A_398, %add3A_399 : vector<8x1000xf32>
    %tanh3A_401 = math.tanh %add3A_400 : vector<8x1000xf32>
    %mul3A_402 = vector.broadcast %get3A_396 : f32 to vector<8x1000xf32>
    %mul3A_403 = arith.mulf %mul3A_402, %tanh3A_401 : vector<8x1000xf32>
    %add3A_404 = arith.addf %add3A_384, %mul3A_403 : vector<8x1000xf32>
    %get3A_405 = arith.constant 0 : index
    %get3A_406 = arith.constant 20 : index
    %get3A_407 = vector.load %arg2[%get3A_405, %get3A_406] : memref<4x64xf32, #tpu.memory_space<vmem>>, vector<1x1xf32>
    %get3A_408 = vector.extract %get3A_407[0, 0] : f32 from vector<1x1xf32>
    %get3A_409 = arith.constant 1 : index
    %get3A_410 = arith.constant 20 : index
    %get3A_411 = vector.load %arg2[%get3A_409, %get3A_410] : memref<4x64xf32, #tpu.memory_space<vmem>>, vector<1x1xf32>
    %get3A_412 = vector.extract %get3A_411[0, 0] : f32 from vector<1x1xf32>
    %get3A_413 = arith.constant 2 : index
    %get3A_414 = arith.constant 20 : index
    %get3A_415 = vector.load %arg2[%get3A_413, %get3A_414] : memref<4x64xf32, #tpu.memory_space<vmem>>, vector<1x1xf32>
    %get3A_416 = vector.extract %get3A_415[0, 0] : f32 from vector<1x1xf32>
    %mul3A_417 = vector.broadcast %get3A_408 : f32 to vector<8x1000xf32>
    %mul3A_418 = arith.mulf %sub3A_5, %mul3A_417 : vector<8x1000xf32>
    %add3A_419 = vector.broadcast %get3A_412 : f32 to vector<8x1000xf32>
    %add3A_420 = arith.addf %mul3A_418, %add3A_419 : vector<8x1000xf32>
    %tanh3A_421 = math.tanh %add3A_420 : vector<8x1000xf32>
    %mul3A_422 = vector.broadcast %get3A_416 : f32 to vector<8x1000xf32>
    %mul3A_423 = arith.mulf %mul3A_422, %tanh3A_421 : vector<8x1000xf32>
    %add3A_424 = arith.addf %add3A_404, %mul3A_423 : vector<8x1000xf32>
    %get3A_425 = arith.constant 0 : index
    %get3A_426 = arith.constant 21 : index
    %get3A_427 = vector.load %arg2[%get3A_425, %get3A_426] : memref<4x64xf32, #tpu.memory_space<vmem>>, vector<1x1xf32>
    %get3A_428 = vector.extract %get3A_427[0, 0] : f32 from vector<1x1xf32>
    %get3A_429 = arith.constant 1 : index
    %get3A_430 = arith.constant 21 : index
    %get3A_431 = vector.load %arg2[%get3A_429, %get3A_430] : memref<4x64xf32, #tpu.memory_space<vmem>>, vector<1x1xf32>
    %get3A_432 = vector.extract %get3A_431[0, 0] : f32 from vector<1x1xf32>
    %get3A_433 = arith.constant 2 : index
    %get3A_434 = arith.constant 21 : index
    %get3A_435 = vector.load %arg2[%get3A_433, %get3A_434] : memref<4x64xf32, #tpu.memory_space<vmem>>, vector<1x1xf32>
    %get3A_436 = vector.extract %get3A_435[0, 0] : f32 from vector<1x1xf32>
    %mul3A_437 = vector.broadcast %get3A_428 : f32 to vector<8x1000xf32>
    %mul3A_438 = arith.mulf %sub3A_5, %mul3A_437 : vector<8x1000xf32>
    %add3A_439 = vector.broadcast %get3A_432 : f32 to vector<8x1000xf32>
    %add3A_440 = arith.addf %mul3A_438, %add3A_439 : vector<8x1000xf32>
    %tanh3A_441 = math.tanh %add3A_440 : vector<8x1000xf32>
    %mul3A_442 = vector.broadcast %get3A_436 : f32 to vector<8x1000xf32>
    %mul3A_443 = arith.mulf %mul3A_442, %tanh3A_441 : vector<8x1000xf32>
    %add3A_444 = arith.addf %add3A_424, %mul3A_443 : vector<8x1000xf32>
    %get3A_445 = arith.constant 0 : index
    %get3A_446 = arith.constant 22 : index
    %get3A_447 = vector.load %arg2[%get3A_445, %get3A_446] : memref<4x64xf32, #tpu.memory_space<vmem>>, vector<1x1xf32>
    %get3A_448 = vector.extract %get3A_447[0, 0] : f32 from vector<1x1xf32>
    %get3A_449 = arith.constant 1 : index
    %get3A_450 = arith.constant 22 : index
    %get3A_451 = vector.load %arg2[%get3A_449, %get3A_450] : memref<4x64xf32, #tpu.memory_space<vmem>>, vector<1x1xf32>
    %get3A_452 = vector.extract %get3A_451[0, 0] : f32 from vector<1x1xf32>
    %get3A_453 = arith.constant 2 : index
    %get3A_454 = arith.constant 22 : index
    %get3A_455 = vector.load %arg2[%get3A_453, %get3A_454] : memref<4x64xf32, #tpu.memory_space<vmem>>, vector<1x1xf32>
    %get3A_456 = vector.extract %get3A_455[0, 0] : f32 from vector<1x1xf32>
    %mul3A_457 = vector.broadcast %get3A_448 : f32 to vector<8x1000xf32>
    %mul3A_458 = arith.mulf %sub3A_5, %mul3A_457 : vector<8x1000xf32>
    %add3A_459 = vector.broadcast %get3A_452 : f32 to vector<8x1000xf32>
    %add3A_460 = arith.addf %mul3A_458, %add3A_459 : vector<8x1000xf32>
    %tanh3A_461 = math.tanh %add3A_460 : vector<8x1000xf32>
    %mul3A_462 = vector.broadcast %get3A_456 : f32 to vector<8x1000xf32>
    %mul3A_463 = arith.mulf %mul3A_462, %tanh3A_461 : vector<8x1000xf32>
    %add3A_464 = arith.addf %add3A_444, %mul3A_463 : vector<8x1000xf32>
    %get3A_465 = arith.constant 0 : index
    %get3A_466 = arith.constant 23 : index
    %get3A_467 = vector.load %arg2[%get3A_465, %get3A_466] : memref<4x64xf32, #tpu.memory_space<vmem>>, vector<1x1xf32>
    %get3A_468 = vector.extract %get3A_467[0, 0] : f32 from vector<1x1xf32>
    %get3A_469 = arith.constant 1 : index
    %get3A_470 = arith.constant 23 : index
    %get3A_471 = vector.load %arg2[%get3A_469, %get3A_470] : memref<4x64xf32, #tpu.memory_space<vmem>>, vector<1x1xf32>
    %get3A_472 = vector.extract %get3A_471[0, 0] : f32 from vector<1x1xf32>
    %get3A_473 = arith.constant 2 : index
    %get3A_474 = arith.constant 23 : index
    %get3A_475 = vector.load %arg2[%get3A_473, %get3A_474] : memref<4x64xf32, #tpu.memory_space<vmem>>, vector<1x1xf32>
    %get3A_476 = vector.extract %get3A_475[0, 0] : f32 from vector<1x1xf32>
    %mul3A_477 = vector.broadcast %get3A_468 : f32 to vector<8x1000xf32>
    %mul3A_478 = arith.mulf %sub3A_5, %mul3A_477 : vector<8x1000xf32>
    %add3A_479 = vector.broadcast %get3A_472 : f32 to vector<8x1000xf32>
    %add3A_480 = arith.addf %mul3A_478, %add3A_479 : vector<8x1000xf32>
    %tanh3A_481 = math.tanh %add3A_480 : vector<8x1000xf32>
    %mul3A_482 = vector.broadcast %get3A_476 : f32 to vector<8x1000xf32>
    %mul3A_483 = arith.mulf %mul3A_482, %tanh3A_481 : vector<8x1000xf32>
    %add3A_484 = arith.addf %add3A_464, %mul3A_483 : vector<8x1000xf32>
    %get3A_485 = arith.constant 0 : index
    %get3A_486 = arith.constant 24 : index
    %get3A_487 = vector.load %arg2[%get3A_485, %get3A_486] : memref<4x64xf32, #tpu.memory_space<vmem>>, vector<1x1xf32>
    %get3A_488 = vector.extract %get3A_487[0, 0] : f32 from vector<1x1xf32>
    %get3A_489 = arith.constant 1 : index
    %get3A_490 = arith.constant 24 : index
    %get3A_491 = vector.load %arg2[%get3A_489, %get3A_490] : memref<4x64xf32, #tpu.memory_space<vmem>>, vector<1x1xf32>
    %get3A_492 = vector.extract %get3A_491[0, 0] : f32 from vector<1x1xf32>
    %get3A_493 = arith.constant 2 : index
    %get3A_494 = arith.constant 24 : index
    %get3A_495 = vector.load %arg2[%get3A_493, %get3A_494] : memref<4x64xf32, #tpu.memory_space<vmem>>, vector<1x1xf32>
    %get3A_496 = vector.extract %get3A_495[0, 0] : f32 from vector<1x1xf32>
    %mul3A_497 = vector.broadcast %get3A_488 : f32 to vector<8x1000xf32>
    %mul3A_498 = arith.mulf %sub3A_5, %mul3A_497 : vector<8x1000xf32>
    %add3A_499 = vector.broadcast %get3A_492 : f32 to vector<8x1000xf32>
    %add3A_500 = arith.addf %mul3A_498, %add3A_499 : vector<8x1000xf32>
    %tanh3A_501 = math.tanh %add3A_500 : vector<8x1000xf32>
    %mul3A_502 = vector.broadcast %get3A_496 : f32 to vector<8x1000xf32>
    %mul3A_503 = arith.mulf %mul3A_502, %tanh3A_501 : vector<8x1000xf32>
    %add3A_504 = arith.addf %add3A_484, %mul3A_503 : vector<8x1000xf32>
    %get3A_505 = arith.constant 0 : index
    %get3A_506 = arith.constant 25 : index
    %get3A_507 = vector.load %arg2[%get3A_505, %get3A_506] : memref<4x64xf32, #tpu.memory_space<vmem>>, vector<1x1xf32>
    %get3A_508 = vector.extract %get3A_507[0, 0] : f32 from vector<1x1xf32>
    %get3A_509 = arith.constant 1 : index
    %get3A_510 = arith.constant 25 : index
    %get3A_511 = vector.load %arg2[%get3A_509, %get3A_510] : memref<4x64xf32, #tpu.memory_space<vmem>>, vector<1x1xf32>
    %get3A_512 = vector.extract %get3A_511[0, 0] : f32 from vector<1x1xf32>
    %get3A_513 = arith.constant 2 : index
    %get3A_514 = arith.constant 25 : index
    %get3A_515 = vector.load %arg2[%get3A_513, %get3A_514] : memref<4x64xf32, #tpu.memory_space<vmem>>, vector<1x1xf32>
    %get3A_516 = vector.extract %get3A_515[0, 0] : f32 from vector<1x1xf32>
    %mul3A_517 = vector.broadcast %get3A_508 : f32 to vector<8x1000xf32>
    %mul3A_518 = arith.mulf %sub3A_5, %mul3A_517 : vector<8x1000xf32>
    %add3A_519 = vector.broadcast %get3A_512 : f32 to vector<8x1000xf32>
    %add3A_520 = arith.addf %mul3A_518, %add3A_519 : vector<8x1000xf32>
    %tanh3A_521 = math.tanh %add3A_520 : vector<8x1000xf32>
    %mul3A_522 = vector.broadcast %get3A_516 : f32 to vector<8x1000xf32>
    %mul3A_523 = arith.mulf %mul3A_522, %tanh3A_521 : vector<8x1000xf32>
    %add3A_524 = arith.addf %add3A_504, %mul3A_523 : vector<8x1000xf32>
    %get3A_525 = arith.constant 0 : index
    %get3A_526 = arith.constant 26 : index
    %get3A_527 = vector.load %arg2[%get3A_525, %get3A_526] : memref<4x64xf32, #tpu.memory_space<vmem>>, vector<1x1xf32>
    %get3A_528 = vector.extract %get3A_527[0, 0] : f32 from vector<1x1xf32>
    %get3A_529 = arith.constant 1 : index
    %get3A_530 = arith.constant 26 : index
    %get3A_531 = vector.load %arg2[%get3A_529, %get3A_530] : memref<4x64xf32, #tpu.memory_space<vmem>>, vector<1x1xf32>
    %get3A_532 = vector.extract %get3A_531[0, 0] : f32 from vector<1x1xf32>
    %get3A_533 = arith.constant 2 : index
    %get3A_534 = arith.constant 26 : index
    %get3A_535 = vector.load %arg2[%get3A_533, %get3A_534] : memref<4x64xf32, #tpu.memory_space<vmem>>, vector<1x1xf32>
    %get3A_536 = vector.extract %get3A_535[0, 0] : f32 from vector<1x1xf32>
    %mul3A_537 = vector.broadcast %get3A_528 : f32 to vector<8x1000xf32>
    %mul3A_538 = arith.mulf %sub3A_5, %mul3A_537 : vector<8x1000xf32>
    %add3A_539 = vector.broadcast %get3A_532 : f32 to vector<8x1000xf32>
    %add3A_540 = arith.addf %mul3A_538, %add3A_539 : vector<8x1000xf32>
    %tanh3A_541 = math.tanh %add3A_540 : vector<8x1000xf32>
    %mul3A_542 = vector.broadcast %get3A_536 : f32 to vector<8x1000xf32>
    %mul3A_543 = arith.mulf %mul3A_542, %tanh3A_541 : vector<8x1000xf32>
    %add3A_544 = arith.addf %add3A_524, %mul3A_543 : vector<8x1000xf32>
    %get3A_545 = arith.constant 0 : index
    %get3A_546 = arith.constant 27 : index
    %get3A_547 = vector.load %arg2[%get3A_545, %get3A_546] : memref<4x64xf32, #tpu.memory_space<vmem>>, vector<1x1xf32>
    %get3A_548 = vector.extract %get3A_547[0, 0] : f32 from vector<1x1xf32>
    %get3A_549 = arith.constant 1 : index
    %get3A_550 = arith.constant 27 : index
    %get3A_551 = vector.load %arg2[%get3A_549, %get3A_550] : memref<4x64xf32, #tpu.memory_space<vmem>>, vector<1x1xf32>
    %get3A_552 = vector.extract %get3A_551[0, 0] : f32 from vector<1x1xf32>
    %get3A_553 = arith.constant 2 : index
    %get3A_554 = arith.constant 27 : index
    %get3A_555 = vector.load %arg2[%get3A_553, %get3A_554] : memref<4x64xf32, #tpu.memory_space<vmem>>, vector<1x1xf32>
    %get3A_556 = vector.extract %get3A_555[0, 0] : f32 from vector<1x1xf32>
    %mul3A_557 = vector.broadcast %get3A_548 : f32 to vector<8x1000xf32>
    %mul3A_558 = arith.mulf %sub3A_5, %mul3A_557 : vector<8x1000xf32>
    %add3A_559 = vector.broadcast %get3A_552 : f32 to vector<8x1000xf32>
    %add3A_560 = arith.addf %mul3A_558, %add3A_559 : vector<8x1000xf32>
    %tanh3A_561 = math.tanh %add3A_560 : vector<8x1000xf32>
    %mul3A_562 = vector.broadcast %get3A_556 : f32 to vector<8x1000xf32>
    %mul3A_563 = arith.mulf %mul3A_562, %tanh3A_561 : vector<8x1000xf32>
    %add3A_564 = arith.addf %add3A_544, %mul3A_563 : vector<8x1000xf32>
    %get3A_565 = arith.constant 0 : index
    %get3A_566 = arith.constant 28 : index
    %get3A_567 = vector.load %arg2[%get3A_565, %get3A_566] : memref<4x64xf32, #tpu.memory_space<vmem>>, vector<1x1xf32>
    %get3A_568 = vector.extract %get3A_567[0, 0] : f32 from vector<1x1xf32>
    %get3A_569 = arith.constant 1 : index
    %get3A_570 = arith.constant 28 : index
    %get3A_571 = vector.load %arg2[%get3A_569, %get3A_570] : memref<4x64xf32, #tpu.memory_space<vmem>>, vector<1x1xf32>
    %get3A_572 = vector.extract %get3A_571[0, 0] : f32 from vector<1x1xf32>
    %get3A_573 = arith.constant 2 : index
    %get3A_574 = arith.constant 28 : index
    %get3A_575 = vector.load %arg2[%get3A_573, %get3A_574] : memref<4x64xf32, #tpu.memory_space<vmem>>, vector<1x1xf32>
    %get3A_576 = vector.extract %get3A_575[0, 0] : f32 from vector<1x1xf32>
    %mul3A_577 = vector.broadcast %get3A_568 : f32 to vector<8x1000xf32>
    %mul3A_578 = arith.mulf %sub3A_5, %mul3A_577 : vector<8x1000xf32>
    %add3A_579 = vector.broadcast %get3A_572 : f32 to vector<8x1000xf32>
    %add3A_580 = arith.addf %mul3A_578, %add3A_579 : vector<8x1000xf32>
    %tanh3A_581 = math.tanh %add3A_580 : vector<8x1000xf32>
    %mul3A_582 = vector.broadcast %get3A_576 : f32 to vector<8x1000xf32>
    %mul3A_583 = arith.mulf %mul3A_582, %tanh3A_581 : vector<8x1000xf32>
    %add3A_584 = arith.addf %add3A_564, %mul3A_583 : vector<8x1000xf32>
    %get3A_585 = arith.constant 0 : index
    %get3A_586 = arith.constant 29 : index
    %get3A_587 = vector.load %arg2[%get3A_585, %get3A_586] : memref<4x64xf32, #tpu.memory_space<vmem>>, vector<1x1xf32>
    %get3A_588 = vector.extract %get3A_587[0, 0] : f32 from vector<1x1xf32>
    %get3A_589 = arith.constant 1 : index
    %get3A_590 = arith.constant 29 : index
    %get3A_591 = vector.load %arg2[%get3A_589, %get3A_590] : memref<4x64xf32, #tpu.memory_space<vmem>>, vector<1x1xf32>
    %get3A_592 = vector.extract %get3A_591[0, 0] : f32 from vector<1x1xf32>
    %get3A_593 = arith.constant 2 : index
    %get3A_594 = arith.constant 29 : index
    %get3A_595 = vector.load %arg2[%get3A_593, %get3A_594] : memref<4x64xf32, #tpu.memory_space<vmem>>, vector<1x1xf32>
    %get3A_596 = vector.extract %get3A_595[0, 0] : f32 from vector<1x1xf32>
    %mul3A_597 = vector.broadcast %get3A_588 : f32 to vector<8x1000xf32>
    %mul3A_598 = arith.mulf %sub3A_5, %mul3A_597 : vector<8x1000xf32>
    %add3A_599 = vector.broadcast %get3A_592 : f32 to vector<8x1000xf32>
    %add3A_600 = arith.addf %mul3A_598, %add3A_599 : vector<8x1000xf32>
    %tanh3A_601 = math.tanh %add3A_600 : vector<8x1000xf32>
    %mul3A_602 = vector.broadcast %get3A_596 : f32 to vector<8x1000xf32>
    %mul3A_603 = arith.mulf %mul3A_602, %tanh3A_601 : vector<8x1000xf32>
    %add3A_604 = arith.addf %add3A_584, %mul3A_603 : vector<8x1000xf32>
    %get3A_605 = arith.constant 0 : index
    %get3A_606 = arith.constant 30 : index
    %get3A_607 = vector.load %arg2[%get3A_605, %get3A_606] : memref<4x64xf32, #tpu.memory_space<vmem>>, vector<1x1xf32>
    %get3A_608 = vector.extract %get3A_607[0, 0] : f32 from vector<1x1xf32>
    %get3A_609 = arith.constant 1 : index
    %get3A_610 = arith.constant 30 : index
    %get3A_611 = vector.load %arg2[%get3A_609, %get3A_610] : memref<4x64xf32, #tpu.memory_space<vmem>>, vector<1x1xf32>
    %get3A_612 = vector.extract %get3A_611[0, 0] : f32 from vector<1x1xf32>
    %get3A_613 = arith.constant 2 : index
    %get3A_614 = arith.constant 30 : index
    %get3A_615 = vector.load %arg2[%get3A_613, %get3A_614] : memref<4x64xf32, #tpu.memory_space<vmem>>, vector<1x1xf32>
    %get3A_616 = vector.extract %get3A_615[0, 0] : f32 from vector<1x1xf32>
    %mul3A_617 = vector.broadcast %get3A_608 : f32 to vector<8x1000xf32>
    %mul3A_618 = arith.mulf %sub3A_5, %mul3A_617 : vector<8x1000xf32>
    %add3A_619 = vector.broadcast %get3A_612 : f32 to vector<8x1000xf32>
    %add3A_620 = arith.addf %mul3A_618, %add3A_619 : vector<8x1000xf32>
    %tanh3A_621 = math.tanh %add3A_620 : vector<8x1000xf32>
    %mul3A_622 = vector.broadcast %get3A_616 : f32 to vector<8x1000xf32>
    %mul3A_623 = arith.mulf %mul3A_622, %tanh3A_621 : vector<8x1000xf32>
    %add3A_624 = arith.addf %add3A_604, %mul3A_623 : vector<8x1000xf32>
    %get3A_625 = arith.constant 0 : index
    %get3A_626 = arith.constant 31 : index
    %get3A_627 = vector.load %arg2[%get3A_625, %get3A_626] : memref<4x64xf32, #tpu.memory_space<vmem>>, vector<1x1xf32>
    %get3A_628 = vector.extract %get3A_627[0, 0] : f32 from vector<1x1xf32>
    %get3A_629 = arith.constant 1 : index
    %get3A_630 = arith.constant 31 : index
    %get3A_631 = vector.load %arg2[%get3A_629, %get3A_630] : memref<4x64xf32, #tpu.memory_space<vmem>>, vector<1x1xf32>
    %get3A_632 = vector.extract %get3A_631[0, 0] : f32 from vector<1x1xf32>
    %get3A_633 = arith.constant 2 : index
    %get3A_634 = arith.constant 31 : index
    %get3A_635 = vector.load %arg2[%get3A_633, %get3A_634] : memref<4x64xf32, #tpu.memory_space<vmem>>, vector<1x1xf32>
    %get3A_636 = vector.extract %get3A_635[0, 0] : f32 from vector<1x1xf32>
    %mul3A_637 = vector.broadcast %get3A_628 : f32 to vector<8x1000xf32>
    %mul3A_638 = arith.mulf %sub3A_5, %mul3A_637 : vector<8x1000xf32>
    %add3A_639 = vector.broadcast %get3A_632 : f32 to vector<8x1000xf32>
    %add3A_640 = arith.addf %mul3A_638, %add3A_639 : vector<8x1000xf32>
    %tanh3A_641 = math.tanh %add3A_640 : vector<8x1000xf32>
    %mul3A_642 = vector.broadcast %get3A_636 : f32 to vector<8x1000xf32>
    %mul3A_643 = arith.mulf %mul3A_642, %tanh3A_641 : vector<8x1000xf32>
    %add3A_644 = arith.addf %add3A_624, %mul3A_643 : vector<8x1000xf32>
    %get3A_645 = arith.constant 0 : index
    %get3A_646 = arith.constant 32 : index
    %get3A_647 = vector.load %arg2[%get3A_645, %get3A_646] : memref<4x64xf32, #tpu.memory_space<vmem>>, vector<1x1xf32>
    %get3A_648 = vector.extract %get3A_647[0, 0] : f32 from vector<1x1xf32>
    %get3A_649 = arith.constant 1 : index
    %get3A_650 = arith.constant 32 : index
    %get3A_651 = vector.load %arg2[%get3A_649, %get3A_650] : memref<4x64xf32, #tpu.memory_space<vmem>>, vector<1x1xf32>
    %get3A_652 = vector.extract %get3A_651[0, 0] : f32 from vector<1x1xf32>
    %get3A_653 = arith.constant 2 : index
    %get3A_654 = arith.constant 32 : index
    %get3A_655 = vector.load %arg2[%get3A_653, %get3A_654] : memref<4x64xf32, #tpu.memory_space<vmem>>, vector<1x1xf32>
    %get3A_656 = vector.extract %get3A_655[0, 0] : f32 from vector<1x1xf32>
    %mul3A_657 = vector.broadcast %get3A_648 : f32 to vector<8x1000xf32>
    %mul3A_658 = arith.mulf %sub3A_5, %mul3A_657 : vector<8x1000xf32>
    %add3A_659 = vector.broadcast %get3A_652 : f32 to vector<8x1000xf32>
    %add3A_660 = arith.addf %mul3A_658, %add3A_659 : vector<8x1000xf32>
    %tanh3A_661 = math.tanh %add3A_660 : vector<8x1000xf32>
    %mul3A_662 = vector.broadcast %get3A_656 : f32 to vector<8x1000xf32>
    %mul3A_663 = arith.mulf %mul3A_662, %tanh3A_661 : vector<8x1000xf32>
    %add3A_664 = arith.addf %add3A_644, %mul3A_663 : vector<8x1000xf32>
    %get3A_665 = arith.constant 0 : index
    %get3A_666 = arith.constant 33 : index
    %get3A_667 = vector.load %arg2[%get3A_665, %get3A_666] : memref<4x64xf32, #tpu.memory_space<vmem>>, vector<1x1xf32>
    %get3A_668 = vector.extract %get3A_667[0, 0] : f32 from vector<1x1xf32>
    %get3A_669 = arith.constant 1 : index
    %get3A_670 = arith.constant 33 : index
    %get3A_671 = vector.load %arg2[%get3A_669, %get3A_670] : memref<4x64xf32, #tpu.memory_space<vmem>>, vector<1x1xf32>
    %get3A_672 = vector.extract %get3A_671[0, 0] : f32 from vector<1x1xf32>
    %get3A_673 = arith.constant 2 : index
    %get3A_674 = arith.constant 33 : index
    %get3A_675 = vector.load %arg2[%get3A_673, %get3A_674] : memref<4x64xf32, #tpu.memory_space<vmem>>, vector<1x1xf32>
    %get3A_676 = vector.extract %get3A_675[0, 0] : f32 from vector<1x1xf32>
    %mul3A_677 = vector.broadcast %get3A_668 : f32 to vector<8x1000xf32>
    %mul3A_678 = arith.mulf %sub3A_5, %mul3A_677 : vector<8x1000xf32>
    %add3A_679 = vector.broadcast %get3A_672 : f32 to vector<8x1000xf32>
    %add3A_680 = arith.addf %mul3A_678, %add3A_679 : vector<8x1000xf32>
    %tanh3A_681 = math.tanh %add3A_680 : vector<8x1000xf32>
    %mul3A_682 = vector.broadcast %get3A_676 : f32 to vector<8x1000xf32>
    %mul3A_683 = arith.mulf %mul3A_682, %tanh3A_681 : vector<8x1000xf32>
    %add3A_684 = arith.addf %add3A_664, %mul3A_683 : vector<8x1000xf32>
    %get3A_685 = arith.constant 0 : index
    %get3A_686 = arith.constant 34 : index
    %get3A_687 = vector.load %arg2[%get3A_685, %get3A_686] : memref<4x64xf32, #tpu.memory_space<vmem>>, vector<1x1xf32>
    %get3A_688 = vector.extract %get3A_687[0, 0] : f32 from vector<1x1xf32>
    %get3A_689 = arith.constant 1 : index
    %get3A_690 = arith.constant 34 : index
    %get3A_691 = vector.load %arg2[%get3A_689, %get3A_690] : memref<4x64xf32, #tpu.memory_space<vmem>>, vector<1x1xf32>
    %get3A_692 = vector.extract %get3A_691[0, 0] : f32 from vector<1x1xf32>
    %get3A_693 = arith.constant 2 : index
    %get3A_694 = arith.constant 34 : index
    %get3A_695 = vector.load %arg2[%get3A_693, %get3A_694] : memref<4x64xf32, #tpu.memory_space<vmem>>, vector<1x1xf32>
    %get3A_696 = vector.extract %get3A_695[0, 0] : f32 from vector<1x1xf32>
    %mul3A_697 = vector.broadcast %get3A_688 : f32 to vector<8x1000xf32>
    %mul3A_698 = arith.mulf %sub3A_5, %mul3A_697 : vector<8x1000xf32>
    %add3A_699 = vector.broadcast %get3A_692 : f32 to vector<8x1000xf32>
    %add3A_700 = arith.addf %mul3A_698, %add3A_699 : vector<8x1000xf32>
    %tanh3A_701 = math.tanh %add3A_700 : vector<8x1000xf32>
    %mul3A_702 = vector.broadcast %get3A_696 : f32 to vector<8x1000xf32>
    %mul3A_703 = arith.mulf %mul3A_702, %tanh3A_701 : vector<8x1000xf32>
    %add3A_704 = arith.addf %add3A_684, %mul3A_703 : vector<8x1000xf32>
    %get3A_705 = arith.constant 0 : index
    %get3A_706 = arith.constant 35 : index
    %get3A_707 = vector.load %arg2[%get3A_705, %get3A_706] : memref<4x64xf32, #tpu.memory_space<vmem>>, vector<1x1xf32>
    %get3A_708 = vector.extract %get3A_707[0, 0] : f32 from vector<1x1xf32>
    %get3A_709 = arith.constant 1 : index
    %get3A_710 = arith.constant 35 : index
    %get3A_711 = vector.load %arg2[%get3A_709, %get3A_710] : memref<4x64xf32, #tpu.memory_space<vmem>>, vector<1x1xf32>
    %get3A_712 = vector.extract %get3A_711[0, 0] : f32 from vector<1x1xf32>
    %get3A_713 = arith.constant 2 : index
    %get3A_714 = arith.constant 35 : index
    %get3A_715 = vector.load %arg2[%get3A_713, %get3A_714] : memref<4x64xf32, #tpu.memory_space<vmem>>, vector<1x1xf32>
    %get3A_716 = vector.extract %get3A_715[0, 0] : f32 from vector<1x1xf32>
    %mul3A_717 = vector.broadcast %get3A_708 : f32 to vector<8x1000xf32>
    %mul3A_718 = arith.mulf %sub3A_5, %mul3A_717 : vector<8x1000xf32>
    %add3A_719 = vector.broadcast %get3A_712 : f32 to vector<8x1000xf32>
    %add3A_720 = arith.addf %mul3A_718, %add3A_719 : vector<8x1000xf32>
    %tanh3A_721 = math.tanh %add3A_720 : vector<8x1000xf32>
    %mul3A_722 = vector.broadcast %get3A_716 : f32 to vector<8x1000xf32>
    %mul3A_723 = arith.mulf %mul3A_722, %tanh3A_721 : vector<8x1000xf32>
    %add3A_724 = arith.addf %add3A_704, %mul3A_723 : vector<8x1000xf32>
    %get3A_725 = arith.constant 0 : index
    %get3A_726 = arith.constant 36 : index
    %get3A_727 = vector.load %arg2[%get3A_725, %get3A_726] : memref<4x64xf32, #tpu.memory_space<vmem>>, vector<1x1xf32>
    %get3A_728 = vector.extract %get3A_727[0, 0] : f32 from vector<1x1xf32>
    %get3A_729 = arith.constant 1 : index
    %get3A_730 = arith.constant 36 : index
    %get3A_731 = vector.load %arg2[%get3A_729, %get3A_730] : memref<4x64xf32, #tpu.memory_space<vmem>>, vector<1x1xf32>
    %get3A_732 = vector.extract %get3A_731[0, 0] : f32 from vector<1x1xf32>
    %get3A_733 = arith.constant 2 : index
    %get3A_734 = arith.constant 36 : index
    %get3A_735 = vector.load %arg2[%get3A_733, %get3A_734] : memref<4x64xf32, #tpu.memory_space<vmem>>, vector<1x1xf32>
    %get3A_736 = vector.extract %get3A_735[0, 0] : f32 from vector<1x1xf32>
    %mul3A_737 = vector.broadcast %get3A_728 : f32 to vector<8x1000xf32>
    %mul3A_738 = arith.mulf %sub3A_5, %mul3A_737 : vector<8x1000xf32>
    %add3A_739 = vector.broadcast %get3A_732 : f32 to vector<8x1000xf32>
    %add3A_740 = arith.addf %mul3A_738, %add3A_739 : vector<8x1000xf32>
    %tanh3A_741 = math.tanh %add3A_740 : vector<8x1000xf32>
    %mul3A_742 = vector.broadcast %get3A_736 : f32 to vector<8x1000xf32>
    %mul3A_743 = arith.mulf %mul3A_742, %tanh3A_741 : vector<8x1000xf32>
    %add3A_744 = arith.addf %add3A_724, %mul3A_743 : vector<8x1000xf32>
    %get3A_745 = arith.constant 0 : index
    %get3A_746 = arith.constant 37 : index
    %get3A_747 = vector.load %arg2[%get3A_745, %get3A_746] : memref<4x64xf32, #tpu.memory_space<vmem>>, vector<1x1xf32>
    %get3A_748 = vector.extract %get3A_747[0, 0] : f32 from vector<1x1xf32>
    %get3A_749 = arith.constant 1 : index
    %get3A_750 = arith.constant 37 : index
    %get3A_751 = vector.load %arg2[%get3A_749, %get3A_750] : memref<4x64xf32, #tpu.memory_space<vmem>>, vector<1x1xf32>
    %get3A_752 = vector.extract %get3A_751[0, 0] : f32 from vector<1x1xf32>
    %get3A_753 = arith.constant 2 : index
    %get3A_754 = arith.constant 37 : index
    %get3A_755 = vector.load %arg2[%get3A_753, %get3A_754] : memref<4x64xf32, #tpu.memory_space<vmem>>, vector<1x1xf32>
    %get3A_756 = vector.extract %get3A_755[0, 0] : f32 from vector<1x1xf32>
    %mul3A_757 = vector.broadcast %get3A_748 : f32 to vector<8x1000xf32>
    %mul3A_758 = arith.mulf %sub3A_5, %mul3A_757 : vector<8x1000xf32>
    %add3A_759 = vector.broadcast %get3A_752 : f32 to vector<8x1000xf32>
    %add3A_760 = arith.addf %mul3A_758, %add3A_759 : vector<8x1000xf32>
    %tanh3A_761 = math.tanh %add3A_760 : vector<8x1000xf32>
    %mul3A_762 = vector.broadcast %get3A_756 : f32 to vector<8x1000xf32>
    %mul3A_763 = arith.mulf %mul3A_762, %tanh3A_761 : vector<8x1000xf32>
    %add3A_764 = arith.addf %add3A_744, %mul3A_763 : vector<8x1000xf32>
    %get3A_765 = arith.constant 0 : index
    %get3A_766 = arith.constant 38 : index
    %get3A_767 = vector.load %arg2[%get3A_765, %get3A_766] : memref<4x64xf32, #tpu.memory_space<vmem>>, vector<1x1xf32>
    %get3A_768 = vector.extract %get3A_767[0, 0] : f32 from vector<1x1xf32>
    %get3A_769 = arith.constant 1 : index
    %get3A_770 = arith.constant 38 : index
    %get3A_771 = vector.load %arg2[%get3A_769, %get3A_770] : memref<4x64xf32, #tpu.memory_space<vmem>>, vector<1x1xf32>
    %get3A_772 = vector.extract %get3A_771[0, 0] : f32 from vector<1x1xf32>
    %get3A_773 = arith.constant 2 : index
    %get3A_774 = arith.constant 38 : index
    %get3A_775 = vector.load %arg2[%get3A_773, %get3A_774] : memref<4x64xf32, #tpu.memory_space<vmem>>, vector<1x1xf32>
    %get3A_776 = vector.extract %get3A_775[0, 0] : f32 from vector<1x1xf32>
    %mul3A_777 = vector.broadcast %get3A_768 : f32 to vector<8x1000xf32>
    %mul3A_778 = arith.mulf %sub3A_5, %mul3A_777 : vector<8x1000xf32>
    %add3A_779 = vector.broadcast %get3A_772 : f32 to vector<8x1000xf32>
    %add3A_780 = arith.addf %mul3A_778, %add3A_779 : vector<8x1000xf32>
    %tanh3A_781 = math.tanh %add3A_780 : vector<8x1000xf32>
    %mul3A_782 = vector.broadcast %get3A_776 : f32 to vector<8x1000xf32>
    %mul3A_783 = arith.mulf %mul3A_782, %tanh3A_781 : vector<8x1000xf32>
    %add3A_784 = arith.addf %add3A_764, %mul3A_783 : vector<8x1000xf32>
    %get3A_785 = arith.constant 0 : index
    %get3A_786 = arith.constant 39 : index
    %get3A_787 = vector.load %arg2[%get3A_785, %get3A_786] : memref<4x64xf32, #tpu.memory_space<vmem>>, vector<1x1xf32>
    %get3A_788 = vector.extract %get3A_787[0, 0] : f32 from vector<1x1xf32>
    %get3A_789 = arith.constant 1 : index
    %get3A_790 = arith.constant 39 : index
    %get3A_791 = vector.load %arg2[%get3A_789, %get3A_790] : memref<4x64xf32, #tpu.memory_space<vmem>>, vector<1x1xf32>
    %get3A_792 = vector.extract %get3A_791[0, 0] : f32 from vector<1x1xf32>
    %get3A_793 = arith.constant 2 : index
    %get3A_794 = arith.constant 39 : index
    %get3A_795 = vector.load %arg2[%get3A_793, %get3A_794] : memref<4x64xf32, #tpu.memory_space<vmem>>, vector<1x1xf32>
    %get3A_796 = vector.extract %get3A_795[0, 0] : f32 from vector<1x1xf32>
    %mul3A_797 = vector.broadcast %get3A_788 : f32 to vector<8x1000xf32>
    %mul3A_798 = arith.mulf %sub3A_5, %mul3A_797 : vector<8x1000xf32>
    %add3A_799 = vector.broadcast %get3A_792 : f32 to vector<8x1000xf32>
    %add3A_800 = arith.addf %mul3A_798, %add3A_799 : vector<8x1000xf32>
    %tanh3A_801 = math.tanh %add3A_800 : vector<8x1000xf32>
    %mul3A_802 = vector.broadcast %get3A_796 : f32 to vector<8x1000xf32>
    %mul3A_803 = arith.mulf %mul3A_802, %tanh3A_801 : vector<8x1000xf32>
    %add3A_804 = arith.addf %add3A_784, %mul3A_803 : vector<8x1000xf32>
    %get3A_805 = arith.constant 0 : index
    %get3A_806 = arith.constant 40 : index
    %get3A_807 = vector.load %arg2[%get3A_805, %get3A_806] : memref<4x64xf32, #tpu.memory_space<vmem>>, vector<1x1xf32>
    %get3A_808 = vector.extract %get3A_807[0, 0] : f32 from vector<1x1xf32>
    %get3A_809 = arith.constant 1 : index
    %get3A_810 = arith.constant 40 : index
    %get3A_811 = vector.load %arg2[%get3A_809, %get3A_810] : memref<4x64xf32, #tpu.memory_space<vmem>>, vector<1x1xf32>
    %get3A_812 = vector.extract %get3A_811[0, 0] : f32 from vector<1x1xf32>
    %get3A_813 = arith.constant 2 : index
    %get3A_814 = arith.constant 40 : index
    %get3A_815 = vector.load %arg2[%get3A_813, %get3A_814] : memref<4x64xf32, #tpu.memory_space<vmem>>, vector<1x1xf32>
    %get3A_816 = vector.extract %get3A_815[0, 0] : f32 from vector<1x1xf32>
    %mul3A_817 = vector.broadcast %get3A_808 : f32 to vector<8x1000xf32>
    %mul3A_818 = arith.mulf %sub3A_5, %mul3A_817 : vector<8x1000xf32>
    %add3A_819 = vector.broadcast %get3A_812 : f32 to vector<8x1000xf32>
    %add3A_820 = arith.addf %mul3A_818, %add3A_819 : vector<8x1000xf32>
    %tanh3A_821 = math.tanh %add3A_820 : vector<8x1000xf32>
    %mul3A_822 = vector.broadcast %get3A_816 : f32 to vector<8x1000xf32>
    %mul3A_823 = arith.mulf %mul3A_822, %tanh3A_821 : vector<8x1000xf32>
    %add3A_824 = arith.addf %add3A_804, %mul3A_823 : vector<8x1000xf32>
    %get3A_825 = arith.constant 0 : index
    %get3A_826 = arith.constant 41 : index
    %get3A_827 = vector.load %arg2[%get3A_825, %get3A_826] : memref<4x64xf32, #tpu.memory_space<vmem>>, vector<1x1xf32>
    %get3A_828 = vector.extract %get3A_827[0, 0] : f32 from vector<1x1xf32>
    %get3A_829 = arith.constant 1 : index
    %get3A_830 = arith.constant 41 : index
    %get3A_831 = vector.load %arg2[%get3A_829, %get3A_830] : memref<4x64xf32, #tpu.memory_space<vmem>>, vector<1x1xf32>
    %get3A_832 = vector.extract %get3A_831[0, 0] : f32 from vector<1x1xf32>
    %get3A_833 = arith.constant 2 : index
    %get3A_834 = arith.constant 41 : index
    %get3A_835 = vector.load %arg2[%get3A_833, %get3A_834] : memref<4x64xf32, #tpu.memory_space<vmem>>, vector<1x1xf32>
    %get3A_836 = vector.extract %get3A_835[0, 0] : f32 from vector<1x1xf32>
    %mul3A_837 = vector.broadcast %get3A_828 : f32 to vector<8x1000xf32>
    %mul3A_838 = arith.mulf %sub3A_5, %mul3A_837 : vector<8x1000xf32>
    %add3A_839 = vector.broadcast %get3A_832 : f32 to vector<8x1000xf32>
    %add3A_840 = arith.addf %mul3A_838, %add3A_839 : vector<8x1000xf32>
    %tanh3A_841 = math.tanh %add3A_840 : vector<8x1000xf32>
    %mul3A_842 = vector.broadcast %get3A_836 : f32 to vector<8x1000xf32>
    %mul3A_843 = arith.mulf %mul3A_842, %tanh3A_841 : vector<8x1000xf32>
    %add3A_844 = arith.addf %add3A_824, %mul3A_843 : vector<8x1000xf32>
    %get3A_845 = arith.constant 0 : index
    %get3A_846 = arith.constant 42 : index
    %get3A_847 = vector.load %arg2[%get3A_845, %get3A_846] : memref<4x64xf32, #tpu.memory_space<vmem>>, vector<1x1xf32>
    %get3A_848 = vector.extract %get3A_847[0, 0] : f32 from vector<1x1xf32>
    %get3A_849 = arith.constant 1 : index
    %get3A_850 = arith.constant 42 : index
    %get3A_851 = vector.load %arg2[%get3A_849, %get3A_850] : memref<4x64xf32, #tpu.memory_space<vmem>>, vector<1x1xf32>
    %get3A_852 = vector.extract %get3A_851[0, 0] : f32 from vector<1x1xf32>
    %get3A_853 = arith.constant 2 : index
    %get3A_854 = arith.constant 42 : index
    %get3A_855 = vector.load %arg2[%get3A_853, %get3A_854] : memref<4x64xf32, #tpu.memory_space<vmem>>, vector<1x1xf32>
    %get3A_856 = vector.extract %get3A_855[0, 0] : f32 from vector<1x1xf32>
    %mul3A_857 = vector.broadcast %get3A_848 : f32 to vector<8x1000xf32>
    %mul3A_858 = arith.mulf %sub3A_5, %mul3A_857 : vector<8x1000xf32>
    %add3A_859 = vector.broadcast %get3A_852 : f32 to vector<8x1000xf32>
    %add3A_860 = arith.addf %mul3A_858, %add3A_859 : vector<8x1000xf32>
    %tanh3A_861 = math.tanh %add3A_860 : vector<8x1000xf32>
    %mul3A_862 = vector.broadcast %get3A_856 : f32 to vector<8x1000xf32>
    %mul3A_863 = arith.mulf %mul3A_862, %tanh3A_861 : vector<8x1000xf32>
    %add3A_864 = arith.addf %add3A_844, %mul3A_863 : vector<8x1000xf32>
    %get3A_865 = arith.constant 0 : index
    %get3A_866 = arith.constant 43 : index
    %get3A_867 = vector.load %arg2[%get3A_865, %get3A_866] : memref<4x64xf32, #tpu.memory_space<vmem>>, vector<1x1xf32>
    %get3A_868 = vector.extract %get3A_867[0, 0] : f32 from vector<1x1xf32>
    %get3A_869 = arith.constant 1 : index
    %get3A_870 = arith.constant 43 : index
    %get3A_871 = vector.load %arg2[%get3A_869, %get3A_870] : memref<4x64xf32, #tpu.memory_space<vmem>>, vector<1x1xf32>
    %get3A_872 = vector.extract %get3A_871[0, 0] : f32 from vector<1x1xf32>
    %get3A_873 = arith.constant 2 : index
    %get3A_874 = arith.constant 43 : index
    %get3A_875 = vector.load %arg2[%get3A_873, %get3A_874] : memref<4x64xf32, #tpu.memory_space<vmem>>, vector<1x1xf32>
    %get3A_876 = vector.extract %get3A_875[0, 0] : f32 from vector<1x1xf32>
    %mul3A_877 = vector.broadcast %get3A_868 : f32 to vector<8x1000xf32>
    %mul3A_878 = arith.mulf %sub3A_5, %mul3A_877 : vector<8x1000xf32>
    %add3A_879 = vector.broadcast %get3A_872 : f32 to vector<8x1000xf32>
    %add3A_880 = arith.addf %mul3A_878, %add3A_879 : vector<8x1000xf32>
    %tanh3A_881 = math.tanh %add3A_880 : vector<8x1000xf32>
    %mul3A_882 = vector.broadcast %get3A_876 : f32 to vector<8x1000xf32>
    %mul3A_883 = arith.mulf %mul3A_882, %tanh3A_881 : vector<8x1000xf32>
    %add3A_884 = arith.addf %add3A_864, %mul3A_883 : vector<8x1000xf32>
    %get3A_885 = arith.constant 0 : index
    %get3A_886 = arith.constant 44 : index
    %get3A_887 = vector.load %arg2[%get3A_885, %get3A_886] : memref<4x64xf32, #tpu.memory_space<vmem>>, vector<1x1xf32>
    %get3A_888 = vector.extract %get3A_887[0, 0] : f32 from vector<1x1xf32>
    %get3A_889 = arith.constant 1 : index
    %get3A_890 = arith.constant 44 : index
    %get3A_891 = vector.load %arg2[%get3A_889, %get3A_890] : memref<4x64xf32, #tpu.memory_space<vmem>>, vector<1x1xf32>
    %get3A_892 = vector.extract %get3A_891[0, 0] : f32 from vector<1x1xf32>
    %get3A_893 = arith.constant 2 : index
    %get3A_894 = arith.constant 44 : index
    %get3A_895 = vector.load %arg2[%get3A_893, %get3A_894] : memref<4x64xf32, #tpu.memory_space<vmem>>, vector<1x1xf32>
    %get3A_896 = vector.extract %get3A_895[0, 0] : f32 from vector<1x1xf32>
    %mul3A_897 = vector.broadcast %get3A_888 : f32 to vector<8x1000xf32>
    %mul3A_898 = arith.mulf %sub3A_5, %mul3A_897 : vector<8x1000xf32>
    %add3A_899 = vector.broadcast %get3A_892 : f32 to vector<8x1000xf32>
    %add3A_900 = arith.addf %mul3A_898, %add3A_899 : vector<8x1000xf32>
    %tanh3A_901 = math.tanh %add3A_900 : vector<8x1000xf32>
    %mul3A_902 = vector.broadcast %get3A_896 : f32 to vector<8x1000xf32>
    %mul3A_903 = arith.mulf %mul3A_902, %tanh3A_901 : vector<8x1000xf32>
    %add3A_904 = arith.addf %add3A_884, %mul3A_903 : vector<8x1000xf32>
    %get3A_905 = arith.constant 0 : index
    %get3A_906 = arith.constant 45 : index
    %get3A_907 = vector.load %arg2[%get3A_905, %get3A_906] : memref<4x64xf32, #tpu.memory_space<vmem>>, vector<1x1xf32>
    %get3A_908 = vector.extract %get3A_907[0, 0] : f32 from vector<1x1xf32>
    %get3A_909 = arith.constant 1 : index
    %get3A_910 = arith.constant 45 : index
    %get3A_911 = vector.load %arg2[%get3A_909, %get3A_910] : memref<4x64xf32, #tpu.memory_space<vmem>>, vector<1x1xf32>
    %get3A_912 = vector.extract %get3A_911[0, 0] : f32 from vector<1x1xf32>
    %get3A_913 = arith.constant 2 : index
    %get3A_914 = arith.constant 45 : index
    %get3A_915 = vector.load %arg2[%get3A_913, %get3A_914] : memref<4x64xf32, #tpu.memory_space<vmem>>, vector<1x1xf32>
    %get3A_916 = vector.extract %get3A_915[0, 0] : f32 from vector<1x1xf32>
    %mul3A_917 = vector.broadcast %get3A_908 : f32 to vector<8x1000xf32>
    %mul3A_918 = arith.mulf %sub3A_5, %mul3A_917 : vector<8x1000xf32>
    %add3A_919 = vector.broadcast %get3A_912 : f32 to vector<8x1000xf32>
    %add3A_920 = arith.addf %mul3A_918, %add3A_919 : vector<8x1000xf32>
    %tanh3A_921 = math.tanh %add3A_920 : vector<8x1000xf32>
    %mul3A_922 = vector.broadcast %get3A_916 : f32 to vector<8x1000xf32>
    %mul3A_923 = arith.mulf %mul3A_922, %tanh3A_921 : vector<8x1000xf32>
    %add3A_924 = arith.addf %add3A_904, %mul3A_923 : vector<8x1000xf32>
    %get3A_925 = arith.constant 0 : index
    %get3A_926 = arith.constant 46 : index
    %get3A_927 = vector.load %arg2[%get3A_925, %get3A_926] : memref<4x64xf32, #tpu.memory_space<vmem>>, vector<1x1xf32>
    %get3A_928 = vector.extract %get3A_927[0, 0] : f32 from vector<1x1xf32>
    %get3A_929 = arith.constant 1 : index
    %get3A_930 = arith.constant 46 : index
    %get3A_931 = vector.load %arg2[%get3A_929, %get3A_930] : memref<4x64xf32, #tpu.memory_space<vmem>>, vector<1x1xf32>
    %get3A_932 = vector.extract %get3A_931[0, 0] : f32 from vector<1x1xf32>
    %get3A_933 = arith.constant 2 : index
    %get3A_934 = arith.constant 46 : index
    %get3A_935 = vector.load %arg2[%get3A_933, %get3A_934] : memref<4x64xf32, #tpu.memory_space<vmem>>, vector<1x1xf32>
    %get3A_936 = vector.extract %get3A_935[0, 0] : f32 from vector<1x1xf32>
    %mul3A_937 = vector.broadcast %get3A_928 : f32 to vector<8x1000xf32>
    %mul3A_938 = arith.mulf %sub3A_5, %mul3A_937 : vector<8x1000xf32>
    %add3A_939 = vector.broadcast %get3A_932 : f32 to vector<8x1000xf32>
    %add3A_940 = arith.addf %mul3A_938, %add3A_939 : vector<8x1000xf32>
    %tanh3A_941 = math.tanh %add3A_940 : vector<8x1000xf32>
    %mul3A_942 = vector.broadcast %get3A_936 : f32 to vector<8x1000xf32>
    %mul3A_943 = arith.mulf %mul3A_942, %tanh3A_941 : vector<8x1000xf32>
    %add3A_944 = arith.addf %add3A_924, %mul3A_943 : vector<8x1000xf32>
    %get3A_945 = arith.constant 0 : index
    %get3A_946 = arith.constant 47 : index
    %get3A_947 = vector.load %arg2[%get3A_945, %get3A_946] : memref<4x64xf32, #tpu.memory_space<vmem>>, vector<1x1xf32>
    %get3A_948 = vector.extract %get3A_947[0, 0] : f32 from vector<1x1xf32>
    %get3A_949 = arith.constant 1 : index
    %get3A_950 = arith.constant 47 : index
    %get3A_951 = vector.load %arg2[%get3A_949, %get3A_950] : memref<4x64xf32, #tpu.memory_space<vmem>>, vector<1x1xf32>
    %get3A_952 = vector.extract %get3A_951[0, 0] : f32 from vector<1x1xf32>
    %get3A_953 = arith.constant 2 : index
    %get3A_954 = arith.constant 47 : index
    %get3A_955 = vector.load %arg2[%get3A_953, %get3A_954] : memref<4x64xf32, #tpu.memory_space<vmem>>, vector<1x1xf32>
    %get3A_956 = vector.extract %get3A_955[0, 0] : f32 from vector<1x1xf32>
    %mul3A_957 = vector.broadcast %get3A_948 : f32 to vector<8x1000xf32>
    %mul3A_958 = arith.mulf %sub3A_5, %mul3A_957 : vector<8x1000xf32>
    %add3A_959 = vector.broadcast %get3A_952 : f32 to vector<8x1000xf32>
    %add3A_960 = arith.addf %mul3A_958, %add3A_959 : vector<8x1000xf32>
    %tanh3A_961 = math.tanh %add3A_960 : vector<8x1000xf32>
    %mul3A_962 = vector.broadcast %get3A_956 : f32 to vector<8x1000xf32>
    %mul3A_963 = arith.mulf %mul3A_962, %tanh3A_961 : vector<8x1000xf32>
    %add3A_964 = arith.addf %add3A_944, %mul3A_963 : vector<8x1000xf32>
    %get3A_965 = arith.constant 0 : index
    %get3A_966 = arith.constant 48 : index
    %get3A_967 = vector.load %arg2[%get3A_965, %get3A_966] : memref<4x64xf32, #tpu.memory_space<vmem>>, vector<1x1xf32>
    %get3A_968 = vector.extract %get3A_967[0, 0] : f32 from vector<1x1xf32>
    %get3A_969 = arith.constant 1 : index
    %get3A_970 = arith.constant 48 : index
    %get3A_971 = vector.load %arg2[%get3A_969, %get3A_970] : memref<4x64xf32, #tpu.memory_space<vmem>>, vector<1x1xf32>
    %get3A_972 = vector.extract %get3A_971[0, 0] : f32 from vector<1x1xf32>
    %get3A_973 = arith.constant 2 : index
    %get3A_974 = arith.constant 48 : index
    %get3A_975 = vector.load %arg2[%get3A_973, %get3A_974] : memref<4x64xf32, #tpu.memory_space<vmem>>, vector<1x1xf32>
    %get3A_976 = vector.extract %get3A_975[0, 0] : f32 from vector<1x1xf32>
    %mul3A_977 = vector.broadcast %get3A_968 : f32 to vector<8x1000xf32>
    %mul3A_978 = arith.mulf %sub3A_5, %mul3A_977 : vector<8x1000xf32>
    %add3A_979 = vector.broadcast %get3A_972 : f32 to vector<8x1000xf32>
    %add3A_980 = arith.addf %mul3A_978, %add3A_979 : vector<8x1000xf32>
    %tanh3A_981 = math.tanh %add3A_980 : vector<8x1000xf32>
    %mul3A_982 = vector.broadcast %get3A_976 : f32 to vector<8x1000xf32>
    %mul3A_983 = arith.mulf %mul3A_982, %tanh3A_981 : vector<8x1000xf32>
    %add3A_984 = arith.addf %add3A_964, %mul3A_983 : vector<8x1000xf32>
    %get3A_985 = arith.constant 0 : index
    %get3A_986 = arith.constant 49 : index
    %get3A_987 = vector.load %arg2[%get3A_985, %get3A_986] : memref<4x64xf32, #tpu.memory_space<vmem>>, vector<1x1xf32>
    %get3A_988 = vector.extract %get3A_987[0, 0] : f32 from vector<1x1xf32>
    %get3A_989 = arith.constant 1 : index
    %get3A_990 = arith.constant 49 : index
    %get3A_991 = vector.load %arg2[%get3A_989, %get3A_990] : memref<4x64xf32, #tpu.memory_space<vmem>>, vector<1x1xf32>
    %get3A_992 = vector.extract %get3A_991[0, 0] : f32 from vector<1x1xf32>
    %get3A_993 = arith.constant 2 : index
    %get3A_994 = arith.constant 49 : index
    %get3A_995 = vector.load %arg2[%get3A_993, %get3A_994] : memref<4x64xf32, #tpu.memory_space<vmem>>, vector<1x1xf32>
    %get3A_996 = vector.extract %get3A_995[0, 0] : f32 from vector<1x1xf32>
    %mul3A_997 = vector.broadcast %get3A_988 : f32 to vector<8x1000xf32>
    %mul3A_998 = arith.mulf %sub3A_5, %mul3A_997 : vector<8x1000xf32>
    %add3A_999 = vector.broadcast %get3A_992 : f32 to vector<8x1000xf32>
    %add3A_1000 = arith.addf %mul3A_998, %add3A_999 : vector<8x1000xf32>
    %tanh3A_1001 = math.tanh %add3A_1000 : vector<8x1000xf32>
    %mul3A_1002 = vector.broadcast %get3A_996 : f32 to vector<8x1000xf32>
    %mul3A_1003 = arith.mulf %mul3A_1002, %tanh3A_1001 : vector<8x1000xf32>
    %add3A_1004 = arith.addf %add3A_984, %mul3A_1003 : vector<8x1000xf32>
    %get3A_1005 = arith.constant 0 : index
    %get3A_1006 = arith.constant 50 : index
    %get3A_1007 = vector.load %arg2[%get3A_1005, %get3A_1006] : memref<4x64xf32, #tpu.memory_space<vmem>>, vector<1x1xf32>
    %get3A_1008 = vector.extract %get3A_1007[0, 0] : f32 from vector<1x1xf32>
    %get3A_1009 = arith.constant 1 : index
    %get3A_1010 = arith.constant 50 : index
    %get3A_1011 = vector.load %arg2[%get3A_1009, %get3A_1010] : memref<4x64xf32, #tpu.memory_space<vmem>>, vector<1x1xf32>
    %get3A_1012 = vector.extract %get3A_1011[0, 0] : f32 from vector<1x1xf32>
    %get3A_1013 = arith.constant 2 : index
    %get3A_1014 = arith.constant 50 : index
    %get3A_1015 = vector.load %arg2[%get3A_1013, %get3A_1014] : memref<4x64xf32, #tpu.memory_space<vmem>>, vector<1x1xf32>
    %get3A_1016 = vector.extract %get3A_1015[0, 0] : f32 from vector<1x1xf32>
    %mul3A_1017 = vector.broadcast %get3A_1008 : f32 to vector<8x1000xf32>
    %mul3A_1018 = arith.mulf %sub3A_5, %mul3A_1017 : vector<8x1000xf32>
    %add3A_1019 = vector.broadcast %get3A_1012 : f32 to vector<8x1000xf32>
    %add3A_1020 = arith.addf %mul3A_1018, %add3A_1019 : vector<8x1000xf32>
    %tanh3A_1021 = math.tanh %add3A_1020 : vector<8x1000xf32>
    %mul3A_1022 = vector.broadcast %get3A_1016 : f32 to vector<8x1000xf32>
    %mul3A_1023 = arith.mulf %mul3A_1022, %tanh3A_1021 : vector<8x1000xf32>
    %add3A_1024 = arith.addf %add3A_1004, %mul3A_1023 : vector<8x1000xf32>
    %get3A_1025 = arith.constant 0 : index
    %get3A_1026 = arith.constant 51 : index
    %get3A_1027 = vector.load %arg2[%get3A_1025, %get3A_1026] : memref<4x64xf32, #tpu.memory_space<vmem>>, vector<1x1xf32>
    %get3A_1028 = vector.extract %get3A_1027[0, 0] : f32 from vector<1x1xf32>
    %get3A_1029 = arith.constant 1 : index
    %get3A_1030 = arith.constant 51 : index
    %get3A_1031 = vector.load %arg2[%get3A_1029, %get3A_1030] : memref<4x64xf32, #tpu.memory_space<vmem>>, vector<1x1xf32>
    %get3A_1032 = vector.extract %get3A_1031[0, 0] : f32 from vector<1x1xf32>
    %get3A_1033 = arith.constant 2 : index
    %get3A_1034 = arith.constant 51 : index
    %get3A_1035 = vector.load %arg2[%get3A_1033, %get3A_1034] : memref<4x64xf32, #tpu.memory_space<vmem>>, vector<1x1xf32>
    %get3A_1036 = vector.extract %get3A_1035[0, 0] : f32 from vector<1x1xf32>
    %mul3A_1037 = vector.broadcast %get3A_1028 : f32 to vector<8x1000xf32>
    %mul3A_1038 = arith.mulf %sub3A_5, %mul3A_1037 : vector<8x1000xf32>
    %add3A_1039 = vector.broadcast %get3A_1032 : f32 to vector<8x1000xf32>
    %add3A_1040 = arith.addf %mul3A_1038, %add3A_1039 : vector<8x1000xf32>
    %tanh3A_1041 = math.tanh %add3A_1040 : vector<8x1000xf32>
    %mul3A_1042 = vector.broadcast %get3A_1036 : f32 to vector<8x1000xf32>
    %mul3A_1043 = arith.mulf %mul3A_1042, %tanh3A_1041 : vector<8x1000xf32>
    %add3A_1044 = arith.addf %add3A_1024, %mul3A_1043 : vector<8x1000xf32>
    %get3A_1045 = arith.constant 0 : index
    %get3A_1046 = arith.constant 52 : index
    %get3A_1047 = vector.load %arg2[%get3A_1045, %get3A_1046] : memref<4x64xf32, #tpu.memory_space<vmem>>, vector<1x1xf32>
    %get3A_1048 = vector.extract %get3A_1047[0, 0] : f32 from vector<1x1xf32>
    %get3A_1049 = arith.constant 1 : index
    %get3A_1050 = arith.constant 52 : index
    %get3A_1051 = vector.load %arg2[%get3A_1049, %get3A_1050] : memref<4x64xf32, #tpu.memory_space<vmem>>, vector<1x1xf32>
    %get3A_1052 = vector.extract %get3A_1051[0, 0] : f32 from vector<1x1xf32>
    %get3A_1053 = arith.constant 2 : index
    %get3A_1054 = arith.constant 52 : index
    %get3A_1055 = vector.load %arg2[%get3A_1053, %get3A_1054] : memref<4x64xf32, #tpu.memory_space<vmem>>, vector<1x1xf32>
    %get3A_1056 = vector.extract %get3A_1055[0, 0] : f32 from vector<1x1xf32>
    %mul3A_1057 = vector.broadcast %get3A_1048 : f32 to vector<8x1000xf32>
    %mul3A_1058 = arith.mulf %sub3A_5, %mul3A_1057 : vector<8x1000xf32>
    %add3A_1059 = vector.broadcast %get3A_1052 : f32 to vector<8x1000xf32>
    %add3A_1060 = arith.addf %mul3A_1058, %add3A_1059 : vector<8x1000xf32>
    %tanh3A_1061 = math.tanh %add3A_1060 : vector<8x1000xf32>
    %mul3A_1062 = vector.broadcast %get3A_1056 : f32 to vector<8x1000xf32>
    %mul3A_1063 = arith.mulf %mul3A_1062, %tanh3A_1061 : vector<8x1000xf32>
    %add3A_1064 = arith.addf %add3A_1044, %mul3A_1063 : vector<8x1000xf32>
    %get3A_1065 = arith.constant 0 : index
    %get3A_1066 = arith.constant 53 : index
    %get3A_1067 = vector.load %arg2[%get3A_1065, %get3A_1066] : memref<4x64xf32, #tpu.memory_space<vmem>>, vector<1x1xf32>
    %get3A_1068 = vector.extract %get3A_1067[0, 0] : f32 from vector<1x1xf32>
    %get3A_1069 = arith.constant 1 : index
    %get3A_1070 = arith.constant 53 : index
    %get3A_1071 = vector.load %arg2[%get3A_1069, %get3A_1070] : memref<4x64xf32, #tpu.memory_space<vmem>>, vector<1x1xf32>
    %get3A_1072 = vector.extract %get3A_1071[0, 0] : f32 from vector<1x1xf32>
    %get3A_1073 = arith.constant 2 : index
    %get3A_1074 = arith.constant 53 : index
    %get3A_1075 = vector.load %arg2[%get3A_1073, %get3A_1074] : memref<4x64xf32, #tpu.memory_space<vmem>>, vector<1x1xf32>
    %get3A_1076 = vector.extract %get3A_1075[0, 0] : f32 from vector<1x1xf32>
    %mul3A_1077 = vector.broadcast %get3A_1068 : f32 to vector<8x1000xf32>
    %mul3A_1078 = arith.mulf %sub3A_5, %mul3A_1077 : vector<8x1000xf32>
    %add3A_1079 = vector.broadcast %get3A_1072 : f32 to vector<8x1000xf32>
    %add3A_1080 = arith.addf %mul3A_1078, %add3A_1079 : vector<8x1000xf32>
    %tanh3A_1081 = math.tanh %add3A_1080 : vector<8x1000xf32>
    %mul3A_1082 = vector.broadcast %get3A_1076 : f32 to vector<8x1000xf32>
    %mul3A_1083 = arith.mulf %mul3A_1082, %tanh3A_1081 : vector<8x1000xf32>
    %add3A_1084 = arith.addf %add3A_1064, %mul3A_1083 : vector<8x1000xf32>
    %get3A_1085 = arith.constant 0 : index
    %get3A_1086 = arith.constant 54 : index
    %get3A_1087 = vector.load %arg2[%get3A_1085, %get3A_1086] : memref<4x64xf32, #tpu.memory_space<vmem>>, vector<1x1xf32>
    %get3A_1088 = vector.extract %get3A_1087[0, 0] : f32 from vector<1x1xf32>
    %get3A_1089 = arith.constant 1 : index
    %get3A_1090 = arith.constant 54 : index
    %get3A_1091 = vector.load %arg2[%get3A_1089, %get3A_1090] : memref<4x64xf32, #tpu.memory_space<vmem>>, vector<1x1xf32>
    %get3A_1092 = vector.extract %get3A_1091[0, 0] : f32 from vector<1x1xf32>
    %get3A_1093 = arith.constant 2 : index
    %get3A_1094 = arith.constant 54 : index
    %get3A_1095 = vector.load %arg2[%get3A_1093, %get3A_1094] : memref<4x64xf32, #tpu.memory_space<vmem>>, vector<1x1xf32>
    %get3A_1096 = vector.extract %get3A_1095[0, 0] : f32 from vector<1x1xf32>
    %mul3A_1097 = vector.broadcast %get3A_1088 : f32 to vector<8x1000xf32>
    %mul3A_1098 = arith.mulf %sub3A_5, %mul3A_1097 : vector<8x1000xf32>
    %add3A_1099 = vector.broadcast %get3A_1092 : f32 to vector<8x1000xf32>
    %add3A_1100 = arith.addf %mul3A_1098, %add3A_1099 : vector<8x1000xf32>
    %tanh3A_1101 = math.tanh %add3A_1100 : vector<8x1000xf32>
    %mul3A_1102 = vector.broadcast %get3A_1096 : f32 to vector<8x1000xf32>
    %mul3A_1103 = arith.mulf %mul3A_1102, %tanh3A_1101 : vector<8x1000xf32>
    %add3A_1104 = arith.addf %add3A_1084, %mul3A_1103 : vector<8x1000xf32>
    %get3A_1105 = arith.constant 0 : index
    %get3A_1106 = arith.constant 55 : index
    %get3A_1107 = vector.load %arg2[%get3A_1105, %get3A_1106] : memref<4x64xf32, #tpu.memory_space<vmem>>, vector<1x1xf32>
    %get3A_1108 = vector.extract %get3A_1107[0, 0] : f32 from vector<1x1xf32>
    %get3A_1109 = arith.constant 1 : index
    %get3A_1110 = arith.constant 55 : index
    %get3A_1111 = vector.load %arg2[%get3A_1109, %get3A_1110] : memref<4x64xf32, #tpu.memory_space<vmem>>, vector<1x1xf32>
    %get3A_1112 = vector.extract %get3A_1111[0, 0] : f32 from vector<1x1xf32>
    %get3A_1113 = arith.constant 2 : index
    %get3A_1114 = arith.constant 55 : index
    %get3A_1115 = vector.load %arg2[%get3A_1113, %get3A_1114] : memref<4x64xf32, #tpu.memory_space<vmem>>, vector<1x1xf32>
    %get3A_1116 = vector.extract %get3A_1115[0, 0] : f32 from vector<1x1xf32>
    %mul3A_1117 = vector.broadcast %get3A_1108 : f32 to vector<8x1000xf32>
    %mul3A_1118 = arith.mulf %sub3A_5, %mul3A_1117 : vector<8x1000xf32>
    %add3A_1119 = vector.broadcast %get3A_1112 : f32 to vector<8x1000xf32>
    %add3A_1120 = arith.addf %mul3A_1118, %add3A_1119 : vector<8x1000xf32>
    %tanh3A_1121 = math.tanh %add3A_1120 : vector<8x1000xf32>
    %mul3A_1122 = vector.broadcast %get3A_1116 : f32 to vector<8x1000xf32>
    %mul3A_1123 = arith.mulf %mul3A_1122, %tanh3A_1121 : vector<8x1000xf32>
    %add3A_1124 = arith.addf %add3A_1104, %mul3A_1123 : vector<8x1000xf32>
    %get3A_1125 = arith.constant 0 : index
    %get3A_1126 = arith.constant 56 : index
    %get3A_1127 = vector.load %arg2[%get3A_1125, %get3A_1126] : memref<4x64xf32, #tpu.memory_space<vmem>>, vector<1x1xf32>
    %get3A_1128 = vector.extract %get3A_1127[0, 0] : f32 from vector<1x1xf32>
    %get3A_1129 = arith.constant 1 : index
    %get3A_1130 = arith.constant 56 : index
    %get3A_1131 = vector.load %arg2[%get3A_1129, %get3A_1130] : memref<4x64xf32, #tpu.memory_space<vmem>>, vector<1x1xf32>
    %get3A_1132 = vector.extract %get3A_1131[0, 0] : f32 from vector<1x1xf32>
    %get3A_1133 = arith.constant 2 : index
    %get3A_1134 = arith.constant 56 : index
    %get3A_1135 = vector.load %arg2[%get3A_1133, %get3A_1134] : memref<4x64xf32, #tpu.memory_space<vmem>>, vector<1x1xf32>
    %get3A_1136 = vector.extract %get3A_1135[0, 0] : f32 from vector<1x1xf32>
    %mul3A_1137 = vector.broadcast %get3A_1128 : f32 to vector<8x1000xf32>
    %mul3A_1138 = arith.mulf %sub3A_5, %mul3A_1137 : vector<8x1000xf32>
    %add3A_1139 = vector.broadcast %get3A_1132 : f32 to vector<8x1000xf32>
    %add3A_1140 = arith.addf %mul3A_1138, %add3A_1139 : vector<8x1000xf32>
    %tanh3A_1141 = math.tanh %add3A_1140 : vector<8x1000xf32>
    %mul3A_1142 = vector.broadcast %get3A_1136 : f32 to vector<8x1000xf32>
    %mul3A_1143 = arith.mulf %mul3A_1142, %tanh3A_1141 : vector<8x1000xf32>
    %add3A_1144 = arith.addf %add3A_1124, %mul3A_1143 : vector<8x1000xf32>
    %get3A_1145 = arith.constant 0 : index
    %get3A_1146 = arith.constant 57 : index
    %get3A_1147 = vector.load %arg2[%get3A_1145, %get3A_1146] : memref<4x64xf32, #tpu.memory_space<vmem>>, vector<1x1xf32>
    %get3A_1148 = vector.extract %get3A_1147[0, 0] : f32 from vector<1x1xf32>
    %get3A_1149 = arith.constant 1 : index
    %get3A_1150 = arith.constant 57 : index
    %get3A_1151 = vector.load %arg2[%get3A_1149, %get3A_1150] : memref<4x64xf32, #tpu.memory_space<vmem>>, vector<1x1xf32>
    %get3A_1152 = vector.extract %get3A_1151[0, 0] : f32 from vector<1x1xf32>
    %get3A_1153 = arith.constant 2 : index
    %get3A_1154 = arith.constant 57 : index
    %get3A_1155 = vector.load %arg2[%get3A_1153, %get3A_1154] : memref<4x64xf32, #tpu.memory_space<vmem>>, vector<1x1xf32>
    %get3A_1156 = vector.extract %get3A_1155[0, 0] : f32 from vector<1x1xf32>
    %mul3A_1157 = vector.broadcast %get3A_1148 : f32 to vector<8x1000xf32>
    %mul3A_1158 = arith.mulf %sub3A_5, %mul3A_1157 : vector<8x1000xf32>
    %add3A_1159 = vector.broadcast %get3A_1152 : f32 to vector<8x1000xf32>
    %add3A_1160 = arith.addf %mul3A_1158, %add3A_1159 : vector<8x1000xf32>
    %tanh3A_1161 = math.tanh %add3A_1160 : vector<8x1000xf32>
    %mul3A_1162 = vector.broadcast %get3A_1156 : f32 to vector<8x1000xf32>
    %mul3A_1163 = arith.mulf %mul3A_1162, %tanh3A_1161 : vector<8x1000xf32>
    %add3A_1164 = arith.addf %add3A_1144, %mul3A_1163 : vector<8x1000xf32>
    %get3A_1165 = arith.constant 0 : index
    %get3A_1166 = arith.constant 58 : index
    %get3A_1167 = vector.load %arg2[%get3A_1165, %get3A_1166] : memref<4x64xf32, #tpu.memory_space<vmem>>, vector<1x1xf32>
    %get3A_1168 = vector.extract %get3A_1167[0, 0] : f32 from vector<1x1xf32>
    %get3A_1169 = arith.constant 1 : index
    %get3A_1170 = arith.constant 58 : index
    %get3A_1171 = vector.load %arg2[%get3A_1169, %get3A_1170] : memref<4x64xf32, #tpu.memory_space<vmem>>, vector<1x1xf32>
    %get3A_1172 = vector.extract %get3A_1171[0, 0] : f32 from vector<1x1xf32>
    %get3A_1173 = arith.constant 2 : index
    %get3A_1174 = arith.constant 58 : index
    %get3A_1175 = vector.load %arg2[%get3A_1173, %get3A_1174] : memref<4x64xf32, #tpu.memory_space<vmem>>, vector<1x1xf32>
    %get3A_1176 = vector.extract %get3A_1175[0, 0] : f32 from vector<1x1xf32>
    %mul3A_1177 = vector.broadcast %get3A_1168 : f32 to vector<8x1000xf32>
    %mul3A_1178 = arith.mulf %sub3A_5, %mul3A_1177 : vector<8x1000xf32>
    %add3A_1179 = vector.broadcast %get3A_1172 : f32 to vector<8x1000xf32>
    %add3A_1180 = arith.addf %mul3A_1178, %add3A_1179 : vector<8x1000xf32>
    %tanh3A_1181 = math.tanh %add3A_1180 : vector<8x1000xf32>
    %mul3A_1182 = vector.broadcast %get3A_1176 : f32 to vector<8x1000xf32>
    %mul3A_1183 = arith.mulf %mul3A_1182, %tanh3A_1181 : vector<8x1000xf32>
    %add3A_1184 = arith.addf %add3A_1164, %mul3A_1183 : vector<8x1000xf32>
    %get3A_1185 = arith.constant 0 : index
    %get3A_1186 = arith.constant 59 : index
    %get3A_1187 = vector.load %arg2[%get3A_1185, %get3A_1186] : memref<4x64xf32, #tpu.memory_space<vmem>>, vector<1x1xf32>
    %get3A_1188 = vector.extract %get3A_1187[0, 0] : f32 from vector<1x1xf32>
    %get3A_1189 = arith.constant 1 : index
    %get3A_1190 = arith.constant 59 : index
    %get3A_1191 = vector.load %arg2[%get3A_1189, %get3A_1190] : memref<4x64xf32, #tpu.memory_space<vmem>>, vector<1x1xf32>
    %get3A_1192 = vector.extract %get3A_1191[0, 0] : f32 from vector<1x1xf32>
    %get3A_1193 = arith.constant 2 : index
    %get3A_1194 = arith.constant 59 : index
    %get3A_1195 = vector.load %arg2[%get3A_1193, %get3A_1194] : memref<4x64xf32, #tpu.memory_space<vmem>>, vector<1x1xf32>
    %get3A_1196 = vector.extract %get3A_1195[0, 0] : f32 from vector<1x1xf32>
    %mul3A_1197 = vector.broadcast %get3A_1188 : f32 to vector<8x1000xf32>
    %mul3A_1198 = arith.mulf %sub3A_5, %mul3A_1197 : vector<8x1000xf32>
    %add3A_1199 = vector.broadcast %get3A_1192 : f32 to vector<8x1000xf32>
    %add3A_1200 = arith.addf %mul3A_1198, %add3A_1199 : vector<8x1000xf32>
    %tanh3A_1201 = math.tanh %add3A_1200 : vector<8x1000xf32>
    %mul3A_1202 = vector.broadcast %get3A_1196 : f32 to vector<8x1000xf32>
    %mul3A_1203 = arith.mulf %mul3A_1202, %tanh3A_1201 : vector<8x1000xf32>
    %add3A_1204 = arith.addf %add3A_1184, %mul3A_1203 : vector<8x1000xf32>
    %get3A_1205 = arith.constant 0 : index
    %get3A_1206 = arith.constant 60 : index
    %get3A_1207 = vector.load %arg2[%get3A_1205, %get3A_1206] : memref<4x64xf32, #tpu.memory_space<vmem>>, vector<1x1xf32>
    %get3A_1208 = vector.extract %get3A_1207[0, 0] : f32 from vector<1x1xf32>
    %get3A_1209 = arith.constant 1 : index
    %get3A_1210 = arith.constant 60 : index
    %get3A_1211 = vector.load %arg2[%get3A_1209, %get3A_1210] : memref<4x64xf32, #tpu.memory_space<vmem>>, vector<1x1xf32>
    %get3A_1212 = vector.extract %get3A_1211[0, 0] : f32 from vector<1x1xf32>
    %get3A_1213 = arith.constant 2 : index
    %get3A_1214 = arith.constant 60 : index
    %get3A_1215 = vector.load %arg2[%get3A_1213, %get3A_1214] : memref<4x64xf32, #tpu.memory_space<vmem>>, vector<1x1xf32>
    %get3A_1216 = vector.extract %get3A_1215[0, 0] : f32 from vector<1x1xf32>
    %mul3A_1217 = vector.broadcast %get3A_1208 : f32 to vector<8x1000xf32>
    %mul3A_1218 = arith.mulf %sub3A_5, %mul3A_1217 : vector<8x1000xf32>
    %add3A_1219 = vector.broadcast %get3A_1212 : f32 to vector<8x1000xf32>
    %add3A_1220 = arith.addf %mul3A_1218, %add3A_1219 : vector<8x1000xf32>
    %tanh3A_1221 = math.tanh %add3A_1220 : vector<8x1000xf32>
    %mul3A_1222 = vector.broadcast %get3A_1216 : f32 to vector<8x1000xf32>
    %mul3A_1223 = arith.mulf %mul3A_1222, %tanh3A_1221 : vector<8x1000xf32>
    %add3A_1224 = arith.addf %add3A_1204, %mul3A_1223 : vector<8x1000xf32>
    %get3A_1225 = arith.constant 0 : index
    %get3A_1226 = arith.constant 61 : index
    %get3A_1227 = vector.load %arg2[%get3A_1225, %get3A_1226] : memref<4x64xf32, #tpu.memory_space<vmem>>, vector<1x1xf32>
    %get3A_1228 = vector.extract %get3A_1227[0, 0] : f32 from vector<1x1xf32>
    %get3A_1229 = arith.constant 1 : index
    %get3A_1230 = arith.constant 61 : index
    %get3A_1231 = vector.load %arg2[%get3A_1229, %get3A_1230] : memref<4x64xf32, #tpu.memory_space<vmem>>, vector<1x1xf32>
    %get3A_1232 = vector.extract %get3A_1231[0, 0] : f32 from vector<1x1xf32>
    %get3A_1233 = arith.constant 2 : index
    %get3A_1234 = arith.constant 61 : index
    %get3A_1235 = vector.load %arg2[%get3A_1233, %get3A_1234] : memref<4x64xf32, #tpu.memory_space<vmem>>, vector<1x1xf32>
    %get3A_1236 = vector.extract %get3A_1235[0, 0] : f32 from vector<1x1xf32>
    %mul3A_1237 = vector.broadcast %get3A_1228 : f32 to vector<8x1000xf32>
    %mul3A_1238 = arith.mulf %sub3A_5, %mul3A_1237 : vector<8x1000xf32>
    %add3A_1239 = vector.broadcast %get3A_1232 : f32 to vector<8x1000xf32>
    %add3A_1240 = arith.addf %mul3A_1238, %add3A_1239 : vector<8x1000xf32>
    %tanh3A_1241 = math.tanh %add3A_1240 : vector<8x1000xf32>
    %mul3A_1242 = vector.broadcast %get3A_1236 : f32 to vector<8x1000xf32>
    %mul3A_1243 = arith.mulf %mul3A_1242, %tanh3A_1241 : vector<8x1000xf32>
    %add3A_1244 = arith.addf %add3A_1224, %mul3A_1243 : vector<8x1000xf32>
    %get3A_1245 = arith.constant 0 : index
    %get3A_1246 = arith.constant 62 : index
    %get3A_1247 = vector.load %arg2[%get3A_1245, %get3A_1246] : memref<4x64xf32, #tpu.memory_space<vmem>>, vector<1x1xf32>
    %get3A_1248 = vector.extract %get3A_1247[0, 0] : f32 from vector<1x1xf32>
    %get3A_1249 = arith.constant 1 : index
    %get3A_1250 = arith.constant 62 : index
    %get3A_1251 = vector.load %arg2[%get3A_1249, %get3A_1250] : memref<4x64xf32, #tpu.memory_space<vmem>>, vector<1x1xf32>
    %get3A_1252 = vector.extract %get3A_1251[0, 0] : f32 from vector<1x1xf32>
    %get3A_1253 = arith.constant 2 : index
    %get3A_1254 = arith.constant 62 : index
    %get3A_1255 = vector.load %arg2[%get3A_1253, %get3A_1254] : memref<4x64xf32, #tpu.memory_space<vmem>>, vector<1x1xf32>
    %get3A_1256 = vector.extract %get3A_1255[0, 0] : f32 from vector<1x1xf32>
    %mul3A_1257 = vector.broadcast %get3A_1248 : f32 to vector<8x1000xf32>
    %mul3A_1258 = arith.mulf %sub3A_5, %mul3A_1257 : vector<8x1000xf32>
    %add3A_1259 = vector.broadcast %get3A_1252 : f32 to vector<8x1000xf32>
    %add3A_1260 = arith.addf %mul3A_1258, %add3A_1259 : vector<8x1000xf32>
    %tanh3A_1261 = math.tanh %add3A_1260 : vector<8x1000xf32>
    %mul3A_1262 = vector.broadcast %get3A_1256 : f32 to vector<8x1000xf32>
    %mul3A_1263 = arith.mulf %mul3A_1262, %tanh3A_1261 : vector<8x1000xf32>
    %add3A_1264 = arith.addf %add3A_1244, %mul3A_1263 : vector<8x1000xf32>
    %get3A_1265 = arith.constant 0 : index
    %get3A_1266 = arith.constant 63 : index
    %get3A_1267 = vector.load %arg2[%get3A_1265, %get3A_1266] : memref<4x64xf32, #tpu.memory_space<vmem>>, vector<1x1xf32>
    %get3A_1268 = vector.extract %get3A_1267[0, 0] : f32 from vector<1x1xf32>
    %get3A_1269 = arith.constant 1 : index
    %get3A_1270 = arith.constant 63 : index
    %get3A_1271 = vector.load %arg2[%get3A_1269, %get3A_1270] : memref<4x64xf32, #tpu.memory_space<vmem>>, vector<1x1xf32>
    %get3A_1272 = vector.extract %get3A_1271[0, 0] : f32 from vector<1x1xf32>
    %get3A_1273 = arith.constant 2 : index
    %get3A_1274 = arith.constant 63 : index
    %get3A_1275 = vector.load %arg2[%get3A_1273, %get3A_1274] : memref<4x64xf32, #tpu.memory_space<vmem>>, vector<1x1xf32>
    %get3A_1276 = vector.extract %get3A_1275[0, 0] : f32 from vector<1x1xf32>
    %mul3A_1277 = vector.broadcast %get3A_1268 : f32 to vector<8x1000xf32>
    %mul3A_1278 = arith.mulf %sub3A_5, %mul3A_1277 : vector<8x1000xf32>
    %add3A_1279 = vector.broadcast %get3A_1272 : f32 to vector<8x1000xf32>
    %add3A_1280 = arith.addf %mul3A_1278, %add3A_1279 : vector<8x1000xf32>
    %tanh3A_1281 = math.tanh %add3A_1280 : vector<8x1000xf32>
    %mul3A_1282 = vector.broadcast %get3A_1276 : f32 to vector<8x1000xf32>
    %mul3A_1283 = arith.mulf %mul3A_1282, %tanh3A_1281 : vector<8x1000xf32>
    %add3A_1284 = arith.addf %add3A_1264, %mul3A_1283 : vector<8x1000xf32>
    %get3A_1285 = arith.constant 3 : index
    %get3A_1286 = arith.constant 0 : index
    %get3A_1287 = vector.load %arg2[%get3A_1285, %get3A_1286] : memref<4x64xf32, #tpu.memory_space<vmem>>, vector<1x1xf32>
    %get3A_1288 = vector.extract %get3A_1287[0, 0] : f32 from vector<1x1xf32>
    %add3A_1289 = vector.broadcast %get3A_1288 : f32 to vector<8x1000xf32>
    %add3A_1290 = arith.addf %add3A_1284, %add3A_1289 : vector<8x1000xf32>
    %le3A = arith.constant 5.000000e+00 : f32
    %le3A_1291 = vector.broadcast %le3A : f32 to vector<8x1000xf32>
    %le3A_1292 = arith.cmpf ole, %get3A_1, %le3A_1291 : vector<8x1000xf32>
    %mul3A_1293 = arith.constant 0.628318548 : f32
    %mul3A_1294 = vector.broadcast %mul3A_1293 : f32 to vector<8x1000xf32>
    %mul3A_1295 = arith.mulf %get3A_1, %mul3A_1294 : vector<8x1000xf32>
    %cos3A = math.cos %mul3A_1295 : vector<8x1000xf32>
    %add3A_1296 = arith.constant 1.000000e+00 : f32
    %add3A_1297 = vector.broadcast %add3A_1296 : f32 to vector<8x1000xf32>
    %add3A_1298 = arith.addf %cos3A, %add3A_1297 : vector<8x1000xf32>
    %mul3A_1299 = arith.constant 5.000000e-01 : f32
    %mul3A_1300 = vector.broadcast %mul3A_1299 : f32 to vector<8x1000xf32>
    %mul3A_1301 = arith.mulf %mul3A_1300, %add3A_1298 : vector<8x1000xf32>
    %jit3A = arith.constant 0.000000e+00 : f32
    %broadcast_in_dim3A_1302 = vector.broadcast %jit3A : f32 to vector<8x1000xf32>
    %select_n3A = arith.select %le3A_1292, %mul3A_1301, %broadcast_in_dim3A_1302 : vector<8x1000xi1>, vector<8x1000xf32>
    %mul3A_1303 = arith.mulf %add3A_1290, %select_n3A : vector<8x1000xf32>
    %swap3A = arith.constant 0 : index
    %swap3A_1304 = arith.constant 0 : index
    %swap3A_1305 = vector.load %arg3[%swap3A, %swap3A_1304] : memref<8x1000xf32, #tpu.memory_space<vmem>>, vector<8x1000xf32>
    tpu.vector_store %arg3[%swap3A, %swap3A_1304], %mul3A_1303 {strides = array<i32>} : memref<8x1000xf32, #tpu.memory_space<vmem>>, vector<8x1000xf32>,
    return
  }
  func.func @transform_0(%arg0: i32) -> (i32, i32) {
    %c0_i32 = arith.constant 0 : i32
    %c0_i32_0 = arith.constant 0 : i32
    return %arg0, %c0_i32 : i32, i32
  }
  func.func @transform_1(%arg0: i32) -> (i32, i32) {
    %c0_i32 = arith.constant 0 : i32
    %c0_i32_0 = arith.constant 0 : i32
    %c0_i32_1 = arith.constant 0 : i32
    return %c0_i32, %c0_i32_0 : i32, i32
  }
  func.func @transform_2(%arg0: i32) -> (i32, i32) {
    %c0_i32 = arith.constant 0 : i32
    %c0_i32_0 = arith.constant 0 : i32
    return %arg0, %c0_i32 : i32, i32
  }
}

module attributes {stable_mosaic.version = 14 : i64} {
  func.func @_inter_body(%arg0: i32, %arg1: memref<2x1000x128xf32, #tpu.memory_space<vmem>>, %arg2: memref<128x128xf32, #tpu.memory_space<vmem>>, %arg3: memref<1x128xf32, #tpu.memory_space<vmem>>, %arg4: memref<128x128xf32, #tpu.memory_space<vmem>>, %arg5: memref<1x128xf32, #tpu.memory_space<vmem>>, %arg6: memref<1000x128xf32, #tpu.memory_space<vmem>>) attributes {dimension_semantics = [#tpu.dimension_semantics<arbitrary>], iteration_bounds = array<i64: 10>, scalar_prefetch = 0 : i64, scratch_operands = 0 : i64, tpu.core_type = #tpu.core_type<tc>, window_params = [{transform_indices = @transform_0, window_bounds = array<i64: 2, 1000, 128>}, {pipeline_mode = #tpu.pipeline_mode<synchronous>, transform_indices = @transform_1, window_bounds = array<i64: 128, 128>}, {pipeline_mode = #tpu.pipeline_mode<synchronous>, transform_indices = @transform_2, window_bounds = array<i64: 1, 128>}, {pipeline_mode = #tpu.pipeline_mode<synchronous>, transform_indices = @transform_3, window_bounds = array<i64: 128, 128>}, {pipeline_mode = #tpu.pipeline_mode<synchronous>, transform_indices = @transform_4, window_bounds = array<i64: 1, 128>}, {transform_indices = @transform_5, window_bounds = array<i64: 1000, 128>}]} {
    %get3A = arith.constant 0 : index
    %get3A_0 = arith.constant 0 : index
    %get3A_1 = arith.constant 0 : index
    %get3A_2 = vector.load %arg1[%get3A, %get3A_0, %get3A_1] : memref<2x1000x128xf32, #tpu.memory_space<vmem>>, vector<1x1000x128xf32>
    %get3A_3 = vector.shape_cast %get3A_2 : vector<1x1000x128xf32> to vector<1000x128xf32>
    %get3A_4 = arith.constant 1 : index
    %get3A_5 = arith.constant 0 : index
    %get3A_6 = arith.constant 0 : index
    %get3A_7 = vector.load %arg1[%get3A_4, %get3A_5, %get3A_6] : memref<2x1000x128xf32, #tpu.memory_space<vmem>>, vector<1x1000x128xf32>
    %get3A_8 = vector.shape_cast %get3A_7 : vector<1x1000x128xf32> to vector<1000x128xf32>
    %add3A = arith.addf %get3A_3, %get3A_8 : vector<1000x128xf32>
    %get3A_9 = arith.constant 0 : index
    %get3A_10 = arith.constant 0 : index
    %get3A_11 = vector.load %arg2[%get3A_9, %get3A_10] : memref<128x128xf32, #tpu.memory_space<vmem>>, vector<128x128xf32>
    %dot_general3A = arith.constant dense<0.000000e+00> : vector<1000x128xf32>
    %dot_general3A_12 = tpu.matmul %add3A, %get3A_11, %dot_general3A {dimension_numbers = #tpu.dot_dimension_numbers<[1], [0], [0], [1], [0, 0, 1, 1], [], []>, precision = #tpu.contract_precision<fp32>, transpose_lhs_hint = false} : vector<1000x128xf32>, vector<128x128xf32>, vector<1000x128xf32> -> vector<1000x128xf32>
    %get3A_13 = arith.constant 0 : index
    %get3A_14 = arith.constant 0 : index
    %get3A_15 = vector.load %arg3[%get3A_13, %get3A_14] : memref<1x128xf32, #tpu.memory_space<vmem>>, vector<1x128xf32>
    %add3A_16 = vector.broadcast %get3A_15 : vector<1x128xf32> to vector<1000x128xf32>
    %add3A_17 = arith.addf %dot_general3A_12, %add3A_16 : vector<1000x128xf32>
    %max3A = arith.constant 0.000000e+00 : f32
    %max3A_18 = vector.broadcast %max3A : f32 to vector<1000x128xf32>
    %max3A_19 = arith.maximumf %add3A_17, %max3A_18 : vector<1000x128xf32>
    %abs3A = math.absf %add3A_17 : vector<1000x128xf32>
    %neg3A = arith.constant 0.000000e+00 : f32
    %neg3A_20 = vector.broadcast %neg3A : f32 to vector<1000x128xf32>
    %neg3A_21 = arith.subf %neg3A_20, %abs3A : vector<1000x128xf32>
    %exp3A = math.exp %neg3A_21 : vector<1000x128xf32>
    %log1p3A = math.log1p %exp3A : vector<1000x128xf32>
    %add3A_22 = arith.addf %max3A_19, %log1p3A : vector<1000x128xf32>
    %get3A_23 = arith.constant 0 : index
    %get3A_24 = arith.constant 0 : index
    %get3A_25 = vector.load %arg4[%get3A_23, %get3A_24] : memref<128x128xf32, #tpu.memory_space<vmem>>, vector<128x128xf32>
    %dot_general3A_26 = arith.constant dense<0.000000e+00> : vector<1000x128xf32>
    %dot_general3A_27 = tpu.matmul %add3A_22, %get3A_25, %dot_general3A_26 {dimension_numbers = #tpu.dot_dimension_numbers<[1], [0], [0], [1], [0, 0, 1, 1], [], []>, precision = #tpu.contract_precision<fp32>, transpose_lhs_hint = false} : vector<1000x128xf32>, vector<128x128xf32>, vector<1000x128xf32> -> vector<1000x128xf32>
    %get3A_28 = arith.constant 0 : index
    %get3A_29 = arith.constant 0 : index
    %get3A_30 = vector.load %arg5[%get3A_28, %get3A_29] : memref<1x128xf32, #tpu.memory_space<vmem>>, vector<1x128xf32>
    %add3A_31 = vector.broadcast %get3A_30 : vector<1x128xf32> to vector<1000x128xf32>
    %add3A_32 = arith.addf %dot_general3A_27, %add3A_31 : vector<1000x128xf32>
    %swap3A = arith.constant 0 : index
    %swap3A_33 = arith.constant 0 : index
    %swap3A_34 = vector.load %arg6[%swap3A, %swap3A_33] : memref<1000x128xf32, #tpu.memory_space<vmem>>, vector<1000x128xf32>
    tpu.vector_store %arg6[%swap3A, %swap3A_33], %add3A_32 {strides = array<i32>} : memref<1000x128xf32, #tpu.memory_space<vmem>>, vector<1000x128xf32>,
    return
  }
  func.func @transform_0(%arg0: i32) -> (i32, i32, i32) {
    %c0_i32 = arith.constant 0 : i32
    %c0_i32_0 = arith.constant 0 : i32
    %c0_i32_1 = arith.constant 0 : i32
    return %c0_i32, %arg0, %c0_i32_0 : i32, i32, i32
  }
  func.func @transform_1(%arg0: i32) -> (i32, i32) {
    %c0_i32 = arith.constant 0 : i32
    %c0_i32_0 = arith.constant 0 : i32
    %c0_i32_1 = arith.constant 0 : i32
    return %c0_i32, %c0_i32_0 : i32, i32
  }
  func.func @transform_2(%arg0: i32) -> (i32, i32) {
    %c0_i32 = arith.constant 0 : i32
    %c0_i32_0 = arith.constant 0 : i32
    %c0_i32_1 = arith.constant 0 : i32
    return %c0_i32, %c0_i32_0 : i32, i32
  }
  func.func @transform_3(%arg0: i32) -> (i32, i32) {
    %c0_i32 = arith.constant 0 : i32
    %c0_i32_0 = arith.constant 0 : i32
    %c0_i32_1 = arith.constant 0 : i32
    return %c0_i32, %c0_i32_0 : i32, i32
  }
  func.func @transform_4(%arg0: i32) -> (i32, i32) {
    %c0_i32 = arith.constant 0 : i32
    %c0_i32_0 = arith.constant 0 : i32
    %c0_i32_1 = arith.constant 0 : i32
    return %c0_i32, %c0_i32_0 : i32, i32
  }
  func.func @transform_5(%arg0: i32) -> (i32, i32) {
    %c0_i32 = arith.constant 0 : i32
    %c0_i32_0 = arith.constant 0 : i32
    return %arg0, %c0_i32 : i32, i32
  }
}

</mosaic_0001>

<sc_bundles>
// kernel: kernel.5.cloned.1.call-start
scs
__scs_entry_jumppad:
0x0: {  	(pc) =	sbr.rel $0x88, $3  }
0x1: {  	(tag) =	ssettag $0x0;
	lr =	simm.s32 $0x1  }
0x2: {  	[smem:$0x3F96] =	sst lr;
	_ =	strace $0xD0000000  }
0x3: {  	_ = 	snop  }
0x4: {  	_ = 	snop  }
0x5: {  	_ = 	snop  }
0x6: {  	_ = 	snop  }
0x7: {  	_ = 	snop  }
__scs_overlays_trampoline_lowered:
0x8: {  	[smem:$0x3FA5] =	sst s0  }
0x9: {  	[smem:$0x3FA6] =	sst s1  }
0xa: {  	[smem:$0x3FA7] =	sst s2  }
0xb: {  	[smem:$0x3FA8] =	sst s3  }
0xc: {  	[smem:$0x3FA9] =	sst s4  }
0xd: {  	[smem:$0x3FAA] =	sst s5  }
0xe: {  	[smem:$0x3FAB] =	sst s6  }
0xf: {  	[smem:$0x3FAC] =	sst s7  }
0x10: {  	[smem:$0x3FAD] =	sst s8  }
0x11: {  	[smem:$0x3FAE] =	sst s9;
	s0 =	simm.s32 @!p0 $0x0  }
0x12: {  	s1 =	sld [smem:$0x3F94];
	s0 =	simm.s32 @p0 $0x1  }
0x13: {  	[smem:$0x3FAF] =	sst s0;
	s0 =	simm.s32 @!p1 $0x0  }
0x14: {  	s2 =	sld [smem:$0x3F93];
	s0 =	simm.s32 @p1 $0x1  }
0x15: {  	[smem:$0x3FB0] =	sst s0;
	s0 =	simm.s32 @!p2 $0x0  }
0x16: {  	s3 =	sld [smem:$0x3FDB];
	s0 =	simm.s32 @p2 $0x1  }
0x17: {  	s4 =	simm.s32 $0x1BF5;
	[smem:$0x3FB2] =	sst s0  }
0x18: {  	s0 =	sld [smem:$0x3F95];
	_ =	swait.ge [sflag:s4], $0x0  }
0x19: {  	s7 =	sld [smem:$0x3F96]  }
0x1a: {  	s8 =	sadd.s32 $0xFFFFE003, lr  }
0x1b: {  	s9 =	sadd.s32 $0xFFFFFEF7, lr;
	s5 =	simm.s32 $0xFFFFFFFF;
	p2 =	slt.u32 s8, $0xFFFFF086  }
0x1c: {  	p1 =	slt.u32 s9, $0xF7A;
	s5 =	simm.s32 @!p2 $0x0  }
0x1d: {  	s5 =	simm.s32 @p1 $0x1;
	p0 =	seq.s32 s7, s2  }
0x1e: {  	s7 =	smul.u32 @!p0 $0xF7A, s2;
	p2 =	seq.s32 @!p0 s5, $0x0  }
0x1f: {  	s9 =	smul.u32 $0xF7A, s1;
	s8 =	simm.s32 @!p0 $0x1BF5;
	p2 =	por !p2, p0  }
0x20: {  	[sflag:s8] =	ssyncset.s32 @!p0 $0xFFFFF086;
	s6 =	sadd.s32 @!p0 s3, s7;
	s7 =	simm.s32 @!p0 $0x108  }
0x21: {  	s3 =	sadd.s32 s3, s9;
	s6 =	sadd.s32 @!p0 $0x88, s6;
	s7 =	simm.s32 @p2 $0x1082  }
0x22: {  	[simem:s7], [sflag:s8] =	dma.local @!p0 [hbm:s6], $0xF7A  }
0x23: {  	s9 =	sor.u32 $0xD0000000, s2;
	s6 =	simm.s32 $0x108;
	_ =	swait.ge @!p0 [sflag:s8], $0x0  }
0x24: {  	s3 =	sadd.s32 $0x88, s3;
	s6 =	simm.s32 @!p1 $0x1082;
	[sflag:s4] =	ssyncset.s32 $0xFFFFF086  }
0x25: {  	[simem:s6], [sflag:s4] =	dma.local [hbm:s3], $0xF7A  }
0x26: {  	[smem:$0x3F96] =	sst s1;
	(tag) =	ssettag s2;
	_ =	strace s9  }
0x27: {  	s1 =	sld [smem:$0x3FA6]  }
0x28: {  	s2 =	sld [smem:$0x3FA7]  }
0x29: {  	s4 =	sld [smem:$0x3FA9]  }
0x2a: {  	p0 =	seq.s32 s5, $0x0;
	s5 =	sld [smem:$0x3FAA]  }
0x2b: {  	s6 =	sld [smem:$0x3FAB]  }
0x2c: {  	s7 =	sld [smem:$0x3FAC]  }
0x2d: {  	s3 =	simm.s32 $0x108;
	s8 =	sld [smem:$0x3FAD]  }
0x2e: {  	s3 =	simm.s32 @!p0 $0x1082;
	s9 =	sld [smem:$0x3FAE]  }
0x2f: {  	lr =	sadd.s32 s0, s3;
	s0 =	sld [smem:$0x3FA5]  }
0x30: {  	s3 =	sld [smem:$0x3FA8]  }
0x31: {  	[smem:$0x3FB1] =	sst s10  }
0x32: {  	s10 =	sld [smem:$0x3FAF];
	_ =	sdelay $0x3  }
0x33: {  	p0 =	seq.s32 s10, $0x1;
	s10 =	sld [smem:$0x3FB1];
	_ =	sdelay $0x3  }
0x34: {  	[smem:$0x3FB1] =	sst s10  }
0x35: {  	s10 =	sld [smem:$0x3FB0];
	_ =	sdelay $0x3  }
0x36: {  	p1 =	seq.s32 s10, $0x1;
	s10 =	sld [smem:$0x3FB1];
	_ =	sdelay $0x3  }
0x37: {  	[smem:$0x3FB1] =	sst s10  }
0x38: {  	s10 =	sld [smem:$0x3FB2]  }
0x39: {  	_ = 	snop;
	(pc) =	sbr.ind lr, $3  }
0x3a: {  	_ = 	snop  }
0x3b: {  	_ = 	snop  }
0x3c: {  	p2 =	seq.s32 s10, $0x1;
	s10 =	sld [smem:$0x3FB1]  }
0x3d: {  	_ =	shalt  }
0x3e: {  	_ =	shalt  }
0x3f: {  	_ =	shalt  }
0x40: {  	_ =	shalt  }
0x41: {  	_ =	shalt  }
0x42: {  	_ =	shalt  }
0x43: {  	_ =	shalt  }
0x44: {  	_ =	shalt  }
0x45: {  	_ =	shalt  }
0x46: {  	_ =	shalt  }
0x47: {  	_ =	shalt  }
0x48: {  	_ =	shalt  }
0x49: {  	_ =	shalt  }
0x4a: {  	_ =	shalt  }
0x4b: {  	_ =	shalt  }
0x4c: {  	_ =	shalt  }
0x4d: {  	_ =	shalt  }
0x4e: {  	_ =	shalt  }
0x4f: {  	_ =	shalt  }
0x50: {  	_ =	shalt  }
0x51: {  	_ =	shalt  }
0x52: {  	_ =	shalt  }
0x53: {  	_ =	shalt  }
0x54: {  	_ =	shalt  }
0x55: {  	_ =	shalt  }
0x56: {  	_ =	shalt  }
0x57: {  	_ =	shalt  }
0x58: {  	_ =	shalt  }
0x59: {  	_ =	shalt  }
0x5a: {  	_ =	shalt  }
0x5b: {  	_ =	shalt  }
0x5c: {  	_ =	shalt  }
0x5d: {  	_ =	shalt  }
0x5e: {  	_ =	shalt  }
0x5f: {  	_ =	shalt  }
0x60: {  	_ =	shalt  }
0x61: {  	_ =	shalt  }
0x62: {  	_ =	shalt  }
0x63: {  	_ =	shalt  }
0x64: {  	_ =	shalt  }
0x65: {  	_ =	shalt  }
0x66: {  	_ =	shalt  }
0x67: {  	_ =	shalt  }
0x68: {  	_ =	shalt  }
0x69: {  	_ =	shalt  }
0x6a: {  	_ =	shalt  }
0x6b: {  	_ =	shalt  }
0x6c: {  	_ =	shalt  }
0x6d: {  	_ =	shalt  }
0x6e: {  	_ =	shalt  }
0x6f: {  	_ =	shalt  }
0x70: {  	_ =	shalt  }
0x71: {  	_ =	shalt  }
0x72: {  	_ =	shalt  }
0x73: {  	_ =	shalt  }
0x74: {  	_ =	shalt  }
0x75: {  	_ =	shalt  }
0x76: {  	_ =	shalt  }
0x77: {  	_ =	shalt  }
0x78: {  	_ =	shalt  }
0x79: {  	_ =	shalt  }
0x7a: {  	_ =	shalt  }
0x7b: {  	_ =	shalt  }
0x7c: {  	_ =	shalt  }
0x7d: {  	_ =	shalt  }
0x7e: {  	_ =	shalt  }
0x7f: {  	_ =	shalt  }
0x80: {  	_ =	shalt  }
0x81: {  	_ =	shalt  }
0x82: {  	_ =	shalt  }
0x83: {  	_ =	shalt  }
0x84: {  	_ =	shalt  }
0x85: {  	_ =	shalt  }
0x86: {  	_ =	shalt  }
0x87: {  	_ =	shalt  }
.Lfunc_end0:
.L_simem_size_0:
called_computation_lowered:
.L_overlay_start_0:
0x88: {  	s2 =	sld [smem:$0x3FD9]  }
0x89: {  	s3 =	sld [smem:$0x3FFE];
	_ =	sdelay $0x1  }
0x8a: {  	s1 =	srdreg.scid  }
0x8b: {  	s0 =	sand.u32 $0x1, s1  }
0x8c: {  	s17 =	sshll.u32 s0, $0xA;
	s2 =	sadd.s32 s3, s2  }
0x8d: {  	s2 =	sadd.s32 s2, s17  }
0x8e: {  	[smem:$0x3FBD] =	sst s2  }
0x8f: {  	_ = 	snop  }
0x90: {  	s2 =	sld [smem:$0x3FC9]  }
0x91: {  	s18 =	sld [smem:$0x3FD0];
	(tm) =	ssettm $0x1  }
0x92: {  	s4 =	sld [smem:$0x3FFB];
	_ =	sdelay $0x3  }
0x93: {  	_ =	strace s4  }
0x94: {  	s4 =	sld [smem:$0x3FFC];
	_ =	sdelay $0x3  }
0x95: {  	_ =	strace s4  }
0x96: {  	s4 =	sld [smem:$0x3FFD];
	_ =	sdelay $0x3  }
0x97: {  	_ =	strace s4  }
0x98: {  	_ =	strace $0x8FFFFFFF  }
0x99: {  	s19 =	sld [smem:$0x3FDB];
	_ =	sdelay $0x1  }
0x9a: {  	s5 =	simm.s32 $_scs_section_size  }
0x9b: {  	s6 =	simm.s32 $_size__tile_overlayer_lowered;
	s7 =	simm.s32 $_tile_overlayer_lowered  }
0x9c: {  	s22 =	simm.s32 $0x1BFF;
	s21 =	sshll.u32 s7, $0x1;
	s4 =	sadd.s32 s5, s19  }
0x9d: {  	s8 =	simm.s32 $0x0;
	s20 =	sshll.u32 s6, $0x1;
	s6 =	sadd.s32 s21, s4  }
0x9e: {  	[timem:s8], [sflag:s22] =	dma.local [hbm:s6], s20  }
0x9f: {  	_ =	swait.ge [sflag:s22], s20  }
0xa0: {  	s5 =	ssub.s32 $0x0, s20;
	[sflag:s22] =	ssyncset.done $0x0  }
0xa1: {  	[sflag:s22] =	ssyncadd.s32 s5;
	_ =	sdelay $0x1  }
0xa2: {  	s23 =	simm.s32 $0x1B8B  }
0xa3: {  	_ =	swait.ge [sflag:s23], $0x1  }
0xa4: {  	[sflag:s23] =	ssyncset.done $0x0  }
0xa5: {  	s25 =	simm.s32 $0x1B8E;
	s24 =	sld [smem:$0x3FFE];
	[sflag:s23] =	ssyncadd.s32 $0xFFFFFFFF  }
0xa6: {  	s26 =	simm.s32 $execute0_lowered;
	[smem:$0x3FD2] =	sst s25  }
0xa7: {  	s6 =	sshll.u32 s26, $0x1;
	_ =	strace $0x80000046;
	[dreg:$0x1] =	wrdreg $0xFFFFFFFF  }
0xa8: {  	s28 =	simm.s32 $_size_execute0_lowered;
	s4 =	sadd.s32 s4, s6;
	[dreg:$0x0] =	wrdreg $0x0  }
0xa9: {  	s6 =	sshll.u32 s28, $0x1;
	[dreg:$0x2] =	wrdreg s4  }
0xaa: {  	[dreg:$0x3] =	wrdreg s6  }
0xab: {  	[dreg:$0x4] =	wrdreg $0xC0  }
0xac: {  	_ =	task [dreg:s8], $0x5FFFF  }
0xad: {  	[dreg:$0x1] =	wrdreg $0xFFFFFFFF  }
0xae: {  	[dreg:$0x0] =	wrdreg $0x60  }
0xaf: {  	[dreg:$0x2] =	wrdreg s2  }
0xb0: {  	[dreg:$0x3] =	wrdreg s18  }
0xb1: {  	[dreg:$0x4] =	wrdreg s24  }
0xb2: {  	[dreg:$0x5] =	wrdreg $0x85000  }
0xb3: {  	[dreg:$0x6] =	wrdreg $0x9  }
0xb4: {  	_ =	task.clear_ibuf [dreg:s8], $0x7FFFF;
	_ =	strace $0x90000046  }
0xb5: {  	s29 =	simm.s32 $0x9;
	_ =	strace $0x80000048  }
0xb6: {  	_ =	swait.ge [sflag:s29], $0x1  }
0xb7: {  	[sflag:s29] =	ssyncadd.s32 $0xFFFFFFFF  }
0xb8: {  	_ =	strace $0x90000048  }
0xb9: {  	_ =	sfence  }
0xba: {  	s30 =	sld [smem:$0x0];
	_ =	sdelay $0x2  }
0xbb: {  	s31 =	sshll.u32 s1, $0xD;
	s1 =	sshrl.u32 s1, $0x2  }
0xbc: {  	s3 =	sand.u32 $0x4000, s31;
	s1 =	sadd.s32 s1, s30  }
0xbd: {  	s0 =	sor.u32 s3, s0;
	s1 =	sshll.u32 s1, $0x11  }
0xbe: {  	s0 =	sor.u32 s1, s0  }
0xbf: {  	s0 =	sadd.s32 $0x8F2B, s0  }
0xc0: {  	[sflag:s0] =	ssyncadd.remote.s32 $0x1  }
0xc1: {  	_ =	sfence.sel $0xFFFF  }
0xc2: {  	[dreg:$0x0] =	wrdreg $0xFFFFFFFF;
	(pc) =	sbr.abs _section_cstart, $3  }
0xc3: {  	[dreg:$0x1] =	wrdreg $0xFFFFFFFF  }
0xc4: {  	_ =	task.clear_ibuf [dreg:s8], $0x2FFFF;
	_ =	strace $0x9FFFFFFF  }
0xc5: {  	(tm) =	ssettm $0x7FFFFFFF  }
tec
execute0_lowered:
.L_overlay_start_1:
0x0: {  	(tag) =	ssettag $0x1  }
0x1: {  	s1 =	rddreg [dreg:$0x0]  }
0x2: {  	s0 =	rddreg [dreg:$0x1]  }
0x3: {  	s5 =	rddreg [dreg:$0x2]  }
0x4: {  	s3 =	rddreg [dreg:$0x3]  }
0x5: {  	s4 =	simm.s32 $0x0;
	s6 =	srdreg.scid;
	s2 =	stileid.u32  }
0x6: {  	s18 =	simm.s32 $0x200;
	s19 =	simm.s32 $0x5;
	s20 =	simm.s32 $0x3  }
0x7: {  	s21 =	simm.s32 $0x80;
	s22 =	simm.s32 $0x1;
	s24 =	simm.s32 $0x8400  }
0x8: {  	s28 =	simm.s32 $0x8480;
	s29 =	simm.s32 $0x4400;
	[smem:$0x7FF] =	sst s4  }
0x9: {  	s10 =	sand.u32 $0x1, s6;
	s26 =	smul.u32 $0x50000, s2;
	s16 =	sadd.s32 $0xC00, s5  }
0xa: {  	s8 =	sshll.u32 s2, $0x1;
	s14 =	smul.u32 $0x2800, s2;
	s23 =	sadd.s32 $0x12C000, s3  }
0xb: {  	p0 =	seq.s32 s2, $0xF;
	_ =	strace $0x80000047;
	s15 =	smul.u32 $0x27100, s10  }
0xc: {  	s30 =	ssub.s32 $0x2, s10;
	s9 =	sor.u32 s10, s8;
	s31 =	smul.u32 $0x138800, s10  }
0xd: {  	s25 =	sshrl.u32 @p0 s23, $0x3;
	s7 =	sshrl.u32 s30, $0x1;
	s6 =	sshrl.u32 s26, $0x2  }
0xe: {  	s11 =	sshll.u32 s9, $0x6;
	s12 =	ssub.s32 $0x9E3, s9;
	s26 =	simm.s32 $0x6  }
0xf: {  	s17 =	ssub.s32 s30, s7;
	s5 =	sadd.s32 s6, s3;
	s9 =	sadd.s32 s0, s11  }
.Ltmp0:
0x10: {  	s11 =	sshrl.u32 s12, $0x5;
	s15 =	sadd.s32 s14, s15;
	(pc) =	sbr.rel .LBB2_1-.Ltmp0, $4  }
0x11: {  	s0 =	sshrl.u32 s31, $0x3;
	s6 =	sadd.s32 $0x4000, s5;
	s7 =	sadd.s32 $0x8000, s5  }
0x12: {  	s8 =	sadd.s32 $0xC000, s5;
	s10 =	sadd.s32 $0x10000, s5;
	s12 =	sadd.s32 $0x800, s9  }
0x13: {  	s13 =	sadd.s32 $0xFFFFFFFF, s11;
	s14 =	sadd.s32 $0xFFFFFFFE, s11;
	s0 =	sadd.s32 s16, s0  }
0x14: {  	v0 =	vimm.f32 $0.0e+00;
	s15 =	sadd.s32 s16, s15;
	s17 =	smax.u32 s17, $0x1;
	s16 =	sadd.s32 $0x25800, s0  }
.LBB2_13:
0x15: {  	[bflag:$0x0] =	sbarrier.arrive $0xFFFF;
	s0 =	simm.s32 @p0 $0x1FC5  }
0x16: {  	[hbm:s16], [sflag:s0] =	dma.local @p0 [spmem:s25], $0x1900  }
0x17: {  	s0 =	simm.s32 @p0 $0x5  }
0x18: {  	s2 =	stileid.u32;
	s4 =	sadd.s32 $0x1, s4;
	_ =	swait.ge @p0 [sflag:s0], $0x1900  }
0x19: {  	s2 =	sshll.u32 @!p0 s2, $0x6;
	p1 =	sne.s32 s4, s17;
	[sflag:s0] =	ssyncset.done @p0 $0x0  }
0x1a: {  	[sflag:s0] =	ssyncadd.s32 @p0 $0xFFFFE700;
	s0 =	sor.u32 @!p0 $0x1C05, s2;
	s2 =	sshrl.u32 @!p0 s5, $0x3  }
0x1b: {  	[hbm:s15], [sflag:s0] =	dma.local @!p0 [spmem:s2], $0x2800  }
.Ltmp1:
0x1c: {  	_ = 	snop;
	(pc) =	sbr.rel @!p1 .LBB2_14-.Ltmp1, $4  }
0x1d: {  	s0 =	simm.s32 @!p0 $0x5  }
0x1e: {  	_ =	swait.ge @!p0 [sflag:s0], $0x2800  }
0x1f: {  	[sflag:s0] =	ssyncset.done @!p0 $0x0  }
0x20: {  	[sflag:s0] =	ssyncadd.s32 @!p0 $0xFFFFD800  }
.LBB2_1:
0x21: {  	s0 =	simm.s32 $0x0;
	s23 =	simm.s32 $0x200  }
.LBB2_2:
0x22: {  	p1 =	sne.s32 s23, $0xFE00;
	[tilespmem:s0+$0x270] =	vst v0  }
0x23: {  	[tilespmem:s0+$0x200] =	vst v0  }
0x24: {  	[tilespmem:s0+$0x210] =	vst v0  }
.Ltmp2:
0x25: {  	[tilespmem:s0+$0x220] =	vst v0;
	(pc) =	sbr.rel @p1 .LBB2_2-.Ltmp2, $4  }
0x26: {  	[tilespmem:s0+$0x230] =	vst v0  }
0x27: {  	[tilespmem:s0+$0x240] =	vst v0  }
0x28: {  	[tilespmem:s0+$0x250] =	vst v0  }
0x29: {  	[tilespmem:s0+$0x260] =	vst v0;
	s0 =	sshra.s32 s23, $0x2;
	s23 =	sadd.s32 $0x200, s23  }
0x2a: {  	[tilespmem:s0+$0x270] =	vst v0  }
0x2b: {  	[tilespmem:s0+$0x200] =	vst v0  }
0x2c: {  	[tilespmem:s0+$0x210] =	vst v0  }
0x2d: {  	[tilespmem:s0+$0x220] =	vst v0  }
0x2e: {  	[tilespmem:s0+$0x230] =	vst v0  }
0x2f: {  	[tilespmem:s0+$0x240] =	vst v0  }
0x30: {  	[tilespmem:s0+$0x250] =	vst v0  }
0x31: {  	[tilespmem:s0+$0x260] =	vst v0  }
0x32: {  	[spmem:s5] =	stream.linear.scatter [tilespmem:s18], [sflag:$0x5], $0x4000, $0x38;
	[tilespmem:$0x1C500] =	vst v63  }
0x33: {  	_ =	swait.ge [sflag:s19], $0x4000  }
0x34: {  	[sflag:s19] =	ssyncset.done $0x0  }
0x35: {  	[sflag:s19] =	ssyncadd.s32 $0xFFFFC000  }
0x36: {  	[spmem:s6] =	stream.linear.scatter [tilespmem:s18], [sflag:$0x5], $0x4000, $0x38;
	[tilespmem:$0x1C500] =	vst v63  }
0x37: {  	_ =	swait.ge [sflag:s19], $0x4000  }
0x38: {  	[sflag:s19] =	ssyncset.done $0x0  }
0x39: {  	[sflag:s19] =	ssyncadd.s32 $0xFFFFC000  }
0x3a: {  	[spmem:s7] =	stream.linear.scatter [tilespmem:s18], [sflag:$0x5], $0x4000, $0x38;
	[tilespmem:$0x1C500] =	vst v63  }
0x3b: {  	_ =	swait.ge [sflag:s19], $0x4000  }
0x3c: {  	[sflag:s19] =	ssyncset.done $0x0  }
0x3d: {  	[sflag:s19] =	ssyncadd.s32 $0xFFFFC000  }
0x3e: {  	[spmem:s8] =	stream.linear.scatter [tilespmem:s18], [sflag:$0x5], $0x4000, $0x38;
	[tilespmem:$0x1C500] =	vst v63  }
0x3f: {  	_ =	swait.ge [sflag:s19], $0x4000  }
0x40: {  	[sflag:s19] =	ssyncset.done $0x0  }
0x41: {  	[sflag:s19] =	ssyncadd.s32 $0xFFFFC000  }
0x42: {  	[spmem:s10] =	stream.linear.scatter [tilespmem:s18], [sflag:$0x5], $0x4000, $0x38;
	[tilespmem:$0x1C500] =	vst v63  }
0x43: {  	_ =	swait.ge [sflag:s19], $0x4000  }
0x44: {  	[sflag:s19] =	ssyncset.done $0x0  }
0x45: {  	s30 =	simm.s32 $0x0;
	[sflag:s19] =	ssyncadd.s32 $0xFFFFC000  }
0x46: {  	[tilespmem:s30], [sflag:$0x3] =	stream.linear.gather [hbm4b:s9+s30], $0x180, $0x38;
	[tilespmem:$0x1C500] =	vst v63  }
0x47: {  	_ =	swait.ge [sflag:s20], $0x180  }
0x48: {  	[sflag:s20] =	ssyncset.done $0x0  }
0x49: {  	[sflag:s20] =	ssyncadd.s32 $0xFFFFFE80  }
0x4a: {  	[tilespmem:s18], [sflag:$0x1] =	stream.indirect.gather [hbm4b:s1+s21], $0x80, s21, s21, $0xb8;
	[tilespmem:$0x1C500] =	vst v63  }
0x4b: {  	_ =	swait.ge [sflag:s22], $0x4000  }
.Ltmp3:
0x4c: {  	[sflag:s22] =	ssyncset.done $0x0;
	(pc) =	sbr.rel .LBB2_4-.Ltmp3, $3  }
0x4d: {  	s31 =	simm.s32 $0x4200;
	[sflag:s22] =	ssyncadd.s32 $0xFFFFC000  }
0x4e: {  	[tilespmem:s31], [sflag:$0x4] =	stream.linear.gather [hbm4b:s12+s30], $0x180, $0x38;
	[tilespmem:$0x1C500] =	vst v63  }
0x4f: {  	[bflag:$0x0] =	sbarrier.arrive $0xFFFF;
	_ =	sdelay $0x1  }
.LBB2_12:
0x50: {  	s30 =	sadd.s32 $0x1, s30  }
0x51: {  	p1 =	sne.s32 s30, $0x28  }
.Ltmp4:
0x52: {  	_ = 	snop;
	(pc) =	sbr.rel @!p1 .LBB2_13-.Ltmp4, $1  }
0x53: {  	_ =	sdelay $0x3  }
.LBB2_4:
0x54: {  	s31 =	sshll.u32 s30, $0x1  }
0x55: {  	p2 =	sge.u32 s31, s11  }
.Ltmp5:
0x56: {  	_ = 	snop;
	(pc) =	sbr.rel @p2 .LBB2_8-.Ltmp5, $2  }
0x57: {  	_ =	sdelay $0x2  }
0x58: {  	p1 =	sge.u32 s31, s13  }
0x59: {  	s0 =	simm.s32 @!p1 $0x4  }
0x5a: {  	_ =	swait.ge @!p1 [sflag:s0], $0x180  }
0x5b: {  	s23 =	simm.s32 @!p1 $0x4280;
	[sflag:s0] =	ssyncset.done @!p1 $0x0  }
0x5c: {  	s2 =	simm.s32 @!p1 $0x4400;
	[sflag:s0] =	ssyncadd.s32 @!p1 $0xFFFFFE80;
	s0 =	simm.s32 @!p1 $0x80  }
0x5d: {  	[tilespmem:s2], [sflag:$0x2] =	stream.indirect.gather @!p1 [hbm4b:s1+s0], $0x80, s23, s0, $0xb8;
	[tilespmem:$0x1C500] =	vst v63  }
0x5e: {  	s0 =	simm.s32 $0x0  }
.LBB2_6:
0x5f: {  	s2 =	sshll.u32 s0, $0x4  }
0x60: {  	v2 =	vld [tilespmem:s2+$0x0];
	_ =	sdelay $0x3  }
0x61: {  	s23 =	sshll.u32 s0, $0xB;
	v1 =	vld [tilespmem:s2+$0x100]  }
0x62: {  	s23 =	sand.u32 $0x3FFFF800, s23;
	[tilespmem:s2+$0x8400] =	vst v2  }
0x63: {  	v2 =	vld [tilespmem:s23+$0x200]  }
0x64: {  	v3 =	vld [tilespmem:s23+$0x210]  }
0x65: {  	v4 =	vld [tilespmem:s23+$0x220]  }
0x66: {  	v5 =	vbroadcast v1, $0x0;
	v6 =	vld [tilespmem:s23+$0x230]  }
0x67: {  	v7 =	vld [tilespmem:s23+$0x240]  }
0x68: {  	v8 =	vld [tilespmem:s23+$0x250];
	v2 =	vmul.f32 v5, v2  }
0x69: {  	v9 =	vld [tilespmem:s23+$0x260];
	v3 =	vmul.f32 v3, v5  }
0x6a: {  	v34 =	vld [tilespmem:s23+$0x270];
	[tilespmem:s23+$0x200] =	vst v2;
	v2 =	vmul.f32 v4, v5  }
0x6b: {  	v35 =	vld [tilespmem:s23+$0x280];
	[tilespmem:s23+$0x210] =	vst v3;
	v3 =	vmul.f32 v6, v5  }
0x6c: {  	v36 =	vld [tilespmem:s23+$0x290];
	[tilespmem:s23+$0x220] =	vst v2;
	v2 =	vmul.f32 v7, v5  }
0x6d: {  	v37 =	vld [tilespmem:s23+$0x2A0];
	[tilespmem:s23+$0x230] =	vst v3;
	v3 =	vmul.f32 v8, v5  }
0x6e: {  	v38 =	vbroadcast v1, $0x1;
	v10 =	vld [tilespmem:s23+$0x2B0];
	[tilespmem:s23+$0x240] =	vst v2;
	v2 =	vmul.f32 v9, v5  }
0x6f: {  	v39 =	vld [tilespmem:s23+$0x2C0];
	[tilespmem:s23+$0x250] =	vst v3;
	v3 =	vmul.f32 v34, v5  }
0x70: {  	v40 =	vld [tilespmem:s23+$0x2D0];
	[tilespmem:s23+$0x260] =	vst v2;
	v2 =	vmul.f32 v35, v38  }
0x71: {  	v41 =	vld [tilespmem:s23+$0x2E0];
	[tilespmem:s23+$0x270] =	vst v3;
	v3 =	vmul.f32 v36, v38  }
0x72: {  	v42 =	vld [tilespmem:s23+$0x2F0];
	[tilespmem:s23+$0x280] =	vst v2;
	v2 =	vmul.f32 v37, v38  }
0x73: {  	v43 =	vld [tilespmem:s23+$0x300];
	[tilespmem:s23+$0x290] =	vst v3;
	v3 =	vmul.f32 v10, v38  }
0x74: {  	v44 =	vld [tilespmem:s23+$0x310];
	[tilespmem:s23+$0x2A0] =	vst v2;
	v2 =	vmul.f32 v39, v38  }
0x75: {  	v45 =	vld [tilespmem:s23+$0x320];
	[tilespmem:s23+$0x2B0] =	vst v3;
	v3 =	vmul.f32 v40, v38  }
0x76: {  	v46 =	vbroadcast v1, $0x2;
	v47 =	vld [tilespmem:s23+$0x330];
	[tilespmem:s23+$0x2C0] =	vst v2;
	v2 =	vmul.f32 v41, v38  }
0x77: {  	v48 =	vld [tilespmem:s23+$0x340];
	[tilespmem:s23+$0x2D0] =	vst v3;
	v3 =	vmul.f32 v42, v38  }
0x78: {  	v49 =	vld [tilespmem:s23+$0x350];
	[tilespmem:s23+$0x2E0] =	vst v2;
	v2 =	vmul.f32 v43, v46  }
0x79: {  	v50 =	vld [tilespmem:s23+$0x360];
	[tilespmem:s23+$0x2F0] =	vst v3;
	v3 =	vmul.f32 v44, v46  }
0x7a: {  	v51 =	vld [tilespmem:s23+$0x370];
	[tilespmem:s23+$0x300] =	vst v2;
	v2 =	vmul.f32 v45, v46  }
0x7b: {  	v52 =	vld [tilespmem:s23+$0x380];
	[tilespmem:s23+$0x310] =	vst v3;
	v3 =	vmul.f32 v47, v46  }
0x7c: {  	v53 =	vld [tilespmem:s23+$0x390];
	[tilespmem:s23+$0x320] =	vst v2;
	v2 =	vmul.f32 v48, v46  }
0x7d: {  	v54 =	vld [tilespmem:s23+$0x3A0];
	[tilespmem:s23+$0x330] =	vst v3;
	v3 =	vmul.f32 v49, v46  }
0x7e: {  	v55 =	vbroadcast v1, $0x3;
	v56 =	vld [tilespmem:s23+$0x3B0];
	[tilespmem:s23+$0x340] =	vst v2;
	v2 =	vmul.f32 v50, v46  }
0x7f: {  	v57 =	vld [tilespmem:s23+$0x3C0];
	[tilespmem:s23+$0x350] =	vst v3;
	v3 =	vmul.f32 v51, v46  }
0x80: {  	v58 =	vld [tilespmem:s23+$0x3D0];
	[tilespmem:s23+$0x360] =	vst v2;
	v2 =	vmul.f32 v52, v55  }
0x81: {  	v59 =	vld [tilespmem:s23+$0x3E0];
	[tilespmem:s23+$0x370] =	vst v3;
	v3 =	vmul.f32 v53, v55  }
0x82: {  	v60 =	vld [tilespmem:s23+$0x3F0];
	[tilespmem:s23+$0x380] =	vst v2;
	v2 =	vmul.f32 v54, v55  }
0x83: {  	v61 =	vld [tilespmem:s23+$0x400];
	[tilespmem:s23+$0x390] =	vst v3;
	v3 =	vmul.f32 v56, v55  }
0x84: {  	v62 =	vld [tilespmem:s23+$0x410];
	[tilespmem:s23+$0x3A0] =	vst v2;
	v2 =	vmul.f32 v57, v55  }
0x85: {  	v63 =	vld [tilespmem:s23+$0x420];
	[tilespmem:s23+$0x3B0] =	vst v3;
	v3 =	vmul.f32 v58, v55  }
0x86: {  	v12 =	vbroadcast v1, $0x4;
	v13 =	vld [tilespmem:s23+$0x430];
	[tilespmem:s23+$0x3C0] =	vst v2;
	v2 =	vmul.f32 v59, v55  }
0x87: {  	v14 =	vld [tilespmem:s23+$0x440];
	[tilespmem:s23+$0x3D0] =	vst v3;
	v3 =	vmul.f32 v60, v55  }
0x88: {  	v15 =	vld [tilespmem:s23+$0x450];
	[tilespmem:s23+$0x3E0] =	vst v2;
	v2 =	vmul.f32 v61, v12  }
0x89: {  	v16 =	vld [tilespmem:s23+$0x460];
	[tilespmem:s23+$0x3F0] =	vst v3;
	v3 =	vmul.f32 v62, v12  }
0x8a: {  	v17 =	vld [tilespmem:s23+$0x470];
	[tilespmem:s23+$0x400] =	vst v2;
	v2 =	vmul.f32 v63, v12  }
0x8b: {  	v18 =	vld [tilespmem:s23+$0x480];
	[tilespmem:s23+$0x410] =	vst v3;
	v3 =	vmul.f32 v13, v12  }
0x8c: {  	v19 =	vld [tilespmem:s23+$0x490];
	[tilespmem:s23+$0x420] =	vst v2;
	v2 =	vmul.f32 v14, v12  }
0x8d: {  	v20 =	vld [tilespmem:s23+$0x4A0];
	[tilespmem:s23+$0x430] =	vst v3;
	v3 =	vmul.f32 v15, v12  }
0x8e: {  	v21 =	vbroadcast v1, $0x5;
	v22 =	vld [tilespmem:s23+$0x4B0];
	[tilespmem:s23+$0x440] =	vst v2;
	v2 =	vmul.f32 v16, v12  }
0x8f: {  	v23 =	vld [tilespmem:s23+$0x4C0];
	[tilespmem:s23+$0x450] =	vst v3;
	v3 =	vmul.f32 v17, v12  }
0x90: {  	v24 =	vld [tilespmem:s23+$0x4D0];
	[tilespmem:s23+$0x460] =	vst v2;
	v2 =	vmul.f32 v18, v21  }
0x91: {  	v25 =	vld [tilespmem:s23+$0x4E0];
	[tilespmem:s23+$0x470] =	vst v3;
	v3 =	vmul.f32 v19, v21  }
0x92: {  	v26 =	vld [tilespmem:s23+$0x4F0];
	[tilespmem:s23+$0x480] =	vst v2;
	v2 =	vmul.f32 v20, v21  }
0x93: {  	v27 =	vld [tilespmem:s23+$0x500];
	[tilespmem:s23+$0x490] =	vst v3;
	v3 =	vmul.f32 v22, v21  }
0x94: {  	v28 =	vld [tilespmem:s23+$0x510];
	[tilespmem:s23+$0x4A0] =	vst v2;
	v2 =	vmul.f32 v23, v21  }
0x95: {  	v29 =	vld [tilespmem:s23+$0x520];
	[tilespmem:s23+$0x4B0] =	vst v3;
	v3 =	vmul.f32 v24, v21  }
0x96: {  	v30 =	vbroadcast v1, $0x6;
	v31 =	vld [tilespmem:s23+$0x530];
	[tilespmem:s23+$0x4C0] =	vst v2;
	v2 =	vmul.f32 v25, v21  }
0x97: {  	v32 =	vld [tilespmem:s23+$0x540];
	[tilespmem:s23+$0x4D0] =	vst v3;
	v3 =	vmul.f32 v26, v21  }
0x98: {  	v33 =	vld [tilespmem:s23+$0x550];
	[tilespmem:s23+$0x4E0] =	vst v2;
	v2 =	vmul.f32 v27, v30  }
0x99: {  	v34 =	vld [tilespmem:s23+$0x560];
	[tilespmem:s23+$0x4F0] =	vst v3;
	v3 =	vmul.f32 v28, v30  }
0x9a: {  	v35 =	vld [tilespmem:s23+$0x570];
	[tilespmem:s23+$0x500] =	vst v2;
	v2 =	vmul.f32 v29, v30  }
0x9b: {  	v36 =	vld [tilespmem:s23+$0x580];
	[tilespmem:s23+$0x510] =	vst v3;
	v3 =	vmul.f32 v31, v30  }
0x9c: {  	v37 =	vld [tilespmem:s23+$0x590];
	[tilespmem:s23+$0x520] =	vst v2;
	v2 =	vmul.f32 v32, v30  }
0x9d: {  	v38 =	vld [tilespmem:s23+$0x5A0];
	[tilespmem:s23+$0x530] =	vst v3;
	v3 =	vmul.f32 v33, v30  }
0x9e: {  	v39 =	vbroadcast v1, $0x7;
	v40 =	vld [tilespmem:s23+$0x5B0];
	[tilespmem:s23+$0x540] =	vst v2;
	v2 =	vmul.f32 v34, v30  }
0x9f: {  	v41 =	vld [tilespmem:s23+$0x5C0];
	[tilespmem:s23+$0x550] =	vst v3;
	v3 =	vmul.f32 v35, v30  }
0xa0: {  	v42 =	vld [tilespmem:s23+$0x5D0];
	[tilespmem:s23+$0x560] =	vst v2;
	v2 =	vmul.f32 v36, v39  }
0xa1: {  	v43 =	vld [tilespmem:s23+$0x5E0];
	[tilespmem:s23+$0x570] =	vst v3;
	v3 =	vmul.f32 v37, v39  }
0xa2: {  	v44 =	vld [tilespmem:s23+$0x5F0];
	[tilespmem:s23+$0x580] =	vst v2;
	v2 =	vmul.f32 v38, v39  }
0xa3: {  	v45 =	vld [tilespmem:s23+$0x600];
	[tilespmem:s23+$0x590] =	vst v3;
	v3 =	vmul.f32 v40, v39  }
0xa4: {  	v46 =	vld [tilespmem:s23+$0x610];
	[tilespmem:s23+$0x5A0] =	vst v2;
	v2 =	vmul.f32 v41, v39  }
0xa5: {  	v47 =	vld [tilespmem:s23+$0x620];
	[tilespmem:s23+$0x5B0] =	vst v3;
	v3 =	vmul.f32 v42, v39  }
0xa6: {  	v48 =	vbroadcast v1, $0x8;
	v49 =	vld [tilespmem:s23+$0x630];
	[tilespmem:s23+$0x5C0] =	vst v2;
	v2 =	vmul.f32 v43, v39  }
0xa7: {  	v50 =	vld [tilespmem:s23+$0x640];
	[tilespmem:s23+$0x5D0] =	vst v3;
	v3 =	vmul.f32 v44, v39  }
0xa8: {  	v51 =	vld [tilespmem:s23+$0x650];
	[tilespmem:s23+$0x5E0] =	vst v2;
	v2 =	vmul.f32 v45, v48  }
0xa9: {  	v52 =	vld [tilespmem:s23+$0x660];
	[tilespmem:s23+$0x5F0] =	vst v3;
	v3 =	vmul.f32 v46, v48  }
0xaa: {  	v53 =	vld [tilespmem:s23+$0x670];
	[tilespmem:s23+$0x600] =	vst v2;
	v2 =	vmul.f32 v47, v48  }
0xab: {  	v54 =	vld [tilespmem:s23+$0x680];
	[tilespmem:s23+$0x610] =	vst v3;
	v3 =	vmul.f32 v49, v48  }
0xac: {  	v55 =	vld [tilespmem:s23+$0x690];
	[tilespmem:s23+$0x620] =	vst v2;
	v2 =	vmul.f32 v50, v48  }
0xad: {  	v56 =	vld [tilespmem:s23+$0x6A0];
	[tilespmem:s23+$0x630] =	vst v3;
	v3 =	vmul.f32 v51, v48  }
0xae: {  	v57 =	vbroadcast v1, $0x9;
	v58 =	vld [tilespmem:s23+$0x6B0];
	[tilespmem:s23+$0x640] =	vst v2;
	v2 =	vmul.f32 v52, v48  }
0xaf: {  	v59 =	vld [tilespmem:s23+$0x6C0];
	[tilespmem:s23+$0x650] =	vst v3;
	v3 =	vmul.f32 v53, v48  }
0xb0: {  	v60 =	vld [tilespmem:s23+$0x6D0];
	[tilespmem:s23+$0x660] =	vst v2;
	v2 =	vmul.f32 v54, v57  }
0xb1: {  	v61 =	vld [tilespmem:s23+$0x6E0];
	[tilespmem:s23+$0x670] =	vst v3;
	v3 =	vmul.f32 v55, v57  }
0xb2: {  	v62 =	vld [tilespmem:s23+$0x6F0];
	[tilespmem:s23+$0x680] =	vst v2;
	v2 =	vmul.f32 v56, v57  }
0xb3: {  	v63 =	vld [tilespmem:s23+$0x700];
	[tilespmem:s23+$0x690] =	vst v3;
	v3 =	vmul.f32 v58, v57  }
0xb4: {  	v12 =	vld [tilespmem:s23+$0x710];
	[tilespmem:s23+$0x6A0] =	vst v2;
	v2 =	vmul.f32 v59, v57  }
0xb5: {  	v13 =	vld [tilespmem:s23+$0x720];
	[tilespmem:s23+$0x6B0] =	vst v3;
	v3 =	vmul.f32 v60, v57  }
0xb6: {  	v14 =	vbroadcast v1, $0xA;
	v15 =	vld [tilespmem:s23+$0x730];
	[tilespmem:s23+$0x6C0] =	vst v2;
	v2 =	vmul.f32 v61, v57  }
0xb7: {  	v16 =	vld [tilespmem:s23+$0x740];
	[tilespmem:s23+$0x6D0] =	vst v3;
	v3 =	vmul.f32 v62, v57  }
0xb8: {  	v17 =	vld [tilespmem:s23+$0x750];
	[tilespmem:s23+$0x6E0] =	vst v2;
	v2 =	vmul.f32 v63, v14  }
0xb9: {  	v18 =	vld [tilespmem:s23+$0x760];
	[tilespmem:s23+$0x6F0] =	vst v3;
	v3 =	vmul.f32 v12, v14  }
0xba: {  	v19 =	vld [tilespmem:s23+$0x770];
	[tilespmem:s23+$0x700] =	vst v2;
	v2 =	vmul.f32 v13, v14  }
0xbb: {  	v20 =	vld [tilespmem:s23+$0x780];
	[tilespmem:s23+$0x710] =	vst v3;
	v3 =	vmul.f32 v15, v14  }
0xbc: {  	v21 =	vld [tilespmem:s23+$0x790];
	[tilespmem:s23+$0x720] =	vst v2;
	v2 =	vmul.f32 v16, v14  }
0xbd: {  	v22 =	vld [tilespmem:s23+$0x7A0];
	[tilespmem:s23+$0x730] =	vst v3;
	v3 =	vmul.f32 v17, v14  }
0xbe: {  	v23 =	vbroadcast v1, $0xB;
	v24 =	vld [tilespmem:s23+$0x7B0];
	[tilespmem:s23+$0x740] =	vst v2;
	v2 =	vmul.f32 v18, v14  }
0xbf: {  	v25 =	vld [tilespmem:s23+$0x7C0];
	[tilespmem:s23+$0x750] =	vst v3;
	v3 =	vmul.f32 v19, v14  }
0xc0: {  	v26 =	vld [tilespmem:s23+$0x7D0];
	[tilespmem:s23+$0x760] =	vst v2;
	v2 =	vmul.f32 v20, v23  }
0xc1: {  	v27 =	vld [tilespmem:s23+$0x7E0];
	[tilespmem:s23+$0x770] =	vst v3;
	v3 =	vmul.f32 v21, v23  }
0xc2: {  	v28 =	vld [tilespmem:s23+$0x7F0];
	[tilespmem:s23+$0x780] =	vst v2;
	v2 =	vmul.f32 v22, v23  }
0xc3: {  	v29 =	vld [tilespmem:s23+$0x800];
	[tilespmem:s23+$0x790] =	vst v3;
	v3 =	vmul.f32 v24, v23  }
0xc4: {  	v30 =	vld [tilespmem:s23+$0x810];
	[tilespmem:s23+$0x7A0] =	vst v2;
	v2 =	vmul.f32 v25, v23  }
0xc5: {  	v31 =	vld [tilespmem:s23+$0x820];
	[tilespmem:s23+$0x7B0] =	vst v3;
	v3 =	vmul.f32 v26, v23  }
0xc6: {  	v32 =	vbroadcast v1, $0xC;
	v33 =	vld [tilespmem:s23+$0x830];
	[tilespmem:s23+$0x7C0] =	vst v2;
	v2 =	vmul.f32 v27, v23  }
0xc7: {  	v34 =	vld [tilespmem:s23+$0x840];
	[tilespmem:s23+$0x7D0] =	vst v3;
	v3 =	vmul.f32 v28, v23  }
0xc8: {  	v35 =	vld [tilespmem:s23+$0x850];
	[tilespmem:s23+$0x7E0] =	vst v2;
	v2 =	vmul.f32 v29, v32  }
0xc9: {  	v36 =	vld [tilespmem:s23+$0x860];
	[tilespmem:s23+$0x7F0] =	vst v3;
	v3 =	vmul.f32 v30, v32  }
0xca: {  	v37 =	vld [tilespmem:s23+$0x870];
	[tilespmem:s23+$0x800] =	vst v2;
	v2 =	vmul.f32 v31, v32  }
0xcb: {  	v38 =	vld [tilespmem:s23+$0x880];
	[tilespmem:s23+$0x810] =	vst v3;
	v3 =	vmul.f32 v33, v32  }
0xcc: {  	v39 =	vld [tilespmem:s23+$0x890];
	[tilespmem:s23+$0x820] =	vst v2;
	v2 =	vmul.f32 v34, v32  }
0xcd: {  	v40 =	vld [tilespmem:s23+$0x8A0];
	[tilespmem:s23+$0x830] =	vst v3;
	v3 =	vmul.f32 v35, v32  }
0xce: {  	v41 =	vbroadcast v1, $0xD;
	v42 =	vld [tilespmem:s23+$0x8B0];
	[tilespmem:s23+$0x840] =	vst v2;
	v2 =	vmul.f32 v36, v32  }
0xcf: {  	v43 =	vld [tilespmem:s23+$0x8C0];
	[tilespmem:s23+$0x850] =	vst v3;
	v3 =	vmul.f32 v37, v32  }
0xd0: {  	v44 =	vld [tilespmem:s23+$0x8D0];
	[tilespmem:s23+$0x860] =	vst v2;
	v2 =	vmul.f32 v38, v41  }
0xd1: {  	v45 =	vld [tilespmem:s23+$0x8E0];
	[tilespmem:s23+$0x870] =	vst v3;
	v3 =	vmul.f32 v39, v41  }
0xd2: {  	v46 =	vld [tilespmem:s23+$0x8F0];
	[tilespmem:s23+$0x880] =	vst v2;
	v2 =	vmul.f32 v40, v41  }
0xd3: {  	v47 =	vld [tilespmem:s23+$0x900];
	[tilespmem:s23+$0x890] =	vst v3;
	v3 =	vmul.f32 v42, v41  }
0xd4: {  	v48 =	vld [tilespmem:s23+$0x910];
	[tilespmem:s23+$0x8A0] =	vst v2;
	v2 =	vmul.f32 v43, v41  }
0xd5: {  	v49 =	vld [tilespmem:s23+$0x920];
	[tilespmem:s23+$0x8B0] =	vst v3;
	v3 =	vmul.f32 v44, v41  }
0xd6: {  	v50 =	vbroadcast v1, $0xE;
	v51 =	vld [tilespmem:s23+$0x930];
	[tilespmem:s23+$0x8C0] =	vst v2;
	v2 =	vmul.f32 v45, v41  }
0xd7: {  	v52 =	vld [tilespmem:s23+$0x940];
	[tilespmem:s23+$0x8D0] =	vst v3;
	v3 =	vmul.f32 v46, v41  }
0xd8: {  	v53 =	vld [tilespmem:s23+$0x950];
	[tilespmem:s23+$0x8E0] =	vst v2;
	v2 =	vmul.f32 v47, v50  }
0xd9: {  	v54 =	vld [tilespmem:s23+$0x960];
	[tilespmem:s23+$0x8F0] =	vst v3;
	v3 =	vmul.f32 v48, v50  }
0xda: {  	v55 =	vld [tilespmem:s23+$0x970];
	[tilespmem:s23+$0x900] =	vst v2;
	v2 =	vmul.f32 v49, v50  }
0xdb: {  	v56 =	vld [tilespmem:s23+$0x980];
	[tilespmem:s23+$0x910] =	vst v3;
	v3 =	vmul.f32 v51, v50  }
0xdc: {  	v57 =	vld [tilespmem:s23+$0x990];
	[tilespmem:s23+$0x920] =	vst v2;
	v2 =	vmul.f32 v52, v50  }
0xdd: {  	v58 =	vld [tilespmem:s23+$0x9A0];
	[tilespmem:s23+$0x930] =	vst v3;
	v3 =	vmul.f32 v53, v50  }
0xde: {  	v1 =	vbroadcast v1, $0xF;
	v59 =	vld [tilespmem:s23+$0x9B0];
	[tilespmem:s23+$0x940] =	vst v2;
	v2 =	vmul.f32 v54, v50  }
0xdf: {  	v60 =	vld [tilespmem:s23+$0x9C0];
	[tilespmem:s23+$0x950] =	vst v3;
	v3 =	vmul.f32 v55, v50  }
0xe0: {  	v61 =	vld [tilespmem:s23+$0x9D0];
	[tilespmem:s23+$0x960] =	vst v2;
	v2 =	vmul.f32 v56, v1  }
0xe1: {  	v62 =	vld [tilespmem:s23+$0x9E0];
	[tilespmem:s23+$0x970] =	vst v3;
	v3 =	vmul.f32 v57, v1  }
0xe2: {  	v63 =	vld [tilespmem:s23+$0x9F0];
	[tilespmem:s23+$0x980] =	vst v2;
	v2 =	vmul.f32 v58, v1  }
0xe3: {  	[tilespmem:s23+$0x990] =	vst v3;
	v3 =	vmul.f32 v59, v1  }
0xe4: {  	p2 =	sne.s32 s0, $0x7;
	[tilespmem:s23+$0x9A0] =	vst v2;
	v2 =	vmul.f32 v60, v1  }
.Ltmp6:
0xe5: {  	[tilespmem:s23+$0x9B0] =	vst v3;
	v3 =	vmul.f32 v61, v1;
	(pc) =	sbr.rel @p2 .LBB2_6-.Ltmp6, $4  }
0xe6: {  	[tilespmem:s23+$0x9C0] =	vst v2;
	v2 =	vmul.f32 v62, v1  }
0xe7: {  	[tilespmem:s23+$0x9D0] =	vst v3;
	v1 =	vmul.f32 v63, v1  }
0xe8: {  	[tilespmem:s23+$0x9E0] =	vst v2  }
0xe9: {  	s0 =	sadd.s32 $0x1, s0;
	[tilespmem:s23+$0x9F0] =	vst v1  }
0xea: {  	s0 =	simm.s32 @!p1 $0x2;
	s2 =	sadd.s32 $0x2, s31  }
0xeb: {  	_ =	swait.ge @!p1 [sflag:s0], $0x4000;
	p2 =	sge.u32 s2, s11  }
0xec: {  	[sflag:s0] =	ssyncset.done @!p1 $0x0;
	s2 =	sshll.u32 @!p2 s2, $0xB  }
0xed: {  	[sflag:s0] =	ssyncadd.s32 @!p1 $0xFFFFC000;
	s0 =	sadd.s32 @!p2 s2, s9;
	s2 =	simm.s32 @!p2 $0x0  }
0xee: {  	[tilespmem:s2], [sflag:$0x3] =	stream.linear.gather @!p2 [hbm4b:s0+s2], $0x180, $0x38;
	[tilespmem:$0x1C500] =	vst v63  }
0xef: {  	_ = 	snop  }
0xf0: {  	[spmem:s3] =	stream.indirect.scatter.add.f32 [tilespmem:s18], [sflag:$0x6], $0x80, s24, s21, $0xb8;
	[tilespmem:$0x1C500] =	vst v63  }
0xf1: {  	_ =	swait.ge [sflag:s26], $0x4000  }
0xf2: {  	[sflag:s26] =	ssyncset.done $0x0  }
0xf3: {  	[sflag:s26] =	ssyncadd.s32 $0xFFFFC000  }
.LBB2_8:
.Ltmp7:
0xf4: {  	(pc) =	sbr.rel @p1 .LBB2_12-.Ltmp7, $1  }
0xf5: {  	_ =	sdelay $0x3  }
0xf6: {  	p1 =	sge.u32 s31, s14  }
0xf7: {  	s0 =	simm.s32 @!p1 $0x3  }
0xf8: {  	_ =	swait.ge @!p1 [sflag:s0], $0x180  }
0xf9: {  	[sflag:s0] =	ssyncset.done @!p1 $0x0  }
0xfa: {  	s2 =	simm.s32 @!p1 $0x200;
	[sflag:s0] =	ssyncadd.s32 @!p1 $0xFFFFFE80;
	s0 =	simm.s32 @!p1 $0x80  }
0xfb: {  	[tilespmem:s2], [sflag:$0x1] =	stream.indirect.gather @!p1 [hbm4b:s1+s0], $0x80, s0, s0, $0xb8;
	[tilespmem:$0x1C500] =	vst v63  }
0xfc: {  	s0 =	simm.s32 $0x0  }
.LBB2_10:
0xfd: {  	s2 =	sshll.u32 s0, $0x4  }
0xfe: {  	v2 =	vld [tilespmem:s2+$0x4200];
	_ =	sdelay $0x3  }
0xff: {  	s23 =	sshll.u32 s0, $0xB;
	v1 =	vld [tilespmem:s2+$0x4300]  }
0x100: {  	s23 =	sand.u32 $0x3FFFF800, s23;
	[tilespmem:s2+$0x8480] =	vst v2  }
0x101: {  	v2 =	vld [tilespmem:s23+$0x4400]  }
0x102: {  	v3 =	vld [tilespmem:s23+$0x4410]  }
0x103: {  	v4 =	vld [tilespmem:s23+$0x4420]  }
0x104: {  	v5 =	vbroadcast v1, $0x0;
	v6 =	vld [tilespmem:s23+$0x4430]  }
0x105: {  	v7 =	vld [tilespmem:s23+$0x4440]  }
0x106: {  	v8 =	vld [tilespmem:s23+$0x4450];
	v2 =	vmul.f32 v5, v2  }
0x107: {  	v9 =	vld [tilespmem:s23+$0x4460];
	v3 =	vmul.f32 v3, v5  }
0x108: {  	v34 =	vld [tilespmem:s23+$0x4470];
	[tilespmem:s23+$0x4400] =	vst v2;
	v2 =	vmul.f32 v4, v5  }
0x109: {  	v35 =	vld [tilespmem:s23+$0x4480];
	[tilespmem:s23+$0x4410] =	vst v3;
	v3 =	vmul.f32 v6, v5  }
0x10a: {  	v36 =	vld [tilespmem:s23+$0x4490];
	[tilespmem:s23+$0x4420] =	vst v2;
	v2 =	vmul.f32 v7, v5  }
0x10b: {  	v37 =	vld [tilespmem:s23+$0x44A0];
	[tilespmem:s23+$0x4430] =	vst v3;
	v3 =	vmul.f32 v8, v5  }
0x10c: {  	v38 =	vbroadcast v1, $0x1;
	v10 =	vld [tilespmem:s23+$0x44B0];
	[tilespmem:s23+$0x4440] =	vst v2;
	v2 =	vmul.f32 v9, v5  }
0x10d: {  	v39 =	vld [tilespmem:s23+$0x44C0];
	[tilespmem:s23+$0x4450] =	vst v3;
	v3 =	vmul.f32 v34, v5  }
0x10e: {  	v40 =	vld [tilespmem:s23+$0x44D0];
	[tilespmem:s23+$0x4460] =	vst v2;
	v2 =	vmul.f32 v35, v38  }
0x10f: {  	v41 =	vld [tilespmem:s23+$0x44E0];
	[tilespmem:s23+$0x4470] =	vst v3;
	v3 =	vmul.f32 v36, v38  }
0x110: {  	v42 =	vld [tilespmem:s23+$0x44F0];
	[tilespmem:s23+$0x4480] =	vst v2;
	v2 =	vmul.f32 v37, v38  }
0x111: {  	v43 =	vld [tilespmem:s23+$0x4500];
	[tilespmem:s23+$0x4490] =	vst v3;
	v3 =	vmul.f32 v10, v38  }
0x112: {  	v44 =	vld [tilespmem:s23+$0x4510];
	[tilespmem:s23+$0x44A0] =	vst v2;
	v2 =	vmul.f32 v39, v38  }
0x113: {  	v45 =	vld [tilespmem:s23+$0x4520];
	[tilespmem:s23+$0x44B0] =	vst v3;
	v3 =	vmul.f32 v40, v38  }
0x114: {  	v46 =	vbroadcast v1, $0x2;
	v47 =	vld [tilespmem:s23+$0x4530];
	[tilespmem:s23+$0x44C0] =	vst v2;
	v2 =	vmul.f32 v41, v38  }
0x115: {  	v48 =	vld [tilespmem:s23+$0x4540];
	[tilespmem:s23+$0x44D0] =	vst v3;
	v3 =	vmul.f32 v42, v38  }
0x116: {  	v49 =	vld [tilespmem:s23+$0x4550];
	[tilespmem:s23+$0x44E0] =	vst v2;
	v2 =	vmul.f32 v43, v46  }
0x117: {  	v50 =	vld [tilespmem:s23+$0x4560];
	[tilespmem:s23+$0x44F0] =	vst v3;
	v3 =	vmul.f32 v44, v46  }
0x118: {  	v51 =	vld [tilespmem:s23+$0x4570];
	[tilespmem:s23+$0x4500] =	vst v2;
	v2 =	vmul.f32 v45, v46  }
0x119: {  	v52 =	vld [tilespmem:s23+$0x4580];
	[tilespmem:s23+$0x4510] =	vst v3;
	v3 =	vmul.f32 v47, v46  }
0x11a: {  	v53 =	vld [tilespmem:s23+$0x4590];
	[tilespmem:s23+$0x4520] =	vst v2;
	v2 =	vmul.f32 v48, v46  }
0x11b: {  	v54 =	vld [tilespmem:s23+$0x45A0];
	[tilespmem:s23+$0x4530] =	vst v3;
	v3 =	vmul.f32 v49, v46  }
0x11c: {  	v55 =	vbroadcast v1, $0x3;
	v56 =	vld [tilespmem:s23+$0x45B0];
	[tilespmem:s23+$0x4540] =	vst v2;
	v2 =	vmul.f32 v50, v46  }
0x11d: {  	v57 =	vld [tilespmem:s23+$0x45C0];
	[tilespmem:s23+$0x4550] =	vst v3;
	v3 =	vmul.f32 v51, v46  }
0x11e: {  	v58 =	vld [tilespmem:s23+$0x45D0];
	[tilespmem:s23+$0x4560] =	vst v2;
	v2 =	vmul.f32 v52, v55  }
0x11f: {  	v59 =	vld [tilespmem:s23+$0x45E0];
	[tilespmem:s23+$0x4570] =	vst v3;
	v3 =	vmul.f32 v53, v55  }
0x120: {  	v60 =	vld [tilespmem:s23+$0x45F0];
	[tilespmem:s23+$0x4580] =	vst v2;
	v2 =	vmul.f32 v54, v55  }
0x121: {  	v61 =	vld [tilespmem:s23+$0x4600];
	[tilespmem:s23+$0x4590] =	vst v3;
	v3 =	vmul.f32 v56, v55  }
0x122: {  	v62 =	vld [tilespmem:s23+$0x4610];
	[tilespmem:s23+$0x45A0] =	vst v2;
	v2 =	vmul.f32 v57, v55  }
0x123: {  	v63 =	vld [tilespmem:s23+$0x4620];
	[tilespmem:s23+$0x45B0] =	vst v3;
	v3 =	vmul.f32 v58, v55  }
0x124: {  	v12 =	vbroadcast v1, $0x4;
	v13 =	vld [tilespmem:s23+$0x4630];
	[tilespmem:s23+$0x45C0] =	vst v2;
	v2 =	vmul.f32 v59, v55  }
0x125: {  	v14 =	vld [tilespmem:s23+$0x4640];
	[tilespmem:s23+$0x45D0] =	vst v3;
	v3 =	vmul.f32 v60, v55  }
0x126: {  	v15 =	vld [tilespmem:s23+$0x4650];
	[tilespmem:s23+$0x45E0] =	vst v2;
	v2 =	vmul.f32 v61, v12  }
0x127: {  	v16 =	vld [tilespmem:s23+$0x4660];
	[tilespmem:s23+$0x45F0] =	vst v3;
	v3 =	vmul.f32 v62, v12  }
0x128: {  	v17 =	vld [tilespmem:s23+$0x4670];
	[tilespmem:s23+$0x4600] =	vst v2;
	v2 =	vmul.f32 v63, v12  }
0x129: {  	v18 =	vld [tilespmem:s23+$0x4680];
	[tilespmem:s23+$0x4610] =	vst v3;
	v3 =	vmul.f32 v13, v12  }
0x12a: {  	v19 =	vld [tilespmem:s23+$0x4690];
	[tilespmem:s23+$0x4620] =	vst v2;
	v2 =	vmul.f32 v14, v12  }
0x12b: {  	v20 =	vld [tilespmem:s23+$0x46A0];
	[tilespmem:s23+$0x4630] =	vst v3;
	v3 =	vmul.f32 v15, v12  }
0x12c: {  	v21 =	vbroadcast v1, $0x5;
	v22 =	vld [tilespmem:s23+$0x46B0];
	[tilespmem:s23+$0x4640] =	vst v2;
	v2 =	vmul.f32 v16, v12  }
0x12d: {  	v23 =	vld [tilespmem:s23+$0x46C0];
	[tilespmem:s23+$0x4650] =	vst v3;
	v3 =	vmul.f32 v17, v12  }
0x12e: {  	v24 =	vld [tilespmem:s23+$0x46D0];
	[tilespmem:s23+$0x4660] =	vst v2;
	v2 =	vmul.f32 v18, v21  }
0x12f: {  	v25 =	vld [tilespmem:s23+$0x46E0];
	[tilespmem:s23+$0x4670] =	vst v3;
	v3 =	vmul.f32 v19, v21  }
0x130: {  	v26 =	vld [tilespmem:s23+$0x46F0];
	[tilespmem:s23+$0x4680] =	vst v2;
	v2 =	vmul.f32 v20, v21  }
0x131: {  	v27 =	vld [tilespmem:s23+$0x4700];
	[tilespmem:s23+$0x4690] =	vst v3;
	v3 =	vmul.f32 v22, v21  }
0x132: {  	v28 =	vld [tilespmem:s23+$0x4710];
	[tilespmem:s23+$0x46A0] =	vst v2;
	v2 =	vmul.f32 v23, v21  }
0x133: {  	v29 =	vld [tilespmem:s23+$0x4720];
	[tilespmem:s23+$0x46B0] =	vst v3;
	v3 =	vmul.f32 v24, v21  }
0x134: {  	v30 =	vbroadcast v1, $0x6;
	v31 =	vld [tilespmem:s23+$0x4730];
	[tilespmem:s23+$0x46C0] =	vst v2;
	v2 =	vmul.f32 v25, v21  }
0x135: {  	v32 =	vld [tilespmem:s23+$0x4740];
	[tilespmem:s23+$0x46D0] =	vst v3;
	v3 =	vmul.f32 v26, v21  }
0x136: {  	v33 =	vld [tilespmem:s23+$0x4750];
	[tilespmem:s23+$0x46E0] =	vst v2;
	v2 =	vmul.f32 v27, v30  }
0x137: {  	v34 =	vld [tilespmem:s23+$0x4760];
	[tilespmem:s23+$0x46F0] =	vst v3;
	v3 =	vmul.f32 v28, v30  }
0x138: {  	v35 =	vld [tilespmem:s23+$0x4770];
	[tilespmem:s23+$0x4700] =	vst v2;
	v2 =	vmul.f32 v29, v30  }
0x139: {  	v36 =	vld [tilespmem:s23+$0x4780];
	[tilespmem:s23+$0x4710] =	vst v3;
	v3 =	vmul.f32 v31, v30  }
0x13a: {  	v37 =	vld [tilespmem:s23+$0x4790];
	[tilespmem:s23+$0x4720] =	vst v2;
	v2 =	vmul.f32 v32, v30  }
0x13b: {  	v38 =	vld [tilespmem:s23+$0x47A0];
	[tilespmem:s23+$0x4730] =	vst v3;
	v3 =	vmul.f32 v33, v30  }
0x13c: {  	v39 =	vbroadcast v1, $0x7;
	v40 =	vld [tilespmem:s23+$0x47B0];
	[tilespmem:s23+$0x4740] =	vst v2;
	v2 =	vmul.f32 v34, v30  }
0x13d: {  	v41 =	vld [tilespmem:s23+$0x47C0];
	[tilespmem:s23+$0x4750] =	vst v3;
	v3 =	vmul.f32 v35, v30  }
0x13e: {  	v42 =	vld [tilespmem:s23+$0x47D0];
	[tilespmem:s23+$0x4760] =	vst v2;
	v2 =	vmul.f32 v36, v39  }
0x13f: {  	v43 =	vld [tilespmem:s23+$0x47E0];
	[tilespmem:s23+$0x4770] =	vst v3;
	v3 =	vmul.f32 v37, v39  }
0x140: {  	v44 =	vld [tilespmem:s23+$0x47F0];
	[tilespmem:s23+$0x4780] =	vst v2;
	v2 =	vmul.f32 v38, v39  }
0x141: {  	v45 =	vld [tilespmem:s23+$0x4800];
	[tilespmem:s23+$0x4790] =	vst v3;
	v3 =	vmul.f32 v40, v39  }
0x142: {  	v46 =	vld [tilespmem:s23+$0x4810];
	[tilespmem:s23+$0x47A0] =	vst v2;
	v2 =	vmul.f32 v41, v39  }
0x143: {  	v47 =	vld [tilespmem:s23+$0x4820];
	[tilespmem:s23+$0x47B0] =	vst v3;
	v3 =	vmul.f32 v42, v39  }
0x144: {  	v48 =	vbroadcast v1, $0x8;
	v49 =	vld [tilespmem:s23+$0x4830];
	[tilespmem:s23+$0x47C0] =	vst v2;
	v2 =	vmul.f32 v43, v39  }
0x145: {  	v50 =	vld [tilespmem:s23+$0x4840];
	[tilespmem:s23+$0x47D0] =	vst v3;
	v3 =	vmul.f32 v44, v39  }
0x146: {  	v51 =	vld [tilespmem:s23+$0x4850];
	[tilespmem:s23+$0x47E0] =	vst v2;
	v2 =	vmul.f32 v45, v48  }
0x147: {  	v52 =	vld [tilespmem:s23+$0x4860];
	[tilespmem:s23+$0x47F0] =	vst v3;
	v3 =	vmul.f32 v46, v48  }
0x148: {  	v53 =	vld [tilespmem:s23+$0x4870];
	[tilespmem:s23+$0x4800] =	vst v2;
	v2 =	vmul.f32 v47, v48  }
0x149: {  	v54 =	vld [tilespmem:s23+$0x4880];
	[tilespmem:s23+$0x4810] =	vst v3;
	v3 =	vmul.f32 v49, v48  }
0x14a: {  	v55 =	vld [tilespmem:s23+$0x4890];
	[tilespmem:s23+$0x4820] =	vst v2;
	v2 =	vmul.f32 v50, v48  }
0x14b: {  	v56 =	vld [tilespmem:s23+$0x48A0];
	[tilespmem:s23+$0x4830] =	vst v3;
	v3 =	vmul.f32 v51, v48  }
0x14c: {  	v57 =	vbroadcast v1, $0x9;
	v58 =	vld [tilespmem:s23+$0x48B0];
	[tilespmem:s23+$0x4840] =	vst v2;
	v2 =	vmul.f32 v52, v48  }
0x14d: {  	v59 =	vld [tilespmem:s23+$0x48C0];
	[tilespmem:s23+$0x4850] =	vst v3;
	v3 =	vmul.f32 v53, v48  }
0x14e: {  	v60 =	vld [tilespmem:s23+$0x48D0];
	[tilespmem:s23+$0x4860] =	vst v2;
	v2 =	vmul.f32 v54, v57  }
0x14f: {  	v61 =	vld [tilespmem:s23+$0x48E0];
	[tilespmem:s23+$0x4870] =	vst v3;
	v3 =	vmul.f32 v55, v57  }
0x150: {  	v62 =	vld [tilespmem:s23+$0x48F0];
	[tilespmem:s23+$0x4880] =	vst v2;
	v2 =	vmul.f32 v56, v57  }
0x151: {  	v63 =	vld [tilespmem:s23+$0x4900];
	[tilespmem:s23+$0x4890] =	vst v3;
	v3 =	vmul.f32 v58, v57  }
0x152: {  	v12 =	vld [tilespmem:s23+$0x4910];
	[tilespmem:s23+$0x48A0] =	vst v2;
	v2 =	vmul.f32 v59, v57  }
0x153: {  	v13 =	vld [tilespmem:s23+$0x4920];
	[tilespmem:s23+$0x48B0] =	vst v3;
	v3 =	vmul.f32 v60, v57  }
0x154: {  	v14 =	vbroadcast v1, $0xA;
	v15 =	vld [tilespmem:s23+$0x4930];
	[tilespmem:s23+$0x48C0] =	vst v2;
	v2 =	vmul.f32 v61, v57  }
0x155: {  	v16 =	vld [tilespmem:s23+$0x4940];
	[tilespmem:s23+$0x48D0] =	vst v3;
	v3 =	vmul.f32 v62, v57  }
0x156: {  	v17 =	vld [tilespmem:s23+$0x4950];
	[tilespmem:s23+$0x48E0] =	vst v2;
	v2 =	vmul.f32 v63, v14  }
0x157: {  	v18 =	vld [tilespmem:s23+$0x4960];
	[tilespmem:s23+$0x48F0] =	vst v3;
	v3 =	vmul.f32 v12, v14  }
0x158: {  	v19 =	vld [tilespmem:s23+$0x4970];
	[tilespmem:s23+$0x4900] =	vst v2;
	v2 =	vmul.f32 v13, v14  }
0x159: {  	v20 =	vld [tilespmem:s23+$0x4980];
	[tilespmem:s23+$0x4910] =	vst v3;
	v3 =	vmul.f32 v15, v14  }
0x15a: {  	v21 =	vld [tilespmem:s23+$0x4990];
	[tilespmem:s23+$0x4920] =	vst v2;
	v2 =	vmul.f32 v16, v14  }
0x15b: {  	v22 =	vld [tilespmem:s23+$0x49A0];
	[tilespmem:s23+$0x4930] =	vst v3;
	v3 =	vmul.f32 v17, v14  }
0x15c: {  	v23 =	vbroadcast v1, $0xB;
	v24 =	vld [tilespmem:s23+$0x49B0];
	[tilespmem:s23+$0x4940] =	vst v2;
	v2 =	vmul.f32 v18, v14  }
0x15d: {  	v25 =	vld [tilespmem:s23+$0x49C0];
	[tilespmem:s23+$0x4950] =	vst v3;
	v3 =	vmul.f32 v19, v14  }
0x15e: {  	v26 =	vld [tilespmem:s23+$0x49D0];
	[tilespmem:s23+$0x4960] =	vst v2;
	v2 =	vmul.f32 v20, v23  }
0x15f: {  	v27 =	vld [tilespmem:s23+$0x49E0];
	[tilespmem:s23+$0x4970] =	vst v3;
	v3 =	vmul.f32 v21, v23  }
0x160: {  	v28 =	vld [tilespmem:s23+$0x49F0];
	[tilespmem:s23+$0x4980] =	vst v2;
	v2 =	vmul.f32 v22, v23  }
0x161: {  	v29 =	vld [tilespmem:s23+$0x4A00];
	[tilespmem:s23+$0x4990] =	vst v3;
	v3 =	vmul.f32 v24, v23  }
0x162: {  	v30 =	vld [tilespmem:s23+$0x4A10];
	[tilespmem:s23+$0x49A0] =	vst v2;
	v2 =	vmul.f32 v25, v23  }
0x163: {  	v31 =	vld [tilespmem:s23+$0x4A20];
	[tilespmem:s23+$0x49B0] =	vst v3;
	v3 =	vmul.f32 v26, v23  }
0x164: {  	v32 =	vbroadcast v1, $0xC;
	v33 =	vld [tilespmem:s23+$0x4A30];
	[tilespmem:s23+$0x49C0] =	vst v2;
	v2 =	vmul.f32 v27, v23  }
0x165: {  	v34 =	vld [tilespmem:s23+$0x4A40];
	[tilespmem:s23+$0x49D0] =	vst v3;
	v3 =	vmul.f32 v28, v23  }
0x166: {  	v35 =	vld [tilespmem:s23+$0x4A50];
	[tilespmem:s23+$0x49E0] =	vst v2;
	v2 =	vmul.f32 v29, v32  }
0x167: {  	v36 =	vld [tilespmem:s23+$0x4A60];
	[tilespmem:s23+$0x49F0] =	vst v3;
	v3 =	vmul.f32 v30, v32  }
0x168: {  	v37 =	vld [tilespmem:s23+$0x4A70];
	[tilespmem:s23+$0x4A00] =	vst v2;
	v2 =	vmul.f32 v31, v32  }
0x169: {  	v38 =	vld [tilespmem:s23+$0x4A80];
	[tilespmem:s23+$0x4A10] =	vst v3;
	v3 =	vmul.f32 v33, v32  }
0x16a: {  	v39 =	vld [tilespmem:s23+$0x4A90];
	[tilespmem:s23+$0x4A20] =	vst v2;
	v2 =	vmul.f32 v34, v32  }
0x16b: {  	v40 =	vld [tilespmem:s23+$0x4AA0];
	[tilespmem:s23+$0x4A30] =	vst v3;
	v3 =	vmul.f32 v35, v32  }
0x16c: {  	v41 =	vbroadcast v1, $0xD;
	v42 =	vld [tilespmem:s23+$0x4AB0];
	[tilespmem:s23+$0x4A40] =	vst v2;
	v2 =	vmul.f32 v36, v32  }
0x16d: {  	v43 =	vld [tilespmem:s23+$0x4AC0];
	[tilespmem:s23+$0x4A50] =	vst v3;
	v3 =	vmul.f32 v37, v32  }
0x16e: {  	v44 =	vld [tilespmem:s23+$0x4AD0];
	[tilespmem:s23+$0x4A60] =	vst v2;
	v2 =	vmul.f32 v38, v41  }
0x16f: {  	v45 =	vld [tilespmem:s23+$0x4AE0];
	[tilespmem:s23+$0x4A70] =	vst v3;
	v3 =	vmul.f32 v39, v41  }
0x170: {  	v46 =	vld [tilespmem:s23+$0x4AF0];
	[tilespmem:s23+$0x4A80] =	vst v2;
	v2 =	vmul.f32 v40, v41  }
0x171: {  	v47 =	vld [tilespmem:s23+$0x4B00];
	[tilespmem:s23+$0x4A90] =	vst v3;
	v3 =	vmul.f32 v42, v41  }
0x172: {  	v48 =	vld [tilespmem:s23+$0x4B10];
	[tilespmem:s23+$0x4AA0] =	vst v2;
	v2 =	vmul.f32 v43, v41  }
0x173: {  	v49 =	vld [tilespmem:s23+$0x4B20];
	[tilespmem:s23+$0x4AB0] =	vst v3;
	v3 =	vmul.f32 v44, v41  }
0x174: {  	v50 =	vbroadcast v1, $0xE;
	v51 =	vld [tilespmem:s23+$0x4B30];
	[tilespmem:s23+$0x4AC0] =	vst v2;
	v2 =	vmul.f32 v45, v41  }
0x175: {  	v52 =	vld [tilespmem:s23+$0x4B40];
	[tilespmem:s23+$0x4AD0] =	vst v3;
	v3 =	vmul.f32 v46, v41  }
0x176: {  	v53 =	vld [tilespmem:s23+$0x4B50];
	[tilespmem:s23+$0x4AE0] =	vst v2;
	v2 =	vmul.f32 v47, v50  }
0x177: {  	v54 =	vld [tilespmem:s23+$0x4B60];
	[tilespmem:s23+$0x4AF0] =	vst v3;
	v3 =	vmul.f32 v48, v50  }
0x178: {  	v55 =	vld [tilespmem:s23+$0x4B70];
	[tilespmem:s23+$0x4B00] =	vst v2;
	v2 =	vmul.f32 v49, v50  }
0x179: {  	v56 =	vld [tilespmem:s23+$0x4B80];
	[tilespmem:s23+$0x4B10] =	vst v3;
	v3 =	vmul.f32 v51, v50  }
0x17a: {  	v57 =	vld [tilespmem:s23+$0x4B90];
	[tilespmem:s23+$0x4B20] =	vst v2;
	v2 =	vmul.f32 v52, v50  }
0x17b: {  	v58 =	vld [tilespmem:s23+$0x4BA0];
	[tilespmem:s23+$0x4B30] =	vst v3;
	v3 =	vmul.f32 v53, v50  }
0x17c: {  	v1 =	vbroadcast v1, $0xF;
	v59 =	vld [tilespmem:s23+$0x4BB0];
	[tilespmem:s23+$0x4B40] =	vst v2;
	v2 =	vmul.f32 v54, v50  }
0x17d: {  	v60 =	vld [tilespmem:s23+$0x4BC0];
	[tilespmem:s23+$0x4B50] =	vst v3;
	v3 =	vmul.f32 v55, v50  }
0x17e: {  	v61 =	vld [tilespmem:s23+$0x4BD0];
	[tilespmem:s23+$0x4B60] =	vst v2;
	v2 =	vmul.f32 v56, v1  }
0x17f: {  	v62 =	vld [tilespmem:s23+$0x4BE0];
	[tilespmem:s23+$0x4B70] =	vst v3;
	v3 =	vmul.f32 v57, v1  }
0x180: {  	v63 =	vld [tilespmem:s23+$0x4BF0];
	[tilespmem:s23+$0x4B80] =	vst v2;
	v2 =	vmul.f32 v58, v1  }
0x181: {  	[tilespmem:s23+$0x4B90] =	vst v3;
	v3 =	vmul.f32 v59, v1  }
0x182: {  	p2 =	sne.s32 s0, $0x7;
	[tilespmem:s23+$0x4BA0] =	vst v2;
	v2 =	vmul.f32 v60, v1  }
.Ltmp8:
0x183: {  	[tilespmem:s23+$0x4BB0] =	vst v3;
	v3 =	vmul.f32 v61, v1;
	(pc) =	sbr.rel @p2 .LBB2_10-.Ltmp8, $4  }
0x184: {  	[tilespmem:s23+$0x4BC0] =	vst v2;
	v2 =	vmul.f32 v62, v1  }
0x185: {  	[tilespmem:s23+$0x4BD0] =	vst v3;
	v1 =	vmul.f32 v63, v1  }
0x186: {  	[tilespmem:s23+$0x4BE0] =	vst v2  }
0x187: {  	s0 =	sadd.s32 $0x1, s0;
	[tilespmem:s23+$0x4BF0] =	vst v1  }
0x188: {  	s0 =	simm.s32 @!p1 $0x1  }
0x189: {  	s2 =	sadd.s32 $0x3, s31;
	_ =	swait.ge @!p1 [sflag:s0], $0x4000  }
0x18a: {  	p2 =	sge.u32 s2, s11;
	[sflag:s0] =	ssyncset.done @!p1 $0x0  }
0x18b: {  	[sflag:s0] =	ssyncadd.s32 @!p1 $0xFFFFC000;
	s0 =	sshll.u32 @!p2 s2, $0xB  }
0x18c: {  	s23 =	simm.s32 @!p2 $0x4200;
	s2 =	simm.s32 @!p2 $0x0;
	s0 =	sadd.s32 @!p2 s0, s9  }
0x18d: {  	[tilespmem:s23], [sflag:$0x4] =	stream.linear.gather @!p2 [hbm4b:s0+s2], $0x180, $0x38;
	[tilespmem:$0x1C500] =	vst v63  }
.Ltmp9:
0x18e: {  	_ = 	snop;
	(pc) =	sbr.rel .LBB2_12-.Ltmp9, $4  }
0x18f: {  	[spmem:s3] =	stream.indirect.scatter.add.f32 [tilespmem:s29], [sflag:$0x5], $0x80, s28, s21, $0xb8;
	[tilespmem:$0x1C500] =	vst v63  }
0x190: {  	_ =	swait.ge [sflag:s19], $0x4000  }
0x191: {  	[sflag:s19] =	ssyncset.done $0x0  }
0x192: {  	[sflag:s19] =	ssyncadd.s32 $0xFFFFC000  }
.LBB2_14:
0x193: {  	_ =	sfence.sel $0x180000  }
0x194: {  	[bflag:$0x0] =	sbarrier.arrive $0xFFFF  }
0x195: {  	_ =	strace $0x90000047  }
0x196: {  	s0 =	stileid.u32;
	[bflag:$0x2] =	sbarrier.arrive $0xFFFF  }
0x197: {  	p0 =	sne.s32 s0, $0x0;
	s0 =	rddreg [dreg:$0x4]  }
0x198: {  	s0 =	sadd.s32 @!p0 $0x100000, s0  }
0x199: {  	[sflag:s0] =	ssyncadd.tile.s32 @!p0 $0x1;
	_ =	shalt  }
.Lfunc_end2:
_tile_overlayer_lowered:
.L_overlay_start_2:
0x19a: {  	(tag) =	ssettag $0x2  }
0x19b: {  	s0 =	rddreg [dreg:$0x0];
	s2 =	stileid.u32  }
0x19c: {  	s1 =	rddreg [dreg:$0x1];
	p0 =	sne.s32 s2, $0x0  }
0x19d: {  	s3 =	rddreg [dreg:$0x2];
	[bflag:$0x3] =	sbarrier.arrive $0xFFFF;
	s2 =	simm.s32 @!p0 $0x1C05  }
0x19e: {  	[timem:s3], [sflag:s2] =	dma.local @!p0 [hbm:s0], s1  }
0x19f: {  	s0 =	simm.s32 @!p0 $0x5  }
0x1a0: {  	_ =	swait.ge @!p0 [sflag:s0], s1  }
0x1a1: {  	s1 =	ssub.s32 @!p0 $0x0, s1;
	[sflag:s0] =	ssyncset.done @!p0 $0x0  }
0x1a2: {  	[sflag:s0] =	ssyncadd.s32 @!p0 s1  }
0x1a3: {  	[bflag:$0x3] =	sbarrier.arrive $0xFFFF  }
0x1a4: {  	_ =	shalt  }

</sc_bundles>
